<compile_context>
chip_gen: v7x
topology: tpu7x:2x2x1
jax: 0.10.2.dev20260603
libtpu: 0.0.44.dev20260713+nightly
codegen_flags: <defaults>
</compile_context>

<pallas_src>
import functools

import jax
import jax.numpy as jnp
from jax import lax
from jax.experimental import pallas as pl
from jax.experimental.pallas import tpu as pltpu
from jax.experimental.pallas import tpu_sc as plsc

_B, _L_SEQ, _D_IN, _D_OUT = 8, 2048, 256, 128
_N_DIST = 512
_T = 8192
_MARGIN = 1.0

_NC, _NS, _LANES = 2, 16, 16
_NW = _NC * _NS
_PER_W = _T // _NW
_CH = 64
_NCHUNK = _PER_W // _CH


def _mm_body(x_ref, w_ref, b_ref, o_ref):
    acc = jnp.dot(x_ref[...], w_ref[...], preferred_element_type=jnp.float32)
    o_ref[...] = jnp.maximum(acc + b_ref[...], 0.0)


def _project(flat_x, W, b2d, bm):
    m = flat_x.shape[0]
    return pl.pallas_call(
        _mm_body,
        grid=(m // bm,),
        in_specs=[
            pl.BlockSpec((bm, _D_IN), lambda i: (i, 0)),
            pl.BlockSpec((_D_IN, _D_OUT), lambda i: (0, 0)),
            pl.BlockSpec((1, _D_OUT), lambda i: (0, 0)),
        ],
        out_specs=pl.BlockSpec((bm, _D_OUT), lambda i: (i, 0)),
        out_shape=jax.ShapeDtypeStruct((m, _D_OUT), jnp.float32),
    )(flat_x, W, b2d)


_NROW = _T // 128


def _sc_score(flat, dist_emb, ant_idx, cor_idx, dist_idx):
    mesh = plsc.VectorSubcoreMesh(
        core_axis_name="c", subcore_axis_name="s",
        num_cores=_NC, num_subcores=_NS)

    nsub = _D_OUT // _LANES
    row_t = pltpu.VMEM((_CH, _D_OUT), jnp.float32)
    sem_t = pltpu.SemaphoreType.DMA

    @functools.partial(
        pl.kernel,
        out_type=jax.ShapeDtypeStruct((_NW, _LANES), jnp.float32),
        mesh=mesh,
        compiler_params=pltpu.CompilerParams(needs_layout_passes=False),
        scratch_types=[
            pltpu.VMEM((2, 128), jnp.int32),
            pltpu.VMEM((2, 128), jnp.int32),
            pltpu.VMEM((2, 128), jnp.int32),
            pltpu.VMEM((8,), jnp.int32),
            [row_t] * _NCHUNK,
            [row_t] * _NCHUNK,
            pltpu.VMEM((8, _D_OUT), jnp.float32),
            pltpu.VMEM((_CH, _LANES), jnp.float32),
            pltpu.VMEM((_LANES,), jnp.float32),
            pltpu.VMEM_SHARED((_N_DIST, _D_OUT), jnp.float32),
            sem_t,
            [sem_t] * _NCHUNK, [sem_t] * _NCHUNK, [sem_t] * _NCHUNK,
        ],
    )
    def k(flat_hbm, demb_hbm, ant_hbm, cor_hbm, dist_hbm, out_hbm,
          ai_v, ci_v, di_v, n80, ar_b, c_b, nb_v, smat, out_v, dshared,
          semi, semr, sema, semc):
        wid = lax.axis_index("s") * _NC + lax.axis_index("c")
        iota = lax.iota(jnp.int32, _LANES)
        base = wid * 2
        prev = lax.rem(base + _NROW - 1, _NROW)

        def chunk_idx(v, kk):
            return v.at[kk // 2, pl.ds((kk % 2) * _CH, _CH)]

        icp = [
            pltpu.async_copy(ant_hbm.at[pl.ds(base, 2)], ai_v, semi),
            pltpu.async_copy(cor_hbm.at[pl.ds(base, 2)], ci_v, semi),
            pltpu.async_copy(dist_hbm.at[pl.ds(base, 2)], di_v, semi),
            pltpu.async_copy(cor_hbm.at[prev, pl.ds(128 - 8, 8)], n80, semi),
        ]
        @pl.when(lax.axis_index("s") == 0)
        def _():
            pltpu.sync_copy(demb_hbm, dshared)

        for cp in icp:
            cp.wait()
        plsc.subcore_barrier()

        rcp, ccp, acp = [], [], []

        def issue_rc(kk):
            rcp.append(pltpu.async_copy(
                dshared.at[chunk_idx(di_v, kk)], ar_b[kk], semr[kk]))
            ccp.append([
                pltpu.async_copy(
                    flat_hbm.at[chunk_idx(ci_v, kk)], c_b[kk], semc[kk]),
            ])
            if kk == 0:
                ccp[0].append(
                    pltpu.async_copy(flat_hbm.at[n80], nb_v, semc[0]))

        def issue_a(kk):
            rcp[kk].wait()
            acp.append(pltpu.async_copy(
                flat_hbm.at[chunk_idx(ai_v, kk)], ar_b[kk], sema[kk],
                add=True))

        issue_rc(0)
        issue_rc(1)
        issue_a(0)

        def compute_chunk(ar_v, c_v, nref, nrow, accv):
            s = jnp.zeros((_LANES,), jnp.float32)
            cprev = []
            for j in range(nsub):
                sl = pl.ds(j * _LANES, _LANES)
                ar = ar_v[0, sl]
                cj = c_v[0, sl]
                s = s + jnp.abs(ar - cj) - jnp.abs(ar - nref[nrow, sl])
                cprev.append(cj)
            smat[0, :] = s

            @plsc.parallel_loop(1, _CH, unroll=4, carry=tuple(cprev))
            def _tri(t, carry):
                s = jnp.zeros((_LANES,), jnp.float32)
                newc = []
                for j in range(nsub):
                    sl = pl.ds(j * _LANES, _LANES)
                    ar = ar_v[t, sl]
                    cj = c_v[t, sl]
                    s = s + jnp.abs(ar - cj) - jnp.abs(ar - carry[j])
                    newc.append(cj)
                smat[t, :] = s
                return tuple(newc)

            def blk(tb, av):
                rows = tb * _LANES + iota
                tot = jnp.zeros((_LANES,), jnp.float32)
                for l in range(_LANES):
                    col = jnp.full((_LANES,), l, jnp.int32)
                    tot = tot + plsc.load_gather(smat, [rows, col])
                return av + jnp.maximum(tot + _MARGIN, 0.0)

            return lax.fori_loop(0, _CH // _LANES, blk, accv)

        accv = jnp.zeros((_LANES,), jnp.float32)
        for kk in range(_NCHUNK):
            if kk + 2 < _NCHUNK:
                issue_rc(kk + 2)
            if kk + 1 < _NCHUNK:
                issue_a(kk + 1)
            acp[kk].wait()
            for cp in ccp[kk]:
                cp.wait()
            if kk == 0:
                accv = compute_chunk(ar_b[0], c_b[0], nb_v, 7, accv)
            else:
                accv = compute_chunk(ar_b[kk], c_b[kk], c_b[kk - 1],
                                     _CH - 1, accv)

        out_v[...] = accv
        pltpu.sync_copy(out_v, out_hbm.at[wid])

    return k(flat, dist_emb, ant_idx, cor_idx, dist_idx)


def kernel(h_x, antecedents, distances, corefs, W, b, dist_emb):
    flat_x = h_x.reshape(_B * _L_SEQ, _D_IN)
    flat = _project(flat_x, W, b.reshape(1, _D_OUT), 8192)

    partials = _sc_score(
        flat, dist_emb,
        antecedents.reshape(-1, 128).astype(jnp.int32),
        corefs.reshape(-1, 128).astype(jnp.int32),
        distances.reshape(-1, 128).astype(jnp.int32),
    )
    loss = jnp.sum(partials) * (1.0 / _T)
    return loss, flat.reshape(_B, _L_SEQ, _D_OUT)

# --- scband reference (transcript-rebuilt; emitter-appended) ---
"""Pipeline reference for scband-coref-net-81595788689999 (READ-ONLY COPY).

The authoritative reference and input builder live on the scoring server;
editing this copy changes nothing except your own understanding.
"""

import jax, jax.numpy as jnp
import numpy as np

B, L, D_IN, D_OUT = 8, 2048, 256, 128
N_DIST = 512
T = 8192
MARGIN = 1.0


def setup_inputs(seed: int = 0) -> dict:
    key = jax.random.key(seed)
    k1, k2, k3, k4, k5, k6 = jax.random.split(key, 6)
    h_x = jax.random.normal(k1, (B, L, D_IN), dtype=jnp.float32)
    antecedents = jax.random.randint(k2, (T,), 0, B * L)
    distances = jax.random.randint(k3, (T,), 0, N_DIST)
    corefs = jax.random.randint(k4, (T,), 0, B * L)
    # learned params: MLP weight/bias and distance-relation embedding table
    W = jax.random.normal(k5, (D_IN, D_OUT), dtype=jnp.float32) * 0.02
    b = jnp.zeros((D_OUT,), dtype=jnp.float32)
    dist_emb = jax.random.normal(k6, (N_DIST, D_OUT), dtype=jnp.float32) * 0.02
    return {"h_x": h_x, "antecedents": antecedents, "distances": distances,
            "corefs": corefs, "W": W, "b": b, "dist_emb": dist_emb}


def reference(h_x, antecedents, distances, corefs, W, b, dist_emb):
    # MLP projection of contextual token states (config.mlp + ReLU)
    h = jax.nn.relu(jnp.einsum('bld,do->blo', h_x, W) + b)
    # flatten batch with per-batch offsets (batch_offsets = [nl * b ...])
    flat = h.reshape(B * L, D_OUT)
    # ragged coref triples: gather antecedent / coref mention states (IndexedStateRepresentationModel)
    ant = jnp.take(flat, antecedents, axis=0)
    cor = jnp.take(flat, corefs, axis=0)
    # distance-bucket relation embedding (EmbeddingRepresentationModel)
    rel = jnp.take(dist_emb, distances, axis=0)
    # translational scoring with margin ranking loss (CorefMRL)
    pos = jnp.sum(jnp.abs(ant + rel - cor), axis=-1)
    neg_cor = jnp.roll(cor, 1, axis=0)  # in-batch negative sampling
    neg = jnp.sum(jnp.abs(ant + rel - neg_cor), axis=-1)
    loss = jnp.mean(jax.nn.relu(MARGIN + pos - neg))
    return (loss, h)

if __name__ == "__main__":
    import jax
    _d = setup_inputs()
    print(jax.jit(kernel)(*tuple(_d.values())))

</pallas_src>

<mosaic_0001>
#map = affine_map<(d0, d1) -> (0, 0)>
module attributes {stable_mosaic.version = 14 : i64} {
  func.func @k(%arg0: i32, %arg1: i32, %arg2: memref<16384x128xf32, #tpu.memory_space<hbm>>, %arg3: memref<512x128xf32, #tpu.memory_space<hbm>>, %arg4: memref<64x128xi32, #tpu.memory_space<hbm>>, %arg5: memref<64x128xi32, #tpu.memory_space<hbm>>, %arg6: memref<64x128xi32, #tpu.memory_space<hbm>>, %arg7: memref<32x16xf32, #tpu.memory_space<hbm>>, %arg8: memref<2x128xi32, #tpu.memory_space<vmem>>, %arg9: memref<2x128xi32, #tpu.memory_space<vmem>>, %arg10: memref<2x128xi32, #tpu.memory_space<vmem>>, %arg11: memref<8xi32, #tpu.memory_space<vmem>>, %arg12: memref<64x128xf32, #tpu.memory_space<vmem>>, %arg13: memref<64x128xf32, #tpu.memory_space<vmem>>, %arg14: memref<64x128xf32, #tpu.memory_space<vmem>>, %arg15: memref<64x128xf32, #tpu.memory_space<vmem>>, %arg16: memref<64x128xf32, #tpu.memory_space<vmem>>, %arg17: memref<64x128xf32, #tpu.memory_space<vmem>>, %arg18: memref<64x128xf32, #tpu.memory_space<vmem>>, %arg19: memref<64x128xf32, #tpu.memory_space<vmem>>, %arg20: memref<8x128xf32, #tpu.memory_space<vmem>>, %arg21: memref<64x16xf32, #tpu.memory_space<vmem>>, %arg22: memref<16xf32, #tpu.memory_space<vmem>>, %arg23: memref<512x128xf32, #tpu.memory_space<vmem_shared>>, %arg24: memref<!tpu.dma_semaphore, #tpu.memory_space<semaphore_mem>>, %arg25: memref<!tpu.dma_semaphore, #tpu.memory_space<semaphore_mem>>, %arg26: memref<!tpu.dma_semaphore, #tpu.memory_space<semaphore_mem>>, %arg27: memref<!tpu.dma_semaphore, #tpu.memory_space<semaphore_mem>>, %arg28: memref<!tpu.dma_semaphore, #tpu.memory_space<semaphore_mem>>, %arg29: memref<!tpu.dma_semaphore, #tpu.memory_space<semaphore_mem>>, %arg30: memref<!tpu.dma_semaphore, #tpu.memory_space<semaphore_mem>>, %arg31: memref<!tpu.dma_semaphore, #tpu.memory_space<semaphore_mem>>, %arg32: memref<!tpu.dma_semaphore, #tpu.memory_space<semaphore_mem>>, %arg33: memref<!tpu.dma_semaphore, #tpu.memory_space<semaphore_mem>>, %arg34: memref<!tpu.dma_semaphore, #tpu.memory_space<semaphore_mem>>, %arg35: memref<!tpu.dma_semaphore, #tpu.memory_space<semaphore_mem>>, %arg36: memref<!tpu.dma_semaphore, #tpu.memory_space<semaphore_mem>>) attributes {dimension_semantics = [#tpu.dimension_semantics<core_parallel>, #tpu.dimension_semantics<subcore_parallel>], iteration_bounds = array<i64: 2, 16>, scalar_prefetch = 0 : i64, scratch_operands = 29 : i64, tpu.core_type = #tpu.core_type<sc_vector_subcore>, window_params = [{transform_indices = #map}, {transform_indices = #map}, {transform_indices = #map}, {transform_indices = #map}, {transform_indices = #map}, {transform_indices = #map}]} {
    %mul3A = arith.constant 2 : i32
    %mul3A_0 = arith.muli %arg1, %mul3A : i32
    %add3A = arith.addi %mul3A_0, %arg0 : i32
    %iota3A = tpu.iota {dimensions = array<i32: 0>} : vector<16xi32>
    %mul3A_1 = arith.constant 2 : i32
    %mul3A_2 = arith.muli %add3A, %mul3A_1 : i32
    %add3A_3 = arith.constant 64 : i32
    %add3A_4 = arith.addi %mul3A_2, %add3A_3 : i32
    %sub3A = arith.constant 1 : i32
    %sub3A_5 = arith.subi %add3A_4, %sub3A : i32
    %rem3A = arith.constant 64 : i32
    %rem3A_6 = arith.remsi %sub3A_5, %rem3A : i32
    %dma_start3A = arith.constant 0 : i32
    %dma_start3A_7 = tpu.memref_slice %arg4[%mul3A_2, %dma_start3A] : memref<64x128xi32, #tpu.memory_space<hbm>> -> memref<2x128xi32, #tpu.memory_space<hbm>>
    %dma_start3A_8 = arith.constant 0 : i32
    %dma_start3A_9 = tpu.memref_slice %arg4[%mul3A_2, %dma_start3A_8] : memref<64x128xi32, #tpu.memory_space<hbm>> -> memref<2x128xi32, #tpu.memory_space<hbm>>
    tpu.enqueue_dma source(%dma_start3A_9 : memref<2x128xi32, #tpu.memory_space<hbm>>) target(%arg8 : memref<2x128xi32, #tpu.memory_space<vmem>>) target_semaphore(%arg24 : memref<!tpu.dma_semaphore, #tpu.memory_space<semaphore_mem>>)
    %dma_start3A_10 = arith.constant 0 : i32
    %dma_start3A_11 = tpu.memref_slice %arg5[%mul3A_2, %dma_start3A_10] : memref<64x128xi32, #tpu.memory_space<hbm>> -> memref<2x128xi32, #tpu.memory_space<hbm>>
    %dma_start3A_12 = arith.constant 0 : i32
    %dma_start3A_13 = tpu.memref_slice %arg5[%mul3A_2, %dma_start3A_12] : memref<64x128xi32, #tpu.memory_space<hbm>> -> memref<2x128xi32, #tpu.memory_space<hbm>>
    tpu.enqueue_dma source(%dma_start3A_13 : memref<2x128xi32, #tpu.memory_space<hbm>>) target(%arg9 : memref<2x128xi32, #tpu.memory_space<vmem>>) target_semaphore(%arg24 : memref<!tpu.dma_semaphore, #tpu.memory_space<semaphore_mem>>)
    %dma_start3A_14 = arith.constant 0 : i32
    %dma_start3A_15 = tpu.memref_slice %arg6[%mul3A_2, %dma_start3A_14] : memref<64x128xi32, #tpu.memory_space<hbm>> -> memref<2x128xi32, #tpu.memory_space<hbm>>
    %dma_start3A_16 = arith.constant 0 : i32
    %dma_start3A_17 = tpu.memref_slice %arg6[%mul3A_2, %dma_start3A_16] : memref<64x128xi32, #tpu.memory_space<hbm>> -> memref<2x128xi32, #tpu.memory_space<hbm>>
    tpu.enqueue_dma source(%dma_start3A_17 : memref<2x128xi32, #tpu.memory_space<hbm>>) target(%arg10 : memref<2x128xi32, #tpu.memory_space<vmem>>) target_semaphore(%arg24 : memref<!tpu.dma_semaphore, #tpu.memory_space<semaphore_mem>>)
    %dma_start3A_18 = arith.constant 120 : i32
    %dma_start3A_19 = tpu.memref_slice %arg5[%rem3A_6, %dma_start3A_18] : memref<64x128xi32, #tpu.memory_space<hbm>> -> memref<1x8xi32, #tpu.memory_space<hbm>>
    %dma_start3A_20 = tpu.memref_squeeze %dma_start3A_19 : memref<1x8xi32, #tpu.memory_space<hbm>> -> memref<8xi32, #tpu.memory_space<hbm>>
    %dma_start3A_21 = arith.constant 120 : i32
    %dma_start3A_22 = tpu.memref_slice %arg5[%rem3A_6, %dma_start3A_21] : memref<64x128xi32, #tpu.memory_space<hbm>> -> memref<1x8xi32, #tpu.memory_space<hbm>>
    %dma_start3A_23 = tpu.memref_squeeze %dma_start3A_22 : memref<1x8xi32, #tpu.memory_space<hbm>> -> memref<8xi32, #tpu.memory_space<hbm>>
    tpu.enqueue_dma source(%dma_start3A_23 : memref<8xi32, #tpu.memory_space<hbm>>) target(%arg11 : memref<8xi32, #tpu.memory_space<vmem>>) target_semaphore(%arg24 : memref<!tpu.dma_semaphore, #tpu.memory_space<semaphore_mem>>)
    %eq3A = arith.constant 0 : i32
    %eq3A_24 = arith.cmpi eq, %arg1, %eq3A : i32
    %convert_element_type3A = arith.extui %eq3A_24 : i1 to i32
    %cond3A = arith.constant 0 : i32
    %cond3A_25 = arith.cmpi ne, %convert_element_type3A, %cond3A : i32
    scf.if %cond3A_25 {
      "tpu.region"() ({
        %run_scoped3A = tpu.sem_alloc : memref<!tpu.dma_semaphore, #tpu.memory_space<semaphore_mem>>
        tpu.enqueue_dma source(%arg3 : memref<512x128xf32, #tpu.memory_space<hbm>>) target(%arg23 : memref<512x128xf32, #tpu.memory_space<vmem_shared>>) target_semaphore(%run_scoped3A : memref<!tpu.dma_semaphore, #tpu.memory_space<semaphore_mem>>)
        tpu.wait_dma2 semaphore(%run_scoped3A : memref<!tpu.dma_semaphore, #tpu.memory_space<semaphore_mem>>) src(%arg3 : memref<512x128xf32, #tpu.memory_space<hbm>>) dst(%arg23 : memref<512x128xf32, #tpu.memory_space<vmem_shared>>)
        tpu.yield
      }) : () -> ()
    } else {
    }
    %dma_wait3A = arith.constant 0 : i32
    %dma_wait3A_26 = tpu.memref_slice %arg4[%mul3A_2, %dma_wait3A] : memref<64x128xi32, #tpu.memory_space<hbm>> -> memref<2x128xi32, #tpu.memory_space<hbm>>
    %dma_wait3A_27 = arith.constant 0 : i32
    %dma_wait3A_28 = tpu.memref_slice %arg4[%mul3A_2, %dma_wait3A_27] : memref<64x128xi32, #tpu.memory_space<hbm>> -> memref<2x128xi32, #tpu.memory_space<hbm>>
    tpu.wait_dma2 semaphore(%arg24 : memref<!tpu.dma_semaphore, #tpu.memory_space<semaphore_mem>>) src(%dma_wait3A_28 : memref<2x128xi32, #tpu.memory_space<hbm>>) dst(%arg8 : memref<2x128xi32, #tpu.memory_space<vmem>>)
    %dma_wait3A_29 = arith.constant 0 : i32
    %dma_wait3A_30 = tpu.memref_slice %arg5[%mul3A_2, %dma_wait3A_29] : memref<64x128xi32, #tpu.memory_space<hbm>> -> memref<2x128xi32, #tpu.memory_space<hbm>>
    %dma_wait3A_31 = arith.constant 0 : i32
    %dma_wait3A_32 = tpu.memref_slice %arg5[%mul3A_2, %dma_wait3A_31] : memref<64x128xi32, #tpu.memory_space<hbm>> -> memref<2x128xi32, #tpu.memory_space<hbm>>
    tpu.wait_dma2 semaphore(%arg24 : memref<!tpu.dma_semaphore, #tpu.memory_space<semaphore_mem>>) src(%dma_wait3A_32 : memref<2x128xi32, #tpu.memory_space<hbm>>) dst(%arg9 : memref<2x128xi32, #tpu.memory_space<vmem>>)
    %dma_wait3A_33 = arith.constant 0 : i32
    %dma_wait3A_34 = tpu.memref_slice %arg6[%mul3A_2, %dma_wait3A_33] : memref<64x128xi32, #tpu.memory_space<hbm>> -> memref<2x128xi32, #tpu.memory_space<hbm>>
    %dma_wait3A_35 = arith.constant 0 : i32
    %dma_wait3A_36 = tpu.memref_slice %arg6[%mul3A_2, %dma_wait3A_35] : memref<64x128xi32, #tpu.memory_space<hbm>> -> memref<2x128xi32, #tpu.memory_space<hbm>>
    tpu.wait_dma2 semaphore(%arg24 : memref<!tpu.dma_semaphore, #tpu.memory_space<semaphore_mem>>) src(%dma_wait3A_36 : memref<2x128xi32, #tpu.memory_space<hbm>>) dst(%arg10 : memref<2x128xi32, #tpu.memory_space<vmem>>)
    %dma_wait3A_37 = arith.constant 120 : i32
    %dma_wait3A_38 = tpu.memref_slice %arg5[%rem3A_6, %dma_wait3A_37] : memref<64x128xi32, #tpu.memory_space<hbm>> -> memref<1x8xi32, #tpu.memory_space<hbm>>
    %dma_wait3A_39 = tpu.memref_squeeze %dma_wait3A_38 : memref<1x8xi32, #tpu.memory_space<hbm>> -> memref<8xi32, #tpu.memory_space<hbm>>
    %dma_wait3A_40 = arith.constant 120 : i32
    %dma_wait3A_41 = tpu.memref_slice %arg5[%rem3A_6, %dma_wait3A_40] : memref<64x128xi32, #tpu.memory_space<hbm>> -> memref<1x8xi32, #tpu.memory_space<hbm>>
    %dma_wait3A_42 = tpu.memref_squeeze %dma_wait3A_41 : memref<1x8xi32, #tpu.memory_space<hbm>> -> memref<8xi32, #tpu.memory_space<hbm>>
    tpu.wait_dma2 semaphore(%arg24 : memref<!tpu.dma_semaphore, #tpu.memory_space<semaphore_mem>>) src(%dma_wait3A_42 : memref<8xi32, #tpu.memory_space<hbm>>) dst(%arg11 : memref<8xi32, #tpu.memory_space<vmem>>)
    %barrier3A = arith.constant 0 : index
    tpu.barrier barrier_id(%barrier3A)
    %dma_start3A_43 = arith.constant 0 : i32
    %dma_start3A_44 = arith.constant 0 : i32
    %dma_start3A_45 = tpu.memref_slice %arg10[%dma_start3A_43, %dma_start3A_44] : memref<2x128xi32, #tpu.memory_space<vmem>> -> memref<1x64xi32, #tpu.memory_space<vmem>>
    %dma_start3A_46 = tpu.memref_squeeze %dma_start3A_45 : memref<1x64xi32, #tpu.memory_space<vmem>> -> memref<64xi32, #tpu.memory_space<vmem>>
    %dma_start3A_47 = arith.constant 0 : i32
    %dma_start3A_48 = arith.constant 0 : i32
    %dma_start3A_49 = tpu.memref_slice %arg23[%dma_start3A_47, %dma_start3A_48] : memref<512x128xf32, #tpu.memory_space<vmem_shared>> -> memref<512x128xf32, #tpu.memory_space<vmem_shared>>
    tpu.enqueue_indirect_dma source(%dma_start3A_49 : memref<512x128xf32, #tpu.memory_space<vmem_shared>>) target(%arg12 : memref<64x128xf32, #tpu.memory_space<vmem>>) offsets(%dma_start3A_46 : memref<64xi32, #tpu.memory_space<vmem>>) semaphore(%arg25 : memref<!tpu.dma_semaphore, #tpu.memory_space<semaphore_mem>>)
    %dma_start3A_50 = arith.constant 0 : i32
    %dma_start3A_51 = arith.constant 0 : i32
    %dma_start3A_52 = tpu.memref_slice %arg9[%dma_start3A_50, %dma_start3A_51] : memref<2x128xi32, #tpu.memory_space<vmem>> -> memref<1x64xi32, #tpu.memory_space<vmem>>
    %dma_start3A_53 = tpu.memref_squeeze %dma_start3A_52 : memref<1x64xi32, #tpu.memory_space<vmem>> -> memref<64xi32, #tpu.memory_space<vmem>>
    %dma_start3A_54 = arith.constant 0 : i32
    %dma_start3A_55 = arith.constant 0 : i32
    %dma_start3A_56 = tpu.memref_slice %arg2[%dma_start3A_54, %dma_start3A_55] : memref<16384x128xf32, #tpu.memory_space<hbm>> -> memref<16384x128xf32, #tpu.memory_space<hbm>>
    tpu.enqueue_indirect_dma source(%dma_start3A_56 : memref<16384x128xf32, #tpu.memory_space<hbm>>) target(%arg16 : memref<64x128xf32, #tpu.memory_space<vmem>>) offsets(%dma_start3A_53 : memref<64xi32, #tpu.memory_space<vmem>>) semaphore(%arg33 : memref<!tpu.dma_semaphore, #tpu.memory_space<semaphore_mem>>)
    %dma_start3A_57 = arith.constant 0 : i32
    %dma_start3A_58 = arith.constant 0 : i32
    %dma_start3A_59 = tpu.memref_slice %arg2[%dma_start3A_57, %dma_start3A_58] : memref<16384x128xf32, #tpu.memory_space<hbm>> -> memref<16384x128xf32, #tpu.memory_space<hbm>>
    tpu.enqueue_indirect_dma source(%dma_start3A_59 : memref<16384x128xf32, #tpu.memory_space<hbm>>) target(%arg20 : memref<8x128xf32, #tpu.memory_space<vmem>>) offsets(%arg11 : memref<8xi32, #tpu.memory_space<vmem>>) semaphore(%arg33 : memref<!tpu.dma_semaphore, #tpu.memory_space<semaphore_mem>>)
    %dma_start3A_60 = arith.constant 0 : i32
    %dma_start3A_61 = arith.constant 64 : i32
    %dma_start3A_62 = tpu.memref_slice %arg10[%dma_start3A_60, %dma_start3A_61] : memref<2x128xi32, #tpu.memory_space<vmem>> -> memref<1x64xi32, #tpu.memory_space<vmem>>
    %dma_start3A_63 = tpu.memref_squeeze %dma_start3A_62 : memref<1x64xi32, #tpu.memory_space<vmem>> -> memref<64xi32, #tpu.memory_space<vmem>>
    %dma_start3A_64 = arith.constant 0 : i32
    %dma_start3A_65 = arith.constant 0 : i32
    %dma_start3A_66 = tpu.memref_slice %arg23[%dma_start3A_64, %dma_start3A_65] : memref<512x128xf32, #tpu.memory_space<vmem_shared>> -> memref<512x128xf32, #tpu.memory_space<vmem_shared>>
    tpu.enqueue_indirect_dma source(%dma_start3A_66 : memref<512x128xf32, #tpu.memory_space<vmem_shared>>) target(%arg13 : memref<64x128xf32, #tpu.memory_space<vmem>>) offsets(%dma_start3A_63 : memref<64xi32, #tpu.memory_space<vmem>>) semaphore(%arg26 : memref<!tpu.dma_semaphore, #tpu.memory_space<semaphore_mem>>)
    %dma_start3A_67 = arith.constant 0 : i32
    %dma_start3A_68 = arith.constant 64 : i32
    %dma_start3A_69 = tpu.memref_slice %arg9[%dma_start3A_67, %dma_start3A_68] : memref<2x128xi32, #tpu.memory_space<vmem>> -> memref<1x64xi32, #tpu.memory_space<vmem>>
    %dma_start3A_70 = tpu.memref_squeeze %dma_start3A_69 : memref<1x64xi32, #tpu.memory_space<vmem>> -> memref<64xi32, #tpu.memory_space<vmem>>
    %dma_start3A_71 = arith.constant 0 : i32
    %dma_start3A_72 = arith.constant 0 : i32
    %dma_start3A_73 = tpu.memref_slice %arg2[%dma_start3A_71, %dma_start3A_72] : memref<16384x128xf32, #tpu.memory_space<hbm>> -> memref<16384x128xf32, #tpu.memory_space<hbm>>
    tpu.enqueue_indirect_dma source(%dma_start3A_73 : memref<16384x128xf32, #tpu.memory_space<hbm>>) target(%arg17 : memref<64x128xf32, #tpu.memory_space<vmem>>) offsets(%dma_start3A_70 : memref<64xi32, #tpu.memory_space<vmem>>) semaphore(%arg34 : memref<!tpu.dma_semaphore, #tpu.memory_space<semaphore_mem>>)
    %dma_wait3A_74 = arith.constant 0 : i32
    %dma_wait3A_75 = arith.constant 0 : i32
    %dma_wait3A_76 = tpu.memref_slice %arg10[%dma_wait3A_74, %dma_wait3A_75] : memref<2x128xi32, #tpu.memory_space<vmem>> -> memref<1x64xi32, #tpu.memory_space<vmem>>
    %dma_wait3A_77 = tpu.memref_squeeze %dma_wait3A_76 : memref<1x64xi32, #tpu.memory_space<vmem>> -> memref<64xi32, #tpu.memory_space<vmem>>
    %dma_wait3A_78 = arith.constant 0 : i32
    %dma_wait3A_79 = arith.constant 0 : i32
    %dma_wait3A_80 = tpu.memref_slice %arg23[%dma_wait3A_78, %dma_wait3A_79] : memref<512x128xf32, #tpu.memory_space<vmem_shared>> -> memref<512x128xf32, #tpu.memory_space<vmem_shared>>
    tpu.wait_indirect_dma semaphore(%arg25 : memref<!tpu.dma_semaphore, #tpu.memory_space<semaphore_mem>>) src(%dma_wait3A_80 : memref<512x128xf32, #tpu.memory_space<vmem_shared>>) dst(%arg12 : memref<64x128xf32, #tpu.memory_space<vmem>>)
    %dma_start3A_81 = arith.constant 0 : i32
    %dma_start3A_82 = arith.constant 0 : i32
    %dma_start3A_83 = tpu.memref_slice %arg8[%dma_start3A_81, %dma_start3A_82] : memref<2x128xi32, #tpu.memory_space<vmem>> -> memref<1x64xi32, #tpu.memory_space<vmem>>
    %dma_start3A_84 = tpu.memref_squeeze %dma_start3A_83 : memref<1x64xi32, #tpu.memory_space<vmem>> -> memref<64xi32, #tpu.memory_space<vmem>>
    %dma_start3A_85 = arith.constant 0 : i32
    %dma_start3A_86 = arith.constant 0 : i32
    %dma_start3A_87 = tpu.memref_slice %arg2[%dma_start3A_85, %dma_start3A_86] : memref<16384x128xf32, #tpu.memory_space<hbm>> -> memref<16384x128xf32, #tpu.memory_space<hbm>>
    tpu.enqueue_indirect_dma source(%dma_start3A_87 : memref<16384x128xf32, #tpu.memory_space<hbm>>) target(%arg12 : memref<64x128xf32, #tpu.memory_space<vmem>>) offsets(%dma_start3A_84 : memref<64xi32, #tpu.memory_space<vmem>>) semaphore(%arg29 : memref<!tpu.dma_semaphore, #tpu.memory_space<semaphore_mem>>) {add = true}
    %broadcast_in_dim3A = arith.constant 0.000000e+00 : f32
    %broadcast_in_dim3A_88 = vector.broadcast %broadcast_in_dim3A : f32 to vector<16xf32>
    %dma_start3A_89 = arith.constant 1 : i32
    %dma_start3A_90 = arith.constant 0 : i32
    %dma_start3A_91 = tpu.memref_slice %arg10[%dma_start3A_89, %dma_start3A_90] : memref<2x128xi32, #tpu.memory_space<vmem>> -> memref<1x64xi32, #tpu.memory_space<vmem>>
    %dma_start3A_92 = tpu.memref_squeeze %dma_start3A_91 : memref<1x64xi32, #tpu.memory_space<vmem>> -> memref<64xi32, #tpu.memory_space<vmem>>
    %dma_start3A_93 = arith.constant 0 : i32
    %dma_start3A_94 = arith.constant 0 : i32
    %dma_start3A_95 = tpu.memref_slice %arg23[%dma_start3A_93, %dma_start3A_94] : memref<512x128xf32, #tpu.memory_space<vmem_shared>> -> memref<512x128xf32, #tpu.memory_space<vmem_shared>>
    tpu.enqueue_indirect_dma source(%dma_start3A_95 : memref<512x128xf32, #tpu.memory_space<vmem_shared>>) target(%arg14 : memref<64x128xf32, #tpu.memory_space<vmem>>) offsets(%dma_start3A_92 : memref<64xi32, #tpu.memory_space<vmem>>) semaphore(%arg27 : memref<!tpu.dma_semaphore, #tpu.memory_space<semaphore_mem>>)
    %dma_start3A_96 = arith.constant 1 : i32
    %dma_start3A_97 = arith.constant 0 : i32
    %dma_start3A_98 = tpu.memref_slice %arg9[%dma_start3A_96, %dma_start3A_97] : memref<2x128xi32, #tpu.memory_space<vmem>> -> memref<1x64xi32, #tpu.memory_space<vmem>>
    %dma_start3A_99 = tpu.memref_squeeze %dma_start3A_98 : memref<1x64xi32, #tpu.memory_space<vmem>> -> memref<64xi32, #tpu.memory_space<vmem>>
    %dma_start3A_100 = arith.constant 0 : i32
    %dma_start3A_101 = arith.constant 0 : i32
    %dma_start3A_102 = tpu.memref_slice %arg2[%dma_start3A_100, %dma_start3A_101] : memref<16384x128xf32, #tpu.memory_space<hbm>> -> memref<16384x128xf32, #tpu.memory_space<hbm>>
    tpu.enqueue_indirect_dma source(%dma_start3A_102 : memref<16384x128xf32, #tpu.memory_space<hbm>>) target(%arg18 : memref<64x128xf32, #tpu.memory_space<vmem>>) offsets(%dma_start3A_99 : memref<64xi32, #tpu.memory_space<vmem>>) semaphore(%arg35 : memref<!tpu.dma_semaphore, #tpu.memory_space<semaphore_mem>>)
    %dma_wait3A_103 = arith.constant 0 : i32
    %dma_wait3A_104 = arith.constant 64 : i32
    %dma_wait3A_105 = tpu.memref_slice %arg10[%dma_wait3A_103, %dma_wait3A_104] : memref<2x128xi32, #tpu.memory_space<vmem>> -> memref<1x64xi32, #tpu.memory_space<vmem>>
    %dma_wait3A_106 = tpu.memref_squeeze %dma_wait3A_105 : memref<1x64xi32, #tpu.memory_space<vmem>> -> memref<64xi32, #tpu.memory_space<vmem>>
    %dma_wait3A_107 = arith.constant 0 : i32
    %dma_wait3A_108 = arith.constant 0 : i32
    %dma_wait3A_109 = tpu.memref_slice %arg23[%dma_wait3A_107, %dma_wait3A_108] : memref<512x128xf32, #tpu.memory_space<vmem_shared>> -> memref<512x128xf32, #tpu.memory_space<vmem_shared>>
    tpu.wait_indirect_dma semaphore(%arg26 : memref<!tpu.dma_semaphore, #tpu.memory_space<semaphore_mem>>) src(%dma_wait3A_109 : memref<512x128xf32, #tpu.memory_space<vmem_shared>>) dst(%arg13 : memref<64x128xf32, #tpu.memory_space<vmem>>)
    %dma_start3A_110 = arith.constant 0 : i32
    %dma_start3A_111 = arith.constant 64 : i32
    %dma_start3A_112 = tpu.memref_slice %arg8[%dma_start3A_110, %dma_start3A_111] : memref<2x128xi32, #tpu.memory_space<vmem>> -> memref<1x64xi32, #tpu.memory_space<vmem>>
    %dma_start3A_113 = tpu.memref_squeeze %dma_start3A_112 : memref<1x64xi32, #tpu.memory_space<vmem>> -> memref<64xi32, #tpu.memory_space<vmem>>
    %dma_start3A_114 = arith.constant 0 : i32
    %dma_start3A_115 = arith.constant 0 : i32
    %dma_start3A_116 = tpu.memref_slice %arg2[%dma_start3A_114, %dma_start3A_115] : memref<16384x128xf32, #tpu.memory_space<hbm>> -> memref<16384x128xf32, #tpu.memory_space<hbm>>
    tpu.enqueue_indirect_dma source(%dma_start3A_116 : memref<16384x128xf32, #tpu.memory_space<hbm>>) target(%arg13 : memref<64x128xf32, #tpu.memory_space<vmem>>) offsets(%dma_start3A_113 : memref<64xi32, #tpu.memory_space<vmem>>) semaphore(%arg30 : memref<!tpu.dma_semaphore, #tpu.memory_space<semaphore_mem>>) {add = true}
    %dma_wait3A_117 = arith.constant 0 : i32
    %dma_wait3A_118 = arith.constant 0 : i32
    %dma_wait3A_119 = tpu.memref_slice %arg8[%dma_wait3A_117, %dma_wait3A_118] : memref<2x128xi32, #tpu.memory_space<vmem>> -> memref<1x64xi32, #tpu.memory_space<vmem>>
    %dma_wait3A_120 = tpu.memref_squeeze %dma_wait3A_119 : memref<1x64xi32, #tpu.memory_space<vmem>> -> memref<64xi32, #tpu.memory_space<vmem>>
    %dma_wait3A_121 = arith.constant 0 : i32
    %dma_wait3A_122 = arith.constant 0 : i32
    %dma_wait3A_123 = tpu.memref_slice %arg2[%dma_wait3A_121, %dma_wait3A_122] : memref<16384x128xf32, #tpu.memory_space<hbm>> -> memref<16384x128xf32, #tpu.memory_space<hbm>>
    tpu.wait_indirect_dma semaphore(%arg29 : memref<!tpu.dma_semaphore, #tpu.memory_space<semaphore_mem>>) src(%dma_wait3A_123 : memref<16384x128xf32, #tpu.memory_space<hbm>>) dst(%arg12 : memref<64x128xf32, #tpu.memory_space<vmem>>)
    %dma_wait3A_124 = arith.constant 0 : i32
    %dma_wait3A_125 = arith.constant 0 : i32
    %dma_wait3A_126 = tpu.memref_slice %arg9[%dma_wait3A_124, %dma_wait3A_125] : memref<2x128xi32, #tpu.memory_space<vmem>> -> memref<1x64xi32, #tpu.memory_space<vmem>>
    %dma_wait3A_127 = tpu.memref_squeeze %dma_wait3A_126 : memref<1x64xi32, #tpu.memory_space<vmem>> -> memref<64xi32, #tpu.memory_space<vmem>>
    %dma_wait3A_128 = arith.constant 0 : i32
    %dma_wait3A_129 = arith.constant 0 : i32
    %dma_wait3A_130 = tpu.memref_slice %arg2[%dma_wait3A_128, %dma_wait3A_129] : memref<16384x128xf32, #tpu.memory_space<hbm>> -> memref<16384x128xf32, #tpu.memory_space<hbm>>
    tpu.wait_indirect_dma semaphore(%arg33 : memref<!tpu.dma_semaphore, #tpu.memory_space<semaphore_mem>>) src(%dma_wait3A_130 : memref<16384x128xf32, #tpu.memory_space<hbm>>) dst(%arg16 : memref<64x128xf32, #tpu.memory_space<vmem>>)
    %dma_wait3A_131 = arith.constant 0 : i32
    %dma_wait3A_132 = arith.constant 0 : i32
    %dma_wait3A_133 = tpu.memref_slice %arg2[%dma_wait3A_131, %dma_wait3A_132] : memref<16384x128xf32, #tpu.memory_space<hbm>> -> memref<16384x128xf32, #tpu.memory_space<hbm>>
    tpu.wait_indirect_dma semaphore(%arg33 : memref<!tpu.dma_semaphore, #tpu.memory_space<semaphore_mem>>) src(%dma_wait3A_133 : memref<16384x128xf32, #tpu.memory_space<hbm>>) dst(%arg20 : memref<8x128xf32, #tpu.memory_space<vmem>>)
    %broadcast_in_dim3A_134 = arith.constant 0.000000e+00 : f32
    %broadcast_in_dim3A_135 = vector.broadcast %broadcast_in_dim3A_134 : f32 to vector<16xf32>
    %get3A = arith.constant 0 : i32
    %get3A_136 = arith.index_cast %get3A : i32 to index
    %get3A_137 = arith.constant 0 : index
    %get3A_138 = tpu.vector_load %arg12[%get3A_136, %get3A_137] {strides = array<i32>} : memref<64x128xf32, #tpu.memory_space<vmem>>, vector<16xf32>,
    %get3A_139 = arith.constant 0 : i32
    %get3A_140 = arith.index_cast %get3A_139 : i32 to index
    %get3A_141 = arith.constant 0 : index
    %get3A_142 = tpu.vector_load %arg16[%get3A_140, %get3A_141] {strides = array<i32>} : memref<64x128xf32, #tpu.memory_space<vmem>>, vector<16xf32>,
    %sub3A_143 = arith.subf %get3A_138, %get3A_142 : vector<16xf32>
    %abs3A = math.absf %sub3A_143 : vector<16xf32>
    %add3A_144 = arith.addf %broadcast_in_dim3A_135, %abs3A : vector<16xf32>
    %get3A_145 = arith.constant 7 : i32
    %get3A_146 = arith.index_cast %get3A_145 : i32 to index
    %get3A_147 = arith.constant 0 : index
    %get3A_148 = tpu.vector_load %arg20[%get3A_146, %get3A_147] {strides = array<i32>} : memref<8x128xf32, #tpu.memory_space<vmem>>, vector<16xf32>,
    %sub3A_149 = arith.subf %get3A_138, %get3A_148 : vector<16xf32>
    %abs3A_150 = math.absf %sub3A_149 : vector<16xf32>
    %sub3A_151 = arith.subf %add3A_144, %abs3A_150 : vector<16xf32>
    %get3A_152 = arith.constant 0 : i32
    %get3A_153 = arith.index_cast %get3A_152 : i32 to index
    %get3A_154 = arith.constant 16 : index
    %get3A_155 = tpu.vector_load %arg12[%get3A_153, %get3A_154] {strides = array<i32>} : memref<64x128xf32, #tpu.memory_space<vmem>>, vector<16xf32>,
    %get3A_156 = arith.constant 0 : i32
    %get3A_157 = arith.index_cast %get3A_156 : i32 to index
    %get3A_158 = arith.constant 16 : index
    %get3A_159 = tpu.vector_load %arg16[%get3A_157, %get3A_158] {strides = array<i32>} : memref<64x128xf32, #tpu.memory_space<vmem>>, vector<16xf32>,
    %sub3A_160 = arith.subf %get3A_155, %get3A_159 : vector<16xf32>
    %abs3A_161 = math.absf %sub3A_160 : vector<16xf32>
    %add3A_162 = arith.addf %sub3A_151, %abs3A_161 : vector<16xf32>
    %get3A_163 = arith.constant 7 : i32
    %get3A_164 = arith.index_cast %get3A_163 : i32 to index
    %get3A_165 = arith.constant 16 : index
    %get3A_166 = tpu.vector_load %arg20[%get3A_164, %get3A_165] {strides = array<i32>} : memref<8x128xf32, #tpu.memory_space<vmem>>, vector<16xf32>,
    %sub3A_167 = arith.subf %get3A_155, %get3A_166 : vector<16xf32>
    %abs3A_168 = math.absf %sub3A_167 : vector<16xf32>
    %sub3A_169 = arith.subf %add3A_162, %abs3A_168 : vector<16xf32>
    %get3A_170 = arith.constant 0 : i32
    %get3A_171 = arith.index_cast %get3A_170 : i32 to index
    %get3A_172 = arith.constant 32 : index
    %get3A_173 = tpu.vector_load %arg12[%get3A_171, %get3A_172] {strides = array<i32>} : memref<64x128xf32, #tpu.memory_space<vmem>>, vector<16xf32>,
    %get3A_174 = arith.constant 0 : i32
    %get3A_175 = arith.index_cast %get3A_174 : i32 to index
    %get3A_176 = arith.constant 32 : index
    %get3A_177 = tpu.vector_load %arg16[%get3A_175, %get3A_176] {strides = array<i32>} : memref<64x128xf32, #tpu.memory_space<vmem>>, vector<16xf32>,
    %sub3A_178 = arith.subf %get3A_173, %get3A_177 : vector<16xf32>
    %abs3A_179 = math.absf %sub3A_178 : vector<16xf32>
    %add3A_180 = arith.addf %sub3A_169, %abs3A_179 : vector<16xf32>
    %get3A_181 = arith.constant 7 : i32
    %get3A_182 = arith.index_cast %get3A_181 : i32 to index
    %get3A_183 = arith.constant 32 : index
    %get3A_184 = tpu.vector_load %arg20[%get3A_182, %get3A_183] {strides = array<i32>} : memref<8x128xf32, #tpu.memory_space<vmem>>, vector<16xf32>,
    %sub3A_185 = arith.subf %get3A_173, %get3A_184 : vector<16xf32>
    %abs3A_186 = math.absf %sub3A_185 : vector<16xf32>
    %sub3A_187 = arith.subf %add3A_180, %abs3A_186 : vector<16xf32>
    %get3A_188 = arith.constant 0 : i32
    %get3A_189 = arith.index_cast %get3A_188 : i32 to index
    %get3A_190 = arith.constant 48 : index
    %get3A_191 = tpu.vector_load %arg12[%get3A_189, %get3A_190] {strides = array<i32>} : memref<64x128xf32, #tpu.memory_space<vmem>>, vector<16xf32>,
    %get3A_192 = arith.constant 0 : i32
    %get3A_193 = arith.index_cast %get3A_192 : i32 to index
    %get3A_194 = arith.constant 48 : index
    %get3A_195 = tpu.vector_load %arg16[%get3A_193, %get3A_194] {strides = array<i32>} : memref<64x128xf32, #tpu.memory_space<vmem>>, vector<16xf32>,
    %sub3A_196 = arith.subf %get3A_191, %get3A_195 : vector<16xf32>
    %abs3A_197 = math.absf %sub3A_196 : vector<16xf32>
    %add3A_198 = arith.addf %sub3A_187, %abs3A_197 : vector<16xf32>
    %get3A_199 = arith.constant 7 : i32
    %get3A_200 = arith.index_cast %get3A_199 : i32 to index
    %get3A_201 = arith.constant 48 : index
    %get3A_202 = tpu.vector_load %arg20[%get3A_200, %get3A_201] {strides = array<i32>} : memref<8x128xf32, #tpu.memory_space<vmem>>, vector<16xf32>,
    %sub3A_203 = arith.subf %get3A_191, %get3A_202 : vector<16xf32>
    %abs3A_204 = math.absf %sub3A_203 : vector<16xf32>
    %sub3A_205 = arith.subf %add3A_198, %abs3A_204 : vector<16xf32>
    %get3A_206 = arith.constant 0 : i32
    %get3A_207 = arith.index_cast %get3A_206 : i32 to index
    %get3A_208 = arith.constant 64 : index
    %get3A_209 = tpu.vector_load %arg12[%get3A_207, %get3A_208] {strides = array<i32>} : memref<64x128xf32, #tpu.memory_space<vmem>>, vector<16xf32>,
    %get3A_210 = arith.constant 0 : i32
    %get3A_211 = arith.index_cast %get3A_210 : i32 to index
    %get3A_212 = arith.constant 64 : index
    %get3A_213 = tpu.vector_load %arg16[%get3A_211, %get3A_212] {strides = array<i32>} : memref<64x128xf32, #tpu.memory_space<vmem>>, vector<16xf32>,
    %sub3A_214 = arith.subf %get3A_209, %get3A_213 : vector<16xf32>
    %abs3A_215 = math.absf %sub3A_214 : vector<16xf32>
    %add3A_216 = arith.addf %sub3A_205, %abs3A_215 : vector<16xf32>
    %get3A_217 = arith.constant 7 : i32
    %get3A_218 = arith.index_cast %get3A_217 : i32 to index
    %get3A_219 = arith.constant 64 : index
    %get3A_220 = tpu.vector_load %arg20[%get3A_218, %get3A_219] {strides = array<i32>} : memref<8x128xf32, #tpu.memory_space<vmem>>, vector<16xf32>,
    %sub3A_221 = arith.subf %get3A_209, %get3A_220 : vector<16xf32>
    %abs3A_222 = math.absf %sub3A_221 : vector<16xf32>
    %sub3A_223 = arith.subf %add3A_216, %abs3A_222 : vector<16xf32>
    %get3A_224 = arith.constant 0 : i32
    %get3A_225 = arith.index_cast %get3A_224 : i32 to index
    %get3A_226 = arith.constant 80 : index
    %get3A_227 = tpu.vector_load %arg12[%get3A_225, %get3A_226] {strides = array<i32>} : memref<64x128xf32, #tpu.memory_space<vmem>>, vector<16xf32>,
    %get3A_228 = arith.constant 0 : i32
    %get3A_229 = arith.index_cast %get3A_228 : i32 to index
    %get3A_230 = arith.constant 80 : index
    %get3A_231 = tpu.vector_load %arg16[%get3A_229, %get3A_230] {strides = array<i32>} : memref<64x128xf32, #tpu.memory_space<vmem>>, vector<16xf32>,
    %sub3A_232 = arith.subf %get3A_227, %get3A_231 : vector<16xf32>
    %abs3A_233 = math.absf %sub3A_232 : vector<16xf32>
    %add3A_234 = arith.addf %sub3A_223, %abs3A_233 : vector<16xf32>
    %get3A_235 = arith.constant 7 : i32
    %get3A_236 = arith.index_cast %get3A_235 : i32 to index
    %get3A_237 = arith.constant 80 : index
    %get3A_238 = tpu.vector_load %arg20[%get3A_236, %get3A_237] {strides = array<i32>} : memref<8x128xf32, #tpu.memory_space<vmem>>, vector<16xf32>,
    %sub3A_239 = arith.subf %get3A_227, %get3A_238 : vector<16xf32>
    %abs3A_240 = math.absf %sub3A_239 : vector<16xf32>
    %sub3A_241 = arith.subf %add3A_234, %abs3A_240 : vector<16xf32>
    %get3A_242 = arith.constant 0 : i32
    %get3A_243 = arith.index_cast %get3A_242 : i32 to index
    %get3A_244 = arith.constant 96 : index
    %get3A_245 = tpu.vector_load %arg12[%get3A_243, %get3A_244] {strides = array<i32>} : memref<64x128xf32, #tpu.memory_space<vmem>>, vector<16xf32>,
    %get3A_246 = arith.constant 0 : i32
    %get3A_247 = arith.index_cast %get3A_246 : i32 to index
    %get3A_248 = arith.constant 96 : index
    %get3A_249 = tpu.vector_load %arg16[%get3A_247, %get3A_248] {strides = array<i32>} : memref<64x128xf32, #tpu.memory_space<vmem>>, vector<16xf32>,
    %sub3A_250 = arith.subf %get3A_245, %get3A_249 : vector<16xf32>
    %abs3A_251 = math.absf %sub3A_250 : vector<16xf32>
    %add3A_252 = arith.addf %sub3A_241, %abs3A_251 : vector<16xf32>
    %get3A_253 = arith.constant 7 : i32
    %get3A_254 = arith.index_cast %get3A_253 : i32 to index
    %get3A_255 = arith.constant 96 : index
    %get3A_256 = tpu.vector_load %arg20[%get3A_254, %get3A_255] {strides = array<i32>} : memref<8x128xf32, #tpu.memory_space<vmem>>, vector<16xf32>,
    %sub3A_257 = arith.subf %get3A_245, %get3A_256 : vector<16xf32>
    %abs3A_258 = math.absf %sub3A_257 : vector<16xf32>
    %sub3A_259 = arith.subf %add3A_252, %abs3A_258 : vector<16xf32>
    %get3A_260 = arith.constant 0 : i32
    %get3A_261 = arith.index_cast %get3A_260 : i32 to index
    %get3A_262 = arith.constant 112 : index
    %get3A_263 = tpu.vector_load %arg12[%get3A_261, %get3A_262] {strides = array<i32>} : memref<64x128xf32, #tpu.memory_space<vmem>>, vector<16xf32>,
    %get3A_264 = arith.constant 0 : i32
    %get3A_265 = arith.index_cast %get3A_264 : i32 to index
    %get3A_266 = arith.constant 112 : index
    %get3A_267 = tpu.vector_load %arg16[%get3A_265, %get3A_266] {strides = array<i32>} : memref<64x128xf32, #tpu.memory_space<vmem>>, vector<16xf32>,
    %sub3A_268 = arith.subf %get3A_263, %get3A_267 : vector<16xf32>
    %abs3A_269 = math.absf %sub3A_268 : vector<16xf32>
    %add3A_270 = arith.addf %sub3A_259, %abs3A_269 : vector<16xf32>
    %get3A_271 = arith.constant 7 : i32
    %get3A_272 = arith.index_cast %get3A_271 : i32 to index
    %get3A_273 = arith.constant 112 : index
    %get3A_274 = tpu.vector_load %arg20[%get3A_272, %get3A_273] {strides = array<i32>} : memref<8x128xf32, #tpu.memory_space<vmem>>, vector<16xf32>,
    %sub3A_275 = arith.subf %get3A_263, %get3A_274 : vector<16xf32>
    %abs3A_276 = math.absf %sub3A_275 : vector<16xf32>
    %sub3A_277 = arith.subf %add3A_270, %abs3A_276 : vector<16xf32>
    %swap3A = arith.constant 0 : i32
    %swap3A_278 = arith.index_cast %swap3A : i32 to index
    %swap3A_279 = arith.constant 0 : index
    %swap3A_280 = tpu.vector_load %arg21[%swap3A_278, %swap3A_279] {strides = array<i32>} : memref<64x16xf32, #tpu.memory_space<vmem>>, vector<16xf32>,
    tpu.vector_store %arg21[%swap3A_278, %swap3A_279], %sub3A_277 {strides = array<i32>} : memref<64x16xf32, #tpu.memory_space<vmem>>, vector<16xf32>,
    %parallel_loop3A = arith.constant 1 : i32
    %parallel_loop3A_281 = arith.constant 64 : i32
    %parallel_loop3A_282 = arith.constant 1 : i32
    %parallel_loop3A_283:8 = scf.for %parallel_loop3A_855 = %parallel_loop3A to %parallel_loop3A_281 step %parallel_loop3A_282 iter_args(%parallel_loop3A_856 = %get3A_142, %parallel_loop3A_857 = %get3A_159, %parallel_loop3A_858 = %get3A_177, %parallel_loop3A_859 = %get3A_195, %parallel_loop3A_860 = %get3A_213, %parallel_loop3A_861 = %get3A_231, %parallel_loop3A_862 = %get3A_249, %parallel_loop3A_863 = %get3A_267) -> (vector<16xf32>, vector<16xf32>, vector<16xf32>, vector<16xf32>, vector<16xf32>, vector<16xf32>, vector<16xf32>, vector<16xf32>)  : i32 {
      %parallel_loop3A_864 = arith.constant 0.000000e+00 : f32
      %parallel_loop3A_865 = vector.broadcast %parallel_loop3A_864 : f32 to vector<16xf32>
      %parallel_loop3A_866 = arith.index_cast %parallel_loop3A_855 : i32 to index
      %parallel_loop3A_867 = arith.constant 0 : index
      %parallel_loop3A_868 = tpu.vector_load %arg12[%parallel_loop3A_866, %parallel_loop3A_867] {strides = array<i32>} : memref<64x128xf32, #tpu.memory_space<vmem>>, vector<16xf32>,
      %parallel_loop3A_869 = arith.index_cast %parallel_loop3A_855 : i32 to index
      %parallel_loop3A_870 = arith.constant 0 : index
      %parallel_loop3A_871 = tpu.vector_load %arg16[%parallel_loop3A_869, %parallel_loop3A_870] {strides = array<i32>} : memref<64x128xf32, #tpu.memory_space<vmem>>, vector<16xf32>,
      %parallel_loop3A_872 = arith.subf %parallel_loop3A_868, %parallel_loop3A_871 : vector<16xf32>
      %parallel_loop3A_873 = math.absf %parallel_loop3A_872 : vector<16xf32>
      %parallel_loop3A_874 = arith.addf %parallel_loop3A_865, %parallel_loop3A_873 : vector<16xf32>
      %parallel_loop3A_875 = arith.subf %parallel_loop3A_868, %parallel_loop3A_856 : vector<16xf32>
      %parallel_loop3A_876 = math.absf %parallel_loop3A_875 : vector<16xf32>
      %parallel_loop3A_877 = arith.subf %parallel_loop3A_874, %parallel_loop3A_876 : vector<16xf32>
      %parallel_loop3A_878 = arith.index_cast %parallel_loop3A_855 : i32 to index
      %parallel_loop3A_879 = arith.constant 16 : index
      %parallel_loop3A_880 = tpu.vector_load %arg12[%parallel_loop3A_878, %parallel_loop3A_879] {strides = array<i32>} : memref<64x128xf32, #tpu.memory_space<vmem>>, vector<16xf32>,
      %parallel_loop3A_881 = arith.index_cast %parallel_loop3A_855 : i32 to index
      %parallel_loop3A_882 = arith.constant 16 : index
      %parallel_loop3A_883 = tpu.vector_load %arg16[%parallel_loop3A_881, %parallel_loop3A_882] {strides = array<i32>} : memref<64x128xf32, #tpu.memory_space<vmem>>, vector<16xf32>,
      %parallel_loop3A_884 = arith.subf %parallel_loop3A_880, %parallel_loop3A_883 : vector<16xf32>
      %parallel_loop3A_885 = math.absf %parallel_loop3A_884 : vector<16xf32>
      %parallel_loop3A_886 = arith.addf %parallel_loop3A_877, %parallel_loop3A_885 : vector<16xf32>
      %parallel_loop3A_887 = arith.subf %parallel_loop3A_880, %parallel_loop3A_857 : vector<16xf32>
      %parallel_loop3A_888 = math.absf %parallel_loop3A_887 : vector<16xf32>
      %parallel_loop3A_889 = arith.subf %parallel_loop3A_886, %parallel_loop3A_888 : vector<16xf32>
      %parallel_loop3A_890 = arith.index_cast %parallel_loop3A_855 : i32 to index
      %parallel_loop3A_891 = arith.constant 32 : index
      %parallel_loop3A_892 = tpu.vector_load %arg12[%parallel_loop3A_890, %parallel_loop3A_891] {strides = array<i32>} : memref<64x128xf32, #tpu.memory_space<vmem>>, vector<16xf32>,
      %parallel_loop3A_893 = arith.index_cast %parallel_loop3A_855 : i32 to index
      %parallel_loop3A_894 = arith.constant 32 : index
      %parallel_loop3A_895 = tpu.vector_load %arg16[%parallel_loop3A_893, %parallel_loop3A_894] {strides = array<i32>} : memref<64x128xf32, #tpu.memory_space<vmem>>, vector<16xf32>,
      %parallel_loop3A_896 = arith.subf %parallel_loop3A_892, %parallel_loop3A_895 : vector<16xf32>
      %parallel_loop3A_897 = math.absf %parallel_loop3A_896 : vector<16xf32>
      %parallel_loop3A_898 = arith.addf %parallel_loop3A_889, %parallel_loop3A_897 : vector<16xf32>
      %parallel_loop3A_899 = arith.subf %parallel_loop3A_892, %parallel_loop3A_858 : vector<16xf32>
      %parallel_loop3A_900 = math.absf %parallel_loop3A_899 : vector<16xf32>
      %parallel_loop3A_901 = arith.subf %parallel_loop3A_898, %parallel_loop3A_900 : vector<16xf32>
      %parallel_loop3A_902 = arith.index_cast %parallel_loop3A_855 : i32 to index
      %parallel_loop3A_903 = arith.constant 48 : index
      %parallel_loop3A_904 = tpu.vector_load %arg12[%parallel_loop3A_902, %parallel_loop3A_903] {strides = array<i32>} : memref<64x128xf32, #tpu.memory_space<vmem>>, vector<16xf32>,
      %parallel_loop3A_905 = arith.index_cast %parallel_loop3A_855 : i32 to index
      %parallel_loop3A_906 = arith.constant 48 : index
      %parallel_loop3A_907 = tpu.vector_load %arg16[%parallel_loop3A_905, %parallel_loop3A_906] {strides = array<i32>} : memref<64x128xf32, #tpu.memory_space<vmem>>, vector<16xf32>,
      %parallel_loop3A_908 = arith.subf %parallel_loop3A_904, %parallel_loop3A_907 : vector<16xf32>
      %parallel_loop3A_909 = math.absf %parallel_loop3A_908 : vector<16xf32>
      %parallel_loop3A_910 = arith.addf %parallel_loop3A_901, %parallel_loop3A_909 : vector<16xf32>
      %parallel_loop3A_911 = arith.subf %parallel_loop3A_904, %parallel_loop3A_859 : vector<16xf32>
      %parallel_loop3A_912 = math.absf %parallel_loop3A_911 : vector<16xf32>
      %parallel_loop3A_913 = arith.subf %parallel_loop3A_910, %parallel_loop3A_912 : vector<16xf32>
      %parallel_loop3A_914 = arith.index_cast %parallel_loop3A_855 : i32 to index
      %parallel_loop3A_915 = arith.constant 64 : index
      %parallel_loop3A_916 = tpu.vector_load %arg12[%parallel_loop3A_914, %parallel_loop3A_915] {strides = array<i32>} : memref<64x128xf32, #tpu.memory_space<vmem>>, vector<16xf32>,
      %parallel_loop3A_917 = arith.index_cast %parallel_loop3A_855 : i32 to index
      %parallel_loop3A_918 = arith.constant 64 : index
      %parallel_loop3A_919 = tpu.vector_load %arg16[%parallel_loop3A_917, %parallel_loop3A_918] {strides = array<i32>} : memref<64x128xf32, #tpu.memory_space<vmem>>, vector<16xf32>,
      %parallel_loop3A_920 = arith.subf %parallel_loop3A_916, %parallel_loop3A_919 : vector<16xf32>
      %parallel_loop3A_921 = math.absf %parallel_loop3A_920 : vector<16xf32>
      %parallel_loop3A_922 = arith.addf %parallel_loop3A_913, %parallel_loop3A_921 : vector<16xf32>
      %parallel_loop3A_923 = arith.subf %parallel_loop3A_916, %parallel_loop3A_860 : vector<16xf32>
      %parallel_loop3A_924 = math.absf %parallel_loop3A_923 : vector<16xf32>
      %parallel_loop3A_925 = arith.subf %parallel_loop3A_922, %parallel_loop3A_924 : vector<16xf32>
      %parallel_loop3A_926 = arith.index_cast %parallel_loop3A_855 : i32 to index
      %parallel_loop3A_927 = arith.constant 80 : index
      %parallel_loop3A_928 = tpu.vector_load %arg12[%parallel_loop3A_926, %parallel_loop3A_927] {strides = array<i32>} : memref<64x128xf32, #tpu.memory_space<vmem>>, vector<16xf32>,
      %parallel_loop3A_929 = arith.index_cast %parallel_loop3A_855 : i32 to index
      %parallel_loop3A_930 = arith.constant 80 : index
      %parallel_loop3A_931 = tpu.vector_load %arg16[%parallel_loop3A_929, %parallel_loop3A_930] {strides = array<i32>} : memref<64x128xf32, #tpu.memory_space<vmem>>, vector<16xf32>,
      %parallel_loop3A_932 = arith.subf %parallel_loop3A_928, %parallel_loop3A_931 : vector<16xf32>
      %parallel_loop3A_933 = math.absf %parallel_loop3A_932 : vector<16xf32>
      %parallel_loop3A_934 = arith.addf %parallel_loop3A_925, %parallel_loop3A_933 : vector<16xf32>
      %parallel_loop3A_935 = arith.subf %parallel_loop3A_928, %parallel_loop3A_861 : vector<16xf32>
      %parallel_loop3A_936 = math.absf %parallel_loop3A_935 : vector<16xf32>
      %parallel_loop3A_937 = arith.subf %parallel_loop3A_934, %parallel_loop3A_936 : vector<16xf32>
      %parallel_loop3A_938 = arith.index_cast %parallel_loop3A_855 : i32 to index
      %parallel_loop3A_939 = arith.constant 96 : index
      %parallel_loop3A_940 = tpu.vector_load %arg12[%parallel_loop3A_938, %parallel_loop3A_939] {strides = array<i32>} : memref<64x128xf32, #tpu.memory_space<vmem>>, vector<16xf32>,
      %parallel_loop3A_941 = arith.index_cast %parallel_loop3A_855 : i32 to index
      %parallel_loop3A_942 = arith.constant 96 : index
      %parallel_loop3A_943 = tpu.vector_load %arg16[%parallel_loop3A_941, %parallel_loop3A_942] {strides = array<i32>} : memref<64x128xf32, #tpu.memory_space<vmem>>, vector<16xf32>,
      %parallel_loop3A_944 = arith.subf %parallel_loop3A_940, %parallel_loop3A_943 : vector<16xf32>
      %parallel_loop3A_945 = math.absf %parallel_loop3A_944 : vector<16xf32>
      %parallel_loop3A_946 = arith.addf %parallel_loop3A_937, %parallel_loop3A_945 : vector<16xf32>
      %parallel_loop3A_947 = arith.subf %parallel_loop3A_940, %parallel_loop3A_862 : vector<16xf32>
      %parallel_loop3A_948 = math.absf %parallel_loop3A_947 : vector<16xf32>
      %parallel_loop3A_949 = arith.subf %parallel_loop3A_946, %parallel_loop3A_948 : vector<16xf32>
      %parallel_loop3A_950 = arith.index_cast %parallel_loop3A_855 : i32 to index
      %parallel_loop3A_951 = arith.constant 112 : index
      %parallel_loop3A_952 = tpu.vector_load %arg12[%parallel_loop3A_950, %parallel_loop3A_951] {strides = array<i32>} : memref<64x128xf32, #tpu.memory_space<vmem>>, vector<16xf32>,
      %parallel_loop3A_953 = arith.index_cast %parallel_loop3A_855 : i32 to index
      %parallel_loop3A_954 = arith.constant 112 : index
      %parallel_loop3A_955 = tpu.vector_load %arg16[%parallel_loop3A_953, %parallel_loop3A_954] {strides = array<i32>} : memref<64x128xf32, #tpu.memory_space<vmem>>, vector<16xf32>,
      %parallel_loop3A_956 = arith.subf %parallel_loop3A_952, %parallel_loop3A_955 : vector<16xf32>
      %parallel_loop3A_957 = math.absf %parallel_loop3A_956 : vector<16xf32>
      %parallel_loop3A_958 = arith.addf %parallel_loop3A_949, %parallel_loop3A_957 : vector<16xf32>
      %parallel_loop3A_959 = arith.subf %parallel_loop3A_952, %parallel_loop3A_863 : vector<16xf32>
      %parallel_loop3A_960 = math.absf %parallel_loop3A_959 : vector<16xf32>
      %parallel_loop3A_961 = arith.subf %parallel_loop3A_958, %parallel_loop3A_960 : vector<16xf32>
      %parallel_loop3A_962 = arith.index_cast %parallel_loop3A_855 : i32 to index
      %parallel_loop3A_963 = arith.constant 0 : index
      %parallel_loop3A_964 = tpu.vector_load %arg21[%parallel_loop3A_962, %parallel_loop3A_963] {strides = array<i32>} : memref<64x16xf32, #tpu.memory_space<vmem>>, vector<16xf32>,
      tpu.vector_store %arg21[%parallel_loop3A_962, %parallel_loop3A_963], %parallel_loop3A_961 {strides = array<i32>} : memref<64x16xf32, #tpu.memory_space<vmem>>, vector<16xf32>,
      scf.yield %parallel_loop3A_871, %parallel_loop3A_883, %parallel_loop3A_895, %parallel_loop3A_907, %parallel_loop3A_919, %parallel_loop3A_931, %parallel_loop3A_943, %parallel_loop3A_955 : vector<16xf32>, vector<16xf32>, vector<16xf32>, vector<16xf32>, vector<16xf32>, vector<16xf32>, vector<16xf32>, vector<16xf32>
    } {sc.loop_unroll_factor = 4 : i64, sc.parallel_access}
    %scan3A = arith.constant 0 : i32
    %scan3A_284 = arith.constant 4 : i32
    %scan3A_285 = arith.addi %scan3A, %scan3A_284 : i32
    %scan3A_286 = arith.constant 1 : i32
    %scan3A_287 = scf.for %scan3A_855 = %scan3A to %scan3A_285 step %scan3A_286 iter_args(%scan3A_856 = %broadcast_in_dim3A_88) -> (vector<16xf32>)  : i32 {
      %mul3A_857 = arith.constant 16 : i32
      %mul3A_858 = arith.muli %scan3A_855, %mul3A_857 : i32
      %add3A_859 = vector.broadcast %mul3A_858 : i32 to vector<16xi32>
      %add3A_860 = arith.addi %add3A_859, %iota3A : vector<16xi32>
      %broadcast_in_dim3A_861 = arith.constant 0.000000e+00 : f32
      %broadcast_in_dim3A_862 = vector.broadcast %broadcast_in_dim3A_861 : f32 to vector<16xf32>
      %broadcast_in_dim3A_863 = arith.constant 0 : i32
      %broadcast_in_dim3A_864 = vector.broadcast %broadcast_in_dim3A_863 : i32 to vector<16xi32>
      %gather3A = tpu.vector_load_idx %arg21[%add3A_860, %broadcast_in_dim3A_864] : memref<64x16xf32, #tpu.memory_space<vmem>>[vector<16xi32>, vector<16xi32>], vector<16xf32>,
      %add3A_865 = arith.addf %broadcast_in_dim3A_862, %gather3A : vector<16xf32>
      %broadcast_in_dim3A_866 = arith.constant 1 : i32
      %broadcast_in_dim3A_867 = vector.broadcast %broadcast_in_dim3A_866 : i32 to vector<16xi32>
      %gather3A_868 = tpu.vector_load_idx %arg21[%add3A_860, %broadcast_in_dim3A_867] : memref<64x16xf32, #tpu.memory_space<vmem>>[vector<16xi32>, vector<16xi32>], vector<16xf32>,
      %add3A_869 = arith.addf %add3A_865, %gather3A_868 : vector<16xf32>
      %broadcast_in_dim3A_870 = arith.constant 2 : i32
      %broadcast_in_dim3A_871 = vector.broadcast %broadcast_in_dim3A_870 : i32 to vector<16xi32>
      %gather3A_872 = tpu.vector_load_idx %arg21[%add3A_860, %broadcast_in_dim3A_871] : memref<64x16xf32, #tpu.memory_space<vmem>>[vector<16xi32>, vector<16xi32>], vector<16xf32>,
      %add3A_873 = arith.addf %add3A_869, %gather3A_872 : vector<16xf32>
      %broadcast_in_dim3A_874 = arith.constant 3 : i32
      %broadcast_in_dim3A_875 = vector.broadcast %broadcast_in_dim3A_874 : i32 to vector<16xi32>
      %gather3A_876 = tpu.vector_load_idx %arg21[%add3A_860, %broadcast_in_dim3A_875] : memref<64x16xf32, #tpu.memory_space<vmem>>[vector<16xi32>, vector<16xi32>], vector<16xf32>,
      %add3A_877 = arith.addf %add3A_873, %gather3A_876 : vector<16xf32>
      %broadcast_in_dim3A_878 = arith.constant 4 : i32
      %broadcast_in_dim3A_879 = vector.broadcast %broadcast_in_dim3A_878 : i32 to vector<16xi32>
      %gather3A_880 = tpu.vector_load_idx %arg21[%add3A_860, %broadcast_in_dim3A_879] : memref<64x16xf32, #tpu.memory_space<vmem>>[vector<16xi32>, vector<16xi32>], vector<16xf32>,
      %add3A_881 = arith.addf %add3A_877, %gather3A_880 : vector<16xf32>
      %broadcast_in_dim3A_882 = arith.constant 5 : i32
      %broadcast_in_dim3A_883 = vector.broadcast %broadcast_in_dim3A_882 : i32 to vector<16xi32>
      %gather3A_884 = tpu.vector_load_idx %arg21[%add3A_860, %broadcast_in_dim3A_883] : memref<64x16xf32, #tpu.memory_space<vmem>>[vector<16xi32>, vector<16xi32>], vector<16xf32>,
      %add3A_885 = arith.addf %add3A_881, %gather3A_884 : vector<16xf32>
      %broadcast_in_dim3A_886 = arith.constant 6 : i32
      %broadcast_in_dim3A_887 = vector.broadcast %broadcast_in_dim3A_886 : i32 to vector<16xi32>
      %gather3A_888 = tpu.vector_load_idx %arg21[%add3A_860, %broadcast_in_dim3A_887] : memref<64x16xf32, #tpu.memory_space<vmem>>[vector<16xi32>, vector<16xi32>], vector<16xf32>,
      %add3A_889 = arith.addf %add3A_885, %gather3A_888 : vector<16xf32>
      %broadcast_in_dim3A_890 = arith.constant 7 : i32
      %broadcast_in_dim3A_891 = vector.broadcast %broadcast_in_dim3A_890 : i32 to vector<16xi32>
      %gather3A_892 = tpu.vector_load_idx %arg21[%add3A_860, %broadcast_in_dim3A_891] : memref<64x16xf32, #tpu.memory_space<vmem>>[vector<16xi32>, vector<16xi32>], vector<16xf32>,
      %add3A_893 = arith.addf %add3A_889, %gather3A_892 : vector<16xf32>
      %broadcast_in_dim3A_894 = arith.constant 8 : i32
      %broadcast_in_dim3A_895 = vector.broadcast %broadcast_in_dim3A_894 : i32 to vector<16xi32>
      %gather3A_896 = tpu.vector_load_idx %arg21[%add3A_860, %broadcast_in_dim3A_895] : memref<64x16xf32, #tpu.memory_space<vmem>>[vector<16xi32>, vector<16xi32>], vector<16xf32>,
      %add3A_897 = arith.addf %add3A_893, %gather3A_896 : vector<16xf32>
      %broadcast_in_dim3A_898 = arith.constant 9 : i32
      %broadcast_in_dim3A_899 = vector.broadcast %broadcast_in_dim3A_898 : i32 to vector<16xi32>
      %gather3A_900 = tpu.vector_load_idx %arg21[%add3A_860, %broadcast_in_dim3A_899] : memref<64x16xf32, #tpu.memory_space<vmem>>[vector<16xi32>, vector<16xi32>], vector<16xf32>,
      %add3A_901 = arith.addf %add3A_897, %gather3A_900 : vector<16xf32>
      %broadcast_in_dim3A_902 = arith.constant 10 : i32
      %broadcast_in_dim3A_903 = vector.broadcast %broadcast_in_dim3A_902 : i32 to vector<16xi32>
      %gather3A_904 = tpu.vector_load_idx %arg21[%add3A_860, %broadcast_in_dim3A_903] : memref<64x16xf32, #tpu.memory_space<vmem>>[vector<16xi32>, vector<16xi32>], vector<16xf32>,
      %add3A_905 = arith.addf %add3A_901, %gather3A_904 : vector<16xf32>
      %broadcast_in_dim3A_906 = arith.constant 11 : i32
      %broadcast_in_dim3A_907 = vector.broadcast %broadcast_in_dim3A_906 : i32 to vector<16xi32>
      %gather3A_908 = tpu.vector_load_idx %arg21[%add3A_860, %broadcast_in_dim3A_907] : memref<64x16xf32, #tpu.memory_space<vmem>>[vector<16xi32>, vector<16xi32>], vector<16xf32>,
      %add3A_909 = arith.addf %add3A_905, %gather3A_908 : vector<16xf32>
      %broadcast_in_dim3A_910 = arith.constant 12 : i32
      %broadcast_in_dim3A_911 = vector.broadcast %broadcast_in_dim3A_910 : i32 to vector<16xi32>
      %gather3A_912 = tpu.vector_load_idx %arg21[%add3A_860, %broadcast_in_dim3A_911] : memref<64x16xf32, #tpu.memory_space<vmem>>[vector<16xi32>, vector<16xi32>], vector<16xf32>,
      %add3A_913 = arith.addf %add3A_909, %gather3A_912 : vector<16xf32>
      %broadcast_in_dim3A_914 = arith.constant 13 : i32
      %broadcast_in_dim3A_915 = vector.broadcast %broadcast_in_dim3A_914 : i32 to vector<16xi32>
      %gather3A_916 = tpu.vector_load_idx %arg21[%add3A_860, %broadcast_in_dim3A_915] : memref<64x16xf32, #tpu.memory_space<vmem>>[vector<16xi32>, vector<16xi32>], vector<16xf32>,
      %add3A_917 = arith.addf %add3A_913, %gather3A_916 : vector<16xf32>
      %broadcast_in_dim3A_918 = arith.constant 14 : i32
      %broadcast_in_dim3A_919 = vector.broadcast %broadcast_in_dim3A_918 : i32 to vector<16xi32>
      %gather3A_920 = tpu.vector_load_idx %arg21[%add3A_860, %broadcast_in_dim3A_919] : memref<64x16xf32, #tpu.memory_space<vmem>>[vector<16xi32>, vector<16xi32>], vector<16xf32>,
      %add3A_921 = arith.addf %add3A_917, %gather3A_920 : vector<16xf32>
      %broadcast_in_dim3A_922 = arith.constant 15 : i32
      %broadcast_in_dim3A_923 = vector.broadcast %broadcast_in_dim3A_922 : i32 to vector<16xi32>
      %gather3A_924 = tpu.vector_load_idx %arg21[%add3A_860, %broadcast_in_dim3A_923] : memref<64x16xf32, #tpu.memory_space<vmem>>[vector<16xi32>, vector<16xi32>], vector<16xf32>,
      %add3A_925 = arith.addf %add3A_921, %gather3A_924 : vector<16xf32>
      %add3A_926 = arith.constant 1.000000e+00 : f32
      %add3A_927 = vector.broadcast %add3A_926 : f32 to vector<16xf32>
      %add3A_928 = arith.addf %add3A_925, %add3A_927 : vector<16xf32>
      %max3A = arith.constant 0.000000e+00 : f32
      %max3A_929 = vector.broadcast %max3A : f32 to vector<16xf32>
      %max3A_930 = arith.maximumf %add3A_928, %max3A_929 : vector<16xf32>
      %add3A_931 = arith.addf %scan3A_856, %max3A_930 : vector<16xf32>
      scf.yield %add3A_931 : vector<16xf32>
    }
    %scan3A_288 = arith.constant 4 : i32
    %dma_start3A_289 = arith.constant 1 : i32
    %dma_start3A_290 = arith.constant 64 : i32
    %dma_start3A_291 = tpu.memref_slice %arg10[%dma_start3A_289, %dma_start3A_290] : memref<2x128xi32, #tpu.memory_space<vmem>> -> memref<1x64xi32, #tpu.memory_space<vmem>>
    %dma_start3A_292 = tpu.memref_squeeze %dma_start3A_291 : memref<1x64xi32, #tpu.memory_space<vmem>> -> memref<64xi32, #tpu.memory_space<vmem>>
    %dma_start3A_293 = arith.constant 0 : i32
    %dma_start3A_294 = arith.constant 0 : i32
    %dma_start3A_295 = tpu.memref_slice %arg23[%dma_start3A_293, %dma_start3A_294] : memref<512x128xf32, #tpu.memory_space<vmem_shared>> -> memref<512x128xf32, #tpu.memory_space<vmem_shared>>
    tpu.enqueue_indirect_dma source(%dma_start3A_295 : memref<512x128xf32, #tpu.memory_space<vmem_shared>>) target(%arg15 : memref<64x128xf32, #tpu.memory_space<vmem>>) offsets(%dma_start3A_292 : memref<64xi32, #tpu.memory_space<vmem>>) semaphore(%arg28 : memref<!tpu.dma_semaphore, #tpu.memory_space<semaphore_mem>>)
    %dma_start3A_296 = arith.constant 1 : i32
    %dma_start3A_297 = arith.constant 64 : i32
    %dma_start3A_298 = tpu.memref_slice %arg9[%dma_start3A_296, %dma_start3A_297] : memref<2x128xi32, #tpu.memory_space<vmem>> -> memref<1x64xi32, #tpu.memory_space<vmem>>
    %dma_start3A_299 = tpu.memref_squeeze %dma_start3A_298 : memref<1x64xi32, #tpu.memory_space<vmem>> -> memref<64xi32, #tpu.memory_space<vmem>>
    %dma_start3A_300 = arith.constant 0 : i32
    %dma_start3A_301 = arith.constant 0 : i32
    %dma_start3A_302 = tpu.memref_slice %arg2[%dma_start3A_300, %dma_start3A_301] : memref<16384x128xf32, #tpu.memory_space<hbm>> -> memref<16384x128xf32, #tpu.memory_space<hbm>>
    tpu.enqueue_indirect_dma source(%dma_start3A_302 : memref<16384x128xf32, #tpu.memory_space<hbm>>) target(%arg19 : memref<64x128xf32, #tpu.memory_space<vmem>>) offsets(%dma_start3A_299 : memref<64xi32, #tpu.memory_space<vmem>>) semaphore(%arg36 : memref<!tpu.dma_semaphore, #tpu.memory_space<semaphore_mem>>)
    %dma_wait3A_303 = arith.constant 1 : i32
    %dma_wait3A_304 = arith.constant 0 : i32
    %dma_wait3A_305 = tpu.memref_slice %arg10[%dma_wait3A_303, %dma_wait3A_304] : memref<2x128xi32, #tpu.memory_space<vmem>> -> memref<1x64xi32, #tpu.memory_space<vmem>>
    %dma_wait3A_306 = tpu.memref_squeeze %dma_wait3A_305 : memref<1x64xi32, #tpu.memory_space<vmem>> -> memref<64xi32, #tpu.memory_space<vmem>>
    %dma_wait3A_307 = arith.constant 0 : i32
    %dma_wait3A_308 = arith.constant 0 : i32
    %dma_wait3A_309 = tpu.memref_slice %arg23[%dma_wait3A_307, %dma_wait3A_308] : memref<512x128xf32, #tpu.memory_space<vmem_shared>> -> memref<512x128xf32, #tpu.memory_space<vmem_shared>>
    tpu.wait_indirect_dma semaphore(%arg27 : memref<!tpu.dma_semaphore, #tpu.memory_space<semaphore_mem>>) src(%dma_wait3A_309 : memref<512x128xf32, #tpu.memory_space<vmem_shared>>) dst(%arg14 : memref<64x128xf32, #tpu.memory_space<vmem>>)
    %dma_start3A_310 = arith.constant 1 : i32
    %dma_start3A_311 = arith.constant 0 : i32
    %dma_start3A_312 = tpu.memref_slice %arg8[%dma_start3A_310, %dma_start3A_311] : memref<2x128xi32, #tpu.memory_space<vmem>> -> memref<1x64xi32, #tpu.memory_space<vmem>>
    %dma_start3A_313 = tpu.memref_squeeze %dma_start3A_312 : memref<1x64xi32, #tpu.memory_space<vmem>> -> memref<64xi32, #tpu.memory_space<vmem>>
    %dma_start3A_314 = arith.constant 0 : i32
    %dma_start3A_315 = arith.constant 0 : i32
    %dma_start3A_316 = tpu.memref_slice %arg2[%dma_start3A_314, %dma_start3A_315] : memref<16384x128xf32, #tpu.memory_space<hbm>> -> memref<16384x128xf32, #tpu.memory_space<hbm>>
    tpu.enqueue_indirect_dma source(%dma_start3A_316 : memref<16384x128xf32, #tpu.memory_space<hbm>>) target(%arg14 : memref<64x128xf32, #tpu.memory_space<vmem>>) offsets(%dma_start3A_313 : memref<64xi32, #tpu.memory_space<vmem>>) semaphore(%arg31 : memref<!tpu.dma_semaphore, #tpu.memory_space<semaphore_mem>>) {add = true}
    %dma_wait3A_317 = arith.constant 0 : i32
    %dma_wait3A_318 = arith.constant 64 : i32
    %dma_wait3A_319 = tpu.memref_slice %arg8[%dma_wait3A_317, %dma_wait3A_318] : memref<2x128xi32, #tpu.memory_space<vmem>> -> memref<1x64xi32, #tpu.memory_space<vmem>>
    %dma_wait3A_320 = tpu.memref_squeeze %dma_wait3A_319 : memref<1x64xi32, #tpu.memory_space<vmem>> -> memref<64xi32, #tpu.memory_space<vmem>>
    %dma_wait3A_321 = arith.constant 0 : i32
    %dma_wait3A_322 = arith.constant 0 : i32
    %dma_wait3A_323 = tpu.memref_slice %arg2[%dma_wait3A_321, %dma_wait3A_322] : memref<16384x128xf32, #tpu.memory_space<hbm>> -> memref<16384x128xf32, #tpu.memory_space<hbm>>
    tpu.wait_indirect_dma semaphore(%arg30 : memref<!tpu.dma_semaphore, #tpu.memory_space<semaphore_mem>>) src(%dma_wait3A_323 : memref<16384x128xf32, #tpu.memory_space<hbm>>) dst(%arg13 : memref<64x128xf32, #tpu.memory_space<vmem>>)
    %dma_wait3A_324 = arith.constant 0 : i32
    %dma_wait3A_325 = arith.constant 64 : i32
    %dma_wait3A_326 = tpu.memref_slice %arg9[%dma_wait3A_324, %dma_wait3A_325] : memref<2x128xi32, #tpu.memory_space<vmem>> -> memref<1x64xi32, #tpu.memory_space<vmem>>
    %dma_wait3A_327 = tpu.memref_squeeze %dma_wait3A_326 : memref<1x64xi32, #tpu.memory_space<vmem>> -> memref<64xi32, #tpu.memory_space<vmem>>
    %dma_wait3A_328 = arith.constant 0 : i32
    %dma_wait3A_329 = arith.constant 0 : i32
    %dma_wait3A_330 = tpu.memref_slice %arg2[%dma_wait3A_328, %dma_wait3A_329] : memref<16384x128xf32, #tpu.memory_space<hbm>> -> memref<16384x128xf32, #tpu.memory_space<hbm>>
    tpu.wait_indirect_dma semaphore(%arg34 : memref<!tpu.dma_semaphore, #tpu.memory_space<semaphore_mem>>) src(%dma_wait3A_330 : memref<16384x128xf32, #tpu.memory_space<hbm>>) dst(%arg17 : memref<64x128xf32, #tpu.memory_space<vmem>>)
    %broadcast_in_dim3A_331 = arith.constant 0.000000e+00 : f32
    %broadcast_in_dim3A_332 = vector.broadcast %broadcast_in_dim3A_331 : f32 to vector<16xf32>
    %get3A_333 = arith.constant 0 : i32
    %get3A_334 = arith.index_cast %get3A_333 : i32 to index
    %get3A_335 = arith.constant 0 : index
    %get3A_336 = tpu.vector_load %arg13[%get3A_334, %get3A_335] {strides = array<i32>} : memref<64x128xf32, #tpu.memory_space<vmem>>, vector<16xf32>,
    %get3A_337 = arith.constant 0 : i32
    %get3A_338 = arith.index_cast %get3A_337 : i32 to index
    %get3A_339 = arith.constant 0 : index
    %get3A_340 = tpu.vector_load %arg17[%get3A_338, %get3A_339] {strides = array<i32>} : memref<64x128xf32, #tpu.memory_space<vmem>>, vector<16xf32>,
    %sub3A_341 = arith.subf %get3A_336, %get3A_340 : vector<16xf32>
    %abs3A_342 = math.absf %sub3A_341 : vector<16xf32>
    %add3A_343 = arith.addf %broadcast_in_dim3A_332, %abs3A_342 : vector<16xf32>
    %get3A_344 = arith.constant 63 : i32
    %get3A_345 = arith.index_cast %get3A_344 : i32 to index
    %get3A_346 = arith.constant 0 : index
    %get3A_347 = tpu.vector_load %arg16[%get3A_345, %get3A_346] {strides = array<i32>} : memref<64x128xf32, #tpu.memory_space<vmem>>, vector<16xf32>,
    %sub3A_348 = arith.subf %get3A_336, %get3A_347 : vector<16xf32>
    %abs3A_349 = math.absf %sub3A_348 : vector<16xf32>
    %sub3A_350 = arith.subf %add3A_343, %abs3A_349 : vector<16xf32>
    %get3A_351 = arith.constant 0 : i32
    %get3A_352 = arith.index_cast %get3A_351 : i32 to index
    %get3A_353 = arith.constant 16 : index
    %get3A_354 = tpu.vector_load %arg13[%get3A_352, %get3A_353] {strides = array<i32>} : memref<64x128xf32, #tpu.memory_space<vmem>>, vector<16xf32>,
    %get3A_355 = arith.constant 0 : i32
    %get3A_356 = arith.index_cast %get3A_355 : i32 to index
    %get3A_357 = arith.constant 16 : index
    %get3A_358 = tpu.vector_load %arg17[%get3A_356, %get3A_357] {strides = array<i32>} : memref<64x128xf32, #tpu.memory_space<vmem>>, vector<16xf32>,
    %sub3A_359 = arith.subf %get3A_354, %get3A_358 : vector<16xf32>
    %abs3A_360 = math.absf %sub3A_359 : vector<16xf32>
    %add3A_361 = arith.addf %sub3A_350, %abs3A_360 : vector<16xf32>
    %get3A_362 = arith.constant 63 : i32
    %get3A_363 = arith.index_cast %get3A_362 : i32 to index
    %get3A_364 = arith.constant 16 : index
    %get3A_365 = tpu.vector_load %arg16[%get3A_363, %get3A_364] {strides = array<i32>} : memref<64x128xf32, #tpu.memory_space<vmem>>, vector<16xf32>,
    %sub3A_366 = arith.subf %get3A_354, %get3A_365 : vector<16xf32>
    %abs3A_367 = math.absf %sub3A_366 : vector<16xf32>
    %sub3A_368 = arith.subf %add3A_361, %abs3A_367 : vector<16xf32>
    %get3A_369 = arith.constant 0 : i32
    %get3A_370 = arith.index_cast %get3A_369 : i32 to index
    %get3A_371 = arith.constant 32 : index
    %get3A_372 = tpu.vector_load %arg13[%get3A_370, %get3A_371] {strides = array<i32>} : memref<64x128xf32, #tpu.memory_space<vmem>>, vector<16xf32>,
    %get3A_373 = arith.constant 0 : i32
    %get3A_374 = arith.index_cast %get3A_373 : i32 to index
    %get3A_375 = arith.constant 32 : index
    %get3A_376 = tpu.vector_load %arg17[%get3A_374, %get3A_375] {strides = array<i32>} : memref<64x128xf32, #tpu.memory_space<vmem>>, vector<16xf32>,
    %sub3A_377 = arith.subf %get3A_372, %get3A_376 : vector<16xf32>
    %abs3A_378 = math.absf %sub3A_377 : vector<16xf32>
    %add3A_379 = arith.addf %sub3A_368, %abs3A_378 : vector<16xf32>
    %get3A_380 = arith.constant 63 : i32
    %get3A_381 = arith.index_cast %get3A_380 : i32 to index
    %get3A_382 = arith.constant 32 : index
    %get3A_383 = tpu.vector_load %arg16[%get3A_381, %get3A_382] {strides = array<i32>} : memref<64x128xf32, #tpu.memory_space<vmem>>, vector<16xf32>,
    %sub3A_384 = arith.subf %get3A_372, %get3A_383 : vector<16xf32>
    %abs3A_385 = math.absf %sub3A_384 : vector<16xf32>
    %sub3A_386 = arith.subf %add3A_379, %abs3A_385 : vector<16xf32>
    %get3A_387 = arith.constant 0 : i32
    %get3A_388 = arith.index_cast %get3A_387 : i32 to index
    %get3A_389 = arith.constant 48 : index
    %get3A_390 = tpu.vector_load %arg13[%get3A_388, %get3A_389] {strides = array<i32>} : memref<64x128xf32, #tpu.memory_space<vmem>>, vector<16xf32>,
    %get3A_391 = arith.constant 0 : i32
    %get3A_392 = arith.index_cast %get3A_391 : i32 to index
    %get3A_393 = arith.constant 48 : index
    %get3A_394 = tpu.vector_load %arg17[%get3A_392, %get3A_393] {strides = array<i32>} : memref<64x128xf32, #tpu.memory_space<vmem>>, vector<16xf32>,
    %sub3A_395 = arith.subf %get3A_390, %get3A_394 : vector<16xf32>
    %abs3A_396 = math.absf %sub3A_395 : vector<16xf32>
    %add3A_397 = arith.addf %sub3A_386, %abs3A_396 : vector<16xf32>
    %get3A_398 = arith.constant 63 : i32
    %get3A_399 = arith.index_cast %get3A_398 : i32 to index
    %get3A_400 = arith.constant 48 : index
    %get3A_401 = tpu.vector_load %arg16[%get3A_399, %get3A_400] {strides = array<i32>} : memref<64x128xf32, #tpu.memory_space<vmem>>, vector<16xf32>,
    %sub3A_402 = arith.subf %get3A_390, %get3A_401 : vector<16xf32>
    %abs3A_403 = math.absf %sub3A_402 : vector<16xf32>
    %sub3A_404 = arith.subf %add3A_397, %abs3A_403 : vector<16xf32>
    %get3A_405 = arith.constant 0 : i32
    %get3A_406 = arith.index_cast %get3A_405 : i32 to index
    %get3A_407 = arith.constant 64 : index
    %get3A_408 = tpu.vector_load %arg13[%get3A_406, %get3A_407] {strides = array<i32>} : memref<64x128xf32, #tpu.memory_space<vmem>>, vector<16xf32>,
    %get3A_409 = arith.constant 0 : i32
    %get3A_410 = arith.index_cast %get3A_409 : i32 to index
    %get3A_411 = arith.constant 64 : index
    %get3A_412 = tpu.vector_load %arg17[%get3A_410, %get3A_411] {strides = array<i32>} : memref<64x128xf32, #tpu.memory_space<vmem>>, vector<16xf32>,
    %sub3A_413 = arith.subf %get3A_408, %get3A_412 : vector<16xf32>
    %abs3A_414 = math.absf %sub3A_413 : vector<16xf32>
    %add3A_415 = arith.addf %sub3A_404, %abs3A_414 : vector<16xf32>
    %get3A_416 = arith.constant 63 : i32
    %get3A_417 = arith.index_cast %get3A_416 : i32 to index
    %get3A_418 = arith.constant 64 : index
    %get3A_419 = tpu.vector_load %arg16[%get3A_417, %get3A_418] {strides = array<i32>} : memref<64x128xf32, #tpu.memory_space<vmem>>, vector<16xf32>,
    %sub3A_420 = arith.subf %get3A_408, %get3A_419 : vector<16xf32>
    %abs3A_421 = math.absf %sub3A_420 : vector<16xf32>
    %sub3A_422 = arith.subf %add3A_415, %abs3A_421 : vector<16xf32>
    %get3A_423 = arith.constant 0 : i32
    %get3A_424 = arith.index_cast %get3A_423 : i32 to index
    %get3A_425 = arith.constant 80 : index
    %get3A_426 = tpu.vector_load %arg13[%get3A_424, %get3A_425] {strides = array<i32>} : memref<64x128xf32, #tpu.memory_space<vmem>>, vector<16xf32>,
    %get3A_427 = arith.constant 0 : i32
    %get3A_428 = arith.index_cast %get3A_427 : i32 to index
    %get3A_429 = arith.constant 80 : index
    %get3A_430 = tpu.vector_load %arg17[%get3A_428, %get3A_429] {strides = array<i32>} : memref<64x128xf32, #tpu.memory_space<vmem>>, vector<16xf32>,
    %sub3A_431 = arith.subf %get3A_426, %get3A_430 : vector<16xf32>
    %abs3A_432 = math.absf %sub3A_431 : vector<16xf32>
    %add3A_433 = arith.addf %sub3A_422, %abs3A_432 : vector<16xf32>
    %get3A_434 = arith.constant 63 : i32
    %get3A_435 = arith.index_cast %get3A_434 : i32 to index
    %get3A_436 = arith.constant 80 : index
    %get3A_437 = tpu.vector_load %arg16[%get3A_435, %get3A_436] {strides = array<i32>} : memref<64x128xf32, #tpu.memory_space<vmem>>, vector<16xf32>,
    %sub3A_438 = arith.subf %get3A_426, %get3A_437 : vector<16xf32>
    %abs3A_439 = math.absf %sub3A_438 : vector<16xf32>
    %sub3A_440 = arith.subf %add3A_433, %abs3A_439 : vector<16xf32>
    %get3A_441 = arith.constant 0 : i32
    %get3A_442 = arith.index_cast %get3A_441 : i32 to index
    %get3A_443 = arith.constant 96 : index
    %get3A_444 = tpu.vector_load %arg13[%get3A_442, %get3A_443] {strides = array<i32>} : memref<64x128xf32, #tpu.memory_space<vmem>>, vector<16xf32>,
    %get3A_445 = arith.constant 0 : i32
    %get3A_446 = arith.index_cast %get3A_445 : i32 to index
    %get3A_447 = arith.constant 96 : index
    %get3A_448 = tpu.vector_load %arg17[%get3A_446, %get3A_447] {strides = array<i32>} : memref<64x128xf32, #tpu.memory_space<vmem>>, vector<16xf32>,
    %sub3A_449 = arith.subf %get3A_444, %get3A_448 : vector<16xf32>
    %abs3A_450 = math.absf %sub3A_449 : vector<16xf32>
    %add3A_451 = arith.addf %sub3A_440, %abs3A_450 : vector<16xf32>
    %get3A_452 = arith.constant 63 : i32
    %get3A_453 = arith.index_cast %get3A_452 : i32 to index
    %get3A_454 = arith.constant 96 : index
    %get3A_455 = tpu.vector_load %arg16[%get3A_453, %get3A_454] {strides = array<i32>} : memref<64x128xf32, #tpu.memory_space<vmem>>, vector<16xf32>,
    %sub3A_456 = arith.subf %get3A_444, %get3A_455 : vector<16xf32>
    %abs3A_457 = math.absf %sub3A_456 : vector<16xf32>
    %sub3A_458 = arith.subf %add3A_451, %abs3A_457 : vector<16xf32>
    %get3A_459 = arith.constant 0 : i32
    %get3A_460 = arith.index_cast %get3A_459 : i32 to index
    %get3A_461 = arith.constant 112 : index
    %get3A_462 = tpu.vector_load %arg13[%get3A_460, %get3A_461] {strides = array<i32>} : memref<64x128xf32, #tpu.memory_space<vmem>>, vector<16xf32>,
    %get3A_463 = arith.constant 0 : i32
    %get3A_464 = arith.index_cast %get3A_463 : i32 to index
    %get3A_465 = arith.constant 112 : index
    %get3A_466 = tpu.vector_load %arg17[%get3A_464, %get3A_465] {strides = array<i32>} : memref<64x128xf32, #tpu.memory_space<vmem>>, vector<16xf32>,
    %sub3A_467 = arith.subf %get3A_462, %get3A_466 : vector<16xf32>
    %abs3A_468 = math.absf %sub3A_467 : vector<16xf32>
    %add3A_469 = arith.addf %sub3A_458, %abs3A_468 : vector<16xf32>
    %get3A_470 = arith.constant 63 : i32
    %get3A_471 = arith.index_cast %get3A_470 : i32 to index
    %get3A_472 = arith.constant 112 : index
    %get3A_473 = tpu.vector_load %arg16[%get3A_471, %get3A_472] {strides = array<i32>} : memref<64x128xf32, #tpu.memory_space<vmem>>, vector<16xf32>,
    %sub3A_474 = arith.subf %get3A_462, %get3A_473 : vector<16xf32>
    %abs3A_475 = math.absf %sub3A_474 : vector<16xf32>
    %sub3A_476 = arith.subf %add3A_469, %abs3A_475 : vector<16xf32>
    %swap3A_477 = arith.constant 0 : i32
    %swap3A_478 = arith.index_cast %swap3A_477 : i32 to index
    %swap3A_479 = arith.constant 0 : index
    %swap3A_480 = tpu.vector_load %arg21[%swap3A_478, %swap3A_479] {strides = array<i32>} : memref<64x16xf32, #tpu.memory_space<vmem>>, vector<16xf32>,
    tpu.vector_store %arg21[%swap3A_478, %swap3A_479], %sub3A_476 {strides = array<i32>} : memref<64x16xf32, #tpu.memory_space<vmem>>, vector<16xf32>,
    %parallel_loop3A_481 = arith.constant 1 : i32
    %parallel_loop3A_482 = arith.constant 64 : i32
    %parallel_loop3A_483 = arith.constant 1 : i32
    %parallel_loop3A_484:8 = scf.for %parallel_loop3A_855 = %parallel_loop3A_481 to %parallel_loop3A_482 step %parallel_loop3A_483 iter_args(%parallel_loop3A_856 = %get3A_340, %parallel_loop3A_857 = %get3A_358, %parallel_loop3A_858 = %get3A_376, %parallel_loop3A_859 = %get3A_394, %parallel_loop3A_860 = %get3A_412, %parallel_loop3A_861 = %get3A_430, %parallel_loop3A_862 = %get3A_448, %parallel_loop3A_863 = %get3A_466) -> (vector<16xf32>, vector<16xf32>, vector<16xf32>, vector<16xf32>, vector<16xf32>, vector<16xf32>, vector<16xf32>, vector<16xf32>)  : i32 {
      %parallel_loop3A_864 = arith.constant 0.000000e+00 : f32
      %parallel_loop3A_865 = vector.broadcast %parallel_loop3A_864 : f32 to vector<16xf32>
      %parallel_loop3A_866 = arith.index_cast %parallel_loop3A_855 : i32 to index
      %parallel_loop3A_867 = arith.constant 0 : index
      %parallel_loop3A_868 = tpu.vector_load %arg13[%parallel_loop3A_866, %parallel_loop3A_867] {strides = array<i32>} : memref<64x128xf32, #tpu.memory_space<vmem>>, vector<16xf32>,
      %parallel_loop3A_869 = arith.index_cast %parallel_loop3A_855 : i32 to index
      %parallel_loop3A_870 = arith.constant 0 : index
      %parallel_loop3A_871 = tpu.vector_load %arg17[%parallel_loop3A_869, %parallel_loop3A_870] {strides = array<i32>} : memref<64x128xf32, #tpu.memory_space<vmem>>, vector<16xf32>,
      %parallel_loop3A_872 = arith.subf %parallel_loop3A_868, %parallel_loop3A_871 : vector<16xf32>
      %parallel_loop3A_873 = math.absf %parallel_loop3A_872 : vector<16xf32>
      %parallel_loop3A_874 = arith.addf %parallel_loop3A_865, %parallel_loop3A_873 : vector<16xf32>
      %parallel_loop3A_875 = arith.subf %parallel_loop3A_868, %parallel_loop3A_856 : vector<16xf32>
      %parallel_loop3A_876 = math.absf %parallel_loop3A_875 : vector<16xf32>
      %parallel_loop3A_877 = arith.subf %parallel_loop3A_874, %parallel_loop3A_876 : vector<16xf32>
      %parallel_loop3A_878 = arith.index_cast %parallel_loop3A_855 : i32 to index
      %parallel_loop3A_879 = arith.constant 16 : index
      %parallel_loop3A_880 = tpu.vector_load %arg13[%parallel_loop3A_878, %parallel_loop3A_879] {strides = array<i32>} : memref<64x128xf32, #tpu.memory_space<vmem>>, vector<16xf32>,
      %parallel_loop3A_881 = arith.index_cast %parallel_loop3A_855 : i32 to index
      %parallel_loop3A_882 = arith.constant 16 : index
      %parallel_loop3A_883 = tpu.vector_load %arg17[%parallel_loop3A_881, %parallel_loop3A_882] {strides = array<i32>} : memref<64x128xf32, #tpu.memory_space<vmem>>, vector<16xf32>,
      %parallel_loop3A_884 = arith.subf %parallel_loop3A_880, %parallel_loop3A_883 : vector<16xf32>
      %parallel_loop3A_885 = math.absf %parallel_loop3A_884 : vector<16xf32>
      %parallel_loop3A_886 = arith.addf %parallel_loop3A_877, %parallel_loop3A_885 : vector<16xf32>
      %parallel_loop3A_887 = arith.subf %parallel_loop3A_880, %parallel_loop3A_857 : vector<16xf32>
      %parallel_loop3A_888 = math.absf %parallel_loop3A_887 : vector<16xf32>
      %parallel_loop3A_889 = arith.subf %parallel_loop3A_886, %parallel_loop3A_888 : vector<16xf32>
      %parallel_loop3A_890 = arith.index_cast %parallel_loop3A_855 : i32 to index
      %parallel_loop3A_891 = arith.constant 32 : index
      %parallel_loop3A_892 = tpu.vector_load %arg13[%parallel_loop3A_890, %parallel_loop3A_891] {strides = array<i32>} : memref<64x128xf32, #tpu.memory_space<vmem>>, vector<16xf32>,
      %parallel_loop3A_893 = arith.index_cast %parallel_loop3A_855 : i32 to index
      %parallel_loop3A_894 = arith.constant 32 : index
      %parallel_loop3A_895 = tpu.vector_load %arg17[%parallel_loop3A_893, %parallel_loop3A_894] {strides = array<i32>} : memref<64x128xf32, #tpu.memory_space<vmem>>, vector<16xf32>,
      %parallel_loop3A_896 = arith.subf %parallel_loop3A_892, %parallel_loop3A_895 : vector<16xf32>
      %parallel_loop3A_897 = math.absf %parallel_loop3A_896 : vector<16xf32>
      %parallel_loop3A_898 = arith.addf %parallel_loop3A_889, %parallel_loop3A_897 : vector<16xf32>
      %parallel_loop3A_899 = arith.subf %parallel_loop3A_892, %parallel_loop3A_858 : vector<16xf32>
      %parallel_loop3A_900 = math.absf %parallel_loop3A_899 : vector<16xf32>
      %parallel_loop3A_901 = arith.subf %parallel_loop3A_898, %parallel_loop3A_900 : vector<16xf32>
      %parallel_loop3A_902 = arith.index_cast %parallel_loop3A_855 : i32 to index
      %parallel_loop3A_903 = arith.constant 48 : index
      %parallel_loop3A_904 = tpu.vector_load %arg13[%parallel_loop3A_902, %parallel_loop3A_903] {strides = array<i32>} : memref<64x128xf32, #tpu.memory_space<vmem>>, vector<16xf32>,
      %parallel_loop3A_905 = arith.index_cast %parallel_loop3A_855 : i32 to index
      %parallel_loop3A_906 = arith.constant 48 : index
      %parallel_loop3A_907 = tpu.vector_load %arg17[%parallel_loop3A_905, %parallel_loop3A_906] {strides = array<i32>} : memref<64x128xf32, #tpu.memory_space<vmem>>, vector<16xf32>,
      %parallel_loop3A_908 = arith.subf %parallel_loop3A_904, %parallel_loop3A_907 : vector<16xf32>
      %parallel_loop3A_909 = math.absf %parallel_loop3A_908 : vector<16xf32>
      %parallel_loop3A_910 = arith.addf %parallel_loop3A_901, %parallel_loop3A_909 : vector<16xf32>
      %parallel_loop3A_911 = arith.subf %parallel_loop3A_904, %parallel_loop3A_859 : vector<16xf32>
      %parallel_loop3A_912 = math.absf %parallel_loop3A_911 : vector<16xf32>
      %parallel_loop3A_913 = arith.subf %parallel_loop3A_910, %parallel_loop3A_912 : vector<16xf32>
      %parallel_loop3A_914 = arith.index_cast %parallel_loop3A_855 : i32 to index
      %parallel_loop3A_915 = arith.constant 64 : index
      %parallel_loop3A_916 = tpu.vector_load %arg13[%parallel_loop3A_914, %parallel_loop3A_915] {strides = array<i32>} : memref<64x128xf32, #tpu.memory_space<vmem>>, vector<16xf32>,
      %parallel_loop3A_917 = arith.index_cast %parallel_loop3A_855 : i32 to index
      %parallel_loop3A_918 = arith.constant 64 : index
      %parallel_loop3A_919 = tpu.vector_load %arg17[%parallel_loop3A_917, %parallel_loop3A_918] {strides = array<i32>} : memref<64x128xf32, #tpu.memory_space<vmem>>, vector<16xf32>,
      %parallel_loop3A_920 = arith.subf %parallel_loop3A_916, %parallel_loop3A_919 : vector<16xf32>
      %parallel_loop3A_921 = math.absf %parallel_loop3A_920 : vector<16xf32>
      %parallel_loop3A_922 = arith.addf %parallel_loop3A_913, %parallel_loop3A_921 : vector<16xf32>
      %parallel_loop3A_923 = arith.subf %parallel_loop3A_916, %parallel_loop3A_860 : vector<16xf32>
      %parallel_loop3A_924 = math.absf %parallel_loop3A_923 : vector<16xf32>
      %parallel_loop3A_925 = arith.subf %parallel_loop3A_922, %parallel_loop3A_924 : vector<16xf32>
      %parallel_loop3A_926 = arith.index_cast %parallel_loop3A_855 : i32 to index
      %parallel_loop3A_927 = arith.constant 80 : index
      %parallel_loop3A_928 = tpu.vector_load %arg13[%parallel_loop3A_926, %parallel_loop3A_927] {strides = array<i32>} : memref<64x128xf32, #tpu.memory_space<vmem>>, vector<16xf32>,
      %parallel_loop3A_929 = arith.index_cast %parallel_loop3A_855 : i32 to index
      %parallel_loop3A_930 = arith.constant 80 : index
      %parallel_loop3A_931 = tpu.vector_load %arg17[%parallel_loop3A_929, %parallel_loop3A_930] {strides = array<i32>} : memref<64x128xf32, #tpu.memory_space<vmem>>, vector<16xf32>,
      %parallel_loop3A_932 = arith.subf %parallel_loop3A_928, %parallel_loop3A_931 : vector<16xf32>
      %parallel_loop3A_933 = math.absf %parallel_loop3A_932 : vector<16xf32>
      %parallel_loop3A_934 = arith.addf %parallel_loop3A_925, %parallel_loop3A_933 : vector<16xf32>
      %parallel_loop3A_935 = arith.subf %parallel_loop3A_928, %parallel_loop3A_861 : vector<16xf32>
      %parallel_loop3A_936 = math.absf %parallel_loop3A_935 : vector<16xf32>
      %parallel_loop3A_937 = arith.subf %parallel_loop3A_934, %parallel_loop3A_936 : vector<16xf32>
      %parallel_loop3A_938 = arith.index_cast %parallel_loop3A_855 : i32 to index
      %parallel_loop3A_939 = arith.constant 96 : index
      %parallel_loop3A_940 = tpu.vector_load %arg13[%parallel_loop3A_938, %parallel_loop3A_939] {strides = array<i32>} : memref<64x128xf32, #tpu.memory_space<vmem>>, vector<16xf32>,
      %parallel_loop3A_941 = arith.index_cast %parallel_loop3A_855 : i32 to index
      %parallel_loop3A_942 = arith.constant 96 : index
      %parallel_loop3A_943 = tpu.vector_load %arg17[%parallel_loop3A_941, %parallel_loop3A_942] {strides = array<i32>} : memref<64x128xf32, #tpu.memory_space<vmem>>, vector<16xf32>,
      %parallel_loop3A_944 = arith.subf %parallel_loop3A_940, %parallel_loop3A_943 : vector<16xf32>
      %parallel_loop3A_945 = math.absf %parallel_loop3A_944 : vector<16xf32>
      %parallel_loop3A_946 = arith.addf %parallel_loop3A_937, %parallel_loop3A_945 : vector<16xf32>
      %parallel_loop3A_947 = arith.subf %parallel_loop3A_940, %parallel_loop3A_862 : vector<16xf32>
      %parallel_loop3A_948 = math.absf %parallel_loop3A_947 : vector<16xf32>
      %parallel_loop3A_949 = arith.subf %parallel_loop3A_946, %parallel_loop3A_948 : vector<16xf32>
      %parallel_loop3A_950 = arith.index_cast %parallel_loop3A_855 : i32 to index
      %parallel_loop3A_951 = arith.constant 112 : index
      %parallel_loop3A_952 = tpu.vector_load %arg13[%parallel_loop3A_950, %parallel_loop3A_951] {strides = array<i32>} : memref<64x128xf32, #tpu.memory_space<vmem>>, vector<16xf32>,
      %parallel_loop3A_953 = arith.index_cast %parallel_loop3A_855 : i32 to index
      %parallel_loop3A_954 = arith.constant 112 : index
      %parallel_loop3A_955 = tpu.vector_load %arg17[%parallel_loop3A_953, %parallel_loop3A_954] {strides = array<i32>} : memref<64x128xf32, #tpu.memory_space<vmem>>, vector<16xf32>,
      %parallel_loop3A_956 = arith.subf %parallel_loop3A_952, %parallel_loop3A_955 : vector<16xf32>
      %parallel_loop3A_957 = math.absf %parallel_loop3A_956 : vector<16xf32>
      %parallel_loop3A_958 = arith.addf %parallel_loop3A_949, %parallel_loop3A_957 : vector<16xf32>
      %parallel_loop3A_959 = arith.subf %parallel_loop3A_952, %parallel_loop3A_863 : vector<16xf32>
      %parallel_loop3A_960 = math.absf %parallel_loop3A_959 : vector<16xf32>
      %parallel_loop3A_961 = arith.subf %parallel_loop3A_958, %parallel_loop3A_960 : vector<16xf32>
      %parallel_loop3A_962 = arith.index_cast %parallel_loop3A_855 : i32 to index
      %parallel_loop3A_963 = arith.constant 0 : index
      %parallel_loop3A_964 = tpu.vector_load %arg21[%parallel_loop3A_962, %parallel_loop3A_963] {strides = array<i32>} : memref<64x16xf32, #tpu.memory_space<vmem>>, vector<16xf32>,
      tpu.vector_store %arg21[%parallel_loop3A_962, %parallel_loop3A_963], %parallel_loop3A_961 {strides = array<i32>} : memref<64x16xf32, #tpu.memory_space<vmem>>, vector<16xf32>,
      scf.yield %parallel_loop3A_871, %parallel_loop3A_883, %parallel_loop3A_895, %parallel_loop3A_907, %parallel_loop3A_919, %parallel_loop3A_931, %parallel_loop3A_943, %parallel_loop3A_955 : vector<16xf32>, vector<16xf32>, vector<16xf32>, vector<16xf32>, vector<16xf32>, vector<16xf32>, vector<16xf32>, vector<16xf32>
    } {sc.loop_unroll_factor = 4 : i64, sc.parallel_access}
    %scan3A_485 = arith.constant 0 : i32
    %scan3A_486 = arith.constant 4 : i32
    %scan3A_487 = arith.addi %scan3A_485, %scan3A_486 : i32
    %scan3A_488 = arith.constant 1 : i32
    %scan3A_489 = scf.for %scan3A_855 = %scan3A_485 to %scan3A_487 step %scan3A_488 iter_args(%scan3A_856 = %scan3A_287) -> (vector<16xf32>)  : i32 {
      %mul3A_857 = arith.constant 16 : i32
      %mul3A_858 = arith.muli %scan3A_855, %mul3A_857 : i32
      %add3A_859 = vector.broadcast %mul3A_858 : i32 to vector<16xi32>
      %add3A_860 = arith.addi %add3A_859, %iota3A : vector<16xi32>
      %broadcast_in_dim3A_861 = arith.constant 0.000000e+00 : f32
      %broadcast_in_dim3A_862 = vector.broadcast %broadcast_in_dim3A_861 : f32 to vector<16xf32>
      %broadcast_in_dim3A_863 = arith.constant 0 : i32
      %broadcast_in_dim3A_864 = vector.broadcast %broadcast_in_dim3A_863 : i32 to vector<16xi32>
      %gather3A = tpu.vector_load_idx %arg21[%add3A_860, %broadcast_in_dim3A_864] : memref<64x16xf32, #tpu.memory_space<vmem>>[vector<16xi32>, vector<16xi32>], vector<16xf32>,
      %add3A_865 = arith.addf %broadcast_in_dim3A_862, %gather3A : vector<16xf32>
      %broadcast_in_dim3A_866 = arith.constant 1 : i32
      %broadcast_in_dim3A_867 = vector.broadcast %broadcast_in_dim3A_866 : i32 to vector<16xi32>
      %gather3A_868 = tpu.vector_load_idx %arg21[%add3A_860, %broadcast_in_dim3A_867] : memref<64x16xf32, #tpu.memory_space<vmem>>[vector<16xi32>, vector<16xi32>], vector<16xf32>,
      %add3A_869 = arith.addf %add3A_865, %gather3A_868 : vector<16xf32>
      %broadcast_in_dim3A_870 = arith.constant 2 : i32
      %broadcast_in_dim3A_871 = vector.broadcast %broadcast_in_dim3A_870 : i32 to vector<16xi32>
      %gather3A_872 = tpu.vector_load_idx %arg21[%add3A_860, %broadcast_in_dim3A_871] : memref<64x16xf32, #tpu.memory_space<vmem>>[vector<16xi32>, vector<16xi32>], vector<16xf32>,
      %add3A_873 = arith.addf %add3A_869, %gather3A_872 : vector<16xf32>
      %broadcast_in_dim3A_874 = arith.constant 3 : i32
      %broadcast_in_dim3A_875 = vector.broadcast %broadcast_in_dim3A_874 : i32 to vector<16xi32>
      %gather3A_876 = tpu.vector_load_idx %arg21[%add3A_860, %broadcast_in_dim3A_875] : memref<64x16xf32, #tpu.memory_space<vmem>>[vector<16xi32>, vector<16xi32>], vector<16xf32>,
      %add3A_877 = arith.addf %add3A_873, %gather3A_876 : vector<16xf32>
      %broadcast_in_dim3A_878 = arith.constant 4 : i32
      %broadcast_in_dim3A_879 = vector.broadcast %broadcast_in_dim3A_878 : i32 to vector<16xi32>
      %gather3A_880 = tpu.vector_load_idx %arg21[%add3A_860, %broadcast_in_dim3A_879] : memref<64x16xf32, #tpu.memory_space<vmem>>[vector<16xi32>, vector<16xi32>], vector<16xf32>,
      %add3A_881 = arith.addf %add3A_877, %gather3A_880 : vector<16xf32>
      %broadcast_in_dim3A_882 = arith.constant 5 : i32
      %broadcast_in_dim3A_883 = vector.broadcast %broadcast_in_dim3A_882 : i32 to vector<16xi32>
      %gather3A_884 = tpu.vector_load_idx %arg21[%add3A_860, %broadcast_in_dim3A_883] : memref<64x16xf32, #tpu.memory_space<vmem>>[vector<16xi32>, vector<16xi32>], vector<16xf32>,
      %add3A_885 = arith.addf %add3A_881, %gather3A_884 : vector<16xf32>
      %broadcast_in_dim3A_886 = arith.constant 6 : i32
      %broadcast_in_dim3A_887 = vector.broadcast %broadcast_in_dim3A_886 : i32 to vector<16xi32>
      %gather3A_888 = tpu.vector_load_idx %arg21[%add3A_860, %broadcast_in_dim3A_887] : memref<64x16xf32, #tpu.memory_space<vmem>>[vector<16xi32>, vector<16xi32>], vector<16xf32>,
      %add3A_889 = arith.addf %add3A_885, %gather3A_888 : vector<16xf32>
      %broadcast_in_dim3A_890 = arith.constant 7 : i32
      %broadcast_in_dim3A_891 = vector.broadcast %broadcast_in_dim3A_890 : i32 to vector<16xi32>
      %gather3A_892 = tpu.vector_load_idx %arg21[%add3A_860, %broadcast_in_dim3A_891] : memref<64x16xf32, #tpu.memory_space<vmem>>[vector<16xi32>, vector<16xi32>], vector<16xf32>,
      %add3A_893 = arith.addf %add3A_889, %gather3A_892 : vector<16xf32>
      %broadcast_in_dim3A_894 = arith.constant 8 : i32
      %broadcast_in_dim3A_895 = vector.broadcast %broadcast_in_dim3A_894 : i32 to vector<16xi32>
      %gather3A_896 = tpu.vector_load_idx %arg21[%add3A_860, %broadcast_in_dim3A_895] : memref<64x16xf32, #tpu.memory_space<vmem>>[vector<16xi32>, vector<16xi32>], vector<16xf32>,
      %add3A_897 = arith.addf %add3A_893, %gather3A_896 : vector<16xf32>
      %broadcast_in_dim3A_898 = arith.constant 9 : i32
      %broadcast_in_dim3A_899 = vector.broadcast %broadcast_in_dim3A_898 : i32 to vector<16xi32>
      %gather3A_900 = tpu.vector_load_idx %arg21[%add3A_860, %broadcast_in_dim3A_899] : memref<64x16xf32, #tpu.memory_space<vmem>>[vector<16xi32>, vector<16xi32>], vector<16xf32>,
      %add3A_901 = arith.addf %add3A_897, %gather3A_900 : vector<16xf32>
      %broadcast_in_dim3A_902 = arith.constant 10 : i32
      %broadcast_in_dim3A_903 = vector.broadcast %broadcast_in_dim3A_902 : i32 to vector<16xi32>
      %gather3A_904 = tpu.vector_load_idx %arg21[%add3A_860, %broadcast_in_dim3A_903] : memref<64x16xf32, #tpu.memory_space<vmem>>[vector<16xi32>, vector<16xi32>], vector<16xf32>,
      %add3A_905 = arith.addf %add3A_901, %gather3A_904 : vector<16xf32>
      %broadcast_in_dim3A_906 = arith.constant 11 : i32
      %broadcast_in_dim3A_907 = vector.broadcast %broadcast_in_dim3A_906 : i32 to vector<16xi32>
      %gather3A_908 = tpu.vector_load_idx %arg21[%add3A_860, %broadcast_in_dim3A_907] : memref<64x16xf32, #tpu.memory_space<vmem>>[vector<16xi32>, vector<16xi32>], vector<16xf32>,
      %add3A_909 = arith.addf %add3A_905, %gather3A_908 : vector<16xf32>
      %broadcast_in_dim3A_910 = arith.constant 12 : i32
      %broadcast_in_dim3A_911 = vector.broadcast %broadcast_in_dim3A_910 : i32 to vector<16xi32>
      %gather3A_912 = tpu.vector_load_idx %arg21[%add3A_860, %broadcast_in_dim3A_911] : memref<64x16xf32, #tpu.memory_space<vmem>>[vector<16xi32>, vector<16xi32>], vector<16xf32>,
      %add3A_913 = arith.addf %add3A_909, %gather3A_912 : vector<16xf32>
      %broadcast_in_dim3A_914 = arith.constant 13 : i32
      %broadcast_in_dim3A_915 = vector.broadcast %broadcast_in_dim3A_914 : i32 to vector<16xi32>
      %gather3A_916 = tpu.vector_load_idx %arg21[%add3A_860, %broadcast_in_dim3A_915] : memref<64x16xf32, #tpu.memory_space<vmem>>[vector<16xi32>, vector<16xi32>], vector<16xf32>,
      %add3A_917 = arith.addf %add3A_913, %gather3A_916 : vector<16xf32>
      %broadcast_in_dim3A_918 = arith.constant 14 : i32
      %broadcast_in_dim3A_919 = vector.broadcast %broadcast_in_dim3A_918 : i32 to vector<16xi32>
      %gather3A_920 = tpu.vector_load_idx %arg21[%add3A_860, %broadcast_in_dim3A_919] : memref<64x16xf32, #tpu.memory_space<vmem>>[vector<16xi32>, vector<16xi32>], vector<16xf32>,
      %add3A_921 = arith.addf %add3A_917, %gather3A_920 : vector<16xf32>
      %broadcast_in_dim3A_922 = arith.constant 15 : i32
      %broadcast_in_dim3A_923 = vector.broadcast %broadcast_in_dim3A_922 : i32 to vector<16xi32>
      %gather3A_924 = tpu.vector_load_idx %arg21[%add3A_860, %broadcast_in_dim3A_923] : memref<64x16xf32, #tpu.memory_space<vmem>>[vector<16xi32>, vector<16xi32>], vector<16xf32>,
      %add3A_925 = arith.addf %add3A_921, %gather3A_924 : vector<16xf32>
      %add3A_926 = arith.constant 1.000000e+00 : f32
      %add3A_927 = vector.broadcast %add3A_926 : f32 to vector<16xf32>
      %add3A_928 = arith.addf %add3A_925, %add3A_927 : vector<16xf32>
      %max3A = arith.constant 0.000000e+00 : f32
      %max3A_929 = vector.broadcast %max3A : f32 to vector<16xf32>
      %max3A_930 = arith.maximumf %add3A_928, %max3A_929 : vector<16xf32>
      %add3A_931 = arith.addf %scan3A_856, %max3A_930 : vector<16xf32>
      scf.yield %add3A_931 : vector<16xf32>
    }
    %scan3A_490 = arith.constant 4 : i32
    %dma_wait3A_491 = arith.constant 1 : i32
    %dma_wait3A_492 = arith.constant 64 : i32
    %dma_wait3A_493 = tpu.memref_slice %arg10[%dma_wait3A_491, %dma_wait3A_492] : memref<2x128xi32, #tpu.memory_space<vmem>> -> memref<1x64xi32, #tpu.memory_space<vmem>>
    %dma_wait3A_494 = tpu.memref_squeeze %dma_wait3A_493 : memref<1x64xi32, #tpu.memory_space<vmem>> -> memref<64xi32, #tpu.memory_space<vmem>>
    %dma_wait3A_495 = arith.constant 0 : i32
    %dma_wait3A_496 = arith.constant 0 : i32
    %dma_wait3A_497 = tpu.memref_slice %arg23[%dma_wait3A_495, %dma_wait3A_496] : memref<512x128xf32, #tpu.memory_space<vmem_shared>> -> memref<512x128xf32, #tpu.memory_space<vmem_shared>>
    tpu.wait_indirect_dma semaphore(%arg28 : memref<!tpu.dma_semaphore, #tpu.memory_space<semaphore_mem>>) src(%dma_wait3A_497 : memref<512x128xf32, #tpu.memory_space<vmem_shared>>) dst(%arg15 : memref<64x128xf32, #tpu.memory_space<vmem>>)
    %dma_start3A_498 = arith.constant 1 : i32
    %dma_start3A_499 = arith.constant 64 : i32
    %dma_start3A_500 = tpu.memref_slice %arg8[%dma_start3A_498, %dma_start3A_499] : memref<2x128xi32, #tpu.memory_space<vmem>> -> memref<1x64xi32, #tpu.memory_space<vmem>>
    %dma_start3A_501 = tpu.memref_squeeze %dma_start3A_500 : memref<1x64xi32, #tpu.memory_space<vmem>> -> memref<64xi32, #tpu.memory_space<vmem>>
    %dma_start3A_502 = arith.constant 0 : i32
    %dma_start3A_503 = arith.constant 0 : i32
    %dma_start3A_504 = tpu.memref_slice %arg2[%dma_start3A_502, %dma_start3A_503] : memref<16384x128xf32, #tpu.memory_space<hbm>> -> memref<16384x128xf32, #tpu.memory_space<hbm>>
    tpu.enqueue_indirect_dma source(%dma_start3A_504 : memref<16384x128xf32, #tpu.memory_space<hbm>>) target(%arg15 : memref<64x128xf32, #tpu.memory_space<vmem>>) offsets(%dma_start3A_501 : memref<64xi32, #tpu.memory_space<vmem>>) semaphore(%arg32 : memref<!tpu.dma_semaphore, #tpu.memory_space<semaphore_mem>>) {add = true}
    %dma_wait3A_505 = arith.constant 1 : i32
    %dma_wait3A_506 = arith.constant 0 : i32
    %dma_wait3A_507 = tpu.memref_slice %arg8[%dma_wait3A_505, %dma_wait3A_506] : memref<2x128xi32, #tpu.memory_space<vmem>> -> memref<1x64xi32, #tpu.memory_space<vmem>>
    %dma_wait3A_508 = tpu.memref_squeeze %dma_wait3A_507 : memref<1x64xi32, #tpu.memory_space<vmem>> -> memref<64xi32, #tpu.memory_space<vmem>>
    %dma_wait3A_509 = arith.constant 0 : i32
    %dma_wait3A_510 = arith.constant 0 : i32
    %dma_wait3A_511 = tpu.memref_slice %arg2[%dma_wait3A_509, %dma_wait3A_510] : memref<16384x128xf32, #tpu.memory_space<hbm>> -> memref<16384x128xf32, #tpu.memory_space<hbm>>
    tpu.wait_indirect_dma semaphore(%arg31 : memref<!tpu.dma_semaphore, #tpu.memory_space<semaphore_mem>>) src(%dma_wait3A_511 : memref<16384x128xf32, #tpu.memory_space<hbm>>) dst(%arg14 : memref<64x128xf32, #tpu.memory_space<vmem>>)
    %dma_wait3A_512 = arith.constant 1 : i32
    %dma_wait3A_513 = arith.constant 0 : i32
    %dma_wait3A_514 = tpu.memref_slice %arg9[%dma_wait3A_512, %dma_wait3A_513] : memref<2x128xi32, #tpu.memory_space<vmem>> -> memref<1x64xi32, #tpu.memory_space<vmem>>
    %dma_wait3A_515 = tpu.memref_squeeze %dma_wait3A_514 : memref<1x64xi32, #tpu.memory_space<vmem>> -> memref<64xi32, #tpu.memory_space<vmem>>
    %dma_wait3A_516 = arith.constant 0 : i32
    %dma_wait3A_517 = arith.constant 0 : i32
    %dma_wait3A_518 = tpu.memref_slice %arg2[%dma_wait3A_516, %dma_wait3A_517] : memref<16384x128xf32, #tpu.memory_space<hbm>> -> memref<16384x128xf32, #tpu.memory_space<hbm>>
    tpu.wait_indirect_dma semaphore(%arg35 : memref<!tpu.dma_semaphore, #tpu.memory_space<semaphore_mem>>) src(%dma_wait3A_518 : memref<16384x128xf32, #tpu.memory_space<hbm>>) dst(%arg18 : memref<64x128xf32, #tpu.memory_space<vmem>>)
    %broadcast_in_dim3A_519 = arith.constant 0.000000e+00 : f32
    %broadcast_in_dim3A_520 = vector.broadcast %broadcast_in_dim3A_519 : f32 to vector<16xf32>
    %get3A_521 = arith.constant 0 : i32
    %get3A_522 = arith.index_cast %get3A_521 : i32 to index
    %get3A_523 = arith.constant 0 : index
    %get3A_524 = tpu.vector_load %arg14[%get3A_522, %get3A_523] {strides = array<i32>} : memref<64x128xf32, #tpu.memory_space<vmem>>, vector<16xf32>,
    %get3A_525 = arith.constant 0 : i32
    %get3A_526 = arith.index_cast %get3A_525 : i32 to index
    %get3A_527 = arith.constant 0 : index
    %get3A_528 = tpu.vector_load %arg18[%get3A_526, %get3A_527] {strides = array<i32>} : memref<64x128xf32, #tpu.memory_space<vmem>>, vector<16xf32>,
    %sub3A_529 = arith.subf %get3A_524, %get3A_528 : vector<16xf32>
    %abs3A_530 = math.absf %sub3A_529 : vector<16xf32>
    %add3A_531 = arith.addf %broadcast_in_dim3A_520, %abs3A_530 : vector<16xf32>
    %get3A_532 = arith.constant 63 : i32
    %get3A_533 = arith.index_cast %get3A_532 : i32 to index
    %get3A_534 = arith.constant 0 : index
    %get3A_535 = tpu.vector_load %arg17[%get3A_533, %get3A_534] {strides = array<i32>} : memref<64x128xf32, #tpu.memory_space<vmem>>, vector<16xf32>,
    %sub3A_536 = arith.subf %get3A_524, %get3A_535 : vector<16xf32>
    %abs3A_537 = math.absf %sub3A_536 : vector<16xf32>
    %sub3A_538 = arith.subf %add3A_531, %abs3A_537 : vector<16xf32>
    %get3A_539 = arith.constant 0 : i32
    %get3A_540 = arith.index_cast %get3A_539 : i32 to index
    %get3A_541 = arith.constant 16 : index
    %get3A_542 = tpu.vector_load %arg14[%get3A_540, %get3A_541] {strides = array<i32>} : memref<64x128xf32, #tpu.memory_space<vmem>>, vector<16xf32>,
    %get3A_543 = arith.constant 0 : i32
    %get3A_544 = arith.index_cast %get3A_543 : i32 to index
    %get3A_545 = arith.constant 16 : index
    %get3A_546 = tpu.vector_load %arg18[%get3A_544, %get3A_545] {strides = array<i32>} : memref<64x128xf32, #tpu.memory_space<vmem>>, vector<16xf32>,
    %sub3A_547 = arith.subf %get3A_542, %get3A_546 : vector<16xf32>
    %abs3A_548 = math.absf %sub3A_547 : vector<16xf32>
    %add3A_549 = arith.addf %sub3A_538, %abs3A_548 : vector<16xf32>
    %get3A_550 = arith.constant 63 : i32
    %get3A_551 = arith.index_cast %get3A_550 : i32 to index
    %get3A_552 = arith.constant 16 : index
    %get3A_553 = tpu.vector_load %arg17[%get3A_551, %get3A_552] {strides = array<i32>} : memref<64x128xf32, #tpu.memory_space<vmem>>, vector<16xf32>,
    %sub3A_554 = arith.subf %get3A_542, %get3A_553 : vector<16xf32>
    %abs3A_555 = math.absf %sub3A_554 : vector<16xf32>
    %sub3A_556 = arith.subf %add3A_549, %abs3A_555 : vector<16xf32>
    %get3A_557 = arith.constant 0 : i32
    %get3A_558 = arith.index_cast %get3A_557 : i32 to index
    %get3A_559 = arith.constant 32 : index
    %get3A_560 = tpu.vector_load %arg14[%get3A_558, %get3A_559] {strides = array<i32>} : memref<64x128xf32, #tpu.memory_space<vmem>>, vector<16xf32>,
    %get3A_561 = arith.constant 0 : i32
    %get3A_562 = arith.index_cast %get3A_561 : i32 to index
    %get3A_563 = arith.constant 32 : index
    %get3A_564 = tpu.vector_load %arg18[%get3A_562, %get3A_563] {strides = array<i32>} : memref<64x128xf32, #tpu.memory_space<vmem>>, vector<16xf32>,
    %sub3A_565 = arith.subf %get3A_560, %get3A_564 : vector<16xf32>
    %abs3A_566 = math.absf %sub3A_565 : vector<16xf32>
    %add3A_567 = arith.addf %sub3A_556, %abs3A_566 : vector<16xf32>
    %get3A_568 = arith.constant 63 : i32
    %get3A_569 = arith.index_cast %get3A_568 : i32 to index
    %get3A_570 = arith.constant 32 : index
    %get3A_571 = tpu.vector_load %arg17[%get3A_569, %get3A_570] {strides = array<i32>} : memref<64x128xf32, #tpu.memory_space<vmem>>, vector<16xf32>,
    %sub3A_572 = arith.subf %get3A_560, %get3A_571 : vector<16xf32>
    %abs3A_573 = math.absf %sub3A_572 : vector<16xf32>
    %sub3A_574 = arith.subf %add3A_567, %abs3A_573 : vector<16xf32>
    %get3A_575 = arith.constant 0 : i32
    %get3A_576 = arith.index_cast %get3A_575 : i32 to index
    %get3A_577 = arith.constant 48 : index
    %get3A_578 = tpu.vector_load %arg14[%get3A_576, %get3A_577] {strides = array<i32>} : memref<64x128xf32, #tpu.memory_space<vmem>>, vector<16xf32>,
    %get3A_579 = arith.constant 0 : i32
    %get3A_580 = arith.index_cast %get3A_579 : i32 to index
    %get3A_581 = arith.constant 48 : index
    %get3A_582 = tpu.vector_load %arg18[%get3A_580, %get3A_581] {strides = array<i32>} : memref<64x128xf32, #tpu.memory_space<vmem>>, vector<16xf32>,
    %sub3A_583 = arith.subf %get3A_578, %get3A_582 : vector<16xf32>
    %abs3A_584 = math.absf %sub3A_583 : vector<16xf32>
    %add3A_585 = arith.addf %sub3A_574, %abs3A_584 : vector<16xf32>
    %get3A_586 = arith.constant 63 : i32
    %get3A_587 = arith.index_cast %get3A_586 : i32 to index
    %get3A_588 = arith.constant 48 : index
    %get3A_589 = tpu.vector_load %arg17[%get3A_587, %get3A_588] {strides = array<i32>} : memref<64x128xf32, #tpu.memory_space<vmem>>, vector<16xf32>,
    %sub3A_590 = arith.subf %get3A_578, %get3A_589 : vector<16xf32>
    %abs3A_591 = math.absf %sub3A_590 : vector<16xf32>
    %sub3A_592 = arith.subf %add3A_585, %abs3A_591 : vector<16xf32>
    %get3A_593 = arith.constant 0 : i32
    %get3A_594 = arith.index_cast %get3A_593 : i32 to index
    %get3A_595 = arith.constant 64 : index
    %get3A_596 = tpu.vector_load %arg14[%get3A_594, %get3A_595] {strides = array<i32>} : memref<64x128xf32, #tpu.memory_space<vmem>>, vector<16xf32>,
    %get3A_597 = arith.constant 0 : i32
    %get3A_598 = arith.index_cast %get3A_597 : i32 to index
    %get3A_599 = arith.constant 64 : index
    %get3A_600 = tpu.vector_load %arg18[%get3A_598, %get3A_599] {strides = array<i32>} : memref<64x128xf32, #tpu.memory_space<vmem>>, vector<16xf32>,
    %sub3A_601 = arith.subf %get3A_596, %get3A_600 : vector<16xf32>
    %abs3A_602 = math.absf %sub3A_601 : vector<16xf32>
    %add3A_603 = arith.addf %sub3A_592, %abs3A_602 : vector<16xf32>
    %get3A_604 = arith.constant 63 : i32
    %get3A_605 = arith.index_cast %get3A_604 : i32 to index
    %get3A_606 = arith.constant 64 : index
    %get3A_607 = tpu.vector_load %arg17[%get3A_605, %get3A_606] {strides = array<i32>} : memref<64x128xf32, #tpu.memory_space<vmem>>, vector<16xf32>,
    %sub3A_608 = arith.subf %get3A_596, %get3A_607 : vector<16xf32>
    %abs3A_609 = math.absf %sub3A_608 : vector<16xf32>
    %sub3A_610 = arith.subf %add3A_603, %abs3A_609 : vector<16xf32>
    %get3A_611 = arith.constant 0 : i32
    %get3A_612 = arith.index_cast %get3A_611 : i32 to index
    %get3A_613 = arith.constant 80 : index
    %get3A_614 = tpu.vector_load %arg14[%get3A_612, %get3A_613] {strides = array<i32>} : memref<64x128xf32, #tpu.memory_space<vmem>>, vector<16xf32>,
    %get3A_615 = arith.constant 0 : i32
    %get3A_616 = arith.index_cast %get3A_615 : i32 to index
    %get3A_617 = arith.constant 80 : index
    %get3A_618 = tpu.vector_load %arg18[%get3A_616, %get3A_617] {strides = array<i32>} : memref<64x128xf32, #tpu.memory_space<vmem>>, vector<16xf32>,
    %sub3A_619 = arith.subf %get3A_614, %get3A_618 : vector<16xf32>
    %abs3A_620 = math.absf %sub3A_619 : vector<16xf32>
    %add3A_621 = arith.addf %sub3A_610, %abs3A_620 : vector<16xf32>
    %get3A_622 = arith.constant 63 : i32
    %get3A_623 = arith.index_cast %get3A_622 : i32 to index
    %get3A_624 = arith.constant 80 : index
    %get3A_625 = tpu.vector_load %arg17[%get3A_623, %get3A_624] {strides = array<i32>} : memref<64x128xf32, #tpu.memory_space<vmem>>, vector<16xf32>,
    %sub3A_626 = arith.subf %get3A_614, %get3A_625 : vector<16xf32>
    %abs3A_627 = math.absf %sub3A_626 : vector<16xf32>
    %sub3A_628 = arith.subf %add3A_621, %abs3A_627 : vector<16xf32>
    %get3A_629 = arith.constant 0 : i32
    %get3A_630 = arith.index_cast %get3A_629 : i32 to index
    %get3A_631 = arith.constant 96 : index
    %get3A_632 = tpu.vector_load %arg14[%get3A_630, %get3A_631] {strides = array<i32>} : memref<64x128xf32, #tpu.memory_space<vmem>>, vector<16xf32>,
    %get3A_633 = arith.constant 0 : i32
    %get3A_634 = arith.index_cast %get3A_633 : i32 to index
    %get3A_635 = arith.constant 96 : index
    %get3A_636 = tpu.vector_load %arg18[%get3A_634, %get3A_635] {strides = array<i32>} : memref<64x128xf32, #tpu.memory_space<vmem>>, vector<16xf32>,
    %sub3A_637 = arith.subf %get3A_632, %get3A_636 : vector<16xf32>
    %abs3A_638 = math.absf %sub3A_637 : vector<16xf32>
    %add3A_639 = arith.addf %sub3A_628, %abs3A_638 : vector<16xf32>
    %get3A_640 = arith.constant 63 : i32
    %get3A_641 = arith.index_cast %get3A_640 : i32 to index
    %get3A_642 = arith.constant 96 : index
    %get3A_643 = tpu.vector_load %arg17[%get3A_641, %get3A_642] {strides = array<i32>} : memref<64x128xf32, #tpu.memory_space<vmem>>, vector<16xf32>,
    %sub3A_644 = arith.subf %get3A_632, %get3A_643 : vector<16xf32>
    %abs3A_645 = math.absf %sub3A_644 : vector<16xf32>
    %sub3A_646 = arith.subf %add3A_639, %abs3A_645 : vector<16xf32>
    %get3A_647 = arith.constant 0 : i32
    %get3A_648 = arith.index_cast %get3A_647 : i32 to index
    %get3A_649 = arith.constant 112 : index
    %get3A_650 = tpu.vector_load %arg14[%get3A_648, %get3A_649] {strides = array<i32>} : memref<64x128xf32, #tpu.memory_space<vmem>>, vector<16xf32>,
    %get3A_651 = arith.constant 0 : i32
    %get3A_652 = arith.index_cast %get3A_651 : i32 to index
    %get3A_653 = arith.constant 112 : index
    %get3A_654 = tpu.vector_load %arg18[%get3A_652, %get3A_653] {strides = array<i32>} : memref<64x128xf32, #tpu.memory_space<vmem>>, vector<16xf32>,
    %sub3A_655 = arith.subf %get3A_650, %get3A_654 : vector<16xf32>
    %abs3A_656 = math.absf %sub3A_655 : vector<16xf32>
    %add3A_657 = arith.addf %sub3A_646, %abs3A_656 : vector<16xf32>
    %get3A_658 = arith.constant 63 : i32
    %get3A_659 = arith.index_cast %get3A_658 : i32 to index
    %get3A_660 = arith.constant 112 : index
    %get3A_661 = tpu.vector_load %arg17[%get3A_659, %get3A_660] {strides = array<i32>} : memref<64x128xf32, #tpu.memory_space<vmem>>, vector<16xf32>,
    %sub3A_662 = arith.subf %get3A_650, %get3A_661 : vector<16xf32>
    %abs3A_663 = math.absf %sub3A_662 : vector<16xf32>
    %sub3A_664 = arith.subf %add3A_657, %abs3A_663 : vector<16xf32>
    %swap3A_665 = arith.constant 0 : i32
    %swap3A_666 = arith.index_cast %swap3A_665 : i32 to index
    %swap3A_667 = arith.constant 0 : index
    %swap3A_668 = tpu.vector_load %arg21[%swap3A_666, %swap3A_667] {strides = array<i32>} : memref<64x16xf32, #tpu.memory_space<vmem>>, vector<16xf32>,
    tpu.vector_store %arg21[%swap3A_666, %swap3A_667], %sub3A_664 {strides = array<i32>} : memref<64x16xf32, #tpu.memory_space<vmem>>, vector<16xf32>,
    %parallel_loop3A_669 = arith.constant 1 : i32
    %parallel_loop3A_670 = arith.constant 64 : i32
    %parallel_loop3A_671 = arith.constant 1 : i32
    %parallel_loop3A_672:8 = scf.for %parallel_loop3A_855 = %parallel_loop3A_669 to %parallel_loop3A_670 step %parallel_loop3A_671 iter_args(%parallel_loop3A_856 = %get3A_528, %parallel_loop3A_857 = %get3A_546, %parallel_loop3A_858 = %get3A_564, %parallel_loop3A_859 = %get3A_582, %parallel_loop3A_860 = %get3A_600, %parallel_loop3A_861 = %get3A_618, %parallel_loop3A_862 = %get3A_636, %parallel_loop3A_863 = %get3A_654) -> (vector<16xf32>, vector<16xf32>, vector<16xf32>, vector<16xf32>, vector<16xf32>, vector<16xf32>, vector<16xf32>, vector<16xf32>)  : i32 {
      %parallel_loop3A_864 = arith.constant 0.000000e+00 : f32
      %parallel_loop3A_865 = vector.broadcast %parallel_loop3A_864 : f32 to vector<16xf32>
      %parallel_loop3A_866 = arith.index_cast %parallel_loop3A_855 : i32 to index
      %parallel_loop3A_867 = arith.constant 0 : index
      %parallel_loop3A_868 = tpu.vector_load %arg14[%parallel_loop3A_866, %parallel_loop3A_867] {strides = array<i32>} : memref<64x128xf32, #tpu.memory_space<vmem>>, vector<16xf32>,
      %parallel_loop3A_869 = arith.index_cast %parallel_loop3A_855 : i32 to index
      %parallel_loop3A_870 = arith.constant 0 : index
      %parallel_loop3A_871 = tpu.vector_load %arg18[%parallel_loop3A_869, %parallel_loop3A_870] {strides = array<i32>} : memref<64x128xf32, #tpu.memory_space<vmem>>, vector<16xf32>,
      %parallel_loop3A_872 = arith.subf %parallel_loop3A_868, %parallel_loop3A_871 : vector<16xf32>
      %parallel_loop3A_873 = math.absf %parallel_loop3A_872 : vector<16xf32>
      %parallel_loop3A_874 = arith.addf %parallel_loop3A_865, %parallel_loop3A_873 : vector<16xf32>
      %parallel_loop3A_875 = arith.subf %parallel_loop3A_868, %parallel_loop3A_856 : vector<16xf32>
      %parallel_loop3A_876 = math.absf %parallel_loop3A_875 : vector<16xf32>
      %parallel_loop3A_877 = arith.subf %parallel_loop3A_874, %parallel_loop3A_876 : vector<16xf32>
      %parallel_loop3A_878 = arith.index_cast %parallel_loop3A_855 : i32 to index
      %parallel_loop3A_879 = arith.constant 16 : index
      %parallel_loop3A_880 = tpu.vector_load %arg14[%parallel_loop3A_878, %parallel_loop3A_879] {strides = array<i32>} : memref<64x128xf32, #tpu.memory_space<vmem>>, vector<16xf32>,
      %parallel_loop3A_881 = arith.index_cast %parallel_loop3A_855 : i32 to index
      %parallel_loop3A_882 = arith.constant 16 : index
      %parallel_loop3A_883 = tpu.vector_load %arg18[%parallel_loop3A_881, %parallel_loop3A_882] {strides = array<i32>} : memref<64x128xf32, #tpu.memory_space<vmem>>, vector<16xf32>,
      %parallel_loop3A_884 = arith.subf %parallel_loop3A_880, %parallel_loop3A_883 : vector<16xf32>
      %parallel_loop3A_885 = math.absf %parallel_loop3A_884 : vector<16xf32>
      %parallel_loop3A_886 = arith.addf %parallel_loop3A_877, %parallel_loop3A_885 : vector<16xf32>
      %parallel_loop3A_887 = arith.subf %parallel_loop3A_880, %parallel_loop3A_857 : vector<16xf32>
      %parallel_loop3A_888 = math.absf %parallel_loop3A_887 : vector<16xf32>
      %parallel_loop3A_889 = arith.subf %parallel_loop3A_886, %parallel_loop3A_888 : vector<16xf32>
      %parallel_loop3A_890 = arith.index_cast %parallel_loop3A_855 : i32 to index
      %parallel_loop3A_891 = arith.constant 32 : index
      %parallel_loop3A_892 = tpu.vector_load %arg14[%parallel_loop3A_890, %parallel_loop3A_891] {strides = array<i32>} : memref<64x128xf32, #tpu.memory_space<vmem>>, vector<16xf32>,
      %parallel_loop3A_893 = arith.index_cast %parallel_loop3A_855 : i32 to index
      %parallel_loop3A_894 = arith.constant 32 : index
      %parallel_loop3A_895 = tpu.vector_load %arg18[%parallel_loop3A_893, %parallel_loop3A_894] {strides = array<i32>} : memref<64x128xf32, #tpu.memory_space<vmem>>, vector<16xf32>,
      %parallel_loop3A_896 = arith.subf %parallel_loop3A_892, %parallel_loop3A_895 : vector<16xf32>
      %parallel_loop3A_897 = math.absf %parallel_loop3A_896 : vector<16xf32>
      %parallel_loop3A_898 = arith.addf %parallel_loop3A_889, %parallel_loop3A_897 : vector<16xf32>
      %parallel_loop3A_899 = arith.subf %parallel_loop3A_892, %parallel_loop3A_858 : vector<16xf32>
      %parallel_loop3A_900 = math.absf %parallel_loop3A_899 : vector<16xf32>
      %parallel_loop3A_901 = arith.subf %parallel_loop3A_898, %parallel_loop3A_900 : vector<16xf32>
      %parallel_loop3A_902 = arith.index_cast %parallel_loop3A_855 : i32 to index
      %parallel_loop3A_903 = arith.constant 48 : index
      %parallel_loop3A_904 = tpu.vector_load %arg14[%parallel_loop3A_902, %parallel_loop3A_903] {strides = array<i32>} : memref<64x128xf32, #tpu.memory_space<vmem>>, vector<16xf32>,
      %parallel_loop3A_905 = arith.index_cast %parallel_loop3A_855 : i32 to index
      %parallel_loop3A_906 = arith.constant 48 : index
      %parallel_loop3A_907 = tpu.vector_load %arg18[%parallel_loop3A_905, %parallel_loop3A_906] {strides = array<i32>} : memref<64x128xf32, #tpu.memory_space<vmem>>, vector<16xf32>,
      %parallel_loop3A_908 = arith.subf %parallel_loop3A_904, %parallel_loop3A_907 : vector<16xf32>
      %parallel_loop3A_909 = math.absf %parallel_loop3A_908 : vector<16xf32>
      %parallel_loop3A_910 = arith.addf %parallel_loop3A_901, %parallel_loop3A_909 : vector<16xf32>
      %parallel_loop3A_911 = arith.subf %parallel_loop3A_904, %parallel_loop3A_859 : vector<16xf32>
      %parallel_loop3A_912 = math.absf %parallel_loop3A_911 : vector<16xf32>
      %parallel_loop3A_913 = arith.subf %parallel_loop3A_910, %parallel_loop3A_912 : vector<16xf32>
      %parallel_loop3A_914 = arith.index_cast %parallel_loop3A_855 : i32 to index
      %parallel_loop3A_915 = arith.constant 64 : index
      %parallel_loop3A_916 = tpu.vector_load %arg14[%parallel_loop3A_914, %parallel_loop3A_915] {strides = array<i32>} : memref<64x128xf32, #tpu.memory_space<vmem>>, vector<16xf32>,
      %parallel_loop3A_917 = arith.index_cast %parallel_loop3A_855 : i32 to index
      %parallel_loop3A_918 = arith.constant 64 : index
      %parallel_loop3A_919 = tpu.vector_load %arg18[%parallel_loop3A_917, %parallel_loop3A_918] {strides = array<i32>} : memref<64x128xf32, #tpu.memory_space<vmem>>, vector<16xf32>,
      %parallel_loop3A_920 = arith.subf %parallel_loop3A_916, %parallel_loop3A_919 : vector<16xf32>
      %parallel_loop3A_921 = math.absf %parallel_loop3A_920 : vector<16xf32>
      %parallel_loop3A_922 = arith.addf %parallel_loop3A_913, %parallel_loop3A_921 : vector<16xf32>
      %parallel_loop3A_923 = arith.subf %parallel_loop3A_916, %parallel_loop3A_860 : vector<16xf32>
      %parallel_loop3A_924 = math.absf %parallel_loop3A_923 : vector<16xf32>
      %parallel_loop3A_925 = arith.subf %parallel_loop3A_922, %parallel_loop3A_924 : vector<16xf32>
      %parallel_loop3A_926 = arith.index_cast %parallel_loop3A_855 : i32 to index
      %parallel_loop3A_927 = arith.constant 80 : index
      %parallel_loop3A_928 = tpu.vector_load %arg14[%parallel_loop3A_926, %parallel_loop3A_927] {strides = array<i32>} : memref<64x128xf32, #tpu.memory_space<vmem>>, vector<16xf32>,
      %parallel_loop3A_929 = arith.index_cast %parallel_loop3A_855 : i32 to index
      %parallel_loop3A_930 = arith.constant 80 : index
      %parallel_loop3A_931 = tpu.vector_load %arg18[%parallel_loop3A_929, %parallel_loop3A_930] {strides = array<i32>} : memref<64x128xf32, #tpu.memory_space<vmem>>, vector<16xf32>,
      %parallel_loop3A_932 = arith.subf %parallel_loop3A_928, %parallel_loop3A_931 : vector<16xf32>
      %parallel_loop3A_933 = math.absf %parallel_loop3A_932 : vector<16xf32>
      %parallel_loop3A_934 = arith.addf %parallel_loop3A_925, %parallel_loop3A_933 : vector<16xf32>
      %parallel_loop3A_935 = arith.subf %parallel_loop3A_928, %parallel_loop3A_861 : vector<16xf32>
      %parallel_loop3A_936 = math.absf %parallel_loop3A_935 : vector<16xf32>
      %parallel_loop3A_937 = arith.subf %parallel_loop3A_934, %parallel_loop3A_936 : vector<16xf32>
      %parallel_loop3A_938 = arith.index_cast %parallel_loop3A_855 : i32 to index
      %parallel_loop3A_939 = arith.constant 96 : index
      %parallel_loop3A_940 = tpu.vector_load %arg14[%parallel_loop3A_938, %parallel_loop3A_939] {strides = array<i32>} : memref<64x128xf32, #tpu.memory_space<vmem>>, vector<16xf32>,
      %parallel_loop3A_941 = arith.index_cast %parallel_loop3A_855 : i32 to index
      %parallel_loop3A_942 = arith.constant 96 : index
      %parallel_loop3A_943 = tpu.vector_load %arg18[%parallel_loop3A_941, %parallel_loop3A_942] {strides = array<i32>} : memref<64x128xf32, #tpu.memory_space<vmem>>, vector<16xf32>,
      %parallel_loop3A_944 = arith.subf %parallel_loop3A_940, %parallel_loop3A_943 : vector<16xf32>
      %parallel_loop3A_945 = math.absf %parallel_loop3A_944 : vector<16xf32>
      %parallel_loop3A_946 = arith.addf %parallel_loop3A_937, %parallel_loop3A_945 : vector<16xf32>
      %parallel_loop3A_947 = arith.subf %parallel_loop3A_940, %parallel_loop3A_862 : vector<16xf32>
      %parallel_loop3A_948 = math.absf %parallel_loop3A_947 : vector<16xf32>
      %parallel_loop3A_949 = arith.subf %parallel_loop3A_946, %parallel_loop3A_948 : vector<16xf32>
      %parallel_loop3A_950 = arith.index_cast %parallel_loop3A_855 : i32 to index
      %parallel_loop3A_951 = arith.constant 112 : index
      %parallel_loop3A_952 = tpu.vector_load %arg14[%parallel_loop3A_950, %parallel_loop3A_951] {strides = array<i32>} : memref<64x128xf32, #tpu.memory_space<vmem>>, vector<16xf32>,
      %parallel_loop3A_953 = arith.index_cast %parallel_loop3A_855 : i32 to index
      %parallel_loop3A_954 = arith.constant 112 : index
      %parallel_loop3A_955 = tpu.vector_load %arg18[%parallel_loop3A_953, %parallel_loop3A_954] {strides = array<i32>} : memref<64x128xf32, #tpu.memory_space<vmem>>, vector<16xf32>,
      %parallel_loop3A_956 = arith.subf %parallel_loop3A_952, %parallel_loop3A_955 : vector<16xf32>
      %parallel_loop3A_957 = math.absf %parallel_loop3A_956 : vector<16xf32>
      %parallel_loop3A_958 = arith.addf %parallel_loop3A_949, %parallel_loop3A_957 : vector<16xf32>
      %parallel_loop3A_959 = arith.subf %parallel_loop3A_952, %parallel_loop3A_863 : vector<16xf32>
      %parallel_loop3A_960 = math.absf %parallel_loop3A_959 : vector<16xf32>
      %parallel_loop3A_961 = arith.subf %parallel_loop3A_958, %parallel_loop3A_960 : vector<16xf32>
      %parallel_loop3A_962 = arith.index_cast %parallel_loop3A_855 : i32 to index
      %parallel_loop3A_963 = arith.constant 0 : index
      %parallel_loop3A_964 = tpu.vector_load %arg21[%parallel_loop3A_962, %parallel_loop3A_963] {strides = array<i32>} : memref<64x16xf32, #tpu.memory_space<vmem>>, vector<16xf32>,
      tpu.vector_store %arg21[%parallel_loop3A_962, %parallel_loop3A_963], %parallel_loop3A_961 {strides = array<i32>} : memref<64x16xf32, #tpu.memory_space<vmem>>, vector<16xf32>,
      scf.yield %parallel_loop3A_871, %parallel_loop3A_883, %parallel_loop3A_895, %parallel_loop3A_907, %parallel_loop3A_919, %parallel_loop3A_931, %parallel_loop3A_943, %parallel_loop3A_955 : vector<16xf32>, vector<16xf32>, vector<16xf32>, vector<16xf32>, vector<16xf32>, vector<16xf32>, vector<16xf32>, vector<16xf32>
    } {sc.loop_unroll_factor = 4 : i64, sc.parallel_access}
    %scan3A_673 = arith.constant 0 : i32
    %scan3A_674 = arith.constant 4 : i32
    %scan3A_675 = arith.addi %scan3A_673, %scan3A_674 : i32
    %scan3A_676 = arith.constant 1 : i32
    %scan3A_677 = scf.for %scan3A_855 = %scan3A_673 to %scan3A_675 step %scan3A_676 iter_args(%scan3A_856 = %scan3A_489) -> (vector<16xf32>)  : i32 {
      %mul3A_857 = arith.constant 16 : i32
      %mul3A_858 = arith.muli %scan3A_855, %mul3A_857 : i32
      %add3A_859 = vector.broadcast %mul3A_858 : i32 to vector<16xi32>
      %add3A_860 = arith.addi %add3A_859, %iota3A : vector<16xi32>
      %broadcast_in_dim3A_861 = arith.constant 0.000000e+00 : f32
      %broadcast_in_dim3A_862 = vector.broadcast %broadcast_in_dim3A_861 : f32 to vector<16xf32>
      %broadcast_in_dim3A_863 = arith.constant 0 : i32
      %broadcast_in_dim3A_864 = vector.broadcast %broadcast_in_dim3A_863 : i32 to vector<16xi32>
      %gather3A = tpu.vector_load_idx %arg21[%add3A_860, %broadcast_in_dim3A_864] : memref<64x16xf32, #tpu.memory_space<vmem>>[vector<16xi32>, vector<16xi32>], vector<16xf32>,
      %add3A_865 = arith.addf %broadcast_in_dim3A_862, %gather3A : vector<16xf32>
      %broadcast_in_dim3A_866 = arith.constant 1 : i32
      %broadcast_in_dim3A_867 = vector.broadcast %broadcast_in_dim3A_866 : i32 to vector<16xi32>
      %gather3A_868 = tpu.vector_load_idx %arg21[%add3A_860, %broadcast_in_dim3A_867] : memref<64x16xf32, #tpu.memory_space<vmem>>[vector<16xi32>, vector<16xi32>], vector<16xf32>,
      %add3A_869 = arith.addf %add3A_865, %gather3A_868 : vector<16xf32>
      %broadcast_in_dim3A_870 = arith.constant 2 : i32
      %broadcast_in_dim3A_871 = vector.broadcast %broadcast_in_dim3A_870 : i32 to vector<16xi32>
      %gather3A_872 = tpu.vector_load_idx %arg21[%add3A_860, %broadcast_in_dim3A_871] : memref<64x16xf32, #tpu.memory_space<vmem>>[vector<16xi32>, vector<16xi32>], vector<16xf32>,
      %add3A_873 = arith.addf %add3A_869, %gather3A_872 : vector<16xf32>
      %broadcast_in_dim3A_874 = arith.constant 3 : i32
      %broadcast_in_dim3A_875 = vector.broadcast %broadcast_in_dim3A_874 : i32 to vector<16xi32>
      %gather3A_876 = tpu.vector_load_idx %arg21[%add3A_860, %broadcast_in_dim3A_875] : memref<64x16xf32, #tpu.memory_space<vmem>>[vector<16xi32>, vector<16xi32>], vector<16xf32>,
      %add3A_877 = arith.addf %add3A_873, %gather3A_876 : vector<16xf32>
      %broadcast_in_dim3A_878 = arith.constant 4 : i32
      %broadcast_in_dim3A_879 = vector.broadcast %broadcast_in_dim3A_878 : i32 to vector<16xi32>
      %gather3A_880 = tpu.vector_load_idx %arg21[%add3A_860, %broadcast_in_dim3A_879] : memref<64x16xf32, #tpu.memory_space<vmem>>[vector<16xi32>, vector<16xi32>], vector<16xf32>,
      %add3A_881 = arith.addf %add3A_877, %gather3A_880 : vector<16xf32>
      %broadcast_in_dim3A_882 = arith.constant 5 : i32
      %broadcast_in_dim3A_883 = vector.broadcast %broadcast_in_dim3A_882 : i32 to vector<16xi32>
      %gather3A_884 = tpu.vector_load_idx %arg21[%add3A_860, %broadcast_in_dim3A_883] : memref<64x16xf32, #tpu.memory_space<vmem>>[vector<16xi32>, vector<16xi32>], vector<16xf32>,
      %add3A_885 = arith.addf %add3A_881, %gather3A_884 : vector<16xf32>
      %broadcast_in_dim3A_886 = arith.constant 6 : i32
      %broadcast_in_dim3A_887 = vector.broadcast %broadcast_in_dim3A_886 : i32 to vector<16xi32>
      %gather3A_888 = tpu.vector_load_idx %arg21[%add3A_860, %broadcast_in_dim3A_887] : memref<64x16xf32, #tpu.memory_space<vmem>>[vector<16xi32>, vector<16xi32>], vector<16xf32>,
      %add3A_889 = arith.addf %add3A_885, %gather3A_888 : vector<16xf32>
      %broadcast_in_dim3A_890 = arith.constant 7 : i32
      %broadcast_in_dim3A_891 = vector.broadcast %broadcast_in_dim3A_890 : i32 to vector<16xi32>
      %gather3A_892 = tpu.vector_load_idx %arg21[%add3A_860, %broadcast_in_dim3A_891] : memref<64x16xf32, #tpu.memory_space<vmem>>[vector<16xi32>, vector<16xi32>], vector<16xf32>,
      %add3A_893 = arith.addf %add3A_889, %gather3A_892 : vector<16xf32>
      %broadcast_in_dim3A_894 = arith.constant 8 : i32
      %broadcast_in_dim3A_895 = vector.broadcast %broadcast_in_dim3A_894 : i32 to vector<16xi32>
      %gather3A_896 = tpu.vector_load_idx %arg21[%add3A_860, %broadcast_in_dim3A_895] : memref<64x16xf32, #tpu.memory_space<vmem>>[vector<16xi32>, vector<16xi32>], vector<16xf32>,
      %add3A_897 = arith.addf %add3A_893, %gather3A_896 : vector<16xf32>
      %broadcast_in_dim3A_898 = arith.constant 9 : i32
      %broadcast_in_dim3A_899 = vector.broadcast %broadcast_in_dim3A_898 : i32 to vector<16xi32>
      %gather3A_900 = tpu.vector_load_idx %arg21[%add3A_860, %broadcast_in_dim3A_899] : memref<64x16xf32, #tpu.memory_space<vmem>>[vector<16xi32>, vector<16xi32>], vector<16xf32>,
      %add3A_901 = arith.addf %add3A_897, %gather3A_900 : vector<16xf32>
      %broadcast_in_dim3A_902 = arith.constant 10 : i32
      %broadcast_in_dim3A_903 = vector.broadcast %broadcast_in_dim3A_902 : i32 to vector<16xi32>
      %gather3A_904 = tpu.vector_load_idx %arg21[%add3A_860, %broadcast_in_dim3A_903] : memref<64x16xf32, #tpu.memory_space<vmem>>[vector<16xi32>, vector<16xi32>], vector<16xf32>,
      %add3A_905 = arith.addf %add3A_901, %gather3A_904 : vector<16xf32>
      %broadcast_in_dim3A_906 = arith.constant 11 : i32
      %broadcast_in_dim3A_907 = vector.broadcast %broadcast_in_dim3A_906 : i32 to vector<16xi32>
      %gather3A_908 = tpu.vector_load_idx %arg21[%add3A_860, %broadcast_in_dim3A_907] : memref<64x16xf32, #tpu.memory_space<vmem>>[vector<16xi32>, vector<16xi32>], vector<16xf32>,
      %add3A_909 = arith.addf %add3A_905, %gather3A_908 : vector<16xf32>
      %broadcast_in_dim3A_910 = arith.constant 12 : i32
      %broadcast_in_dim3A_911 = vector.broadcast %broadcast_in_dim3A_910 : i32 to vector<16xi32>
      %gather3A_912 = tpu.vector_load_idx %arg21[%add3A_860, %broadcast_in_dim3A_911] : memref<64x16xf32, #tpu.memory_space<vmem>>[vector<16xi32>, vector<16xi32>], vector<16xf32>,
      %add3A_913 = arith.addf %add3A_909, %gather3A_912 : vector<16xf32>
      %broadcast_in_dim3A_914 = arith.constant 13 : i32
      %broadcast_in_dim3A_915 = vector.broadcast %broadcast_in_dim3A_914 : i32 to vector<16xi32>
      %gather3A_916 = tpu.vector_load_idx %arg21[%add3A_860, %broadcast_in_dim3A_915] : memref<64x16xf32, #tpu.memory_space<vmem>>[vector<16xi32>, vector<16xi32>], vector<16xf32>,
      %add3A_917 = arith.addf %add3A_913, %gather3A_916 : vector<16xf32>
      %broadcast_in_dim3A_918 = arith.constant 14 : i32
      %broadcast_in_dim3A_919 = vector.broadcast %broadcast_in_dim3A_918 : i32 to vector<16xi32>
      %gather3A_920 = tpu.vector_load_idx %arg21[%add3A_860, %broadcast_in_dim3A_919] : memref<64x16xf32, #tpu.memory_space<vmem>>[vector<16xi32>, vector<16xi32>], vector<16xf32>,
      %add3A_921 = arith.addf %add3A_917, %gather3A_920 : vector<16xf32>
      %broadcast_in_dim3A_922 = arith.constant 15 : i32
      %broadcast_in_dim3A_923 = vector.broadcast %broadcast_in_dim3A_922 : i32 to vector<16xi32>
      %gather3A_924 = tpu.vector_load_idx %arg21[%add3A_860, %broadcast_in_dim3A_923] : memref<64x16xf32, #tpu.memory_space<vmem>>[vector<16xi32>, vector<16xi32>], vector<16xf32>,
      %add3A_925 = arith.addf %add3A_921, %gather3A_924 : vector<16xf32>
      %add3A_926 = arith.constant 1.000000e+00 : f32
      %add3A_927 = vector.broadcast %add3A_926 : f32 to vector<16xf32>
      %add3A_928 = arith.addf %add3A_925, %add3A_927 : vector<16xf32>
      %max3A = arith.constant 0.000000e+00 : f32
      %max3A_929 = vector.broadcast %max3A : f32 to vector<16xf32>
      %max3A_930 = arith.maximumf %add3A_928, %max3A_929 : vector<16xf32>
      %add3A_931 = arith.addf %scan3A_856, %max3A_930 : vector<16xf32>
      scf.yield %add3A_931 : vector<16xf32>
    }
    %scan3A_678 = arith.constant 4 : i32
    %dma_wait3A_679 = arith.constant 1 : i32
    %dma_wait3A_680 = arith.constant 64 : i32
    %dma_wait3A_681 = tpu.memref_slice %arg8[%dma_wait3A_679, %dma_wait3A_680] : memref<2x128xi32, #tpu.memory_space<vmem>> -> memref<1x64xi32, #tpu.memory_space<vmem>>
    %dma_wait3A_682 = tpu.memref_squeeze %dma_wait3A_681 : memref<1x64xi32, #tpu.memory_space<vmem>> -> memref<64xi32, #tpu.memory_space<vmem>>
    %dma_wait3A_683 = arith.constant 0 : i32
    %dma_wait3A_684 = arith.constant 0 : i32
    %dma_wait3A_685 = tpu.memref_slice %arg2[%dma_wait3A_683, %dma_wait3A_684] : memref<16384x128xf32, #tpu.memory_space<hbm>> -> memref<16384x128xf32, #tpu.memory_space<hbm>>
    tpu.wait_indirect_dma semaphore(%arg32 : memref<!tpu.dma_semaphore, #tpu.memory_space<semaphore_mem>>) src(%dma_wait3A_685 : memref<16384x128xf32, #tpu.memory_space<hbm>>) dst(%arg15 : memref<64x128xf32, #tpu.memory_space<vmem>>)
    %dma_wait3A_686 = arith.constant 1 : i32
    %dma_wait3A_687 = arith.constant 64 : i32
    %dma_wait3A_688 = tpu.memref_slice %arg9[%dma_wait3A_686, %dma_wait3A_687] : memref<2x128xi32, #tpu.memory_space<vmem>> -> memref<1x64xi32, #tpu.memory_space<vmem>>
    %dma_wait3A_689 = tpu.memref_squeeze %dma_wait3A_688 : memref<1x64xi32, #tpu.memory_space<vmem>> -> memref<64xi32, #tpu.memory_space<vmem>>
    %dma_wait3A_690 = arith.constant 0 : i32
    %dma_wait3A_691 = arith.constant 0 : i32
    %dma_wait3A_692 = tpu.memref_slice %arg2[%dma_wait3A_690, %dma_wait3A_691] : memref<16384x128xf32, #tpu.memory_space<hbm>> -> memref<16384x128xf32, #tpu.memory_space<hbm>>
    tpu.wait_indirect_dma semaphore(%arg36 : memref<!tpu.dma_semaphore, #tpu.memory_space<semaphore_mem>>) src(%dma_wait3A_692 : memref<16384x128xf32, #tpu.memory_space<hbm>>) dst(%arg19 : memref<64x128xf32, #tpu.memory_space<vmem>>)
    %broadcast_in_dim3A_693 = arith.constant 0.000000e+00 : f32
    %broadcast_in_dim3A_694 = vector.broadcast %broadcast_in_dim3A_693 : f32 to vector<16xf32>
    %get3A_695 = arith.constant 0 : i32
    %get3A_696 = arith.index_cast %get3A_695 : i32 to index
    %get3A_697 = arith.constant 0 : index
    %get3A_698 = tpu.vector_load %arg15[%get3A_696, %get3A_697] {strides = array<i32>} : memref<64x128xf32, #tpu.memory_space<vmem>>, vector<16xf32>,
    %get3A_699 = arith.constant 0 : i32
    %get3A_700 = arith.index_cast %get3A_699 : i32 to index
    %get3A_701 = arith.constant 0 : index
    %get3A_702 = tpu.vector_load %arg19[%get3A_700, %get3A_701] {strides = array<i32>} : memref<64x128xf32, #tpu.memory_space<vmem>>, vector<16xf32>,
    %sub3A_703 = arith.subf %get3A_698, %get3A_702 : vector<16xf32>
    %abs3A_704 = math.absf %sub3A_703 : vector<16xf32>
    %add3A_705 = arith.addf %broadcast_in_dim3A_694, %abs3A_704 : vector<16xf32>
    %get3A_706 = arith.constant 63 : i32
    %get3A_707 = arith.index_cast %get3A_706 : i32 to index
    %get3A_708 = arith.constant 0 : index
    %get3A_709 = tpu.vector_load %arg18[%get3A_707, %get3A_708] {strides = array<i32>} : memref<64x128xf32, #tpu.memory_space<vmem>>, vector<16xf32>,
    %sub3A_710 = arith.subf %get3A_698, %get3A_709 : vector<16xf32>
    %abs3A_711 = math.absf %sub3A_710 : vector<16xf32>
    %sub3A_712 = arith.subf %add3A_705, %abs3A_711 : vector<16xf32>
    %get3A_713 = arith.constant 0 : i32
    %get3A_714 = arith.index_cast %get3A_713 : i32 to index
    %get3A_715 = arith.constant 16 : index
    %get3A_716 = tpu.vector_load %arg15[%get3A_714, %get3A_715] {strides = array<i32>} : memref<64x128xf32, #tpu.memory_space<vmem>>, vector<16xf32>,
    %get3A_717 = arith.constant 0 : i32
    %get3A_718 = arith.index_cast %get3A_717 : i32 to index
    %get3A_719 = arith.constant 16 : index
    %get3A_720 = tpu.vector_load %arg19[%get3A_718, %get3A_719] {strides = array<i32>} : memref<64x128xf32, #tpu.memory_space<vmem>>, vector<16xf32>,
    %sub3A_721 = arith.subf %get3A_716, %get3A_720 : vector<16xf32>
    %abs3A_722 = math.absf %sub3A_721 : vector<16xf32>
    %add3A_723 = arith.addf %sub3A_712, %abs3A_722 : vector<16xf32>
    %get3A_724 = arith.constant 63 : i32
    %get3A_725 = arith.index_cast %get3A_724 : i32 to index
    %get3A_726 = arith.constant 16 : index
    %get3A_727 = tpu.vector_load %arg18[%get3A_725, %get3A_726] {strides = array<i32>} : memref<64x128xf32, #tpu.memory_space<vmem>>, vector<16xf32>,
    %sub3A_728 = arith.subf %get3A_716, %get3A_727 : vector<16xf32>
    %abs3A_729 = math.absf %sub3A_728 : vector<16xf32>
    %sub3A_730 = arith.subf %add3A_723, %abs3A_729 : vector<16xf32>
    %get3A_731 = arith.constant 0 : i32
    %get3A_732 = arith.index_cast %get3A_731 : i32 to index
    %get3A_733 = arith.constant 32 : index
    %get3A_734 = tpu.vector_load %arg15[%get3A_732, %get3A_733] {strides = array<i32>} : memref<64x128xf32, #tpu.memory_space<vmem>>, vector<16xf32>,
    %get3A_735 = arith.constant 0 : i32
    %get3A_736 = arith.index_cast %get3A_735 : i32 to index
    %get3A_737 = arith.constant 32 : index
    %get3A_738 = tpu.vector_load %arg19[%get3A_736, %get3A_737] {strides = array<i32>} : memref<64x128xf32, #tpu.memory_space<vmem>>, vector<16xf32>,
    %sub3A_739 = arith.subf %get3A_734, %get3A_738 : vector<16xf32>
    %abs3A_740 = math.absf %sub3A_739 : vector<16xf32>
    %add3A_741 = arith.addf %sub3A_730, %abs3A_740 : vector<16xf32>
    %get3A_742 = arith.constant 63 : i32
    %get3A_743 = arith.index_cast %get3A_742 : i32 to index
    %get3A_744 = arith.constant 32 : index
    %get3A_745 = tpu.vector_load %arg18[%get3A_743, %get3A_744] {strides = array<i32>} : memref<64x128xf32, #tpu.memory_space<vmem>>, vector<16xf32>,
    %sub3A_746 = arith.subf %get3A_734, %get3A_745 : vector<16xf32>
    %abs3A_747 = math.absf %sub3A_746 : vector<16xf32>
    %sub3A_748 = arith.subf %add3A_741, %abs3A_747 : vector<16xf32>
    %get3A_749 = arith.constant 0 : i32
    %get3A_750 = arith.index_cast %get3A_749 : i32 to index
    %get3A_751 = arith.constant 48 : index
    %get3A_752 = tpu.vector_load %arg15[%get3A_750, %get3A_751] {strides = array<i32>} : memref<64x128xf32, #tpu.memory_space<vmem>>, vector<16xf32>,
    %get3A_753 = arith.constant 0 : i32
    %get3A_754 = arith.index_cast %get3A_753 : i32 to index
    %get3A_755 = arith.constant 48 : index
    %get3A_756 = tpu.vector_load %arg19[%get3A_754, %get3A_755] {strides = array<i32>} : memref<64x128xf32, #tpu.memory_space<vmem>>, vector<16xf32>,
    %sub3A_757 = arith.subf %get3A_752, %get3A_756 : vector<16xf32>
    %abs3A_758 = math.absf %sub3A_757 : vector<16xf32>
    %add3A_759 = arith.addf %sub3A_748, %abs3A_758 : vector<16xf32>
    %get3A_760 = arith.constant 63 : i32
    %get3A_761 = arith.index_cast %get3A_760 : i32 to index
    %get3A_762 = arith.constant 48 : index
    %get3A_763 = tpu.vector_load %arg18[%get3A_761, %get3A_762] {strides = array<i32>} : memref<64x128xf32, #tpu.memory_space<vmem>>, vector<16xf32>,
    %sub3A_764 = arith.subf %get3A_752, %get3A_763 : vector<16xf32>
    %abs3A_765 = math.absf %sub3A_764 : vector<16xf32>
    %sub3A_766 = arith.subf %add3A_759, %abs3A_765 : vector<16xf32>
    %get3A_767 = arith.constant 0 : i32
    %get3A_768 = arith.index_cast %get3A_767 : i32 to index
    %get3A_769 = arith.constant 64 : index
    %get3A_770 = tpu.vector_load %arg15[%get3A_768, %get3A_769] {strides = array<i32>} : memref<64x128xf32, #tpu.memory_space<vmem>>, vector<16xf32>,
    %get3A_771 = arith.constant 0 : i32
    %get3A_772 = arith.index_cast %get3A_771 : i32 to index
    %get3A_773 = arith.constant 64 : index
    %get3A_774 = tpu.vector_load %arg19[%get3A_772, %get3A_773] {strides = array<i32>} : memref<64x128xf32, #tpu.memory_space<vmem>>, vector<16xf32>,
    %sub3A_775 = arith.subf %get3A_770, %get3A_774 : vector<16xf32>
    %abs3A_776 = math.absf %sub3A_775 : vector<16xf32>
    %add3A_777 = arith.addf %sub3A_766, %abs3A_776 : vector<16xf32>
    %get3A_778 = arith.constant 63 : i32
    %get3A_779 = arith.index_cast %get3A_778 : i32 to index
    %get3A_780 = arith.constant 64 : index
    %get3A_781 = tpu.vector_load %arg18[%get3A_779, %get3A_780] {strides = array<i32>} : memref<64x128xf32, #tpu.memory_space<vmem>>, vector<16xf32>,
    %sub3A_782 = arith.subf %get3A_770, %get3A_781 : vector<16xf32>
    %abs3A_783 = math.absf %sub3A_782 : vector<16xf32>
    %sub3A_784 = arith.subf %add3A_777, %abs3A_783 : vector<16xf32>
    %get3A_785 = arith.constant 0 : i32
    %get3A_786 = arith.index_cast %get3A_785 : i32 to index
    %get3A_787 = arith.constant 80 : index
    %get3A_788 = tpu.vector_load %arg15[%get3A_786, %get3A_787] {strides = array<i32>} : memref<64x128xf32, #tpu.memory_space<vmem>>, vector<16xf32>,
    %get3A_789 = arith.constant 0 : i32
    %get3A_790 = arith.index_cast %get3A_789 : i32 to index
    %get3A_791 = arith.constant 80 : index
    %get3A_792 = tpu.vector_load %arg19[%get3A_790, %get3A_791] {strides = array<i32>} : memref<64x128xf32, #tpu.memory_space<vmem>>, vector<16xf32>,
    %sub3A_793 = arith.subf %get3A_788, %get3A_792 : vector<16xf32>
    %abs3A_794 = math.absf %sub3A_793 : vector<16xf32>
    %add3A_795 = arith.addf %sub3A_784, %abs3A_794 : vector<16xf32>
    %get3A_796 = arith.constant 63 : i32
    %get3A_797 = arith.index_cast %get3A_796 : i32 to index
    %get3A_798 = arith.constant 80 : index
    %get3A_799 = tpu.vector_load %arg18[%get3A_797, %get3A_798] {strides = array<i32>} : memref<64x128xf32, #tpu.memory_space<vmem>>, vector<16xf32>,
    %sub3A_800 = arith.subf %get3A_788, %get3A_799 : vector<16xf32>
    %abs3A_801 = math.absf %sub3A_800 : vector<16xf32>
    %sub3A_802 = arith.subf %add3A_795, %abs3A_801 : vector<16xf32>
    %get3A_803 = arith.constant 0 : i32
    %get3A_804 = arith.index_cast %get3A_803 : i32 to index
    %get3A_805 = arith.constant 96 : index
    %get3A_806 = tpu.vector_load %arg15[%get3A_804, %get3A_805] {strides = array<i32>} : memref<64x128xf32, #tpu.memory_space<vmem>>, vector<16xf32>,
    %get3A_807 = arith.constant 0 : i32
    %get3A_808 = arith.index_cast %get3A_807 : i32 to index
    %get3A_809 = arith.constant 96 : index
    %get3A_810 = tpu.vector_load %arg19[%get3A_808, %get3A_809] {strides = array<i32>} : memref<64x128xf32, #tpu.memory_space<vmem>>, vector<16xf32>,
    %sub3A_811 = arith.subf %get3A_806, %get3A_810 : vector<16xf32>
    %abs3A_812 = math.absf %sub3A_811 : vector<16xf32>
    %add3A_813 = arith.addf %sub3A_802, %abs3A_812 : vector<16xf32>
    %get3A_814 = arith.constant 63 : i32
    %get3A_815 = arith.index_cast %get3A_814 : i32 to index
    %get3A_816 = arith.constant 96 : index
    %get3A_817 = tpu.vector_load %arg18[%get3A_815, %get3A_816] {strides = array<i32>} : memref<64x128xf32, #tpu.memory_space<vmem>>, vector<16xf32>,
    %sub3A_818 = arith.subf %get3A_806, %get3A_817 : vector<16xf32>
    %abs3A_819 = math.absf %sub3A_818 : vector<16xf32>
    %sub3A_820 = arith.subf %add3A_813, %abs3A_819 : vector<16xf32>
    %get3A_821 = arith.constant 0 : i32
    %get3A_822 = arith.index_cast %get3A_821 : i32 to index
    %get3A_823 = arith.constant 112 : index
    %get3A_824 = tpu.vector_load %arg15[%get3A_822, %get3A_823] {strides = array<i32>} : memref<64x128xf32, #tpu.memory_space<vmem>>, vector<16xf32>,
    %get3A_825 = arith.constant 0 : i32
    %get3A_826 = arith.index_cast %get3A_825 : i32 to index
    %get3A_827 = arith.constant 112 : index
    %get3A_828 = tpu.vector_load %arg19[%get3A_826, %get3A_827] {strides = array<i32>} : memref<64x128xf32, #tpu.memory_space<vmem>>, vector<16xf32>,
    %sub3A_829 = arith.subf %get3A_824, %get3A_828 : vector<16xf32>
    %abs3A_830 = math.absf %sub3A_829 : vector<16xf32>
    %add3A_831 = arith.addf %sub3A_820, %abs3A_830 : vector<16xf32>
    %get3A_832 = arith.constant 63 : i32
    %get3A_833 = arith.index_cast %get3A_832 : i32 to index
    %get3A_834 = arith.constant 112 : index
    %get3A_835 = tpu.vector_load %arg18[%get3A_833, %get3A_834] {strides = array<i32>} : memref<64x128xf32, #tpu.memory_space<vmem>>, vector<16xf32>,
    %sub3A_836 = arith.subf %get3A_824, %get3A_835 : vector<16xf32>
    %abs3A_837 = math.absf %sub3A_836 : vector<16xf32>
    %sub3A_838 = arith.subf %add3A_831, %abs3A_837 : vector<16xf32>
    %swap3A_839 = arith.constant 0 : i32
    %swap3A_840 = arith.index_cast %swap3A_839 : i32 to index
    %swap3A_841 = arith.constant 0 : index
    %swap3A_842 = tpu.vector_load %arg21[%swap3A_840, %swap3A_841] {strides = array<i32>} : memref<64x16xf32, #tpu.memory_space<vmem>>, vector<16xf32>,
    tpu.vector_store %arg21[%swap3A_840, %swap3A_841], %sub3A_838 {strides = array<i32>} : memref<64x16xf32, #tpu.memory_space<vmem>>, vector<16xf32>,
    %parallel_loop3A_843 = arith.constant 1 : i32
    %parallel_loop3A_844 = arith.constant 64 : i32
    %parallel_loop3A_845 = arith.constant 1 : i32
    %parallel_loop3A_846:8 = scf.for %parallel_loop3A_855 = %parallel_loop3A_843 to %parallel_loop3A_844 step %parallel_loop3A_845 iter_args(%parallel_loop3A_856 = %get3A_702, %parallel_loop3A_857 = %get3A_720, %parallel_loop3A_858 = %get3A_738, %parallel_loop3A_859 = %get3A_756, %parallel_loop3A_860 = %get3A_774, %parallel_loop3A_861 = %get3A_792, %parallel_loop3A_862 = %get3A_810, %parallel_loop3A_863 = %get3A_828) -> (vector<16xf32>, vector<16xf32>, vector<16xf32>, vector<16xf32>, vector<16xf32>, vector<16xf32>, vector<16xf32>, vector<16xf32>)  : i32 {
      %parallel_loop3A_864 = arith.constant 0.000000e+00 : f32
      %parallel_loop3A_865 = vector.broadcast %parallel_loop3A_864 : f32 to vector<16xf32>
      %parallel_loop3A_866 = arith.index_cast %parallel_loop3A_855 : i32 to index
      %parallel_loop3A_867 = arith.constant 0 : index
      %parallel_loop3A_868 = tpu.vector_load %arg15[%parallel_loop3A_866, %parallel_loop3A_867] {strides = array<i32>} : memref<64x128xf32, #tpu.memory_space<vmem>>, vector<16xf32>,
      %parallel_loop3A_869 = arith.index_cast %parallel_loop3A_855 : i32 to index
      %parallel_loop3A_870 = arith.constant 0 : index
      %parallel_loop3A_871 = tpu.vector_load %arg19[%parallel_loop3A_869, %parallel_loop3A_870] {strides = array<i32>} : memref<64x128xf32, #tpu.memory_space<vmem>>, vector<16xf32>,
      %parallel_loop3A_872 = arith.subf %parallel_loop3A_868, %parallel_loop3A_871 : vector<16xf32>
      %parallel_loop3A_873 = math.absf %parallel_loop3A_872 : vector<16xf32>
      %parallel_loop3A_874 = arith.addf %parallel_loop3A_865, %parallel_loop3A_873 : vector<16xf32>
      %parallel_loop3A_875 = arith.subf %parallel_loop3A_868, %parallel_loop3A_856 : vector<16xf32>
      %parallel_loop3A_876 = math.absf %parallel_loop3A_875 : vector<16xf32>
      %parallel_loop3A_877 = arith.subf %parallel_loop3A_874, %parallel_loop3A_876 : vector<16xf32>
      %parallel_loop3A_878 = arith.index_cast %parallel_loop3A_855 : i32 to index
      %parallel_loop3A_879 = arith.constant 16 : index
      %parallel_loop3A_880 = tpu.vector_load %arg15[%parallel_loop3A_878, %parallel_loop3A_879] {strides = array<i32>} : memref<64x128xf32, #tpu.memory_space<vmem>>, vector<16xf32>,
      %parallel_loop3A_881 = arith.index_cast %parallel_loop3A_855 : i32 to index
      %parallel_loop3A_882 = arith.constant 16 : index
      %parallel_loop3A_883 = tpu.vector_load %arg19[%parallel_loop3A_881, %parallel_loop3A_882] {strides = array<i32>} : memref<64x128xf32, #tpu.memory_space<vmem>>, vector<16xf32>,
      %parallel_loop3A_884 = arith.subf %parallel_loop3A_880, %parallel_loop3A_883 : vector<16xf32>
      %parallel_loop3A_885 = math.absf %parallel_loop3A_884 : vector<16xf32>
      %parallel_loop3A_886 = arith.addf %parallel_loop3A_877, %parallel_loop3A_885 : vector<16xf32>
      %parallel_loop3A_887 = arith.subf %parallel_loop3A_880, %parallel_loop3A_857 : vector<16xf32>
      %parallel_loop3A_888 = math.absf %parallel_loop3A_887 : vector<16xf32>
      %parallel_loop3A_889 = arith.subf %parallel_loop3A_886, %parallel_loop3A_888 : vector<16xf32>
      %parallel_loop3A_890 = arith.index_cast %parallel_loop3A_855 : i32 to index
      %parallel_loop3A_891 = arith.constant 32 : index
      %parallel_loop3A_892 = tpu.vector_load %arg15[%parallel_loop3A_890, %parallel_loop3A_891] {strides = array<i32>} : memref<64x128xf32, #tpu.memory_space<vmem>>, vector<16xf32>,
      %parallel_loop3A_893 = arith.index_cast %parallel_loop3A_855 : i32 to index
      %parallel_loop3A_894 = arith.constant 32 : index
      %parallel_loop3A_895 = tpu.vector_load %arg19[%parallel_loop3A_893, %parallel_loop3A_894] {strides = array<i32>} : memref<64x128xf32, #tpu.memory_space<vmem>>, vector<16xf32>,
      %parallel_loop3A_896 = arith.subf %parallel_loop3A_892, %parallel_loop3A_895 : vector<16xf32>
      %parallel_loop3A_897 = math.absf %parallel_loop3A_896 : vector<16xf32>
      %parallel_loop3A_898 = arith.addf %parallel_loop3A_889, %parallel_loop3A_897 : vector<16xf32>
      %parallel_loop3A_899 = arith.subf %parallel_loop3A_892, %parallel_loop3A_858 : vector<16xf32>
      %parallel_loop3A_900 = math.absf %parallel_loop3A_899 : vector<16xf32>
      %parallel_loop3A_901 = arith.subf %parallel_loop3A_898, %parallel_loop3A_900 : vector<16xf32>
      %parallel_loop3A_902 = arith.index_cast %parallel_loop3A_855 : i32 to index
      %parallel_loop3A_903 = arith.constant 48 : index
      %parallel_loop3A_904 = tpu.vector_load %arg15[%parallel_loop3A_902, %parallel_loop3A_903] {strides = array<i32>} : memref<64x128xf32, #tpu.memory_space<vmem>>, vector<16xf32>,
      %parallel_loop3A_905 = arith.index_cast %parallel_loop3A_855 : i32 to index
      %parallel_loop3A_906 = arith.constant 48 : index
      %parallel_loop3A_907 = tpu.vector_load %arg19[%parallel_loop3A_905, %parallel_loop3A_906] {strides = array<i32>} : memref<64x128xf32, #tpu.memory_space<vmem>>, vector<16xf32>,
      %parallel_loop3A_908 = arith.subf %parallel_loop3A_904, %parallel_loop3A_907 : vector<16xf32>
      %parallel_loop3A_909 = math.absf %parallel_loop3A_908 : vector<16xf32>
      %parallel_loop3A_910 = arith.addf %parallel_loop3A_901, %parallel_loop3A_909 : vector<16xf32>
      %parallel_loop3A_911 = arith.subf %parallel_loop3A_904, %parallel_loop3A_859 : vector<16xf32>
      %parallel_loop3A_912 = math.absf %parallel_loop3A_911 : vector<16xf32>
      %parallel_loop3A_913 = arith.subf %parallel_loop3A_910, %parallel_loop3A_912 : vector<16xf32>
      %parallel_loop3A_914 = arith.index_cast %parallel_loop3A_855 : i32 to index
      %parallel_loop3A_915 = arith.constant 64 : index
      %parallel_loop3A_916 = tpu.vector_load %arg15[%parallel_loop3A_914, %parallel_loop3A_915] {strides = array<i32>} : memref<64x128xf32, #tpu.memory_space<vmem>>, vector<16xf32>,
      %parallel_loop3A_917 = arith.index_cast %parallel_loop3A_855 : i32 to index
      %parallel_loop3A_918 = arith.constant 64 : index
      %parallel_loop3A_919 = tpu.vector_load %arg19[%parallel_loop3A_917, %parallel_loop3A_918] {strides = array<i32>} : memref<64x128xf32, #tpu.memory_space<vmem>>, vector<16xf32>,
      %parallel_loop3A_920 = arith.subf %parallel_loop3A_916, %parallel_loop3A_919 : vector<16xf32>
      %parallel_loop3A_921 = math.absf %parallel_loop3A_920 : vector<16xf32>
      %parallel_loop3A_922 = arith.addf %parallel_loop3A_913, %parallel_loop3A_921 : vector<16xf32>
      %parallel_loop3A_923 = arith.subf %parallel_loop3A_916, %parallel_loop3A_860 : vector<16xf32>
      %parallel_loop3A_924 = math.absf %parallel_loop3A_923 : vector<16xf32>
      %parallel_loop3A_925 = arith.subf %parallel_loop3A_922, %parallel_loop3A_924 : vector<16xf32>
      %parallel_loop3A_926 = arith.index_cast %parallel_loop3A_855 : i32 to index
      %parallel_loop3A_927 = arith.constant 80 : index
      %parallel_loop3A_928 = tpu.vector_load %arg15[%parallel_loop3A_926, %parallel_loop3A_927] {strides = array<i32>} : memref<64x128xf32, #tpu.memory_space<vmem>>, vector<16xf32>,
      %parallel_loop3A_929 = arith.index_cast %parallel_loop3A_855 : i32 to index
      %parallel_loop3A_930 = arith.constant 80 : index
      %parallel_loop3A_931 = tpu.vector_load %arg19[%parallel_loop3A_929, %parallel_loop3A_930] {strides = array<i32>} : memref<64x128xf32, #tpu.memory_space<vmem>>, vector<16xf32>,
      %parallel_loop3A_932 = arith.subf %parallel_loop3A_928, %parallel_loop3A_931 : vector<16xf32>
      %parallel_loop3A_933 = math.absf %parallel_loop3A_932 : vector<16xf32>
      %parallel_loop3A_934 = arith.addf %parallel_loop3A_925, %parallel_loop3A_933 : vector<16xf32>
      %parallel_loop3A_935 = arith.subf %parallel_loop3A_928, %parallel_loop3A_861 : vector<16xf32>
      %parallel_loop3A_936 = math.absf %parallel_loop3A_935 : vector<16xf32>
      %parallel_loop3A_937 = arith.subf %parallel_loop3A_934, %parallel_loop3A_936 : vector<16xf32>
      %parallel_loop3A_938 = arith.index_cast %parallel_loop3A_855 : i32 to index
      %parallel_loop3A_939 = arith.constant 96 : index
      %parallel_loop3A_940 = tpu.vector_load %arg15[%parallel_loop3A_938, %parallel_loop3A_939] {strides = array<i32>} : memref<64x128xf32, #tpu.memory_space<vmem>>, vector<16xf32>,
      %parallel_loop3A_941 = arith.index_cast %parallel_loop3A_855 : i32 to index
      %parallel_loop3A_942 = arith.constant 96 : index
      %parallel_loop3A_943 = tpu.vector_load %arg19[%parallel_loop3A_941, %parallel_loop3A_942] {strides = array<i32>} : memref<64x128xf32, #tpu.memory_space<vmem>>, vector<16xf32>,
      %parallel_loop3A_944 = arith.subf %parallel_loop3A_940, %parallel_loop3A_943 : vector<16xf32>
      %parallel_loop3A_945 = math.absf %parallel_loop3A_944 : vector<16xf32>
      %parallel_loop3A_946 = arith.addf %parallel_loop3A_937, %parallel_loop3A_945 : vector<16xf32>
      %parallel_loop3A_947 = arith.subf %parallel_loop3A_940, %parallel_loop3A_862 : vector<16xf32>
      %parallel_loop3A_948 = math.absf %parallel_loop3A_947 : vector<16xf32>
      %parallel_loop3A_949 = arith.subf %parallel_loop3A_946, %parallel_loop3A_948 : vector<16xf32>
      %parallel_loop3A_950 = arith.index_cast %parallel_loop3A_855 : i32 to index
      %parallel_loop3A_951 = arith.constant 112 : index
      %parallel_loop3A_952 = tpu.vector_load %arg15[%parallel_loop3A_950, %parallel_loop3A_951] {strides = array<i32>} : memref<64x128xf32, #tpu.memory_space<vmem>>, vector<16xf32>,
      %parallel_loop3A_953 = arith.index_cast %parallel_loop3A_855 : i32 to index
      %parallel_loop3A_954 = arith.constant 112 : index
      %parallel_loop3A_955 = tpu.vector_load %arg19[%parallel_loop3A_953, %parallel_loop3A_954] {strides = array<i32>} : memref<64x128xf32, #tpu.memory_space<vmem>>, vector<16xf32>,
      %parallel_loop3A_956 = arith.subf %parallel_loop3A_952, %parallel_loop3A_955 : vector<16xf32>
      %parallel_loop3A_957 = math.absf %parallel_loop3A_956 : vector<16xf32>
      %parallel_loop3A_958 = arith.addf %parallel_loop3A_949, %parallel_loop3A_957 : vector<16xf32>
      %parallel_loop3A_959 = arith.subf %parallel_loop3A_952, %parallel_loop3A_863 : vector<16xf32>
      %parallel_loop3A_960 = math.absf %parallel_loop3A_959 : vector<16xf32>
      %parallel_loop3A_961 = arith.subf %parallel_loop3A_958, %parallel_loop3A_960 : vector<16xf32>
      %parallel_loop3A_962 = arith.index_cast %parallel_loop3A_855 : i32 to index
      %parallel_loop3A_963 = arith.constant 0 : index
      %parallel_loop3A_964 = tpu.vector_load %arg21[%parallel_loop3A_962, %parallel_loop3A_963] {strides = array<i32>} : memref<64x16xf32, #tpu.memory_space<vmem>>, vector<16xf32>,
      tpu.vector_store %arg21[%parallel_loop3A_962, %parallel_loop3A_963], %parallel_loop3A_961 {strides = array<i32>} : memref<64x16xf32, #tpu.memory_space<vmem>>, vector<16xf32>,
      scf.yield %parallel_loop3A_871, %parallel_loop3A_883, %parallel_loop3A_895, %parallel_loop3A_907, %parallel_loop3A_919, %parallel_loop3A_931, %parallel_loop3A_943, %parallel_loop3A_955 : vector<16xf32>, vector<16xf32>, vector<16xf32>, vector<16xf32>, vector<16xf32>, vector<16xf32>, vector<16xf32>, vector<16xf32>
    } {sc.loop_unroll_factor = 4 : i64, sc.parallel_access}
    %scan3A_847 = arith.constant 0 : i32
    %scan3A_848 = arith.constant 4 : i32
    %scan3A_849 = arith.addi %scan3A_847, %scan3A_848 : i32
    %scan3A_850 = arith.constant 1 : i32
    %scan3A_851 = scf.for %scan3A_855 = %scan3A_847 to %scan3A_849 step %scan3A_850 iter_args(%scan3A_856 = %scan3A_677) -> (vector<16xf32>)  : i32 {
      %mul3A_857 = arith.constant 16 : i32
      %mul3A_858 = arith.muli %scan3A_855, %mul3A_857 : i32
      %add3A_859 = vector.broadcast %mul3A_858 : i32 to vector<16xi32>
      %add3A_860 = arith.addi %add3A_859, %iota3A : vector<16xi32>
      %broadcast_in_dim3A_861 = arith.constant 0.000000e+00 : f32
      %broadcast_in_dim3A_862 = vector.broadcast %broadcast_in_dim3A_861 : f32 to vector<16xf32>
      %broadcast_in_dim3A_863 = arith.constant 0 : i32
      %broadcast_in_dim3A_864 = vector.broadcast %broadcast_in_dim3A_863 : i32 to vector<16xi32>
      %gather3A = tpu.vector_load_idx %arg21[%add3A_860, %broadcast_in_dim3A_864] : memref<64x16xf32, #tpu.memory_space<vmem>>[vector<16xi32>, vector<16xi32>], vector<16xf32>,
      %add3A_865 = arith.addf %broadcast_in_dim3A_862, %gather3A : vector<16xf32>
      %broadcast_in_dim3A_866 = arith.constant 1 : i32
      %broadcast_in_dim3A_867 = vector.broadcast %broadcast_in_dim3A_866 : i32 to vector<16xi32>
      %gather3A_868 = tpu.vector_load_idx %arg21[%add3A_860, %broadcast_in_dim3A_867] : memref<64x16xf32, #tpu.memory_space<vmem>>[vector<16xi32>, vector<16xi32>], vector<16xf32>,
      %add3A_869 = arith.addf %add3A_865, %gather3A_868 : vector<16xf32>
      %broadcast_in_dim3A_870 = arith.constant 2 : i32
      %broadcast_in_dim3A_871 = vector.broadcast %broadcast_in_dim3A_870 : i32 to vector<16xi32>
      %gather3A_872 = tpu.vector_load_idx %arg21[%add3A_860, %broadcast_in_dim3A_871] : memref<64x16xf32, #tpu.memory_space<vmem>>[vector<16xi32>, vector<16xi32>], vector<16xf32>,
      %add3A_873 = arith.addf %add3A_869, %gather3A_872 : vector<16xf32>
      %broadcast_in_dim3A_874 = arith.constant 3 : i32
      %broadcast_in_dim3A_875 = vector.broadcast %broadcast_in_dim3A_874 : i32 to vector<16xi32>
      %gather3A_876 = tpu.vector_load_idx %arg21[%add3A_860, %broadcast_in_dim3A_875] : memref<64x16xf32, #tpu.memory_space<vmem>>[vector<16xi32>, vector<16xi32>], vector<16xf32>,
      %add3A_877 = arith.addf %add3A_873, %gather3A_876 : vector<16xf32>
      %broadcast_in_dim3A_878 = arith.constant 4 : i32
      %broadcast_in_dim3A_879 = vector.broadcast %broadcast_in_dim3A_878 : i32 to vector<16xi32>
      %gather3A_880 = tpu.vector_load_idx %arg21[%add3A_860, %broadcast_in_dim3A_879] : memref<64x16xf32, #tpu.memory_space<vmem>>[vector<16xi32>, vector<16xi32>], vector<16xf32>,
      %add3A_881 = arith.addf %add3A_877, %gather3A_880 : vector<16xf32>
      %broadcast_in_dim3A_882 = arith.constant 5 : i32
      %broadcast_in_dim3A_883 = vector.broadcast %broadcast_in_dim3A_882 : i32 to vector<16xi32>
      %gather3A_884 = tpu.vector_load_idx %arg21[%add3A_860, %broadcast_in_dim3A_883] : memref<64x16xf32, #tpu.memory_space<vmem>>[vector<16xi32>, vector<16xi32>], vector<16xf32>,
      %add3A_885 = arith.addf %add3A_881, %gather3A_884 : vector<16xf32>
      %broadcast_in_dim3A_886 = arith.constant 6 : i32
      %broadcast_in_dim3A_887 = vector.broadcast %broadcast_in_dim3A_886 : i32 to vector<16xi32>
      %gather3A_888 = tpu.vector_load_idx %arg21[%add3A_860, %broadcast_in_dim3A_887] : memref<64x16xf32, #tpu.memory_space<vmem>>[vector<16xi32>, vector<16xi32>], vector<16xf32>,
      %add3A_889 = arith.addf %add3A_885, %gather3A_888 : vector<16xf32>
      %broadcast_in_dim3A_890 = arith.constant 7 : i32
      %broadcast_in_dim3A_891 = vector.broadcast %broadcast_in_dim3A_890 : i32 to vector<16xi32>
      %gather3A_892 = tpu.vector_load_idx %arg21[%add3A_860, %broadcast_in_dim3A_891] : memref<64x16xf32, #tpu.memory_space<vmem>>[vector<16xi32>, vector<16xi32>], vector<16xf32>,
      %add3A_893 = arith.addf %add3A_889, %gather3A_892 : vector<16xf32>
      %broadcast_in_dim3A_894 = arith.constant 8 : i32
      %broadcast_in_dim3A_895 = vector.broadcast %broadcast_in_dim3A_894 : i32 to vector<16xi32>
      %gather3A_896 = tpu.vector_load_idx %arg21[%add3A_860, %broadcast_in_dim3A_895] : memref<64x16xf32, #tpu.memory_space<vmem>>[vector<16xi32>, vector<16xi32>], vector<16xf32>,
      %add3A_897 = arith.addf %add3A_893, %gather3A_896 : vector<16xf32>
      %broadcast_in_dim3A_898 = arith.constant 9 : i32
      %broadcast_in_dim3A_899 = vector.broadcast %broadcast_in_dim3A_898 : i32 to vector<16xi32>
      %gather3A_900 = tpu.vector_load_idx %arg21[%add3A_860, %broadcast_in_dim3A_899] : memref<64x16xf32, #tpu.memory_space<vmem>>[vector<16xi32>, vector<16xi32>], vector<16xf32>,
      %add3A_901 = arith.addf %add3A_897, %gather3A_900 : vector<16xf32>
      %broadcast_in_dim3A_902 = arith.constant 10 : i32
      %broadcast_in_dim3A_903 = vector.broadcast %broadcast_in_dim3A_902 : i32 to vector<16xi32>
      %gather3A_904 = tpu.vector_load_idx %arg21[%add3A_860, %broadcast_in_dim3A_903] : memref<64x16xf32, #tpu.memory_space<vmem>>[vector<16xi32>, vector<16xi32>], vector<16xf32>,
      %add3A_905 = arith.addf %add3A_901, %gather3A_904 : vector<16xf32>
      %broadcast_in_dim3A_906 = arith.constant 11 : i32
      %broadcast_in_dim3A_907 = vector.broadcast %broadcast_in_dim3A_906 : i32 to vector<16xi32>
      %gather3A_908 = tpu.vector_load_idx %arg21[%add3A_860, %broadcast_in_dim3A_907] : memref<64x16xf32, #tpu.memory_space<vmem>>[vector<16xi32>, vector<16xi32>], vector<16xf32>,
      %add3A_909 = arith.addf %add3A_905, %gather3A_908 : vector<16xf32>
      %broadcast_in_dim3A_910 = arith.constant 12 : i32
      %broadcast_in_dim3A_911 = vector.broadcast %broadcast_in_dim3A_910 : i32 to vector<16xi32>
      %gather3A_912 = tpu.vector_load_idx %arg21[%add3A_860, %broadcast_in_dim3A_911] : memref<64x16xf32, #tpu.memory_space<vmem>>[vector<16xi32>, vector<16xi32>], vector<16xf32>,
      %add3A_913 = arith.addf %add3A_909, %gather3A_912 : vector<16xf32>
      %broadcast_in_dim3A_914 = arith.constant 13 : i32
      %broadcast_in_dim3A_915 = vector.broadcast %broadcast_in_dim3A_914 : i32 to vector<16xi32>
      %gather3A_916 = tpu.vector_load_idx %arg21[%add3A_860, %broadcast_in_dim3A_915] : memref<64x16xf32, #tpu.memory_space<vmem>>[vector<16xi32>, vector<16xi32>], vector<16xf32>,
      %add3A_917 = arith.addf %add3A_913, %gather3A_916 : vector<16xf32>
      %broadcast_in_dim3A_918 = arith.constant 14 : i32
      %broadcast_in_dim3A_919 = vector.broadcast %broadcast_in_dim3A_918 : i32 to vector<16xi32>
      %gather3A_920 = tpu.vector_load_idx %arg21[%add3A_860, %broadcast_in_dim3A_919] : memref<64x16xf32, #tpu.memory_space<vmem>>[vector<16xi32>, vector<16xi32>], vector<16xf32>,
      %add3A_921 = arith.addf %add3A_917, %gather3A_920 : vector<16xf32>
      %broadcast_in_dim3A_922 = arith.constant 15 : i32
      %broadcast_in_dim3A_923 = vector.broadcast %broadcast_in_dim3A_922 : i32 to vector<16xi32>
      %gather3A_924 = tpu.vector_load_idx %arg21[%add3A_860, %broadcast_in_dim3A_923] : memref<64x16xf32, #tpu.memory_space<vmem>>[vector<16xi32>, vector<16xi32>], vector<16xf32>,
      %add3A_925 = arith.addf %add3A_921, %gather3A_924 : vector<16xf32>
      %add3A_926 = arith.constant 1.000000e+00 : f32
      %add3A_927 = vector.broadcast %add3A_926 : f32 to vector<16xf32>
      %add3A_928 = arith.addf %add3A_925, %add3A_927 : vector<16xf32>
      %max3A = arith.constant 0.000000e+00 : f32
      %max3A_929 = vector.broadcast %max3A : f32 to vector<16xf32>
      %max3A_930 = arith.maximumf %add3A_928, %max3A_929 : vector<16xf32>
      %add3A_931 = arith.addf %scan3A_856, %max3A_930 : vector<16xf32>
      scf.yield %add3A_931 : vector<16xf32>
    }
    %scan3A_852 = arith.constant 4 : i32
    %swap3A_853 = arith.constant 0 : index
    %swap3A_854 = tpu.vector_load %arg22[%swap3A_853] {strides = array<i32>} : memref<16xf32, #tpu.memory_space<vmem>>, vector<16xf32>,
    tpu.vector_store %arg22[%swap3A_853], %scan3A_851 {strides = array<i32>} : memref<16xf32, #tpu.memory_space<vmem>>, vector<16xf32>,
    "tpu.region"() ({
      %run_scoped3A = tpu.sem_alloc : memref<!tpu.dma_semaphore, #tpu.memory_space<semaphore_mem>>
      %dma_start3A_855 = arith.constant 0 : i32
      %dma_start3A_856 = tpu.memref_slice %arg7[%add3A, %dma_start3A_855] : memref<32x16xf32, #tpu.memory_space<hbm>> -> memref<1x16xf32, #tpu.memory_space<hbm>>
      %dma_start3A_857 = tpu.memref_squeeze %dma_start3A_856 : memref<1x16xf32, #tpu.memory_space<hbm>> -> memref<16xf32, #tpu.memory_space<hbm>>
      %dma_start3A_858 = arith.constant 0 : i32
      %dma_start3A_859 = tpu.memref_slice %arg7[%add3A, %dma_start3A_858] : memref<32x16xf32, #tpu.memory_space<hbm>> -> memref<1x16xf32, #tpu.memory_space<hbm>>
      %dma_start3A_860 = tpu.memref_squeeze %dma_start3A_859 : memref<1x16xf32, #tpu.memory_space<hbm>> -> memref<16xf32, #tpu.memory_space<hbm>>
      tpu.enqueue_dma source(%arg22 : memref<16xf32, #tpu.memory_space<vmem>>) target(%dma_start3A_860 : memref<16xf32, #tpu.memory_space<hbm>>) target_semaphore(%run_scoped3A : memref<!tpu.dma_semaphore, #tpu.memory_space<semaphore_mem>>)
      %dma_wait3A_861 = arith.constant 0 : i32
      %dma_wait3A_862 = tpu.memref_slice %arg7[%add3A, %dma_wait3A_861] : memref<32x16xf32, #tpu.memory_space<hbm>> -> memref<1x16xf32, #tpu.memory_space<hbm>>
      %dma_wait3A_863 = tpu.memref_squeeze %dma_wait3A_862 : memref<1x16xf32, #tpu.memory_space<hbm>> -> memref<16xf32, #tpu.memory_space<hbm>>
      %dma_wait3A_864 = arith.constant 0 : i32
      %dma_wait3A_865 = tpu.memref_slice %arg7[%add3A, %dma_wait3A_864] : memref<32x16xf32, #tpu.memory_space<hbm>> -> memref<1x16xf32, #tpu.memory_space<hbm>>
      %dma_wait3A_866 = tpu.memref_squeeze %dma_wait3A_865 : memref<1x16xf32, #tpu.memory_space<hbm>> -> memref<16xf32, #tpu.memory_space<hbm>>
      tpu.wait_dma2 semaphore(%run_scoped3A : memref<!tpu.dma_semaphore, #tpu.memory_space<semaphore_mem>>) src(%arg22 : memref<16xf32, #tpu.memory_space<vmem>>) dst(%dma_wait3A_866 : memref<16xf32, #tpu.memory_space<hbm>>)
      tpu.yield
    }) : () -> ()
    return
  }
}

module attributes {stable_mosaic.version = 14 : i64} {
  func.func @_mm_body(%arg0: i32, %arg1: memref<8192x256xf32, #tpu.memory_space<vmem>>, %arg2: memref<256x128xf32, #tpu.memory_space<vmem>>, %arg3: memref<1x128xf32, #tpu.memory_space<vmem>>, %arg4: memref<8192x128xf32, #tpu.memory_space<vmem>>) attributes {dimension_semantics = [#tpu.dimension_semantics<arbitrary>], iteration_bounds = array<i64: 2>, scalar_prefetch = 0 : i64, scratch_operands = 0 : i64, tpu.core_type = #tpu.core_type<tc>, window_params = [{transform_indices = @transform_0, window_bounds = array<i64: 8192, 256>}, {pipeline_mode = #tpu.pipeline_mode<synchronous>, transform_indices = @transform_1, window_bounds = array<i64: 256, 128>}, {pipeline_mode = #tpu.pipeline_mode<synchronous>, transform_indices = @transform_2, window_bounds = array<i64: 1, 128>}, {transform_indices = @transform_3, window_bounds = array<i64: 8192, 128>}]} {
    %get3A = arith.constant 0 : index
    %get3A_0 = arith.constant 0 : index
    %get3A_1 = vector.load %arg1[%get3A, %get3A_0] : memref<8192x256xf32, #tpu.memory_space<vmem>>, vector<8192x256xf32>
    %get3A_2 = arith.constant 0 : index
    %get3A_3 = arith.constant 0 : index
    %get3A_4 = vector.load %arg2[%get3A_2, %get3A_3] : memref<256x128xf32, #tpu.memory_space<vmem>>, vector<256x128xf32>
    %dot_general3A = arith.constant dense<0.000000e+00> : vector<8192x128xf32>
    %dot_general3A_5 = tpu.matmul %get3A_1, %get3A_4, %dot_general3A {dimension_numbers = #tpu.dot_dimension_numbers<[1], [0], [0], [1], [0, 0, 1, 1], [], []>, transpose_lhs_hint = false} : vector<8192x256xf32>, vector<256x128xf32>, vector<8192x128xf32> -> vector<8192x128xf32>
    %get3A_6 = arith.constant 0 : index
    %get3A_7 = arith.constant 0 : index
    %get3A_8 = vector.load %arg3[%get3A_6, %get3A_7] : memref<1x128xf32, #tpu.memory_space<vmem>>, vector<1x128xf32>
    %add3A = vector.broadcast %get3A_8 : vector<1x128xf32> to vector<8192x128xf32>
    %add3A_9 = arith.addf %dot_general3A_5, %add3A : vector<8192x128xf32>
    %max3A = arith.constant 0.000000e+00 : f32
    %max3A_10 = vector.broadcast %max3A : f32 to vector<8192x128xf32>
    %max3A_11 = arith.maximumf %add3A_9, %max3A_10 : vector<8192x128xf32>
    %swap3A = arith.constant 0 : index
    %swap3A_12 = arith.constant 0 : index
    %swap3A_13 = vector.load %arg4[%swap3A, %swap3A_12] : memref<8192x128xf32, #tpu.memory_space<vmem>>, vector<8192x128xf32>
    tpu.vector_store %arg4[%swap3A, %swap3A_12], %max3A_11 {strides = array<i32>} : memref<8192x128xf32, #tpu.memory_space<vmem>>, vector<8192x128xf32>,
    return
  }
  func.func @transform_0(%arg0: i32) -> (i32, i32) {
    %c0_i32 = arith.constant 0 : i32
    %c0_i32_0 = arith.constant 0 : i32
    return %arg0, %c0_i32 : i32, i32
  }
  func.func @transform_1(%arg0: i32) -> (i32, i32) {
    %c0_i32 = arith.constant 0 : i32
    %c0_i32_0 = arith.constant 0 : i32
    %c0_i32_1 = arith.constant 0 : i32
    return %c0_i32, %c0_i32_0 : i32, i32
  }
  func.func @transform_2(%arg0: i32) -> (i32, i32) {
    %c0_i32 = arith.constant 0 : i32
    %c0_i32_0 = arith.constant 0 : i32
    %c0_i32_1 = arith.constant 0 : i32
    return %c0_i32, %c0_i32_0 : i32, i32
  }
  func.func @transform_3(%arg0: i32) -> (i32, i32) {
    %c0_i32 = arith.constant 0 : i32
    %c0_i32_0 = arith.constant 0 : i32
    return %arg0, %c0_i32 : i32, i32
  }
}

</mosaic_0001>

<sc_bundles>
// kernel: kernel.4.cloned.1.call-start
scs
__scs_entry_jumppad:
0x0: {  	(pc) =	sbr.rel $0x88, $3  }
0x1: {  	(tag) =	ssettag $0x0;
	lr =	simm.s32 $0x1  }
0x2: {  	[smem:$0x3F9A] =	sst lr;
	_ =	strace $0xD0000000  }
0x3: {  	_ = 	snop  }
0x4: {  	_ = 	snop  }
0x5: {  	_ = 	snop  }
0x6: {  	_ = 	snop  }
0x7: {  	_ = 	snop  }
__scs_overlays_trampoline_lowered:
0x8: {  	[smem:$0x3FA9] =	sst s0  }
0x9: {  	[smem:$0x3FAA] =	sst s1  }
0xa: {  	[smem:$0x3FAB] =	sst s2  }
0xb: {  	[smem:$0x3FAC] =	sst s3  }
0xc: {  	[smem:$0x3FAD] =	sst s4  }
0xd: {  	[smem:$0x3FAE] =	sst s5  }
0xe: {  	[smem:$0x3FAF] =	sst s6  }
0xf: {  	[smem:$0x3FB0] =	sst s7  }
0x10: {  	[smem:$0x3FB1] =	sst s8  }
0x11: {  	[smem:$0x3FB2] =	sst s9;
	s0 =	simm.s32 @!p0 $0x0  }
0x12: {  	s1 =	sld [smem:$0x3F98];
	s0 =	simm.s32 @p0 $0x1  }
0x13: {  	[smem:$0x3FB3] =	sst s0;
	s0 =	simm.s32 @!p1 $0x0  }
0x14: {  	s2 =	sld [smem:$0x3F97];
	s0 =	simm.s32 @p1 $0x1  }
0x15: {  	[smem:$0x3FB4] =	sst s0;
	s0 =	simm.s32 @!p2 $0x0  }
0x16: {  	s3 =	sld [smem:$0x3FDB];
	s0 =	simm.s32 @p2 $0x1  }
0x17: {  	s4 =	simm.s32 $0x1BF5;
	[smem:$0x3FB6] =	sst s0  }
0x18: {  	s0 =	sld [smem:$0x3F99];
	_ =	swait.ge [sflag:s4], $0x0  }
0x19: {  	s7 =	sld [smem:$0x3F9A]  }
0x1a: {  	s8 =	sadd.s32 $0xFFFFE003, lr  }
0x1b: {  	s9 =	sadd.s32 $0xFFFFFEF7, lr;
	s5 =	simm.s32 $0xFFFFFFFF;
	p2 =	slt.u32 s8, $0xFFFFF086  }
0x1c: {  	p1 =	slt.u32 s9, $0xF7A;
	s5 =	simm.s32 @!p2 $0x0  }
0x1d: {  	s5 =	simm.s32 @p1 $0x1;
	p0 =	seq.s32 s7, s2  }
0x1e: {  	s7 =	smul.u32 @!p0 $0xF7A, s2;
	p2 =	seq.s32 @!p0 s5, $0x0  }
0x1f: {  	s9 =	smul.u32 $0xF7A, s1;
	s8 =	simm.s32 @!p0 $0x1BF5;
	p2 =	por !p2, p0  }
0x20: {  	[sflag:s8] =	ssyncset.s32 @!p0 $0xFFFFF086;
	s6 =	sadd.s32 @!p0 s3, s7;
	s7 =	simm.s32 @!p0 $0x108  }
0x21: {  	s3 =	sadd.s32 s3, s9;
	s6 =	sadd.s32 @!p0 $0x88, s6;
	s7 =	simm.s32 @p2 $0x1082  }
0x22: {  	[simem:s7], [sflag:s8] =	dma.local @!p0 [hbm:s6], $0xF7A  }
0x23: {  	s9 =	sor.u32 $0xD0000000, s2;
	s6 =	simm.s32 $0x108;
	_ =	swait.ge @!p0 [sflag:s8], $0x0  }
0x24: {  	s3 =	sadd.s32 $0x88, s3;
	s6 =	simm.s32 @!p1 $0x1082;
	[sflag:s4] =	ssyncset.s32 $0xFFFFF086  }
0x25: {  	[simem:s6], [sflag:s4] =	dma.local [hbm:s3], $0xF7A  }
0x26: {  	[smem:$0x3F9A] =	sst s1;
	(tag) =	ssettag s2;
	_ =	strace s9  }
0x27: {  	s1 =	sld [smem:$0x3FAA]  }
0x28: {  	s2 =	sld [smem:$0x3FAB]  }
0x29: {  	s4 =	sld [smem:$0x3FAD]  }
0x2a: {  	p0 =	seq.s32 s5, $0x0;
	s5 =	sld [smem:$0x3FAE]  }
0x2b: {  	s6 =	sld [smem:$0x3FAF]  }
0x2c: {  	s7 =	sld [smem:$0x3FB0]  }
0x2d: {  	s3 =	simm.s32 $0x108;
	s8 =	sld [smem:$0x3FB1]  }
0x2e: {  	s3 =	simm.s32 @!p0 $0x1082;
	s9 =	sld [smem:$0x3FB2]  }
0x2f: {  	lr =	sadd.s32 s0, s3;
	s0 =	sld [smem:$0x3FA9]  }
0x30: {  	s3 =	sld [smem:$0x3FAC]  }
0x31: {  	[smem:$0x3FB5] =	sst s10  }
0x32: {  	s10 =	sld [smem:$0x3FB3];
	_ =	sdelay $0x3  }
0x33: {  	p0 =	seq.s32 s10, $0x1;
	s10 =	sld [smem:$0x3FB5];
	_ =	sdelay $0x3  }
0x34: {  	[smem:$0x3FB5] =	sst s10  }
0x35: {  	s10 =	sld [smem:$0x3FB4];
	_ =	sdelay $0x3  }
0x36: {  	p1 =	seq.s32 s10, $0x1;
	s10 =	sld [smem:$0x3FB5];
	_ =	sdelay $0x3  }
0x37: {  	[smem:$0x3FB5] =	sst s10  }
0x38: {  	s10 =	sld [smem:$0x3FB6]  }
0x39: {  	_ = 	snop;
	(pc) =	sbr.ind lr, $3  }
0x3a: {  	_ = 	snop  }
0x3b: {  	_ = 	snop  }
0x3c: {  	p2 =	seq.s32 s10, $0x1;
	s10 =	sld [smem:$0x3FB5]  }
0x3d: {  	_ =	shalt  }
0x3e: {  	_ =	shalt  }
0x3f: {  	_ =	shalt  }
0x40: {  	_ =	shalt  }
0x41: {  	_ =	shalt  }
0x42: {  	_ =	shalt  }
0x43: {  	_ =	shalt  }
0x44: {  	_ =	shalt  }
0x45: {  	_ =	shalt  }
0x46: {  	_ =	shalt  }
0x47: {  	_ =	shalt  }
0x48: {  	_ =	shalt  }
0x49: {  	_ =	shalt  }
0x4a: {  	_ =	shalt  }
0x4b: {  	_ =	shalt  }
0x4c: {  	_ =	shalt  }
0x4d: {  	_ =	shalt  }
0x4e: {  	_ =	shalt  }
0x4f: {  	_ =	shalt  }
0x50: {  	_ =	shalt  }
0x51: {  	_ =	shalt  }
0x52: {  	_ =	shalt  }
0x53: {  	_ =	shalt  }
0x54: {  	_ =	shalt  }
0x55: {  	_ =	shalt  }
0x56: {  	_ =	shalt  }
0x57: {  	_ =	shalt  }
0x58: {  	_ =	shalt  }
0x59: {  	_ =	shalt  }
0x5a: {  	_ =	shalt  }
0x5b: {  	_ =	shalt  }
0x5c: {  	_ =	shalt  }
0x5d: {  	_ =	shalt  }
0x5e: {  	_ =	shalt  }
0x5f: {  	_ =	shalt  }
0x60: {  	_ =	shalt  }
0x61: {  	_ =	shalt  }
0x62: {  	_ =	shalt  }
0x63: {  	_ =	shalt  }
0x64: {  	_ =	shalt  }
0x65: {  	_ =	shalt  }
0x66: {  	_ =	shalt  }
0x67: {  	_ =	shalt  }
0x68: {  	_ =	shalt  }
0x69: {  	_ =	shalt  }
0x6a: {  	_ =	shalt  }
0x6b: {  	_ =	shalt  }
0x6c: {  	_ =	shalt  }
0x6d: {  	_ =	shalt  }
0x6e: {  	_ =	shalt  }
0x6f: {  	_ =	shalt  }
0x70: {  	_ =	shalt  }
0x71: {  	_ =	shalt  }
0x72: {  	_ =	shalt  }
0x73: {  	_ =	shalt  }
0x74: {  	_ =	shalt  }
0x75: {  	_ =	shalt  }
0x76: {  	_ =	shalt  }
0x77: {  	_ =	shalt  }
0x78: {  	_ =	shalt  }
0x79: {  	_ =	shalt  }
0x7a: {  	_ =	shalt  }
0x7b: {  	_ =	shalt  }
0x7c: {  	_ =	shalt  }
0x7d: {  	_ =	shalt  }
0x7e: {  	_ =	shalt  }
0x7f: {  	_ =	shalt  }
0x80: {  	_ =	shalt  }
0x81: {  	_ =	shalt  }
0x82: {  	_ =	shalt  }
0x83: {  	_ =	shalt  }
0x84: {  	_ =	shalt  }
0x85: {  	_ =	shalt  }
0x86: {  	_ =	shalt  }
0x87: {  	_ =	shalt  }
.Lfunc_end0:
.L_simem_size_0:
called_computation_lowered:
.L_overlay_start_0:
0x88: {  	s2 =	sld [smem:$0x3FD9]  }
0x89: {  	s3 =	sld [smem:$0x3FFE];
	_ =	sdelay $0x1  }
0x8a: {  	s1 =	srdreg.scid  }
0x8b: {  	s0 =	sand.u32 $0x1, s1  }
0x8c: {  	s14 =	sshll.u32 s0, $0xA;
	s2 =	sadd.s32 s3, s2  }
0x8d: {  	s2 =	sadd.s32 s2, s14  }
0x8e: {  	[smem:$0x3FC1] =	sst s2  }
0x8f: {  	_ = 	snop  }
0x90: {  	s2 =	sld [smem:$0x3FC8]  }
0x91: {  	s15 =	sld [smem:$0x3FD0]  }
0x92: {  	s4 =	sld [smem:$0x3FC7]  }
0x93: {  	s5 =	sld [smem:$0x3FC6]  }
0x94: {  	s7 =	simm.s32 $0xA;
	s8 =	simm.s32 $0x10;
	s6 =	sld [smem:$0x3FC3]  }
0x95: {  	[smem:s8], [sflag:s7] =	dma.local [hbm:s15], $0x1  }
0x96: {  	_ =	swait.eq [sflag:s7], $0x1  }
0x97: {  	[sflag:s7] =	ssyncset.done $0x0  }
0x98: {  	[sflag:s7] =	ssyncadd.s32 $0xFFFFFFFF  }
0x99: {  	s16 =	sld [smem:$0x11];
	(tm) =	ssettm $0x1  }
0x9a: {  	s17 =	sld [smem:$0x3FFB];
	_ =	sdelay $0x3  }
0x9b: {  	_ =	strace s17  }
0x9c: {  	s7 =	sld [smem:$0x3FFC];
	_ =	sdelay $0x3  }
0x9d: {  	_ =	strace s7  }
0x9e: {  	s7 =	sld [smem:$0x3FFD];
	_ =	sdelay $0x3  }
0x9f: {  	_ =	strace s7  }
0xa0: {  	_ =	strace $0x8FFFFFFF  }
0xa1: {  	s18 =	sld [smem:$0x3FDB];
	_ =	sdelay $0x1  }
0xa2: {  	s19 =	simm.s32 $_scs_section_size  }
0xa3: {  	s9 =	simm.s32 $_size__tile_overlayer_lowered;
	s10 =	simm.s32 $_tile_overlayer_lowered  }
0xa4: {  	s22 =	simm.s32 $0x1BFF;
	s21 =	sshll.u32 s10, $0x1;
	s7 =	sadd.s32 s19, s18  }
0xa5: {  	s11 =	simm.s32 $0x0;
	s20 =	sshll.u32 s9, $0x1;
	s9 =	sadd.s32 s21, s7  }
0xa6: {  	[timem:s11], [sflag:s22] =	dma.local [hbm:s9], s20  }
0xa7: {  	_ =	swait.ge [sflag:s22], s20  }
0xa8: {  	s8 =	ssub.s32 $0x0, s20;
	[sflag:s22] =	ssyncset.done $0x0  }
0xa9: {  	[sflag:s22] =	ssyncadd.s32 s8;
	_ =	sdelay $0x1  }
0xaa: {  	s23 =	simm.s32 $0x1B8B  }
0xab: {  	_ =	swait.ge [sflag:s23], $0x1  }
0xac: {  	[sflag:s23] =	ssyncset.done $0x0  }
0xad: {  	s25 =	simm.s32 $0x1B8E;
	s24 =	sld [smem:$0x3FFE];
	[sflag:s23] =	ssyncadd.s32 $0xFFFFFFFF  }
0xae: {  	s26 =	simm.s32 $execute0_lowered;
	[smem:$0x3FD2] =	sst s25  }
0xaf: {  	s9 =	sshll.u32 s26, $0x1;
	_ =	strace $0x80000046;
	[dreg:$0x1] =	wrdreg $0xFFFFFFFF  }
0xb0: {  	s28 =	simm.s32 $_size_execute0_lowered;
	s7 =	sadd.s32 s7, s9;
	[dreg:$0x0] =	wrdreg $0x0  }
0xb1: {  	s9 =	sshll.u32 s28, $0x1;
	[dreg:$0x2] =	wrdreg s7  }
0xb2: {  	[dreg:$0x3] =	wrdreg s9  }
0xb3: {  	[dreg:$0x4] =	wrdreg $0xC0  }
0xb4: {  	_ =	task [dreg:s11], $0x5FFFF  }
0xb5: {  	[dreg:$0x1] =	wrdreg $0xFFFFFFFF  }
0xb6: {  	[dreg:$0x0] =	wrdreg $0x60  }
0xb7: {  	[dreg:$0x2] =	wrdreg s16  }
0xb8: {  	[dreg:$0x3] =	wrdreg s6  }
0xb9: {  	[dreg:$0x4] =	wrdreg s2  }
0xba: {  	[dreg:$0x5] =	wrdreg s5  }
0xbb: {  	[dreg:$0x6] =	wrdreg s4  }
0xbc: {  	[dreg:$0x7] =	wrdreg s24  }
0xbd: {  	[dreg:$0x8] =	wrdreg $0x128000  }
0xbe: {  	[dreg:$0x9] =	wrdreg $0x9  }
0xbf: {  	_ =	task.clear_ibuf [dreg:s11], $0xAFFFF;
	_ =	strace $0x90000046  }
0xc0: {  	s29 =	simm.s32 $0x9;
	_ =	strace $0x80000048  }
0xc1: {  	_ =	swait.ge [sflag:s29], $0x1  }
0xc2: {  	[sflag:s29] =	ssyncadd.s32 $0xFFFFFFFF  }
0xc3: {  	_ =	strace $0x90000048  }
0xc4: {  	_ =	sfence  }
0xc5: {  	s30 =	sld [smem:$0x0];
	_ =	sdelay $0x2  }
0xc6: {  	s31 =	sshll.u32 s1, $0xD;
	s1 =	sshrl.u32 s1, $0x2  }
0xc7: {  	s3 =	sand.u32 $0x4000, s31;
	s1 =	sadd.s32 s1, s30  }
0xc8: {  	s0 =	sor.u32 s3, s0;
	s1 =	sshll.u32 s1, $0x11  }
0xc9: {  	s0 =	sor.u32 s1, s0  }
0xca: {  	s0 =	sadd.s32 $0x8F2B, s0  }
0xcb: {  	[sflag:s0] =	ssyncadd.remote.s32 $0x1  }
0xcc: {  	_ =	sfence.sel $0xFFFF  }
0xcd: {  	[dreg:$0x0] =	wrdreg $0xFFFFFFFF;
	(pc) =	sbr.abs _section_cstart, $3  }
0xce: {  	[dreg:$0x1] =	wrdreg $0xFFFFFFFF  }
0xcf: {  	_ =	task.clear_ibuf [dreg:s11], $0x2FFFF;
	_ =	strace $0x9FFFFFFF  }
0xd0: {  	(tm) =	ssettm $0x7FFFFFFF  }
0xd1: {  	_ =	shalt  }
tec
execute0_lowered:
.L_overlay_start_1:
0x0: {  	(tag) =	ssettag $0x1  }
0x1: {  	s0 =	rddreg [dreg:$0x0]  }
0x2: {  	s1 =	rddreg [dreg:$0x2]  }
0x3: {  	s2 =	rddreg [dreg:$0x3]  }
0x4: {  	s5 =	rddreg [dreg:$0x4]  }
0x5: {  	s6 =	rddreg [dreg:$0x5]  }
0x6: {  	s3 =	rddreg [dreg:$0x6]  }
0x7: {  	s7 =	srdreg.scid;
	s11 =	stileid.u32;
	s4 =	simm.s32 $0x0  }
0x8: {  	s15 =	simm.s32 $0x1;
	s16 =	simm.s32 $0x40;
	s19 =	simm.s32 $0x8  }
0x9: {  	s31 =	simm.s32 $0x3;
	s18 =	simm.s32 $0x10780;
	s30 =	simm.s32 $0x7  }
0xa: {  	s20 =	simm.s32 $0xB;
	s23 =	simm.s32 $0x5;
	s29 =	simm.s32 $0xC  }
0xb: {  	s24 =	simm.s32 $0x9;
	s12 =	simm.s32 $0xE;
	s13 =	simm.s32 $0x0  }
0xc: {  	s7 =	sand.u32 $0x1, s7;
	s8 =	sshll.u32 s11, $0x1;
	[smem:$0x7FF] =	sst s4  }
0xd: {  	p0 =	sne.s32 s11, $0x0;
	s11 =	simm.s32 $0xD;
	s8 =	sor.u32 s7, s8  }
0xe: {  	_ =	strace $0x80000047;
	s7 =	ssub.s32 $0x2, s7;
	s14 =	sshrl.u32 @!p0 s3, $0x3  }
0xf: {  	s9 =	sshll.u32 s8, $0x5;
	s8 =	sshll.u32 s8, $0x4;
	s25 =	sshrl.u32 s7, $0x1  }
0x10: {  	s10 =	sadd.s32 $0x3F0, s9;
	s6 =	sadd.s32 s8, s6;
	s1 =	sadd.s32 s1, s9  }
0x11: {  	s7 =	ssub.s32 s7, s25;
	s28 =	sadd.s32 s5, s9;
	[dreg:$0x8] =	wrdreg s1  }
0x12: {  	s25 =	simm.s32 $0x2;
	s10 =	sand.u32 $0x3F0, s10;
	[dreg:$0xa] =	wrdreg s28  }
0x13: {  	v0 =	vlaneseq.u32;
	s1 =	simm.s32 $0xA;
	s26 =	sadd.s32 s10, s2;
	s2 =	sadd.s32 s2, s9  }
0x14: {  	v0 =	vmul.u32 $0x80, v0;
	s9 =	sadd.s32 $0x600, s6;
	s10 =	smax.u32 s7, $0x1;
	[dreg:$0x9] =	wrdreg s2  }
0x15: {  	s8 =	sadd.s32 $0xF, s26;
	s2 =	simm.s32 $0x6;
	s26 =	simm.s32 $0x4  }
.LBB2_1:
0x16: {  	s5 =	rddreg [dreg:$0x8]  }
0x17: {  	[tilespmem:s4], [sflag:$0x1] =	stream.linear.gather [hbm4b:s5+s4], $0x100, $0x38;
	[tilespmem:$0x13800] =	vst v63  }
0x18: {  	s17 =	rddreg [dreg:$0x9];
	s7 =	simm.s32 $0x100  }
0x19: {  	[tilespmem:s7], [sflag:$0x1] =	stream.linear.gather [hbm4b:s17+s4], $0x100, $0x38;
	[tilespmem:$0x13800] =	vst v63  }
0x1a: {  	s21 =	rddreg [dreg:$0xa];
	s17 =	simm.s32 $0x200  }
0x1b: {  	[tilespmem:s17], [sflag:$0x1] =	stream.linear.gather [hbm4b:s21+s4], $0x100, $0x38;
	[tilespmem:$0x13800] =	vst v63  }
0x1c: {  	s6 =	rddreg [dreg:$0x1];
	s5 =	simm.s32 @!p0 $0x1C0E;
	s21 =	simm.s32 $0x300  }
0x1d: {  	[tilespmem:s21], [sflag:$0x1] =	stream.linear.gather [hbm4b:s8+s4], $0x8, $0x38;
	[tilespmem:$0x13800] =	vst v63  }
0x1e: {  	[spmem:s14], [sflag:s5] =	dma.local @!p0 [hbm:s6], $0x2000  }
0x1f: {  	s5 =	simm.s32 @!p0 $0xE  }
0x20: {  	_ =	swait.ge @!p0 [sflag:s5], $0x2000  }
0x21: {  	[sflag:s5] =	ssyncset.done @!p0 $0x0  }
0x22: {  	[sflag:s5] =	ssyncadd.s32 @!p0 $0xFFFFE000  }
0x23: {  	_ =	swait.ge [sflag:s15], $0x100  }
0x24: {  	[sflag:s15] =	ssyncset.done $0x0  }
0x25: {  	[sflag:s15] =	ssyncadd.s32 $0xFFFFFF00  }
0x26: {  	_ =	swait.ge [sflag:s15], $0x100  }
0x27: {  	[sflag:s15] =	ssyncset.done $0x0  }
0x28: {  	[sflag:s15] =	ssyncadd.s32 $0xFFFFFF00  }
0x29: {  	_ =	swait.ge [sflag:s15], $0x100  }
0x2a: {  	[sflag:s15] =	ssyncset.done $0x0  }
0x2b: {  	[sflag:s15] =	ssyncadd.s32 $0xFFFFFF00  }
0x2c: {  	_ =	swait.ge [sflag:s15], $0x8  }
0x2d: {  	[sflag:s15] =	ssyncset.done $0x0  }
0x2e: {  	[sflag:s15] =	ssyncadd.s32 $0xFFFFFFF8  }
0x2f: {  	s5 =	simm.s32 $0x380;
	[bflag:$0x0] =	sbarrier.arrive $0xFFFF  }
0x30: {  	[tilespmem:s5], [sflag:$0x2] =	stream.indirect.gather [spmem:s3], $0x80, s17, s16, $0xb8;
	[tilespmem:$0x13800] =	vst v63  }
0x31: {  	s22 =	simm.s32 $0x8380  }
0x32: {  	[tilespmem:s22], [sflag:$0xA] =	stream.indirect.gather [hbm4b:s0+s16], $0x80, s7, s16, $0xb8;
	[tilespmem:$0x13800] =	vst v63  }
0x33: {  	s7 =	simm.s32 $0x10380  }
0x34: {  	[tilespmem:s7], [sflag:$0xA] =	stream.indirect.gather [hbm4b:s0+s19], $0x80, s21, s19, $0xb8;
	[tilespmem:$0x13800] =	vst v63  }
0x35: {  	s17 =	simm.s32 $0x240;
	s7 =	simm.s32 $0x2380  }
0x36: {  	[tilespmem:s7], [sflag:$0x3] =	stream.indirect.gather [spmem:s3], $0x80, s17, s16, $0xb8;
	[tilespmem:$0x13800] =	vst v63  }
0x37: {  	s22 =	simm.s32 $0xA380;
	s21 =	simm.s32 $0x140  }
0x38: {  	[tilespmem:s22], [sflag:$0xB] =	stream.indirect.gather [hbm4b:s0+s16], $0x80, s21, s16, $0xb8;
	[tilespmem:$0x13800] =	vst v63  }
0x39: {  	_ =	swait.ge [sflag:s25], $0x2000  }
0x3a: {  	[sflag:s25] =	ssyncset.done $0x0  }
0x3b: {  	[sflag:s25] =	ssyncadd.s32 $0xFFFFE000  }
0x3c: {  	[tilespmem:s5], [sflag:$0x6] =	stream.indirect.gather.add.f32 [hbm:s0], $0x80, s4, s16, $0xb8;
	[tilespmem:$0x13800] =	vst v63  }
0x3d: {  	s6 =	simm.s32 $0x280;
	s17 =	simm.s32 $0x4380  }
0x3e: {  	[tilespmem:s17], [sflag:$0x4] =	stream.indirect.gather [spmem:s3], $0x80, s6, s16, $0xb8;
	[tilespmem:$0x13800] =	vst v63  }
0x3f: {  	s21 =	simm.s32 $0x180;
	s22 =	simm.s32 $0xC380  }
0x40: {  	[tilespmem:s22], [sflag:$0xC] =	stream.indirect.gather [hbm4b:s0+s16], $0x80, s21, s16, $0xb8;
	[tilespmem:$0x13800] =	vst v63  }
0x41: {  	_ =	swait.ge [sflag:s31], $0x2000  }
0x42: {  	[sflag:s31] =	ssyncset.done $0x0  }
0x43: {  	[sflag:s31] =	ssyncadd.s32 $0xFFFFE000  }
0x44: {  	[tilespmem:s7], [sflag:$0x7] =	stream.indirect.gather.add.f32 [hbm:s0], $0x80, s16, s16, $0xb8;
	[tilespmem:$0x13800] =	vst v63  }
0x45: {  	_ =	swait.ge [sflag:s2], $0x2000  }
0x46: {  	[sflag:s2] =	ssyncset.done $0x0  }
0x47: {  	[sflag:s2] =	ssyncadd.s32 $0xFFFFE000  }
0x48: {  	_ =	swait.ge [sflag:s1], $0x2000  }
0x49: {  	[sflag:s1] =	ssyncset.done $0x0  }
0x4a: {  	[sflag:s1] =	ssyncadd.s32 $0xFFFFE000  }
0x4b: {  	_ =	swait.ge [sflag:s1], $0x400  }
0x4c: {  	[sflag:s1] =	ssyncset.done $0x0  }
0x4d: {  	[sflag:s1] =	ssyncadd.s32 $0xFFFFFC00  }
0x4e: {  	v1 =	vld [tilespmem:$0x380]  }
0x4f: {  	v10 =	vld [tilespmem:$0x8380]  }
0x50: {  	v2 =	vld [tilespmem:$0x10700]  }
0x51: {  	v3 =	vld [tilespmem:$0x390]  }
0x52: {  	v4 =	vld [tilespmem:$0x8390];
	_ =	sdelay $0x1  }
0x53: {  	v5 =	vld [tilespmem:$0x10710]  }
0x54: {  	v6 =	vld [tilespmem:$0x83A0];
	v7 =	vsub.f32 v1, v10;
	v1 =	vsub.f32 v1, v2  }
0x55: {  	v2 =	vld [tilespmem:$0x3A0]  }
0x56: {  	v8 =	vsub.f32 v3, v4;
	v7 =	vand.u32 $0x7FFFFFFF, v7;
	v1 =	vand.u32 $0x7FFFFFFF, v1  }
0x57: {  	v1 =	vsub.f32 v7, v1;
	v7 =	vld [tilespmem:$0x10720]  }
0x58: {  	v9 =	vld [tilespmem:$0x83B0];
	v3 =	vsub.f32 v3, v5;
	v8 =	vand.u32 $0x7FFFFFFF, v8  }
0x59: {  	v5 =	vld [tilespmem:$0x3B0];
	v1 =	vadd.f32 v8, v1  }
0x5a: {  	v3 =	vand.u32 $0x7FFFFFFF, v3;
	v8 =	vsub.f32 v2, v6  }
0x5b: {  	v1 =	vsub.f32 v1, v3;
	v3 =	vld [tilespmem:$0x10730]  }
0x5c: {  	v13 =	vld [tilespmem:$0x83C0];
	v8 =	vand.u32 $0x7FFFFFFF, v8;
	v2 =	vsub.f32 v2, v7  }
0x5d: {  	v7 =	vld [tilespmem:$0x3C0];
	v1 =	vadd.f32 v8, v1  }
0x5e: {  	v8 =	vsub.f32 v5, v9;
	v2 =	vand.u32 $0x7FFFFFFF, v2  }
0x5f: {  	v1 =	vsub.f32 v1, v2;
	v2 =	vld [tilespmem:$0x10740]  }
0x60: {  	v8 =	vand.u32 $0x7FFFFFFF, v8;
	v3 =	vsub.f32 v5, v3;
	v5 =	vld [tilespmem:$0x3D0]  }
0x61: {  	v8 =	vadd.f32 v8, v1;
	v1 =	vld [tilespmem:$0x83D0]  }
0x62: {  	v11 =	vsub.f32 v7, v13;
	v3 =	vand.u32 $0x7FFFFFFF, v3  }
0x63: {  	v3 =	vsub.f32 v8, v3;
	v8 =	vld [tilespmem:$0x10750]  }
0x64: {  	v15 =	vld [tilespmem:$0x83E0];
	v11 =	vand.u32 $0x7FFFFFFF, v11;
	v2 =	vsub.f32 v7, v2  }
0x65: {  	v7 =	vld [tilespmem:$0x3E0];
	v3 =	vadd.f32 v11, v3  }
0x66: {  	v2 =	vand.u32 $0x7FFFFFFF, v2;
	v11 =	vsub.f32 v5, v1  }
0x67: {  	v2 =	vsub.f32 v3, v2;
	v3 =	vld [tilespmem:$0x10760]  }
0x68: {  	v12 =	vld [tilespmem:$0x83F0];
	v11 =	vand.u32 $0x7FFFFFFF, v11;
	v5 =	vsub.f32 v5, v8  }
0x69: {  	v8 =	vld [tilespmem:$0x3F0];
	v2 =	vadd.f32 v11, v2  }
0x6a: {  	v11 =	vsub.f32 v7, v15;
	v5 =	vand.u32 $0x7FFFFFFF, v5  }
0x6b: {  	v2 =	vsub.f32 v2, v5;
	v5 =	vld [tilespmem:$0x10770]  }
0x6c: {  	v11 =	vand.u32 $0x7FFFFFFF, v11;
	v3 =	vsub.f32 v7, v3  }
0x6d: {  	v2 =	vadd.f32 v11, v2  }
0x6e: {  	v7 =	vsub.f32 v8, v12;
	v3 =	vand.u32 $0x7FFFFFFF, v3  }
0x6f: {  	v2 =	vsub.f32 v2, v3  }
0x70: {  	v3 =	vand.u32 $0x7FFFFFFF, v7;
	v5 =	vsub.f32 v8, v5  }
0x71: {  	v2 =	vadd.f32 v3, v2  }
0x72: {  	v3 =	vand.u32 $0x7FFFFFFF, v5  }
0x73: {  	v2 =	vsub.f32 v2, v3;
	_ =	sdelay $0x1  }
0x74: {  	s17 =	simm.s32 $0x4C0;
	[tilespmem:$0x10780] =	vst v2  }
0x75: {  	s22 =	simm.s32 $0x84C0;
	v3 =	vld [tilespmem:s17+$0xFFFFFF50]  }
0x76: {  	v14 =	vld [tilespmem:s22+$0xFFFFFF50]  }
0x77: {  	v16 =	vld [tilespmem:s17+$0xFFFFFFB0]  }
0x78: {  	v2 =	vld [tilespmem:s22+$0x30]  }
0x79: {  	v17 =	vld [tilespmem:s17+$0x30]  }
0x7a: {  	v18 =	vld [tilespmem:s22+$0xFFFFFFB0]  }
0x7b: {  	v19 =	vld [tilespmem:s17+$0x60]  }
0x7c: {  	v20 =	vld [tilespmem:s22+$0x60]  }
0x7d: {  	v5 =	vld [tilespmem:s22+$0xE0]  }
0x7e: {  	v21 =	vld [tilespmem:s17+$0xE0]  }
0x7f: {  	v23 =	vld [tilespmem:s17+$0xFFFFFF40]  }
0x80: {  	v24 =	vld [tilespmem:s22+$0x50]  }
0x81: {  	v7 =	vld [tilespmem:s22+$0xD0]  }
0x82: {  	v25 =	vld [tilespmem:s17+$0xD0]  }
0x83: {  	v11 =	vld [tilespmem:s22+$0xC0]  }
0x84: {  	v26 =	vld [tilespmem:s17+$0xC0]  }
0x85: {  	v27 =	vld [tilespmem:s22+$0x40]  }
0x86: {  	v33 =	vld [tilespmem:s22+$0xFFFFFF40]  }
0x87: {  	v34 =	vld [tilespmem:s17+$0x50]  }
0x88: {  	v38 =	vld [tilespmem:s22+$0x70]  }
0x89: {  	v60 =	vld [tilespmem:s17+$0xFFFFFFE0]  }
0x8a: {  	v39 =	vld [tilespmem:s22+$0xFFFFFF60];
	v28 =	vsub.f32 v3, v4  }
0x8b: {  	v61 =	vld [tilespmem:s22+$0x80];
	v30 =	vsub.f32 v3, v14;
	v3 =	vsub.f32 v16, v12  }
0x8c: {  	v41 =	vld [tilespmem:s17+$0xFFFFFFF0];
	v8 =	vsub.f32 v17, v2;
	v4 =	vsub.f32 v16, v18  }
0x8d: {  	v44 =	vld [tilespmem:s17+$0x70];
	v31 =	vsub.f32 v19, v20;
	v32 =	vsub.f32 v21, v5  }
0x8e: {  	v45 =	vld [tilespmem:s22+$0xFFFFFF70];
	v20 =	vsub.f32 v21, v20;
	v21 =	vsub.f32 v23, v10  }
0x8f: {  	v53 =	vld [tilespmem:s17+$0x80];
	v10 =	vsub.f32 v17, v18;
	v17 =	vsub.f32 v25, v24  }
0x90: {  	v29 =	vld [tilespmem:s17+$0x40];
	v25 =	vsub.f32 v25, v7;
	v35 =	vsub.f32 v26, v11  }
0x91: {  	v22 =	vld [tilespmem:s22+$0xFFFFFFD0];
	v26 =	vsub.f32 v26, v27;
	v24 =	vsub.f32 v34, v24  }
0x92: {  	v12 =	vld [tilespmem:s22+$0xFFFFFFC0];
	v23 =	vsub.f32 v23, v33;
	v62 =	vsub.f32 v60, v39  }
0x93: {  	v16 =	vld [tilespmem:s17+$0xFFFFFFC0];
	v52 =	vsub.f32 v44, v38;
	v54 =	vsub.f32 v41, v45  }
0x94: {  	v18 =	vld [tilespmem:s17+$0xFFFFFFD0];
	v47 =	vsub.f32 v53, v61;
	v21 =	vand.u32 $0x7FFFFFFF, v21;
	v37 =	vand.u32 $0x7FFFFFFF, v17  }
0x95: {  	v17 =	vsub.f32 v29, v27;
	v27 =	vand.u32 $0x7FFFFFFF, v35;
	v26 =	vand.u32 $0x7FFFFFFF, v26  }
0x96: {  	v63 =	vld [tilespmem:s22+$0xFFFFFFF0];
	v32 =	vand.u32 $0x7FFFFFFF, v32;
	v23 =	vand.u32 $0x7FFFFFFF, v23;
	v26 =	vsub.f32 v27, v26  }
0x97: {  	v36 =	vld [tilespmem:s17+$0xFFFFFF80];
	v30 =	vand.u32 $0x7FFFFFFF, v30;
	v21 =	vsub.f32 v23, v21;
	v29 =	vsub.f32 v29, v12  }
0x98: {  	v40 =	vld [tilespmem:s17+$0xF0];
	v28 =	vand.u32 $0x7FFFFFFF, v28;
	v12 =	vsub.f32 v16, v12;
	v16 =	vsub.f32 v16, v33  }
0x99: {  	v17 =	vand.u32 $0x7FFFFFFF, v17;
	v14 =	vsub.f32 v18, v14;
	v18 =	vsub.f32 v18, v22  }
0x9a: {  	v23 =	vld [tilespmem:s17+$0x100];
	v22 =	vsub.f32 v34, v22;
	v34 =	vand.u32 $0x7FFFFFFF, v62;
	v30 =	vadd.f32 v30, v21  }
0x9b: {  	v57 =	vld [tilespmem:s22+$0xFFFFFF80];
	v62 =	vsub.f32 v44, v63;
	v27 =	vand.u32 $0x7FFFFFFF, v29;
	v12 =	vand.u32 $0x7FFFFFFF, v12  }
0x9c: {  	v16 =	vand.u32 $0x7FFFFFFF, v16;
	v42 =	vand.u32 $0x7FFFFFFF, v22;
	v43 =	vand.u32 $0x7FFFFFFF, v14  }
0x9d: {  	v29 =	vld [tilespmem:s17+$0xFFFFFF60];
	v14 =	vsub.f32 v36, v13;
	v22 =	vand.u32 $0x7FFFFFFF, v25;
	v25 =	vsub.f32 v40, v38  }
0x9e: {  	v31 =	vand.u32 $0x7FFFFFFF, v31;
	v27 =	vsub.f32 v17, v27;
	v16 =	vsub.f32 v12, v16  }
0x9f: {  	v18 =	vand.u32 $0x7FFFFFFF, v18;
	v17 =	vld [tilespmem:s22+$0xFFFFFFE0];
	v22 =	vadd.f32 v22, v26;
	v58 =	vsub.f32 v23, v61  }
0xa0: {  	v21 =	vand.u32 $0x7FFFFFFF, v24;
	v12 =	vld [tilespmem:s22+$0xF0];
	v61 =	vsub.f32 v36, v57;
	v16 =	vadd.f32 v18, v16  }
0xa1: {  	v46 =	vld [tilespmem:s22+$0x0];
	v48 =	vand.u32 $0x7FFFFFFF, v54;
	v22 =	vsub.f32 v22, v37;
	v56 =	vadd.f32 v21, v27  }
0xa2: {  	v18 =	vand.u32 $0x7FFFFFFF, v20;
	v20 =	vld [tilespmem:s17+$0xFFFFFF70];
	v6 =	vsub.f32 v29, v6;
	v29 =	vsub.f32 v29, v39  }
0xa3: {  	v55 =	vld [tilespmem:s17+$0x0];
	v25 =	vand.u32 $0x7FFFFFFF, v25;
	v24 =	vadd.f32 v32, v22;
	v16 =	vsub.f32 v16, v43  }
0xa4: {  	v49 =	vld [tilespmem:s17+$0xFFFFFFA0];
	v21 =	vand.u32 $0x7FFFFFFF, v52;
	v32 =	vsub.f32 v30, v28;
	v19 =	vsub.f32 v19, v17  }
0xa5: {  	v35 =	vld [tilespmem:s22+$0x10];
	v13 =	vsub.f32 v40, v12;
	v26 =	vsub.f32 v60, v17;
	v17 =	vand.u32 $0x7FFFFFFF, v6  }
0xa6: {  	v33 =	vld [tilespmem:s17+$0x120];
	v18 =	vsub.f32 v24, v18;
	v22 =	vand.u32 $0x7FFFFFFF, v19;
	v19 =	vsub.f32 v41, v63  }
0xa7: {  	v6 =	vld [tilespmem:s22+$0x100];
	v26 =	vand.u32 $0x7FFFFFFF, v26;
	v60 =	vsub.f32 v20, v9;
	v20 =	vsub.f32 v20, v45  }
0xa8: {  	v27 =	vld [tilespmem:s22+$0x90];
	v59 =	vand.u32 $0x7FFFFFFF, v13;
	v41 =	vsub.f32 v56, v42;
	v63 =	vsub.f32 v55, v46  }
0xa9: {  	v43 =	vand.u32 $0x7FFFFFFF, v58;
	v24 =	vld [tilespmem:s17+$0x110];
	v16 =	vadd.f32 v26, v16;
	v30 =	vadd.f32 v59, v18  }
0xaa: {  	v38 =	vld [tilespmem:s17+$0x10];
	v19 =	vand.u32 $0x7FFFFFFF, v19;
	v36 =	vand.u32 $0x7FFFFFFF, v20;
	v42 =	vadd.f32 v31, v41  }
0xab: {  	v13 =	vld [tilespmem:s22+$0x110];
	v31 =	vand.u32 $0x7FFFFFFF, v47;
	v44 =	vand.u32 $0x7FFFFFFF, v63;
	v9 =	vsub.f32 v16, v34  }
0xac: {  	v37 =	vld [tilespmem:s17+$0x90];
	v41 =	vand.u32 $0x7FFFFFFF, v62;
	v16 =	vsub.f32 v55, v57;
	v23 =	vsub.f32 v23, v6  }
0xad: {  	v26 =	vld [tilespmem:s22+$0xFFFFFFA0];
	v34 =	vand.u32 $0x7FFFFFFF, v29;
	v29 =	vsub.f32 v53, v46;
	v25 =	vsub.f32 v30, v25  }
0xae: {  	v18 =	vld [tilespmem:s22+$0xFFFFFF90];
	v50 =	vadd.f32 v19, v9;
	v9 =	vsub.f32 v24, v27;
	v23 =	vand.u32 $0x7FFFFFFF, v23  }
0xaf: {  	v39 =	vld [tilespmem:s17+$0x20];
	v28 =	vand.u32 $0x7FFFFFFF, v16;
	v16 =	vsub.f32 v49, v15;
	v15 =	vadd.f32 v23, v25  }
0xb0: {  	v40 =	vld [tilespmem:s22+$0x20];
	v19 =	vand.u32 $0x7FFFFFFF, v29;
	v20 =	vsub.f32 v24, v13;
	v24 =	vand.u32 $0x7FFFFFFF, v60  }
0xb1: {  	s28 =	simm.s32 $0x10880;
	s5 =	simm.s32 $0x1;
	v29 =	vld [tilespmem:s17+$0xFFFFFF90];
	v30 =	vand.u32 $0x7FFFFFFF, v9;
	v25 =	vand.u32 $0x7FFFFFFF, v61;
	v15 =	vsub.f32 v15, v43  }
0xb2: {  	s6 =	simm.s32 $0x6C0;
	s21 =	simm.s32 $0x10880;
	s7 =	simm.s32 $0x86C0;
	v9 =	vld [tilespmem:s22+$0x120];
	v20 =	vand.u32 $0x7FFFFFFF, v20;
	v23 =	vsub.f32 v49, v26;
	v43 =	vsub.f32 v50, v48  }
.LBB2_2:
0xb3: {  	v45 =	vld [tilespmem:s6+$0xFFFFFF50];
	s5 =	sadd.s32 $0x4, s5;
	v46 =	vsub.f32 v38, v18;
	v47 =	vadd.f32 v20, v15;
	s21 =	sadd.s32 $0x200, s21;
	v20 =	vmovc v5;
	v48 =	vmovc v11;
	v15 =	vmov v12  }
0xb4: {  	v5 =	vadd.f32 v34, v32;
	v11 =	vsub.f32 v38, v35;
	v12 =	vld [tilespmem:s7+$0xFFFFFF50];
	p1 =	slt.u32 s5, $0x39  }
0xb5: {  	v22 =	vsub.f32 v42, v22;
	v27 =	vsub.f32 v37, v27;
	v32 =	vld [tilespmem:s22+$0xA0]  }
0xb6: {  	v34 =	vadd.f32 v44, v43;
	v5 =	vsub.f32 v5, v17;
	v11 =	vand.u32 $0x7FFFFFFF, v11;
	v38 =	vld [tilespmem:s17+$0xA0]  }
0xb7: {  	v35 =	vsub.f32 v37, v35;
	v22 =	vadd.f32 v21, v22;
	v37 =	vld [tilespmem:s22+$0x130]  }
0xb8: {  	v27 =	vand.u32 $0x7FFFFFFF, v27;
	v17 =	vsub.f32 v45, v7;
	v7 =	vadd.f32 v36, v5;
	v36 =	vld [tilespmem:s17+$0xB0]  }
0xb9: {  	v35 =	vand.u32 $0x7FFFFFFF, v35;
	v5 =	vsub.f32 v39, v40;
	v21 =	vsub.f32 v45, v12;
	v42 =	vld [tilespmem:s6+$0xFFFFFFB0]  }
0xba: {  	v26 =	vsub.f32 v39, v26;
	v22 =	vsub.f32 v22, v41;
	v39 =	vld [tilespmem:s22+$0xB0];
	s22 =	smov.u32 s7  }
0xbb: {  	v28 =	vsub.f32 v34, v28;
	v34 =	vand.u32 $0x7FFFFFFF, v46;
	v40 =	vsub.f32 v38, v40;
	v41 =	vld [tilespmem:s17+$0x130];
	s17 =	smov.u32 s6  }
0xbc: {  	v30 =	vsub.f32 v47, v30;
	v44 =	vsub.f32 v29, v1;
	v1 =	vmovc v13;
	v45 =	vand.u32 $0x7FFFFFFF, v5;
	v43 =	vld [tilespmem:s7+$0x30]  }
0xbd: {  	v47 =	vsub.f32 v33, v9;
	v13 =	vand.u32 $0x7FFFFFFF, v3;
	v5 =	vsub.f32 v33, v32;
	v46 =	vld [tilespmem:s6+$0x30]  }
0xbe: {  	v49 =	vand.u32 $0x7FFFFFFF, v14;
	v11 =	vadd.f32 v11, v28;
	v33 =	vld [tilespmem:s7+$0xFFFFFFB0];
	v3 =	vsub.f32 v42, v37  }
0xbf: {  	v26 =	vand.u32 $0x7FFFFFFF, v26;
	v22 =	vadd.f32 v31, v22;
	v28 =	vand.u32 $0x7FFFFFFF, v5;
	v14 =	vld [tilespmem:s6+$0x60]  }
0xc0: {  	v11 =	vsub.f32 v11, v34;
	v34 =	vand.u32 $0x7FFFFFFF, v40;
	v40 =	vsub.f32 v36, v39;
	v31 =	vld [tilespmem:s7+$0x60]  }
0xc1: {  	v18 =	vsub.f32 v29, v18;
	v7 =	vsub.f32 v7, v24;
	v24 =	vand.u32 $0x7FFFFFFF, v8;
	v5 =	vld [tilespmem:s7+$0xE0]  }
0xc2: {  	v45 =	vadd.f32 v45, v11;
	v11 =	vand.u32 $0x7FFFFFFF, v47;
	v8 =	vsub.f32 v46, v43;
	v29 =	vld [tilespmem:s6+$0xE0]  }
0xc3: {  	v50 =	vand.u32 $0x7FFFFFFF, v10;
	v25 =	vadd.f32 v25, v7;
	v42 =	vsub.f32 v42, v33;
	v47 =	vld [tilespmem:s7+$0xFFFFFFD0]  }
0xc4: {  	v18 =	vand.u32 $0x7FFFFFFF, v18;
	v32 =	vsub.f32 v38, v32;
	v10 =	vsub.f32 v41, v37;
	v51 =	vld [tilespmem:s6+$0xFFFFFF40]  }
0xc5: {  	v52 =	vand.u32 $0x7FFFFFFF, v4;
	v19 =	vsub.f32 v22, v19;
	v37 =	vld [tilespmem:s7+$0x50];
	v38 =	vsub.f32 v14, v31;
	v4 =	vmovc v42  }
0xc6: {  	v22 =	vand.u32 $0x7FFFFFFF, v23;
	v23 =	vadd.f32 v11, v30;
	v30 =	vsub.f32 v41, v39;
	v7 =	vld [tilespmem:s7+$0xD0]  }
0xc7: {  	v19 =	vadd.f32 v27, v19;
	v42 =	vand.u32 $0x7FFFFFFF, v44;
	v39 =	vld [tilespmem:s6+$0xD0];
	v41 =	vsub.f32 v29, v5  }
0xc8: {  	v23 =	vsub.f32 v23, v28;
	v27 =	vsub.f32 v29, v31;
	v29 =	vand.u32 $0x7FFFFFFF, v40;
	v11 =	vld [tilespmem:s7+$0xC0]  }
0xc9: {  	v19 =	vsub.f32 v19, v35;
	v35 =	vand.u32 $0x7FFFFFFF, v10;
	v28 =	vsub.f32 v51, v48;
	v31 =	vld [tilespmem:s6+$0xC0]  }
0xca: {  	v25 =	vsub.f32 v25, v49;
	v10 =	vsub.f32 v46, v33;
	v40 =	vand.u32 $0x7FFFFFFF, v16;
	v33 =	vld [tilespmem:s7+$0x40]  }
0xcb: {  	v23 =	vadd.f32 v35, v23;
	v16 =	vand.u32 $0x7FFFFFFF, v32;
	v32 =	vsub.f32 v36, v2;
	v2 =	vmovc v43;
	v44 =	vld [tilespmem:s6+$0x40]  }
0xcc: {  	v18 =	vadd.f32 v18, v25;
	v25 =	vand.u32 $0x7FFFFFFF, v30;
	v35 =	vld [tilespmem:s7+$0xFFFFFFC0];
	v36 =	vsub.f32 v39, v7  }
0xcd: {  	v23 =	vsub.f32 v23, v25;
	v32 =	vand.u32 $0x7FFFFFFF, v32;
	v39 =	vsub.f32 v39, v37;
	v30 =	vld [tilespmem:s6+$0xFFFFFFC0]  }
0xce: {  	v19 =	vadd.f32 v16, v19;
	v28 =	vand.u32 $0x7FFFFFFF, v28;
	v25 =	vld [tilespmem:s7+$0xFFFFFF40];
	v43 =	vsub.f32 v31, v11  }
0xcf: {  	v26 =	vsub.f32 v45, v26;
	v39 =	vand.u32 $0x7FFFFFFF, v39;
	v46 =	vld [tilespmem:s6+$0x50];
	v31 =	vsub.f32 v31, v33;
	[tilespmem:s28+$0x100] =	vst v23  }
0xd0: {  	v18 =	vsub.f32 v18, v42;
	v23 =	vld [tilespmem:s6+$0xFFFFFFD0];
	v33 =	vsub.f32 v44, v33;
	v43 =	vand.u32 $0x7FFFFFFF, v43  }
0xd1: {  	v24 =	vadd.f32 v24, v26;
	v16 =	vld [tilespmem:s6+$0xFFFFFF80];
	v42 =	vsub.f32 v44, v35;
	v31 =	vand.u32 $0x7FFFFFFF, v31  }
0xd2: {  	v26 =	vsub.f32 v30, v35;
	v33 =	vand.u32 $0x7FFFFFFF, v33;
	v35 =	vld [tilespmem:s7+$0x70];
	v31 =	vsub.f32 v43, v31  }
0xd3: {  	v19 =	vsub.f32 v19, v34;
	v30 =	vsub.f32 v30, v25;
	v43 =	vld [tilespmem:s6+$0xFFFFFFE0];
	v42 =	vand.u32 $0x7FFFFFFF, v42  }
0xd4: {  	v18 =	vadd.f32 v22, v18;
	v34 =	vld [tilespmem:s7+$0xFFFFFF60];
	v26 =	vand.u32 $0x7FFFFFFF, v26;
	v33 =	vsub.f32 v33, v42  }
0xd5: {  	v19 =	vadd.f32 v29, v19;
	v42 =	vld [tilespmem:s6+$0xFFFFFF60];
	v22 =	vand.u32 $0x7FFFFFFF, v30;
	v30 =	vsub.f32 v23, v12  }
0xd6: {  	v18 =	vsub.f32 v18, v40;
	v29 =	vand.u32 $0x7FFFFFFF, v41;
	v22 =	vsub.f32 v26, v22;
	v26 =	vld [tilespmem:s7+$0xFFFFFFE0]  }
0xd7: {  	v21 =	vand.u32 $0x7FFFFFFF, v21;
	v37 =	vsub.f32 v46, v37;
	v23 =	vsub.f32 v23, v47;
	v40 =	vld [tilespmem:s6+$0xF0]  }
0xd8: {  	v41 =	vand.u32 $0x7FFFFFFF, v17;
	v18 =	vadd.f32 v52, v18;
	v17 =	vsub.f32 v46, v47;
	v12 =	vld [tilespmem:s7+$0xF0]  }
0xd9: {  	v25 =	vsub.f32 v51, v25;
	v23 =	vand.u32 $0x7FFFFFFF, v23;
	v44 =	vsub.f32 v43, v34;
	v45 =	vld [tilespmem:s7+$0x80]  }
0xda: {  	v47 =	vand.u32 $0x7FFFFFFF, v17;
	v17 =	vsub.f32 v24, v50;
	v20 =	vsub.f32 v42, v20;
	v46 =	vld [tilespmem:s6+$0xFFFFFFF0]  }
0xdb: {  	v13 =	vsub.f32 v18, v13;
	v24 =	vand.u32 $0x7FFFFFFF, v30;
	v30 =	vsub.f32 v14, v26;
	v48 =	vld [tilespmem:s6+$0x70]  }
0xdc: {  	v27 =	vand.u32 $0x7FFFFFFF, v27;
	v23 =	vadd.f32 v23, v22;
	v18 =	vld [tilespmem:s7+$0xFFFFFF70];
	[tilespmem:s28+$0x0] =	vst v17;
	v17 =	vsub.f32 v19, v32  }
0xdd: {  	v49 =	vand.u32 $0x7FFFFFFF, v38;
	v14 =	vsub.f32 v16, v6;
	v19 =	vld [tilespmem:s6+$0xFFFFFF70];
	v32 =	vsub.f32 v40, v12;
	[tilespmem:s28+$0xFFFFFF80] =	vst v13  }
0xde: {  	v22 =	vand.u32 $0x7FFFFFFF, v36;
	v13 =	vand.u32 $0x7FFFFFFF, v25;
	v25 =	vsub.f32 v40, v35;
	v6 =	vld [tilespmem:s7+$0x100];
	[tilespmem:s28+$0x80] =	vst v17;
	s28 =	smov.u32 s21  }
0xdf: {  	v22 =	vadd.f32 v22, v31;
	v26 =	vsub.f32 v43, v26;
	v36 =	vand.u32 $0x7FFFFFFF, v44;
	v40 =	vld [tilespmem:s7+$0xFFFFFFF0]  }
0xe0: {  	v13 =	vsub.f32 v13, v28;
	v17 =	vand.u32 $0x7FFFFFFF, v20;
	v20 =	vsub.f32 v48, v35;
	v28 =	vld [tilespmem:s6+$0x100]  }
0xe1: {  	v38 =	vsub.f32 v22, v39;
	v26 =	vand.u32 $0x7FFFFFFF, v26;
	v31 =	vsub.f32 v46, v18;
	v35 =	vld [tilespmem:s6+$0x80]  }
0xe2: {  	v22 =	vand.u32 $0x7FFFFFFF, v30;
	v39 =	vadd.f32 v21, v13;
	v43 =	vld [tilespmem:s7+$0x0];
	v21 =	vand.u32 $0x7FFFFFFF, v20  }
0xe3: {  	v29 =	vadd.f32 v29, v38;
	v13 =	vand.u32 $0x7FFFFFFF, v37;
	v20 =	vsub.f32 v42, v34;
	v44 =	vld [tilespmem:s6+$0x0]  }
0xe4: {  	v25 =	vand.u32 $0x7FFFFFFF, v25;
	v33 =	vadd.f32 v13, v33;
	v30 =	vsub.f32 v46, v40;
	v13 =	vld [tilespmem:s7+$0x110]  }
0xe5: {  	v23 =	vsub.f32 v23, v24;
	v24 =	vand.u32 $0x7FFFFFFF, v32;
	v37 =	vld [tilespmem:s7+$0xFFFFFF80];
	v38 =	vsub.f32 v28, v45  }
0xe6: {  	v29 =	vsub.f32 v29, v27;
	v30 =	vand.u32 $0x7FFFFFFF, v30;
	v45 =	vsub.f32 v35, v45;
	v42 =	vld [tilespmem:s6+$0x110]  }
0xe7: {  	v23 =	vadd.f32 v26, v23;
	v46 =	vand.u32 $0x7FFFFFFF, v31;
	v26 =	vsub.f32 v28, v6;
	v27 =	vld [tilespmem:s7+$0x90]  }
0xe8: {  	v32 =	vsub.f32 v39, v41;
	v34 =	vand.u32 $0x7FFFFFFF, v20;
	v20 =	vadd.f32 v24, v29  }
0xe9: {  	v23 =	vsub.f32 v23, v36;
	v15 =	vsub.f32 v19, v15;
	v24 =	vand.u32 $0x7FFFFFFF, v26;
	v41 =	vld [tilespmem:s6+$0xFFFFFFA0]  }
0xea: {  	v29 =	vsub.f32 v35, v43;
	v26 =	vld [tilespmem:s7+$0xFFFFFFA0];
	v28 =	vsub.f32 v44, v37  }
0xeb: {  	v19 =	vsub.f32 v19, v18;
	v51 =	vand.u32 $0x7FFFFFFF, v38;
	v50 =	vsub.f32 v16, v37;
	v18 =	vld [tilespmem:s7+$0xFFFFFF90]  }
0xec: {  	v23 =	vadd.f32 v30, v23;
	v28 =	vand.u32 $0x7FFFFFFF, v28;
	v38 =	vld [tilespmem:s6+$0x10];
	v30 =	vsub.f32 v42, v27  }
0xed: {  	v31 =	vsub.f32 v33, v47;
	v20 =	vsub.f32 v20, v25;
	v35 =	vld [tilespmem:s7+$0x10]  }
0xee: {  	v36 =	vand.u32 $0x7FFFFFFF, v19;
	v16 =	vsub.f32 v41, v9;
	v37 =	vld [tilespmem:s6+$0x90];
	v30 =	vand.u32 $0x7FFFFFFF, v30  }
.Ltmp0:
0xef: {  	v20 =	vadd.f32 v24, v20;
	v19 =	vand.u32 $0x7FFFFFFF, v29;
	v29 =	vsub.f32 v42, v13;
	v9 =	vld [tilespmem:s7+$0x120];
	(pc) =	sbr.rel @p1 .LBB2_2-.Ltmp0, $4  }
0xf0: {  	v47 =	vsub.f32 v48, v40;
	v24 =	vand.u32 $0x7FFFFFFF, v15;
	v42 =	vadd.f32 v49, v31;
	v33 =	vld [tilespmem:s6+$0x120]  }
0xf1: {  	v44 =	vsub.f32 v44, v43;
	v15 =	vsub.f32 v20, v51;
	v31 =	vand.u32 $0x7FFFFFFF, v45;
	v39 =	vld [tilespmem:s6+$0x20]  }
0xf2: {  	v43 =	vsub.f32 v23, v46;
	v25 =	vand.u32 $0x7FFFFFFF, v50;
	v20 =	vand.u32 $0x7FFFFFFF, v29;
	v40 =	vld [tilespmem:s7+$0x20]  }
0xf3: {  	v44 =	vand.u32 $0x7FFFFFFF, v44;
	v23 =	vsub.f32 v41, v26;
	v41 =	vand.u32 $0x7FFFFFFF, v47;
	s6 =	sadd.s32 $0x200, s6;
	s7 =	sadd.s32 $0x200, s7;
	v29 =	vld [tilespmem:s17+$0xFFFFFF90]  }
0xf4: {  	v45 =	vsub.f32 v38, v18  }
0xf5: {  	v15 =	vadd.f32 v20, v15;
	v55 =	vadd.f32 v34, v32  }
0xf6: {  	v56 =	vsub.f32 v38, v35;
	v22 =	vsub.f32 v42, v22  }
0xf7: {  	v27 =	vsub.f32 v37, v27;
	v58 =	vadd.f32 v44, v43  }
0xf8: {  	v60 =	vsub.f32 v37, v35;
	v14 =	vand.u32 $0x7FFFFFFF, v14;
	v48 =	vsub.f32 v33, v9  }
0xf9: {  	v57 =	vld [tilespmem:s17+$0xA0];
	v8 =	vand.u32 $0x7FFFFFFF, v8;
	v17 =	vsub.f32 v55, v17;
	v21 =	vadd.f32 v21, v22  }
0xfa: {  	v59 =	vld [tilespmem:s22+$0xA0];
	v10 =	vand.u32 $0x7FFFFFFF, v10;
	v26 =	vsub.f32 v39, v26;
	v20 =	vsub.f32 v58, v28  }
0xfb: {  	v62 =	vld [tilespmem:s17+$0xB0];
	v16 =	vand.u32 $0x7FFFFFFF, v16;
	v15 =	vsub.f32 v15, v30;
	v61 =	vsub.f32 v39, v40  }
0xfc: {  	v44 =	vld [tilespmem:s22+$0xB0];
	v32 =	vand.u32 $0x7FFFFFFF, v56;
	v17 =	vadd.f32 v36, v17;
	v21 =	vsub.f32 v21, v41  }
0xfd: {  	v4 =	vand.u32 $0x7FFFFFFF, v4;
	v46 =	vsub.f32 v29, v1;
	v20 =	vadd.f32 v32, v20  }
0xfe: {  	v54 =	vand.u32 $0x7FFFFFFF, v48;
	v53 =	vsub.f32 v29, v18;
	v17 =	vsub.f32 v17, v24  }
0xff: {  	v23 =	vand.u32 $0x7FFFFFFF, v23;
	v15 =	vadd.f32 v54, v15;
	v63 =	vsub.f32 v57, v40  }
0x100: {  	v50 =	vld [tilespmem:s17+$0x130];
	v27 =	vand.u32 $0x7FFFFFFF, v27;
	v49 =	vsub.f32 v33, v59;
	v17 =	vadd.f32 v25, v17  }
0x101: {  	v22 =	vand.u32 $0x7FFFFFFF, v60;
	v52 =	vsub.f32 v62, v44;
	v21 =	vadd.f32 v31, v21  }
0x102: {  	v45 =	vand.u32 $0x7FFFFFFF, v45;
	v1 =	vld [tilespmem:s22+$0x130];
	v56 =	vsub.f32 v57, v59;
	v14 =	vsub.f32 v17, v14  }
0x103: {  	v2 =	vsub.f32 v62, v2;
	v55 =	vand.u32 $0x7FFFFFFF, v53;
	v19 =	vsub.f32 v21, v19  }
0x104: {  	v47 =	vand.u32 $0x7FFFFFFF, v61;
	v20 =	vsub.f32 v20, v45;
	v14 =	vadd.f32 v55, v14  }
0x105: {  	v58 =	vand.u32 $0x7FFFFFFF, v46;
	v24 =	vsub.f32 v50, v44;
	v19 =	vadd.f32 v27, v19  }
0x106: {  	v26 =	vand.u32 $0x7FFFFFFF, v26;
	v20 =	vadd.f32 v47, v20;
	v14 =	vsub.f32 v14, v58  }
0x107: {  	v51 =	vand.u32 $0x7FFFFFFF, v49;
	v57 =	vsub.f32 v50, v1;
	v59 =	vsub.f32 v19, v22  }
0x108: {  	v18 =	vand.u32 $0x7FFFFFFF, v56;
	v15 =	vsub.f32 v15, v51;
	v14 =	vadd.f32 v23, v14  }
0x109: {  	v61 =	vsub.f32 v20, v26;
	v60 =	vand.u32 $0x7FFFFFFF, v57;
	v17 =	vadd.f32 v18, v59  }
0x10a: {  	v28 =	vand.u32 $0x7FFFFFFF, v63;
	v15 =	vadd.f32 v60, v15;
	v14 =	vsub.f32 v14, v16  }
0x10b: {  	v62 =	vand.u32 $0x7FFFFFFF, v24;
	v8 =	vadd.f32 v8, v61;
	v17 =	vsub.f32 v17, v28  }
0x10c: {  	v63 =	vand.u32 $0x7FFFFFFF, v52;
	v15 =	vsub.f32 v15, v62;
	v4 =	vadd.f32 v4, v14  }
0x10d: {  	v3 =	vand.u32 $0x7FFFFFFF, v3;
	v8 =	vsub.f32 v8, v10;
	v14 =	vadd.f32 v63, v17  }
0x10e: {  	v2 =	vand.u32 $0x7FFFFFFF, v2;
	[tilespmem:s28+$0x100] =	vst v15;
	v3 =	vsub.f32 v4, v3  }
0x10f: {  	[tilespmem:s28+$0x0] =	vst v8;
	v2 =	vsub.f32 v14, v2  }
0x110: {  	[tilespmem:s28+$0xFFFFFF80] =	vst v3  }
0x111: {  	s5 =	simm.s32 $0x0;
	s6 =	simm.s32 $0x0;
	[tilespmem:s28+$0x80] =	vst v2  }
.LBB2_4:
0x112: {  	s7 =	sshra.s32 s6, $0x2  }
0x113: {  	v2 =	vld [tilespmem:s7+$0x2200]  }
0x114: {  	v3 =	vld [tilespmem:s7+$0xA200]  }
0x115: {  	v4 =	vld [tilespmem:s7+$0x2210]  }
0x116: {  	v8 =	vld [tilespmem:s7+$0xA210];
	_ =	sdelay $0x2  }
0x117: {  	v14 =	vld [tilespmem:s7+$0xA220];
	v10 =	vsub.f32 v2, v3;
	v2 =	vsub.f32 v2, v11  }
0x118: {  	v11 =	vld [tilespmem:s7+$0x2220]  }
0x119: {  	v15 =	vsub.f32 v4, v8;
	v10 =	vand.u32 $0x7FFFFFFF, v10;
	v2 =	vand.u32 $0x7FFFFFFF, v2  }
0x11a: {  	v2 =	vsub.f32 v10, v2  }
0x11b: {  	v4 =	vsub.f32 v4, v7;
	v7 =	vld [tilespmem:s7+$0x2230];
	v10 =	vand.u32 $0x7FFFFFFF, v15  }
0x11c: {  	v2 =	vadd.f32 v10, v2;
	v10 =	vld [tilespmem:s7+$0xA230]  }
0x11d: {  	v4 =	vand.u32 $0x7FFFFFFF, v4;
	v15 =	vsub.f32 v11, v14  }
0x11e: {  	v2 =	vsub.f32 v2, v4  }
0x11f: {  	v5 =	vsub.f32 v11, v5;
	v11 =	vld [tilespmem:s7+$0x2240];
	v4 =	vand.u32 $0x7FFFFFFF, v15  }
0x120: {  	v2 =	vadd.f32 v4, v2;
	v4 =	vld [tilespmem:s7+$0xA240]  }
0x121: {  	v5 =	vand.u32 $0x7FFFFFFF, v5;
	v15 =	vsub.f32 v7, v10  }
0x122: {  	v2 =	vsub.f32 v2, v5  }
0x123: {  	v7 =	vsub.f32 v7, v12;
	v12 =	vld [tilespmem:s7+$0x2250];
	v5 =	vand.u32 $0x7FFFFFFF, v15  }
0x124: {  	v2 =	vadd.f32 v5, v2;
	v5 =	vld [tilespmem:s7+$0xA250]  }
0x125: {  	v7 =	vand.u32 $0x7FFFFFFF, v7;
	v15 =	vsub.f32 v11, v4  }
0x126: {  	v2 =	vsub.f32 v2, v7  }
0x127: {  	v6 =	vsub.f32 v11, v6;
	v11 =	vld [tilespmem:s7+$0x2260];
	v7 =	vand.u32 $0x7FFFFFFF, v15  }
0x128: {  	v2 =	vadd.f32 v7, v2;
	v7 =	vld [tilespmem:s7+$0xA260]  }
0x129: {  	v6 =	vand.u32 $0x7FFFFFFF, v6;
	v15 =	vsub.f32 v12, v5  }
0x12a: {  	v2 =	vsub.f32 v2, v6  }
0x12b: {  	v12 =	vsub.f32 v12, v13;
	v13 =	vld [tilespmem:s7+$0x2270];
	v6 =	vand.u32 $0x7FFFFFFF, v15  }
0x12c: {  	v2 =	vadd.f32 v6, v2;
	v6 =	vld [tilespmem:s7+$0xA270]  }
0x12d: {  	v12 =	vand.u32 $0x7FFFFFFF, v12;
	v15 =	vsub.f32 v11, v7  }
0x12e: {  	v2 =	vsub.f32 v2, v12  }
0x12f: {  	v9 =	vsub.f32 v11, v9;
	v11 =	vand.u32 $0x7FFFFFFF, v15  }
0x130: {  	v2 =	vadd.f32 v11, v2  }
0x131: {  	v9 =	vand.u32 $0x7FFFFFFF, v9;
	v11 =	vsub.f32 v13, v6  }
0x132: {  	v2 =	vsub.f32 v2, v9  }
0x133: {  	v1 =	vsub.f32 v13, v1;
	v9 =	vand.u32 $0x7FFFFFFF, v11  }
0x134: {  	v2 =	vadd.f32 v9, v2  }
0x135: {  	p1 =	sne.s32 s6, $0x400;
	v1 =	vand.u32 $0x7FFFFFFF, v1  }
.Ltmp1:
0x136: {  	v1 =	vsub.f32 v2, v1;
	(pc) =	sbr.rel @p1 .LBB2_4-.Ltmp1, $3  }
0x137: {  	_ =	sdelay $0x1  }
0x138: {  	v12 =	vmov v10;
	v13 =	vmov v5;
	v5 =	vmov v14  }
0x139: {  	s6 =	sadd.s32 $0x200, s6;
	v11 =	vmovc v3;
	v9 =	vmovc v7;
	v7 =	vmov v8;
	[tilespmem:s7+$0x12600] =	vst v1;
	v1 =	vmov v6;
	v6 =	vmov v4  }
0x13a: {  	v1 =	vmov s5  }
0x13b: {  	v1 =	vshll.u32 v1, $0x7  }
0x13c: {  	v2 =	vor.u32 v0, v1;
	_ =	sdelay $0x1  }
0x13d: {  	v1 =	vor.u32 $0x1, v2;
	_ =	sdelay $0x1  }
0x13e: {  	v3 =	vor.u32 $0x2, v2  }
0x13f: {  	v4 =	vld.idx.msk [tilespmem:v2+s18+$0x0], $0xffff  }
0x140: {  	v5 =	vor.u32 $0x3, v2  }
0x141: {  	v1 =	vld.idx.msk [tilespmem:v1+s18+$0x0], $0xffff  }
0x142: {  	v6 =	vor.u32 $0x4, v2  }
0x143: {  	v3 =	vld.idx.msk [tilespmem:v3+s18+$0x0], $0xffff  }
0x144: {  	v4 =	vadd.f32 $0.0e+00, v4  }
0x145: {  	v7 =	vor.u32 $0x5, v2;
	v5 =	vld.idx.msk [tilespmem:v5+s18+$0x0], $0xffff  }
0x146: {  	v1 =	vadd.f32 v1, v4  }
0x147: {  	v6 =	vld.idx.msk [tilespmem:v6+s18+$0x0], $0xffff;
	v4 =	vor.u32 $0x6, v2  }
0x148: {  	v1 =	vadd.f32 v3, v1  }
0x149: {  	v8 =	vor.u32 $0x7, v2  }
0x14a: {  	v9 =	vld.idx.msk [tilespmem:v7+s18+$0x0], $0xffff;
	v3 =	vadd.f32 v5, v1  }
0x14b: {  	v10 =	vor.u32 $0x8, v2  }
0x14c: {  	v5 =	vld.idx.msk [tilespmem:v4+s18+$0x0], $0xffff;
	v4 =	vadd.f32 v6, v3;
	v6 =	vor.u32 $0x9, v2;
	_ =	sdelay $0x1  }
0x14d: {  	s28 =	simm.s32 $0x10;
	v7 =	vor.u32 $0xA, v2;
	v3 =	vld.idx.msk [tilespmem:v8+s18+$0x0], $0xffff  }
0x14e: {  	v8 =	vmov s28;
	v9 =	vadd.f32 v9, v4  }
0x14f: {  	s5 =	simm.s32 $0x20;
	v1 =	vimm.f32 $0.0e+00;
	v4 =	vld.idx.msk [tilespmem:v10+s18+$0x0], $0xffff;
	v10 =	vshll.u32 v8, $0x7;
	v8 =	vor.u32 $0xB, v2  }
.LBB2_6:
0x150: {  	p1 =	sne.s32 s5, $0x30;
	v10 =	vor.u32 v0, v10;
	v5 =	vadd.f32 v5, v9;
	v6 =	vld.idx.msk [tilespmem:v6+s18+$0x0], $0xffff  }
0x151: {  	v9 =	vor.u32 $0xC, v2  }
0x152: {  	v3 =	vadd.f32 v3, v5;
	v5 =	vld.idx.msk [tilespmem:v7+s18+$0x0], $0xffff;
	v7 =	vor.u32 $0xD, v2  }
0x153: {  	v11 =	vor.u32 $0x1, v10  }
0x154: {  	v3 =	vadd.f32 v4, v3;
	v4 =	vld.idx.msk [tilespmem:v8+s18+$0x0], $0xffff;
	v8 =	vor.u32 $0xE, v2  }
0x155: {  	v13 =	vor.u32 $0x2, v10;
	v12 =	vld.idx.msk [tilespmem:v10+s18+$0x0], $0xffff  }
0x156: {  	v3 =	vadd.f32 v6, v3;
	v6 =	vld.idx.msk [tilespmem:v9+s18+$0x0], $0xffff;
	v9 =	vor.u32 $0xF, v2;
	v2 =	vmov v10  }
0x157: {  	v10 =	vor.u32 $0x3, v2;
	v7 =	vld.idx.msk [tilespmem:v7+s18+$0x0], $0xffff  }
0x158: {  	v11 =	vld.idx.msk [tilespmem:v11+s18+$0x0], $0xffff;
	v3 =	vadd.f32 v5, v3  }
0x159: {  	v5 =	vor.u32 $0x4, v2;
	v8 =	vld.idx.msk [tilespmem:v8+s18+$0x0], $0xffff  }
0x15a: {  	v13 =	vld.idx.msk [tilespmem:v13+s18+$0x0], $0xffff;
	v3 =	vadd.f32 v4, v3  }
0x15b: {  	v4 =	vor.u32 $0x5, v2;
	v9 =	vld.idx.msk [tilespmem:v9+s18+$0x0], $0xffff  }
0x15c: {  	v12 =	vadd.f32 $0.0e+00, v12;
	v10 =	vld.idx.msk [tilespmem:v10+s18+$0x0], $0xffff;
	v3 =	vadd.f32 v6, v3  }
0x15d: {  	v6 =	vor.u32 $0x6, v2  }
0x15e: {  	v11 =	vadd.f32 v11, v12;
	v12 =	vld.idx.msk [tilespmem:v5+s18+$0x0], $0xffff;
	v3 =	vadd.f32 v7, v3  }
0x15f: {  	v7 =	vor.u32 $0x7, v2  }
0x160: {  	v5 =	vadd.f32 v13, v11;
	v4 =	vld.idx.msk [tilespmem:v4+s18+$0x0], $0xffff;
	v3 =	vadd.f32 v8, v3  }
0x161: {  	v8 =	vor.u32 $0x8, v2  }
0x162: {  	v10 =	vadd.f32 v10, v5;
	v5 =	vld.idx.msk [tilespmem:v6+s18+$0x0], $0xffff;
	v9 =	vadd.f32 v9, v3  }
.Ltmp2:
0x163: {  	v6 =	vor.u32 $0x9, v2;
	(pc) =	sbr.rel @p1 .LBB2_6-.Ltmp2, $4  }
0x164: {  	v10 =	vadd.f32 v12, v10;
	v3 =	vld.idx.msk [tilespmem:v7+s18+$0x0], $0xffff;
	v11 =	vadd.f32 $1.000000000e+00, v9  }
0x165: {  	v7 =	vor.u32 $0xA, v2  }
0x166: {  	v12 =	vmov s5;
	v9 =	vadd.f32 v4, v10;
	v4 =	vld.idx.msk [tilespmem:v8+s18+$0x0], $0xffff;
	v11 =	vmax.f32 v11, $0.0e+00  }
0x167: {  	s5 =	sadd.s32 $0x10, s5;
	v10 =	vshll.u32 v12, $0x7;
	v8 =	vor.u32 $0xB, v2;
	v1 =	vadd.f32 v11, v1  }
0x168: {  	_ =	sdelay $0x1  }
0x169: {  	v10 =	vor.u32 v0, v10  }
0x16a: {  	v11 =	vor.u32 $0xC, v2  }
0x16b: {  	v18 =	vld.idx.msk [tilespmem:v6+s18+$0x0], $0xffff;
	v6 =	vor.u32 $0xD, v2  }
0x16c: {  	v15 =	vld.idx.msk [tilespmem:v7+s18+$0x0], $0xffff;
	v7 =	vor.u32 $0x1, v10  }
0x16d: {  	v12 =	vld.idx.msk [tilespmem:v8+s18+$0x0], $0xffff;
	v8 =	vor.u32 $0xE, v2  }
0x16e: {  	v2 =	vor.u32 $0xF, v2;
	v16 =	vld.idx.msk [tilespmem:v10+s18+$0x0], $0xffff  }
0x16f: {  	v14 =	vor.u32 $0x2, v10;
	v13 =	vld.idx.msk [tilespmem:v11+s18+$0x0], $0xffff  }
0x170: {  	v17 =	vor.u32 $0x3, v10;
	v11 =	vld.idx.msk [tilespmem:v6+s18+$0x0], $0xffff  }
0x171: {  	v19 =	vld.idx.msk [tilespmem:v7+s18+$0x0], $0xffff;
	v7 =	vor.u32 $0x4, v10  }
0x172: {  	v20 =	vor.u32 $0x5, v10;
	v6 =	vld.idx.msk [tilespmem:v8+s18+$0x0], $0xffff  }
0x173: {  	v8 =	vld.idx.msk [tilespmem:v2+s18+$0x0], $0xffff;
	v2 =	vor.u32 $0x7, v10  }
0x174: {  	v21 =	vld.idx.msk [tilespmem:v14+s18+$0x0], $0xffff;
	v14 =	vor.u32 $0x6, v10  }
0x175: {  	v22 =	vld.idx.msk [tilespmem:v17+s18+$0x0], $0xffff;
	v17 =	vor.u32 $0x8, v10  }
0x176: {  	v23 =	vld.idx.msk [tilespmem:v7+s18+$0x0], $0xffff;
	v7 =	vor.u32 $0x9, v10  }
0x177: {  	v24 =	vor.u32 $0xA, v10;
	v20 =	vld.idx.msk [tilespmem:v20+s18+$0x0], $0xffff  }
0x178: {  	v26 =	vld.idx.msk [tilespmem:v2+s18+$0x0], $0xffff;
	v2 =	vor.u32 $0xC, v10  }
0x179: {  	v25 =	vld.idx.msk [tilespmem:v14+s18+$0x0], $0xffff;
	v14 =	vor.u32 $0xB, v10  }
0x17a: {  	v27 =	vld.idx.msk [tilespmem:v17+s18+$0x0], $0xffff;
	v17 =	vor.u32 $0xD, v10  }
0x17b: {  	v28 =	vld.idx.msk [tilespmem:v7+s18+$0x0], $0xffff;
	v7 =	vor.u32 $0xE, v10  }
0x17c: {  	v24 =	vld.idx.msk [tilespmem:v24+s18+$0x0], $0xffff;
	v10 =	vor.u32 $0xF, v10  }
0x17d: {  	v30 =	vld.idx.msk [tilespmem:v2+s18+$0x0], $0xffff  }
0x17e: {  	v29 =	vld.idx.msk [tilespmem:v14+s18+$0x0], $0xffff  }
0x17f: {  	v31 =	vld.idx.msk [tilespmem:v17+s18+$0x0], $0xffff  }
0x180: {  	s5 =	simm.s32 $0x2C0;
	s6 =	simm.s32 $0x6380;
	v32 =	vld.idx.msk [tilespmem:v7+s18+$0x0], $0xffff  }
0x181: {  	v33 =	vld.idx.msk [tilespmem:v10+s18+$0x0], $0xffff;
	[tilespmem:s6], [sflag:$0x5] =	stream.indirect.gather [spmem:s3], $0x80, s5, s16, $0xb8  }
0x182: {  	s7 =	simm.s32 $0x1C0;
	s17 =	simm.s32 $0xE380  }
0x183: {  	[tilespmem:s17], [sflag:$0xD] =	stream.indirect.gather [hbm4b:s0+s16], $0x80, s7, s16, $0xb8;
	[tilespmem:$0x13800] =	vst v63  }
0x184: {  	_ =	swait.ge [sflag:s26], $0x2000  }
0x185: {  	[sflag:s26] =	ssyncset.done $0x0  }
0x186: {  	s21 =	simm.s32 $0x4380;
	s22 =	simm.s32 $0x80;
	[sflag:s26] =	ssyncadd.s32 $0xFFFFE000  }
0x187: {  	[tilespmem:s21], [sflag:$0x8] =	stream.indirect.gather.add.f32 [hbm:s0], $0x80, s22, s16, $0xb8;
	[tilespmem:$0x13800] =	vst v63  }
0x188: {  	_ =	swait.ge [sflag:s30], $0x2000  }
0x189: {  	[sflag:s30] =	ssyncset.done $0x0  }
0x18a: {  	[sflag:s30] =	ssyncadd.s32 $0xFFFFE000  }
0x18b: {  	_ =	swait.ge [sflag:s20], $0x2000  }
0x18c: {  	[sflag:s20] =	ssyncset.done $0x0  }
0x18d: {  	[sflag:s20] =	ssyncadd.s32 $0xFFFFE000  }
0x18e: {  	v2 =	vld [tilespmem:$0x2380]  }
0x18f: {  	v17 =	vld [tilespmem:$0xA380]  }
0x190: {  	v7 =	vld [tilespmem:$0xA300]  }
0x191: {  	v10 =	vld [tilespmem:$0x2390]  }
0x192: {  	v34 =	vld [tilespmem:$0xA390];
	_ =	sdelay $0x1  }
0x193: {  	v14 =	vld [tilespmem:$0xA310]  }
0x194: {  	v36 =	vld [tilespmem:$0x23A0];
	v35 =	vsub.f32 v2, v17;
	v2 =	vsub.f32 v2, v7  }
0x195: {  	v7 =	vld [tilespmem:$0xA3A0]  }
0x196: {  	v37 =	vsub.f32 v10, v34;
	v35 =	vand.u32 $0x7FFFFFFF, v35;
	v2 =	vand.u32 $0x7FFFFFFF, v2  }
0x197: {  	v61 =	vld [tilespmem:$0xA320];
	v2 =	vsub.f32 v35, v2  }
0x198: {  	v38 =	vld [tilespmem:$0x23B0];
	v14 =	vsub.f32 v10, v14;
	v37 =	vand.u32 $0x7FFFFFFF, v37  }
0x199: {  	v10 =	vld [tilespmem:$0xA3B0];
	v2 =	vadd.f32 v37, v2  }
0x19a: {  	v14 =	vand.u32 $0x7FFFFFFF, v14;
	v62 =	vsub.f32 v36, v7  }
0x19b: {  	v39 =	vld [tilespmem:$0xA330];
	v2 =	vsub.f32 v2, v14  }
0x19c: {  	v63 =	vld [tilespmem:$0x23C0];
	v35 =	vsub.f32 v36, v61;
	v14 =	vand.u32 $0x7FFFFFFF, v62  }
0x19d: {  	v2 =	vadd.f32 v14, v2;
	v14 =	vld [tilespmem:$0xA3C0]  }
0x19e: {  	v35 =	vand.u32 $0x7FFFFFFF, v35;
	v44 =	vsub.f32 v38, v10  }
0x19f: {  	v45 =	vld [tilespmem:$0xA340];
	v2 =	vsub.f32 v2, v35  }
0x1a0: {  	v46 =	vld [tilespmem:$0x23D0];
	v38 =	vsub.f32 v38, v39;
	v37 =	vand.u32 $0x7FFFFFFF, v44  }
0x1a1: {  	v37 =	vadd.f32 v37, v2;
	v2 =	vld [tilespmem:$0xA3D0]  }
0x1a2: {  	v38 =	vand.u32 $0x7FFFFFFF, v38;
	v40 =	vsub.f32 v63, v14  }
0x1a3: {  	v47 =	vld [tilespmem:$0xA350];
	v37 =	vsub.f32 v37, v38  }
0x1a4: {  	v48 =	vld [tilespmem:$0x23E0];
	v35 =	vsub.f32 v63, v45;
	v40 =	vand.u32 $0x7FFFFFFF, v40  }
0x1a5: {  	v41 =	vadd.f32 $0.0e+00, v16;
	v16 =	vld [tilespmem:$0xA3E0];
	v37 =	vadd.f32 v40, v37  }
0x1a6: {  	v35 =	vand.u32 $0x7FFFFFFF, v35;
	v49 =	vsub.f32 v46, v2  }
0x1a7: {  	v19 =	vadd.f32 v19, v41;
	v50 =	vld [tilespmem:$0xA360];
	v35 =	vsub.f32 v37, v35  }
0x1a8: {  	v51 =	vld [tilespmem:$0x23F0];
	v38 =	vsub.f32 v46, v47;
	v40 =	vand.u32 $0x7FFFFFFF, v49  }
0x1a9: {  	v19 =	vadd.f32 v21, v19;
	v52 =	vld [tilespmem:$0xA3F0];
	v21 =	vadd.f32 v40, v35  }
0x1aa: {  	v53 =	vsub.f32 v48, v16;
	v38 =	vand.u32 $0x7FFFFFFF, v38  }
0x1ab: {  	v19 =	vadd.f32 v22, v19;
	v22 =	vld [tilespmem:$0xA370];
	v21 =	vsub.f32 v21, v38  }
0x1ac: {  	v54 =	vand.u32 $0x7FFFFFFF, v53;
	v36 =	vsub.f32 v48, v50  }
0x1ad: {  	v5 =	vadd.f32 v5, v9;
	v21 =	vadd.f32 v54, v21  }
0x1ae: {  	v19 =	vadd.f32 v23, v19;
	v23 =	vsub.f32 v51, v52;
	v9 =	vand.u32 $0x7FFFFFFF, v36  }
0x1af: {  	v3 =	vadd.f32 v3, v5;
	v9 =	vsub.f32 v21, v9  }
0x1b0: {  	v19 =	vadd.f32 v20, v19;
	v20 =	vsub.f32 v51, v22;
	v5 =	vand.u32 $0x7FFFFFFF, v23  }
0x1b1: {  	v5 =	vadd.f32 v5, v9  }
0x1b2: {  	v3 =	vadd.f32 v4, v3;
	v19 =	vadd.f32 v25, v19;
	v4 =	vand.u32 $0x7FFFFFFF, v20  }
0x1b3: {  	v4 =	vsub.f32 v5, v4  }
0x1b4: {  	v9 =	vadd.f32 v26, v19  }
0x1b5: {  	v3 =	vadd.f32 v18, v3;
	s17 =	simm.s32 $0x24C0;
	[tilespmem:$0x10780] =	vst v4  }
0x1b6: {  	s22 =	simm.s32 $0xA4C0;
	v5 =	vadd.f32 v27, v9;
	v9 =	vld [tilespmem:s17+$0xFFFFFF50]  }
0x1b7: {  	v3 =	vadd.f32 v15, v3;
	v15 =	vld [tilespmem:s22+$0xFFFFFF50]  }
0x1b8: {  	v18 =	vld [tilespmem:s17+$0xFFFFFFB0]  }
0x1b9: {  	v4 =	vadd.f32 v28, v5;
	v5 =	vadd.f32 v12, v3;
	v3 =	vld [tilespmem:s22+$0x30]  }
0x1ba: {  	v19 =	vld [tilespmem:s17+$0x30]  }
0x1bb: {  	v20 =	vld [tilespmem:s17+$0x60]  }
0x1bc: {  	v21 =	vld [tilespmem:s22+$0x60]  }
0x1bd: {  	v22 =	vld [tilespmem:s22+$0xFFFFFFD0]  }
0x1be: {  	v23 =	vld [tilespmem:s17+$0xFFFFFF40]  }
0x1bf: {  	v25 =	vld [tilespmem:s17+$0xD0]  }
0x1c0: {  	v12 =	vld [tilespmem:s22+$0xC0]  }
0x1c1: {  	v26 =	vld [tilespmem:s17+$0xC0]  }
0x1c2: {  	v27 =	vld [tilespmem:s22+$0x40]  }
0x1c3: {  	v57 =	vld [tilespmem:s22+$0xFFFFFF40]  }
0x1c4: {  	v58 =	vld [tilespmem:s17+$0x50];
	v4 =	vadd.f32 v24, v4;
	v5 =	vadd.f32 v13, v5  }
0x1c5: {  	v60 =	vld [tilespmem:s17+$0xFFFFFF80]  }
0x1c6: {  	v62 =	vld [tilespmem:s22+$0x70];
	v4 =	vadd.f32 v29, v4;
	v5 =	vadd.f32 v11, v5  }
0x1c7: {  	v63 =	vld [tilespmem:s17+$0xFFFFFFE0]  }
0x1c8: {  	v48 =	vld [tilespmem:s22+$0xFFFFFF60];
	v11 =	vadd.f32 v30, v4;
	v5 =	vadd.f32 v6, v5  }
0x1c9: {  	v45 =	vld [tilespmem:s17+$0x70];
	v28 =	vsub.f32 v9, v34;
	v30 =	vsub.f32 v9, v15  }
0x1ca: {  	v51 =	vld [tilespmem:s17+$0xFFFFFFF0];
	v9 =	vsub.f32 v19, v3;
	v55 =	vsub.f32 v20, v21  }
0x1cb: {  	v46 =	vld [tilespmem:s22+$0xFFFFFF70];
	v17 =	vsub.f32 v23, v17;
	v59 =	vsub.f32 v26, v12  }
0x1cc: {  	v47 =	vld [tilespmem:s17+$0x80];
	v26 =	vsub.f32 v26, v27;
	v23 =	vsub.f32 v23, v57  }
0x1cd: {  	v4 =	vld [tilespmem:s22+$0xE0];
	v6 =	vadd.f32 v31, v11;
	v5 =	vadd.f32 v8, v5  }
0x1ce: {  	v50 =	vsub.f32 v63, v48;
	v39 =	vsub.f32 v45, v62;
	v11 =	vld [tilespmem:s17+$0xE0];
	v17 =	vand.u32 $0x7FFFFFFF, v17  }
0x1cf: {  	v13 =	vld [tilespmem:s22+$0xFFFFFFB0];
	v23 =	vand.u32 $0x7FFFFFFF, v23;
	v6 =	vadd.f32 v32, v6;
	v5 =	vadd.f32 $1.000000000e+00, v5  }
0x1d0: {  	v24 =	vld [tilespmem:s22+$0x50];
	v54 =	vsub.f32 v51, v46;
	v17 =	vsub.f32 v23, v17  }
0x1d1: {  	v8 =	vld [tilespmem:s22+$0xD0];
	v30 =	vand.u32 $0x7FFFFFFF, v30;
	v6 =	vadd.f32 v33, v6;
	v5 =	vmax.f32 v5, $0.0e+00  }
0x1d2: {  	v29 =	vld [tilespmem:s17+$0x40];
	v17 =	vadd.f32 v30, v17;
	v1 =	vadd.f32 v5, v1  }
0x1d3: {  	v31 =	vld [tilespmem:s22+$0xFFFFFFC0];
	v56 =	vsub.f32 v11, v4;
	v6 =	vadd.f32 $1.000000000e+00, v6  }
0x1d4: {  	v21 =	vsub.f32 v11, v21;
	v11 =	vsub.f32 v19, v13;
	v19 =	vld [tilespmem:s17+$0xFFFFFFD0]  }
0x1d5: {  	v30 =	vld [tilespmem:s22+$0x0];
	v5 =	vmax.f32 v6, $0.0e+00;
	v6 =	vsub.f32 v18, v13;
	v13 =	vsub.f32 v25, v24  }
0x1d6: {  	v49 =	vld [tilespmem:s17+$0xF0];
	v26 =	vand.u32 $0x7FFFFFFF, v26;
	v25 =	vsub.f32 v25, v8;
	v24 =	vsub.f32 v58, v24  }
0x1d7: {  	v53 =	vld [tilespmem:s17+$0x100];
	v33 =	vand.u32 $0x7FFFFFFF, v56;
	v1 =	vadd.f32 v5, v1;
	v5 =	vsub.f32 v18, v52  }
0x1d8: {  	v56 =	vld [tilespmem:s22+$0xFFFFFF80];
	v61 =	vand.u32 $0x7FFFFFFF, v13;
	v13 =	vsub.f32 v29, v27;
	v29 =	vsub.f32 v29, v31  }
0x1d9: {  	v42 =	vand.u32 $0x7FFFFFFF, v28;
	v28 =	vld [tilespmem:s22+$0x80];
	v15 =	vsub.f32 v19, v15;
	v19 =	vsub.f32 v19, v22  }
0x1da: {  	v18 =	vld [tilespmem:s17+$0xFFFFFFC0];
	v27 =	vand.u32 $0x7FFFFFFF, v59;
	v22 =	vsub.f32 v58, v22;
	v59 =	vsub.f32 v47, v30  }
0x1db: {  	v52 =	vld [tilespmem:s22+$0xFFFFFFF0];
	v26 =	vsub.f32 v27, v26;
	v13 =	vand.u32 $0x7FFFFFFF, v13;
	v27 =	vand.u32 $0x7FFFFFFF, v29  }
0x1dc: {  	v43 =	vand.u32 $0x7FFFFFFF, v22;
	v44 =	vand.u32 $0x7FFFFFFF, v15;
	v15 =	vsub.f32 v60, v14  }
0x1dd: {  	v22 =	vand.u32 $0x7FFFFFFF, v25;
	v25 =	vsub.f32 v49, v62;
	v60 =	vsub.f32 v60, v56  }
0x1de: {  	v29 =	vld [tilespmem:s17+$0xFFFFFF60];
	v27 =	vsub.f32 v13, v27;
	v22 =	vadd.f32 v22, v26  }
0x1df: {  	v34 =	vand.u32 $0x7FFFFFFF, v50;
	v31 =	vsub.f32 v18, v31;
	v18 =	vsub.f32 v18, v57  }
0x1e0: {  	v24 =	vand.u32 $0x7FFFFFFF, v24;
	v57 =	vsub.f32 v53, v28;
	v62 =	vsub.f32 v45, v52  }
0x1e1: {  	v22 =	vsub.f32 v22, v61;
	v31 =	vand.u32 $0x7FFFFFFF, v31;
	v13 =	vand.u32 $0x7FFFFFFF, v18  }
0x1e2: {  	v32 =	vand.u32 $0x7FFFFFFF, v55;
	v55 =	vld [tilespmem:s17+$0x0];
	v24 =	vadd.f32 v24, v27;
	v31 =	vsub.f32 v31, v13  }
0x1e3: {  	v21 =	vand.u32 $0x7FFFFFFF, v21;
	v18 =	vld [tilespmem:s22+$0xFFFFFFE0];
	v7 =	vsub.f32 v29, v7;
	v29 =	vsub.f32 v29, v48  }
0x1e4: {  	v36 =	vld [tilespmem:s22+$0x10];
	v19 =	vand.u32 $0x7FFFFFFF, v19;
	v33 =	vadd.f32 v33, v22;
	v48 =	vsub.f32 v47, v28  }
0x1e5: {  	v25 =	vand.u32 $0x7FFFFFFF, v25;
	v13 =	vld [tilespmem:s22+$0xF0];
	v24 =	vsub.f32 v24, v43;
	v19 =	vadd.f32 v19, v31  }
0x1e6: {  	v38 =	vld [tilespmem:s17+$0x90];
	v22 =	vand.u32 $0x7FFFFFFF, v39;
	v21 =	vsub.f32 v33, v21;
	v33 =	vsub.f32 v17, v42  }
0x1e7: {  	v31 =	vld [tilespmem:s17+$0xFFFFFF70];
	v35 =	vand.u32 $0x7FFFFFFF, v29;
	v29 =	vsub.f32 v55, v56;
	v43 =	vadd.f32 v32, v24  }
0x1e8: {  	v40 =	vld [tilespmem:s17+$0x20];
	v32 =	vand.u32 $0x7FFFFFFF, v48;
	v42 =	vand.u32 $0x7FFFFFFF, v62;
	v20 =	vsub.f32 v20, v18  }
0x1e9: {  	v26 =	vsub.f32 v63, v18;
	v18 =	vand.u32 $0x7FFFFFFF, v7;
	v7 =	vld [tilespmem:s22+$0x100];
	v19 =	vsub.f32 v19, v44  }
0x1ea: {  	v50 =	vld [tilespmem:s17+$0xFFFFFFA0];
	v44 =	vand.u32 $0x7FFFFFFF, v57;
	v63 =	vsub.f32 v55, v30;
	v14 =	vsub.f32 v49, v13  }
0x1eb: {  	v28 =	vld [tilespmem:s22+$0x90];
	v26 =	vand.u32 $0x7FFFFFFF, v26;
	v23 =	vand.u32 $0x7FFFFFFF, v20;
	v20 =	vsub.f32 v51, v52  }
0x1ec: {  	v49 =	vld [tilespmem:s17+$0x110];
	v27 =	vand.u32 $0x7FFFFFFF, v14;
	v19 =	vadd.f32 v26, v19;
	v58 =	vsub.f32 v31, v10  }
0x1ed: {  	v29 =	vand.u32 $0x7FFFFFFF, v29;
	v14 =	vld [tilespmem:s22+$0x110];
	v31 =	vsub.f32 v31, v46;
	v17 =	vadd.f32 v27, v21  }
0x1ee: {  	v39 =	vld [tilespmem:s17+$0x10];
	v45 =	vand.u32 $0x7FFFFFFF, v63;
	v26 =	vsub.f32 v53, v7;
	v10 =	vsub.f32 v19, v34  }
0x1ef: {  	v20 =	vand.u32 $0x7FFFFFFF, v20;
	v21 =	vand.u32 $0x7FFFFFFF, v54;
	v27 =	vld [tilespmem:s22+$0xFFFFFFA0];
	v25 =	vsub.f32 v17, v25  }
0x1f0: {  	v19 =	vld [tilespmem:s22+$0xFFFFFF90];
	v17 =	vsub.f32 v50, v16;
	v26 =	vand.u32 $0x7FFFFFFF, v26;
	v61 =	vadd.f32 v20, v10  }
0x1f1: {  	v41 =	vld [tilespmem:s22+$0x20];
	v37 =	vand.u32 $0x7FFFFFFF, v31;
	v10 =	vsub.f32 v49, v28;
	v16 =	vadd.f32 v26, v25  }
0x1f2: {  	v30 =	vld [tilespmem:s17+$0xFFFFFF90];
	v20 =	vand.u32 $0x7FFFFFFF, v59;
	v49 =	vsub.f32 v49, v14;
	v25 =	vand.u32 $0x7FFFFFFF, v58  }
0x1f3: {  	s28 =	simm.s32 $0x10880;
	s5 =	simm.s32 $0x1;
	v34 =	vld [tilespmem:s17+$0x120];
	v26 =	vand.u32 $0x7FFFFFFF, v60;
	v31 =	vand.u32 $0x7FFFFFFF, v10;
	v16 =	vsub.f32 v16, v44  }
0x1f4: {  	s6 =	simm.s32 $0x26C0;
	s7 =	simm.s32 $0xA6C0;
	s21 =	simm.s32 $0x10880;
	v10 =	vld [tilespmem:s22+$0x120];
	v24 =	vsub.f32 v50, v27;
	v44 =	vsub.f32 v61, v21;
	v21 =	vand.u32 $0x7FFFFFFF, v49  }
.LBB2_8:
0x1f5: {  	v46 =	vld [tilespmem:s6+$0xFFFFFF50];
	s5 =	sadd.s32 $0x4, s5;
	v47 =	vsub.f32 v39, v19;
	v48 =	vadd.f32 v21, v16;
	s21 =	sadd.s32 $0x200, s21;
	v21 =	vmovc v4;
	v49 =	vmovc v12;
	v16 =	vmov v13  }
0x1f6: {  	v4 =	vadd.f32 v35, v33;
	v12 =	vsub.f32 v39, v36;
	v13 =	vld [tilespmem:s7+$0xFFFFFF50];
	p1 =	slt.u32 s5, $0x39  }
0x1f7: {  	v23 =	vsub.f32 v43, v23;
	v28 =	vsub.f32 v38, v28;
	v33 =	vld [tilespmem:s22+$0xA0]  }
0x1f8: {  	v35 =	vadd.f32 v45, v44;
	v4 =	vsub.f32 v4, v18;
	v12 =	vand.u32 $0x7FFFFFFF, v12;
	v39 =	vld [tilespmem:s17+$0xA0]  }
0x1f9: {  	v36 =	vsub.f32 v38, v36;
	v23 =	vadd.f32 v22, v23;
	v38 =	vld [tilespmem:s22+$0x130]  }
0x1fa: {  	v28 =	vand.u32 $0x7FFFFFFF, v28;
	v18 =	vsub.f32 v46, v8;
	v8 =	vadd.f32 v37, v4;
	v37 =	vld [tilespmem:s17+$0xB0]  }
0x1fb: {  	v36 =	vand.u32 $0x7FFFFFFF, v36;
	v4 =	vsub.f32 v40, v41;
	v22 =	vsub.f32 v46, v13;
	v43 =	vld [tilespmem:s6+$0xFFFFFFB0]  }
0x1fc: {  	v27 =	vsub.f32 v40, v27;
	v23 =	vsub.f32 v23, v42;
	v40 =	vld [tilespmem:s22+$0xB0];
	s22 =	smov.u32 s7  }
0x1fd: {  	v29 =	vsub.f32 v35, v29;
	v35 =	vand.u32 $0x7FFFFFFF, v47;
	v41 =	vsub.f32 v39, v41;
	v42 =	vld [tilespmem:s17+$0x130];
	s17 =	smov.u32 s6  }
0x1fe: {  	v31 =	vsub.f32 v48, v31;
	v45 =	vsub.f32 v30, v2;
	v2 =	vmovc v14;
	v46 =	vand.u32 $0x7FFFFFFF, v4;
	v44 =	vld [tilespmem:s7+$0x30]  }
0x1ff: {  	v48 =	vsub.f32 v34, v10;
	v14 =	vand.u32 $0x7FFFFFFF, v5;
	v4 =	vsub.f32 v34, v33;
	v47 =	vld [tilespmem:s6+$0x30]  }
0x200: {  	v50 =	vand.u32 $0x7FFFFFFF, v15;
	v12 =	vadd.f32 v12, v29;
	v34 =	vld [tilespmem:s7+$0xFFFFFFB0];
	v5 =	vsub.f32 v43, v38  }
0x201: {  	v27 =	vand.u32 $0x7FFFFFFF, v27;
	v23 =	vadd.f32 v32, v23;
	v29 =	vand.u32 $0x7FFFFFFF, v4;
	v15 =	vld [tilespmem:s6+$0x60]  }
0x202: {  	v12 =	vsub.f32 v12, v35;
	v35 =	vand.u32 $0x7FFFFFFF, v41;
	v41 =	vsub.f32 v37, v40;
	v32 =	vld [tilespmem:s7+$0x60]  }
0x203: {  	v19 =	vsub.f32 v30, v19;
	v8 =	vsub.f32 v8, v25;
	v25 =	vand.u32 $0x7FFFFFFF, v9;
	v4 =	vld [tilespmem:s7+$0xE0]  }
0x204: {  	v46 =	vadd.f32 v46, v12;
	v12 =	vand.u32 $0x7FFFFFFF, v48;
	v9 =	vsub.f32 v47, v44;
	v30 =	vld [tilespmem:s6+$0xE0]  }
0x205: {  	v51 =	vand.u32 $0x7FFFFFFF, v11;
	v26 =	vadd.f32 v26, v8;
	v43 =	vsub.f32 v43, v34;
	v48 =	vld [tilespmem:s7+$0xFFFFFFD0]  }
0x206: {  	v19 =	vand.u32 $0x7FFFFFFF, v19;
	v33 =	vsub.f32 v39, v33;
	v11 =	vsub.f32 v42, v38;
	v52 =	vld [tilespmem:s6+$0xFFFFFF40]  }
0x207: {  	v53 =	vand.u32 $0x7FFFFFFF, v6;
	v20 =	vsub.f32 v23, v20;
	v38 =	vld [tilespmem:s7+$0x50];
	v39 =	vsub.f32 v15, v32;
	v6 =	vmovc v43  }
0x208: {  	v23 =	vand.u32 $0x7FFFFFFF, v24;
	v24 =	vadd.f32 v12, v31;
	v31 =	vsub.f32 v42, v40;
	v8 =	vld [tilespmem:s7+$0xD0]  }
0x209: {  	v20 =	vadd.f32 v28, v20;
	v43 =	vand.u32 $0x7FFFFFFF, v45;
	v40 =	vld [tilespmem:s6+$0xD0];
	v42 =	vsub.f32 v30, v4  }
0x20a: {  	v24 =	vsub.f32 v24, v29;
	v28 =	vsub.f32 v30, v32;
	v30 =	vand.u32 $0x7FFFFFFF, v41;
	v12 =	vld [tilespmem:s7+$0xC0]  }
0x20b: {  	v20 =	vsub.f32 v20, v36;
	v36 =	vand.u32 $0x7FFFFFFF, v11;
	v29 =	vsub.f32 v52, v49;
	v32 =	vld [tilespmem:s6+$0xC0]  }
0x20c: {  	v26 =	vsub.f32 v26, v50;
	v11 =	vsub.f32 v47, v34;
	v41 =	vand.u32 $0x7FFFFFFF, v17;
	v34 =	vld [tilespmem:s7+$0x40]  }
0x20d: {  	v24 =	vadd.f32 v36, v24;
	v17 =	vand.u32 $0x7FFFFFFF, v33;
	v33 =	vsub.f32 v37, v3;
	v3 =	vmovc v44;
	v45 =	vld [tilespmem:s6+$0x40]  }
0x20e: {  	v19 =	vadd.f32 v19, v26;
	v26 =	vand.u32 $0x7FFFFFFF, v31;
	v36 =	vld [tilespmem:s7+$0xFFFFFFC0];
	v37 =	vsub.f32 v40, v8  }
0x20f: {  	v24 =	vsub.f32 v24, v26;
	v33 =	vand.u32 $0x7FFFFFFF, v33;
	v40 =	vsub.f32 v40, v38;
	v31 =	vld [tilespmem:s6+$0xFFFFFFC0]  }
0x210: {  	v20 =	vadd.f32 v17, v20;
	v29 =	vand.u32 $0x7FFFFFFF, v29;
	v26 =	vld [tilespmem:s7+$0xFFFFFF40];
	v44 =	vsub.f32 v32, v12  }
0x211: {  	v27 =	vsub.f32 v46, v27;
	v40 =	vand.u32 $0x7FFFFFFF, v40;
	v47 =	vld [tilespmem:s6+$0x50];
	v32 =	vsub.f32 v32, v34;
	[tilespmem:s28+$0x100] =	vst v24  }
0x212: {  	v19 =	vsub.f32 v19, v43;
	v24 =	vld [tilespmem:s6+$0xFFFFFFD0];
	v34 =	vsub.f32 v45, v34;
	v44 =	vand.u32 $0x7FFFFFFF, v44  }
0x213: {  	v25 =	vadd.f32 v25, v27;
	v17 =	vld [tilespmem:s6+$0xFFFFFF80];
	v43 =	vsub.f32 v45, v36;
	v32 =	vand.u32 $0x7FFFFFFF, v32  }
0x214: {  	v27 =	vsub.f32 v31, v36;
	v34 =	vand.u32 $0x7FFFFFFF, v34;
	v36 =	vld [tilespmem:s7+$0x70];
	v32 =	vsub.f32 v44, v32  }
0x215: {  	v20 =	vsub.f32 v20, v35;
	v31 =	vsub.f32 v31, v26;
	v44 =	vld [tilespmem:s6+$0xFFFFFFE0];
	v43 =	vand.u32 $0x7FFFFFFF, v43  }
0x216: {  	v19 =	vadd.f32 v23, v19;
	v35 =	vld [tilespmem:s7+$0xFFFFFF60];
	v27 =	vand.u32 $0x7FFFFFFF, v27;
	v34 =	vsub.f32 v34, v43  }
0x217: {  	v20 =	vadd.f32 v30, v20;
	v43 =	vld [tilespmem:s6+$0xFFFFFF60];
	v23 =	vand.u32 $0x7FFFFFFF, v31;
	v31 =	vsub.f32 v24, v13  }
0x218: {  	v19 =	vsub.f32 v19, v41;
	v30 =	vand.u32 $0x7FFFFFFF, v42;
	v23 =	vsub.f32 v27, v23;
	v27 =	vld [tilespmem:s7+$0xFFFFFFE0]  }
0x219: {  	v22 =	vand.u32 $0x7FFFFFFF, v22;
	v38 =	vsub.f32 v47, v38;
	v24 =	vsub.f32 v24, v48;
	v41 =	vld [tilespmem:s6+$0xF0]  }
0x21a: {  	v42 =	vand.u32 $0x7FFFFFFF, v18;
	v19 =	vadd.f32 v53, v19;
	v18 =	vsub.f32 v47, v48;
	v13 =	vld [tilespmem:s7+$0xF0]  }
0x21b: {  	v26 =	vsub.f32 v52, v26;
	v24 =	vand.u32 $0x7FFFFFFF, v24;
	v45 =	vsub.f32 v44, v35;
	v46 =	vld [tilespmem:s7+$0x80]  }
0x21c: {  	v48 =	vand.u32 $0x7FFFFFFF, v18;
	v18 =	vsub.f32 v25, v51;
	v21 =	vsub.f32 v43, v21;
	v47 =	vld [tilespmem:s6+$0xFFFFFFF0]  }
0x21d: {  	v14 =	vsub.f32 v19, v14;
	v25 =	vand.u32 $0x7FFFFFFF, v31;
	v31 =	vsub.f32 v15, v27;
	v49 =	vld [tilespmem:s6+$0x70]  }
0x21e: {  	v28 =	vand.u32 $0x7FFFFFFF, v28;
	v24 =	vadd.f32 v24, v23;
	v19 =	vld [tilespmem:s7+$0xFFFFFF70];
	[tilespmem:s28+$0x0] =	vst v18;
	v18 =	vsub.f32 v20, v33  }
0x21f: {  	v50 =	vand.u32 $0x7FFFFFFF, v39;
	v15 =	vsub.f32 v17, v7;
	v20 =	vld [tilespmem:s6+$0xFFFFFF70];
	v33 =	vsub.f32 v41, v13;
	[tilespmem:s28+$0xFFFFFF80] =	vst v14  }
0x220: {  	v23 =	vand.u32 $0x7FFFFFFF, v37;
	v14 =	vand.u32 $0x7FFFFFFF, v26;
	v26 =	vsub.f32 v41, v36;
	v7 =	vld [tilespmem:s7+$0x100];
	[tilespmem:s28+$0x80] =	vst v18;
	s28 =	smov.u32 s21  }
0x221: {  	v23 =	vadd.f32 v23, v32;
	v27 =	vsub.f32 v44, v27;
	v37 =	vand.u32 $0x7FFFFFFF, v45;
	v41 =	vld [tilespmem:s7+$0xFFFFFFF0]  }
0x222: {  	v14 =	vsub.f32 v14, v29;
	v18 =	vand.u32 $0x7FFFFFFF, v21;
	v21 =	vsub.f32 v49, v36;
	v29 =	vld [tilespmem:s6+$0x100]  }
0x223: {  	v39 =	vsub.f32 v23, v40;
	v27 =	vand.u32 $0x7FFFFFFF, v27;
	v32 =	vsub.f32 v47, v19;
	v36 =	vld [tilespmem:s6+$0x80]  }
0x224: {  	v23 =	vand.u32 $0x7FFFFFFF, v31;
	v40 =	vadd.f32 v22, v14;
	v44 =	vld [tilespmem:s7+$0x0];
	v22 =	vand.u32 $0x7FFFFFFF, v21  }
0x225: {  	v30 =	vadd.f32 v30, v39;
	v14 =	vand.u32 $0x7FFFFFFF, v38;
	v21 =	vsub.f32 v43, v35;
	v45 =	vld [tilespmem:s6+$0x0]  }
0x226: {  	v26 =	vand.u32 $0x7FFFFFFF, v26;
	v34 =	vadd.f32 v14, v34;
	v31 =	vsub.f32 v47, v41;
	v14 =	vld [tilespmem:s7+$0x110]  }
0x227: {  	v24 =	vsub.f32 v24, v25;
	v25 =	vand.u32 $0x7FFFFFFF, v33;
	v38 =	vld [tilespmem:s7+$0xFFFFFF80];
	v39 =	vsub.f32 v29, v46  }
0x228: {  	v30 =	vsub.f32 v30, v28;
	v31 =	vand.u32 $0x7FFFFFFF, v31;
	v46 =	vsub.f32 v36, v46;
	v43 =	vld [tilespmem:s6+$0x110]  }
0x229: {  	v24 =	vadd.f32 v27, v24;
	v47 =	vand.u32 $0x7FFFFFFF, v32;
	v27 =	vsub.f32 v29, v7;
	v28 =	vld [tilespmem:s7+$0x90]  }
0x22a: {  	v33 =	vsub.f32 v40, v42;
	v35 =	vand.u32 $0x7FFFFFFF, v21;
	v21 =	vadd.f32 v25, v30  }
0x22b: {  	v24 =	vsub.f32 v24, v37;
	v16 =	vsub.f32 v20, v16;
	v25 =	vand.u32 $0x7FFFFFFF, v27;
	v42 =	vld [tilespmem:s6+$0xFFFFFFA0]  }
0x22c: {  	v30 =	vsub.f32 v36, v44;
	v27 =	vld [tilespmem:s7+$0xFFFFFFA0];
	v29 =	vsub.f32 v45, v38  }
0x22d: {  	v20 =	vsub.f32 v20, v19;
	v52 =	vand.u32 $0x7FFFFFFF, v39;
	v51 =	vsub.f32 v17, v38;
	v19 =	vld [tilespmem:s7+$0xFFFFFF90]  }
0x22e: {  	v24 =	vadd.f32 v31, v24;
	v29 =	vand.u32 $0x7FFFFFFF, v29;
	v39 =	vld [tilespmem:s6+$0x10];
	v31 =	vsub.f32 v43, v28  }
0x22f: {  	v32 =	vsub.f32 v34, v48;
	v21 =	vsub.f32 v21, v26;
	v36 =	vld [tilespmem:s7+$0x10]  }
0x230: {  	v37 =	vand.u32 $0x7FFFFFFF, v20;
	v17 =	vsub.f32 v42, v10;
	v38 =	vld [tilespmem:s6+$0x90];
	v31 =	vand.u32 $0x7FFFFFFF, v31  }
.Ltmp3:
0x231: {  	v21 =	vadd.f32 v25, v21;
	v20 =	vand.u32 $0x7FFFFFFF, v30;
	v30 =	vsub.f32 v43, v14;
	v10 =	vld [tilespmem:s7+$0x120];
	(pc) =	sbr.rel @p1 .LBB2_8-.Ltmp3, $4  }
0x232: {  	v48 =	vsub.f32 v49, v41;
	v25 =	vand.u32 $0x7FFFFFFF, v16;
	v43 =	vadd.f32 v50, v32;
	v34 =	vld [tilespmem:s6+$0x120]  }
0x233: {  	v45 =	vsub.f32 v45, v44;
	v16 =	vsub.f32 v21, v52;
	v32 =	vand.u32 $0x7FFFFFFF, v46;
	v40 =	vld [tilespmem:s6+$0x20]  }
0x234: {  	v44 =	vsub.f32 v24, v47;
	v26 =	vand.u32 $0x7FFFFFFF, v51;
	v21 =	vand.u32 $0x7FFFFFFF, v30;
	v41 =	vld [tilespmem:s7+$0x20]  }
0x235: {  	v45 =	vand.u32 $0x7FFFFFFF, v45;
	v24 =	vsub.f32 v42, v27;
	v42 =	vand.u32 $0x7FFFFFFF, v48;
	s6 =	sadd.s32 $0x200, s6;
	s7 =	sadd.s32 $0x200, s7;
	v30 =	vld [tilespmem:s17+$0xFFFFFF90]  }
0x236: {  	v46 =	vsub.f32 v39, v19  }
0x237: {  	v16 =	vadd.f32 v21, v16;
	v55 =	vadd.f32 v35, v33  }
0x238: {  	v56 =	vsub.f32 v39, v36;
	v23 =	vsub.f32 v43, v23  }
0x239: {  	v28 =	vsub.f32 v38, v28;
	v58 =	vadd.f32 v45, v44  }
0x23a: {  	v60 =	vsub.f32 v38, v36;
	v15 =	vand.u32 $0x7FFFFFFF, v15;
	v48 =	vsub.f32 v34, v10  }
0x23b: {  	v57 =	vld [tilespmem:s17+$0xA0];
	v9 =	vand.u32 $0x7FFFFFFF, v9;
	v18 =	vsub.f32 v55, v18;
	v22 =	vadd.f32 v22, v23  }
0x23c: {  	v59 =	vld [tilespmem:s22+$0xA0];
	v11 =	vand.u32 $0x7FFFFFFF, v11;
	v27 =	vsub.f32 v40, v27;
	v21 =	vsub.f32 v58, v29  }
0x23d: {  	v62 =	vld [tilespmem:s17+$0xB0];
	v17 =	vand.u32 $0x7FFFFFFF, v17;
	v16 =	vsub.f32 v16, v31;
	v61 =	vsub.f32 v40, v41  }
0x23e: {  	v44 =	vld [tilespmem:s22+$0xB0];
	v33 =	vand.u32 $0x7FFFFFFF, v56;
	v18 =	vadd.f32 v37, v18;
	v22 =	vsub.f32 v22, v42  }
0x23f: {  	v45 =	vand.u32 $0x7FFFFFFF, v46;
	v46 =	vsub.f32 v30, v2;
	v21 =	vadd.f32 v33, v21  }
0x240: {  	v54 =	vand.u32 $0x7FFFFFFF, v48;
	v53 =	vsub.f32 v30, v19;
	v18 =	vsub.f32 v18, v25  }
0x241: {  	v6 =	vand.u32 $0x7FFFFFFF, v6;
	v16 =	vadd.f32 v54, v16;
	v63 =	vsub.f32 v57, v41  }
0x242: {  	v50 =	vld [tilespmem:s17+$0x130];
	v24 =	vand.u32 $0x7FFFFFFF, v24;
	v49 =	vsub.f32 v34, v59;
	v18 =	vadd.f32 v26, v18  }
0x243: {  	v28 =	vand.u32 $0x7FFFFFFF, v28;
	v52 =	vsub.f32 v62, v44;
	v22 =	vadd.f32 v32, v22  }
0x244: {  	v23 =	vand.u32 $0x7FFFFFFF, v60;
	v2 =	vld [tilespmem:s22+$0x130];
	v56 =	vsub.f32 v57, v59;
	v15 =	vsub.f32 v18, v15  }
0x245: {  	v3 =	vsub.f32 v62, v3;
	v55 =	vand.u32 $0x7FFFFFFF, v53;
	v20 =	vsub.f32 v22, v20  }
0x246: {  	v47 =	vand.u32 $0x7FFFFFFF, v61;
	v21 =	vsub.f32 v21, v45;
	v15 =	vadd.f32 v55, v15  }
0x247: {  	v58 =	vand.u32 $0x7FFFFFFF, v46;
	v25 =	vsub.f32 v50, v44;
	v20 =	vadd.f32 v28, v20  }
0x248: {  	v27 =	vand.u32 $0x7FFFFFFF, v27;
	v21 =	vadd.f32 v47, v21;
	v15 =	vsub.f32 v15, v58  }
0x249: {  	v51 =	vand.u32 $0x7FFFFFFF, v49;
	v57 =	vsub.f32 v50, v2;
	v59 =	vsub.f32 v20, v23  }
0x24a: {  	v19 =	vand.u32 $0x7FFFFFFF, v56;
	v16 =	vsub.f32 v16, v51;
	v15 =	vadd.f32 v24, v15  }
0x24b: {  	v61 =	vsub.f32 v21, v27;
	v60 =	vand.u32 $0x7FFFFFFF, v57;
	v18 =	vadd.f32 v19, v59  }
0x24c: {  	v29 =	vand.u32 $0x7FFFFFFF, v63;
	v16 =	vadd.f32 v60, v16;
	v15 =	vsub.f32 v15, v17  }
0x24d: {  	v62 =	vand.u32 $0x7FFFFFFF, v25;
	v9 =	vadd.f32 v9, v61;
	v18 =	vsub.f32 v18, v29  }
0x24e: {  	v63 =	vand.u32 $0x7FFFFFFF, v52;
	v16 =	vsub.f32 v16, v62;
	v6 =	vadd.f32 v6, v15  }
0x24f: {  	v5 =	vand.u32 $0x7FFFFFFF, v5;
	v9 =	vsub.f32 v9, v11;
	v15 =	vadd.f32 v63, v18  }
0x250: {  	v3 =	vand.u32 $0x7FFFFFFF, v3;
	[tilespmem:s28+$0x100] =	vst v16;
	v5 =	vsub.f32 v6, v5  }
0x251: {  	[tilespmem:s28+$0x0] =	vst v9;
	v3 =	vsub.f32 v15, v3  }
0x252: {  	[tilespmem:s28+$0xFFFFFF80] =	vst v5  }
0x253: {  	s5 =	simm.s32 $0x0;
	s6 =	simm.s32 $0x0;
	[tilespmem:s28+$0x80] =	vst v3  }
.LBB2_10:
0x254: {  	s7 =	sshra.s32 s6, $0x2  }
0x255: {  	v3 =	vld [tilespmem:s7+$0x4200]  }
0x256: {  	v5 =	vld [tilespmem:s7+$0xC200]  }
0x257: {  	v6 =	vld [tilespmem:s7+$0x4210]  }
0x258: {  	v9 =	vld [tilespmem:s7+$0xC210];
	_ =	sdelay $0x2  }
0x259: {  	v15 =	vld [tilespmem:s7+$0xC220];
	v11 =	vsub.f32 v3, v5;
	v3 =	vsub.f32 v3, v12  }
0x25a: {  	v12 =	vld [tilespmem:s7+$0x4220]  }
0x25b: {  	v16 =	vsub.f32 v6, v9;
	v11 =	vand.u32 $0x7FFFFFFF, v11;
	v3 =	vand.u32 $0x7FFFFFFF, v3  }
0x25c: {  	v3 =	vsub.f32 v11, v3  }
0x25d: {  	v6 =	vsub.f32 v6, v8;
	v8 =	vld [tilespmem:s7+$0x4230];
	v11 =	vand.u32 $0x7FFFFFFF, v16  }
0x25e: {  	v3 =	vadd.f32 v11, v3;
	v11 =	vld [tilespmem:s7+$0xC230]  }
0x25f: {  	v6 =	vand.u32 $0x7FFFFFFF, v6;
	v59 =	vsub.f32 v12, v15  }
0x260: {  	v3 =	vsub.f32 v3, v6  }
0x261: {  	v4 =	vsub.f32 v12, v4;
	v12 =	vld [tilespmem:s7+$0x4240];
	v6 =	vand.u32 $0x7FFFFFFF, v59  }
0x262: {  	v3 =	vadd.f32 v6, v3;
	v6 =	vld [tilespmem:s7+$0xC240]  }
0x263: {  	v4 =	vand.u32 $0x7FFFFFFF, v4;
	v60 =	vsub.f32 v8, v11  }
0x264: {  	v3 =	vsub.f32 v3, v4  }
0x265: {  	v8 =	vsub.f32 v8, v13;
	v13 =	vld [tilespmem:s7+$0x4250];
	v4 =	vand.u32 $0x7FFFFFFF, v60  }
0x266: {  	v3 =	vadd.f32 v4, v3;
	v4 =	vld [tilespmem:s7+$0xC250]  }
0x267: {  	v8 =	vand.u32 $0x7FFFFFFF, v8;
	v61 =	vsub.f32 v12, v6  }
0x268: {  	v3 =	vsub.f32 v3, v8  }
0x269: {  	v7 =	vsub.f32 v12, v7;
	v12 =	vld [tilespmem:s7+$0x4260];
	v8 =	vand.u32 $0x7FFFFFFF, v61  }
0x26a: {  	v3 =	vadd.f32 v8, v3;
	v8 =	vld [tilespmem:s7+$0xC260]  }
0x26b: {  	v7 =	vand.u32 $0x7FFFFFFF, v7;
	v62 =	vsub.f32 v13, v4  }
0x26c: {  	v3 =	vsub.f32 v3, v7  }
0x26d: {  	v13 =	vsub.f32 v13, v14;
	v14 =	vld [tilespmem:s7+$0x4270];
	v7 =	vand.u32 $0x7FFFFFFF, v62  }
0x26e: {  	v3 =	vadd.f32 v7, v3;
	v7 =	vld [tilespmem:s7+$0xC270]  }
0x26f: {  	v13 =	vand.u32 $0x7FFFFFFF, v13;
	v63 =	vsub.f32 v12, v8  }
0x270: {  	v3 =	vsub.f32 v3, v13  }
0x271: {  	v10 =	vsub.f32 v12, v10;
	v12 =	vand.u32 $0x7FFFFFFF, v63  }
0x272: {  	v3 =	vadd.f32 v12, v3  }
0x273: {  	v10 =	vand.u32 $0x7FFFFFFF, v10;
	v12 =	vsub.f32 v14, v7  }
0x274: {  	v3 =	vsub.f32 v3, v10  }
0x275: {  	v2 =	vsub.f32 v14, v2;
	v10 =	vand.u32 $0x7FFFFFFF, v12  }
0x276: {  	v3 =	vadd.f32 v10, v3  }
0x277: {  	p1 =	sne.s32 s6, $0x400;
	v2 =	vand.u32 $0x7FFFFFFF, v2  }
.Ltmp4:
0x278: {  	v2 =	vsub.f32 v3, v2;
	(pc) =	sbr.rel @p1 .LBB2_10-.Ltmp4, $3  }
0x279: {  	_ =	sdelay $0x1  }
0x27a: {  	v13 =	vmov v11;
	v14 =	vmov v4;
	v4 =	vmov v15  }
0x27b: {  	s6 =	sadd.s32 $0x200, s6;
	v12 =	vmovc v5;
	v10 =	vmovc v8;
	v8 =	vmov v9;
	[tilespmem:s7+$0x12600] =	vst v2;
	v2 =	vmov v7;
	v7 =	vmov v6  }
0x27c: {  	v2 =	vmov s5  }
0x27d: {  	v2 =	vshll.u32 v2, $0x7  }
0x27e: {  	v2 =	vor.u32 v0, v2;
	_ =	sdelay $0x1  }
0x27f: {  	v3 =	vor.u32 $0x1, v2;
	_ =	sdelay $0x1  }
0x280: {  	v4 =	vor.u32 $0x2, v2  }
0x281: {  	v5 =	vld.idx.msk [tilespmem:v2+s18+$0x0], $0xffff  }
0x282: {  	v6 =	vor.u32 $0x3, v2  }
0x283: {  	v3 =	vld.idx.msk [tilespmem:v3+s18+$0x0], $0xffff  }
0x284: {  	v7 =	vor.u32 $0x4, v2  }
0x285: {  	v4 =	vld.idx.msk [tilespmem:v4+s18+$0x0], $0xffff  }
0x286: {  	v8 =	vor.u32 $0x5, v2;
	v5 =	vadd.f32 $0.0e+00, v5  }
0x287: {  	v6 =	vld.idx.msk [tilespmem:v6+s18+$0x0], $0xffff  }
0x288: {  	v3 =	vadd.f32 v3, v5;
	v5 =	vor.u32 $0x6, v2  }
0x289: {  	v7 =	vld.idx.msk [tilespmem:v7+s18+$0x0], $0xffff  }
0x28a: {  	v9 =	vor.u32 $0x7, v2;
	v3 =	vadd.f32 v4, v3  }
0x28b: {  	v4 =	vld.idx.msk [tilespmem:v8+s18+$0x0], $0xffff  }
0x28c: {  	v8 =	vor.u32 $0x8, v2;
	v3 =	vadd.f32 v6, v3  }
0x28d: {  	v6 =	vor.u32 $0x9, v2;
	v5 =	vld.idx.msk [tilespmem:v5+s18+$0x0], $0xffff  }
0x28e: {  	v10 =	vadd.f32 v7, v3  }
0x28f: {  	s28 =	simm.s32 $0x10;
	v3 =	vld.idx.msk [tilespmem:v9+s18+$0x0], $0xffff;
	v7 =	vor.u32 $0xA, v2  }
0x290: {  	v11 =	vmov s28;
	v9 =	vadd.f32 v4, v10  }
0x291: {  	s5 =	simm.s32 $0x20;
	v4 =	vld.idx.msk [tilespmem:v8+s18+$0x0], $0xffff;
	v10 =	vshll.u32 v11, $0x7;
	v8 =	vor.u32 $0xB, v2  }
.LBB2_12:
0x292: {  	p1 =	sne.s32 s5, $0x30;
	v10 =	vor.u32 v0, v10;
	v5 =	vadd.f32 v5, v9;
	v6 =	vld.idx.msk [tilespmem:v6+s18+$0x0], $0xffff  }
0x293: {  	v9 =	vor.u32 $0xC, v2  }
0x294: {  	v3 =	vadd.f32 v3, v5;
	v5 =	vld.idx.msk [tilespmem:v7+s18+$0x0], $0xffff;
	v7 =	vor.u32 $0xD, v2  }
0x295: {  	v11 =	vor.u32 $0x1, v10  }
0x296: {  	v3 =	vadd.f32 v4, v3;
	v4 =	vld.idx.msk [tilespmem:v8+s18+$0x0], $0xffff;
	v8 =	vor.u32 $0xE, v2  }
0x297: {  	v13 =	vor.u32 $0x2, v10;
	v12 =	vld.idx.msk [tilespmem:v10+s18+$0x0], $0xffff  }
0x298: {  	v3 =	vadd.f32 v6, v3;
	v6 =	vld.idx.msk [tilespmem:v9+s18+$0x0], $0xffff;
	v9 =	vor.u32 $0xF, v2;
	v2 =	vmov v10  }
0x299: {  	v10 =	vor.u32 $0x3, v2;
	v7 =	vld.idx.msk [tilespmem:v7+s18+$0x0], $0xffff  }
0x29a: {  	v11 =	vld.idx.msk [tilespmem:v11+s18+$0x0], $0xffff;
	v3 =	vadd.f32 v5, v3  }
0x29b: {  	v5 =	vor.u32 $0x4, v2;
	v8 =	vld.idx.msk [tilespmem:v8+s18+$0x0], $0xffff  }
0x29c: {  	v13 =	vld.idx.msk [tilespmem:v13+s18+$0x0], $0xffff;
	v3 =	vadd.f32 v4, v3  }
0x29d: {  	v4 =	vor.u32 $0x5, v2;
	v9 =	vld.idx.msk [tilespmem:v9+s18+$0x0], $0xffff  }
0x29e: {  	v12 =	vadd.f32 $0.0e+00, v12;
	v10 =	vld.idx.msk [tilespmem:v10+s18+$0x0], $0xffff;
	v3 =	vadd.f32 v6, v3  }
0x29f: {  	v6 =	vor.u32 $0x6, v2  }
0x2a0: {  	v11 =	vadd.f32 v11, v12;
	v12 =	vld.idx.msk [tilespmem:v5+s18+$0x0], $0xffff;
	v3 =	vadd.f32 v7, v3  }
0x2a1: {  	v7 =	vor.u32 $0x7, v2  }
0x2a2: {  	v5 =	vadd.f32 v13, v11;
	v4 =	vld.idx.msk [tilespmem:v4+s18+$0x0], $0xffff;
	v3 =	vadd.f32 v8, v3  }
0x2a3: {  	v8 =	vor.u32 $0x8, v2  }
0x2a4: {  	v10 =	vadd.f32 v10, v5;
	v5 =	vld.idx.msk [tilespmem:v6+s18+$0x0], $0xffff;
	v9 =	vadd.f32 v9, v3  }
.Ltmp5:
0x2a5: {  	v6 =	vor.u32 $0x9, v2;
	(pc) =	sbr.rel @p1 .LBB2_12-.Ltmp5, $4  }
0x2a6: {  	v10 =	vadd.f32 v12, v10;
	v3 =	vld.idx.msk [tilespmem:v7+s18+$0x0], $0xffff;
	v11 =	vadd.f32 $1.000000000e+00, v9  }
0x2a7: {  	v7 =	vor.u32 $0xA, v2  }
0x2a8: {  	v12 =	vmov s5;
	v9 =	vadd.f32 v4, v10;
	v4 =	vld.idx.msk [tilespmem:v8+s18+$0x0], $0xffff;
	v11 =	vmax.f32 v11, $0.0e+00  }
0x2a9: {  	s5 =	sadd.s32 $0x10, s5;
	v10 =	vshll.u32 v12, $0x7;
	v8 =	vor.u32 $0xB, v2;
	v1 =	vadd.f32 v11, v1  }
0x2aa: {  	_ =	sdelay $0x1  }
0x2ab: {  	v10 =	vor.u32 v0, v10  }
0x2ac: {  	v11 =	vor.u32 $0xC, v2  }
0x2ad: {  	v18 =	vld.idx.msk [tilespmem:v6+s18+$0x0], $0xffff;
	v6 =	vor.u32 $0xD, v2  }
0x2ae: {  	v15 =	vld.idx.msk [tilespmem:v7+s18+$0x0], $0xffff;
	v7 =	vor.u32 $0x1, v10  }
0x2af: {  	v12 =	vld.idx.msk [tilespmem:v8+s18+$0x0], $0xffff;
	v8 =	vor.u32 $0xE, v2  }
0x2b0: {  	v2 =	vor.u32 $0xF, v2;
	v16 =	vld.idx.msk [tilespmem:v10+s18+$0x0], $0xffff  }
0x2b1: {  	v14 =	vor.u32 $0x2, v10;
	v13 =	vld.idx.msk [tilespmem:v11+s18+$0x0], $0xffff  }
0x2b2: {  	v17 =	vor.u32 $0x3, v10;
	v11 =	vld.idx.msk [tilespmem:v6+s18+$0x0], $0xffff  }
0x2b3: {  	v19 =	vld.idx.msk [tilespmem:v7+s18+$0x0], $0xffff;
	v7 =	vor.u32 $0x4, v10  }
0x2b4: {  	v20 =	vor.u32 $0x5, v10;
	v6 =	vld.idx.msk [tilespmem:v8+s18+$0x0], $0xffff  }
0x2b5: {  	v8 =	vld.idx.msk [tilespmem:v2+s18+$0x0], $0xffff;
	v2 =	vor.u32 $0x7, v10  }
0x2b6: {  	v21 =	vld.idx.msk [tilespmem:v14+s18+$0x0], $0xffff;
	v14 =	vor.u32 $0x6, v10  }
0x2b7: {  	v22 =	vld.idx.msk [tilespmem:v17+s18+$0x0], $0xffff;
	v17 =	vor.u32 $0x8, v10  }
0x2b8: {  	v23 =	vld.idx.msk [tilespmem:v7+s18+$0x0], $0xffff;
	v7 =	vor.u32 $0x9, v10  }
0x2b9: {  	v24 =	vor.u32 $0xA, v10;
	v20 =	vld.idx.msk [tilespmem:v20+s18+$0x0], $0xffff  }
0x2ba: {  	v26 =	vld.idx.msk [tilespmem:v2+s18+$0x0], $0xffff;
	v2 =	vor.u32 $0xC, v10  }
0x2bb: {  	v25 =	vld.idx.msk [tilespmem:v14+s18+$0x0], $0xffff;
	v14 =	vor.u32 $0xB, v10  }
0x2bc: {  	v27 =	vld.idx.msk [tilespmem:v17+s18+$0x0], $0xffff;
	v17 =	vor.u32 $0xD, v10  }
0x2bd: {  	v28 =	vld.idx.msk [tilespmem:v7+s18+$0x0], $0xffff;
	v7 =	vor.u32 $0xE, v10  }
0x2be: {  	v24 =	vld.idx.msk [tilespmem:v24+s18+$0x0], $0xffff;
	v10 =	vor.u32 $0xF, v10  }
0x2bf: {  	v30 =	vld.idx.msk [tilespmem:v2+s18+$0x0], $0xffff  }
0x2c0: {  	v29 =	vld.idx.msk [tilespmem:v14+s18+$0x0], $0xffff  }
0x2c1: {  	v31 =	vld.idx.msk [tilespmem:v17+s18+$0x0], $0xffff  }
0x2c2: {  	v32 =	vld.idx.msk [tilespmem:v7+s18+$0x0], $0xffff  }
0x2c3: {  	v33 =	vld.idx.msk [tilespmem:v10+s18+$0x0], $0xffff;
	_ =	swait.ge [sflag:s23], $0x2000  }
0x2c4: {  	[sflag:s23] =	ssyncset.done $0x0  }
0x2c5: {  	s5 =	simm.s32 $0x6380;
	s6 =	simm.s32 $0xC0;
	[sflag:s23] =	ssyncadd.s32 $0xFFFFE000  }
0x2c6: {  	[tilespmem:s5], [sflag:$0x9] =	stream.indirect.gather.add.f32 [hbm:s0], $0x80, s6, s16, $0xb8;
	[tilespmem:$0x13800] =	vst v63  }
0x2c7: {  	_ =	swait.ge [sflag:s19], $0x2000  }
0x2c8: {  	[sflag:s19] =	ssyncset.done $0x0  }
0x2c9: {  	[sflag:s19] =	ssyncadd.s32 $0xFFFFE000  }
0x2ca: {  	_ =	swait.ge [sflag:s29], $0x2000  }
0x2cb: {  	[sflag:s29] =	ssyncset.done $0x0  }
0x2cc: {  	[sflag:s29] =	ssyncadd.s32 $0xFFFFE000  }
0x2cd: {  	v2 =	vld [tilespmem:$0x4380]  }
0x2ce: {  	v17 =	vld [tilespmem:$0xC380]  }
0x2cf: {  	v7 =	vld [tilespmem:$0xC300]  }
0x2d0: {  	v10 =	vld [tilespmem:$0x4390]  }
0x2d1: {  	v34 =	vld [tilespmem:$0xC390];
	_ =	sdelay $0x1  }
0x2d2: {  	v14 =	vld [tilespmem:$0xC310]  }
0x2d3: {  	v36 =	vld [tilespmem:$0x43A0];
	v35 =	vsub.f32 v2, v17;
	v2 =	vsub.f32 v2, v7  }
0x2d4: {  	v7 =	vld [tilespmem:$0xC3A0]  }
0x2d5: {  	v37 =	vsub.f32 v10, v34;
	v35 =	vand.u32 $0x7FFFFFFF, v35;
	v2 =	vand.u32 $0x7FFFFFFF, v2  }
0x2d6: {  	v61 =	vld [tilespmem:$0xC320];
	v2 =	vsub.f32 v35, v2  }
0x2d7: {  	v38 =	vld [tilespmem:$0x43B0];
	v14 =	vsub.f32 v10, v14;
	v37 =	vand.u32 $0x7FFFFFFF, v37  }
0x2d8: {  	v10 =	vld [tilespmem:$0xC3B0];
	v2 =	vadd.f32 v37, v2  }
0x2d9: {  	v14 =	vand.u32 $0x7FFFFFFF, v14;
	v62 =	vsub.f32 v36, v7  }
0x2da: {  	v39 =	vld [tilespmem:$0xC330];
	v2 =	vsub.f32 v2, v14  }
0x2db: {  	v63 =	vld [tilespmem:$0x43C0];
	v35 =	vsub.f32 v36, v61;
	v14 =	vand.u32 $0x7FFFFFFF, v62  }
0x2dc: {  	v2 =	vadd.f32 v14, v2;
	v14 =	vld [tilespmem:$0xC3C0]  }
0x2dd: {  	v35 =	vand.u32 $0x7FFFFFFF, v35;
	v44 =	vsub.f32 v38, v10  }
0x2de: {  	v45 =	vld [tilespmem:$0xC340];
	v2 =	vsub.f32 v2, v35  }
0x2df: {  	v46 =	vld [tilespmem:$0x43D0];
	v38 =	vsub.f32 v38, v39;
	v37 =	vand.u32 $0x7FFFFFFF, v44  }
0x2e0: {  	v37 =	vadd.f32 v37, v2;
	v2 =	vld [tilespmem:$0xC3D0]  }
0x2e1: {  	v38 =	vand.u32 $0x7FFFFFFF, v38;
	v40 =	vsub.f32 v63, v14  }
0x2e2: {  	v47 =	vld [tilespmem:$0xC350];
	v37 =	vsub.f32 v37, v38  }
0x2e3: {  	v48 =	vld [tilespmem:$0x43E0];
	v35 =	vsub.f32 v63, v45;
	v40 =	vand.u32 $0x7FFFFFFF, v40  }
0x2e4: {  	v41 =	vadd.f32 $0.0e+00, v16;
	v16 =	vld [tilespmem:$0xC3E0];
	v37 =	vadd.f32 v40, v37  }
0x2e5: {  	v35 =	vand.u32 $0x7FFFFFFF, v35;
	v49 =	vsub.f32 v46, v2  }
0x2e6: {  	v19 =	vadd.f32 v19, v41;
	v50 =	vld [tilespmem:$0xC360];
	v35 =	vsub.f32 v37, v35  }
0x2e7: {  	v51 =	vld [tilespmem:$0x43F0];
	v38 =	vsub.f32 v46, v47;
	v40 =	vand.u32 $0x7FFFFFFF, v49  }
0x2e8: {  	v19 =	vadd.f32 v21, v19;
	v52 =	vld [tilespmem:$0xC3F0];
	v21 =	vadd.f32 v40, v35  }
0x2e9: {  	v53 =	vsub.f32 v48, v16;
	v38 =	vand.u32 $0x7FFFFFFF, v38  }
0x2ea: {  	v19 =	vadd.f32 v22, v19;
	v22 =	vld [tilespmem:$0xC370];
	v21 =	vsub.f32 v21, v38  }
0x2eb: {  	v54 =	vand.u32 $0x7FFFFFFF, v53;
	v36 =	vsub.f32 v48, v50  }
0x2ec: {  	v5 =	vadd.f32 v5, v9;
	v21 =	vadd.f32 v54, v21  }
0x2ed: {  	v19 =	vadd.f32 v23, v19;
	v23 =	vsub.f32 v51, v52;
	v9 =	vand.u32 $0x7FFFFFFF, v36  }
0x2ee: {  	v3 =	vadd.f32 v3, v5;
	v9 =	vsub.f32 v21, v9  }
0x2ef: {  	v19 =	vadd.f32 v20, v19;
	v20 =	vsub.f32 v51, v22;
	v5 =	vand.u32 $0x7FFFFFFF, v23  }
0x2f0: {  	v5 =	vadd.f32 v5, v9  }
0x2f1: {  	v3 =	vadd.f32 v4, v3;
	v19 =	vadd.f32 v25, v19;
	v4 =	vand.u32 $0x7FFFFFFF, v20  }
0x2f2: {  	v4 =	vsub.f32 v5, v4  }
0x2f3: {  	v9 =	vadd.f32 v26, v19  }
0x2f4: {  	s17 =	simm.s32 $0x44C0;
	v3 =	vadd.f32 v18, v3;
	[tilespmem:$0x10780] =	vst v4  }
0x2f5: {  	s22 =	simm.s32 $0xC4C0;
	v5 =	vadd.f32 v27, v9;
	v9 =	vld [tilespmem:s17+$0xFFFFFF50]  }
0x2f6: {  	v3 =	vadd.f32 v15, v3;
	v15 =	vld [tilespmem:s22+$0xFFFFFF50]  }
0x2f7: {  	v18 =	vld [tilespmem:s17+$0xFFFFFFB0]  }
0x2f8: {  	v4 =	vadd.f32 v28, v5;
	v5 =	vadd.f32 v12, v3;
	v3 =	vld [tilespmem:s22+$0x30]  }
0x2f9: {  	v19 =	vld [tilespmem:s17+$0x30]  }
0x2fa: {  	v20 =	vld [tilespmem:s17+$0x60]  }
0x2fb: {  	v21 =	vld [tilespmem:s22+$0x60]  }
0x2fc: {  	v22 =	vld [tilespmem:s22+$0xFFFFFFD0]  }
0x2fd: {  	v23 =	vld [tilespmem:s17+$0xFFFFFF40]  }
0x2fe: {  	v25 =	vld [tilespmem:s17+$0xD0]  }
0x2ff: {  	v12 =	vld [tilespmem:s22+$0xC0]  }
0x300: {  	v26 =	vld [tilespmem:s17+$0xC0]  }
0x301: {  	v27 =	vld [tilespmem:s22+$0x40]  }
0x302: {  	v57 =	vld [tilespmem:s22+$0xFFFFFF40]  }
0x303: {  	v58 =	vld [tilespmem:s17+$0x50];
	v4 =	vadd.f32 v24, v4;
	v5 =	vadd.f32 v13, v5  }
0x304: {  	v60 =	vld [tilespmem:s17+$0xFFFFFF80]  }
0x305: {  	v62 =	vld [tilespmem:s22+$0x70];
	v4 =	vadd.f32 v29, v4;
	v5 =	vadd.f32 v11, v5  }
0x306: {  	v63 =	vld [tilespmem:s17+$0xFFFFFFE0]  }
0x307: {  	v48 =	vld [tilespmem:s22+$0xFFFFFF60];
	v11 =	vadd.f32 v30, v4;
	v5 =	vadd.f32 v6, v5  }
0x308: {  	v45 =	vld [tilespmem:s17+$0x70];
	v28 =	vsub.f32 v9, v34;
	v30 =	vsub.f32 v9, v15  }
0x309: {  	v51 =	vld [tilespmem:s17+$0xFFFFFFF0];
	v9 =	vsub.f32 v19, v3;
	v55 =	vsub.f32 v20, v21  }
0x30a: {  	v46 =	vld [tilespmem:s22+$0xFFFFFF70];
	v17 =	vsub.f32 v23, v17;
	v59 =	vsub.f32 v26, v12  }
0x30b: {  	v47 =	vld [tilespmem:s17+$0x80];
	v26 =	vsub.f32 v26, v27;
	v23 =	vsub.f32 v23, v57  }
0x30c: {  	v4 =	vld [tilespmem:s22+$0xE0];
	v6 =	vadd.f32 v31, v11;
	v5 =	vadd.f32 v8, v5  }
0x30d: {  	v50 =	vsub.f32 v63, v48;
	v39 =	vsub.f32 v45, v62;
	v11 =	vld [tilespmem:s17+$0xE0];
	v17 =	vand.u32 $0x7FFFFFFF, v17  }
0x30e: {  	v13 =	vld [tilespmem:s22+$0xFFFFFFB0];
	v23 =	vand.u32 $0x7FFFFFFF, v23;
	v6 =	vadd.f32 v32, v6;
	v5 =	vadd.f32 $1.000000000e+00, v5  }
0x30f: {  	v24 =	vld [tilespmem:s22+$0x50];
	v54 =	vsub.f32 v51, v46;
	v17 =	vsub.f32 v23, v17  }
0x310: {  	v8 =	vld [tilespmem:s22+$0xD0];
	v30 =	vand.u32 $0x7FFFFFFF, v30;
	v6 =	vadd.f32 v33, v6;
	v5 =	vmax.f32 v5, $0.0e+00  }
0x311: {  	v29 =	vld [tilespmem:s17+$0x40];
	v17 =	vadd.f32 v30, v17;
	v1 =	vadd.f32 v5, v1  }
0x312: {  	v31 =	vld [tilespmem:s22+$0xFFFFFFC0];
	v56 =	vsub.f32 v11, v4;
	v6 =	vadd.f32 $1.000000000e+00, v6  }
0x313: {  	v21 =	vsub.f32 v11, v21;
	v11 =	vsub.f32 v19, v13;
	v19 =	vld [tilespmem:s17+$0xFFFFFFD0]  }
0x314: {  	v30 =	vld [tilespmem:s22+$0x0];
	v5 =	vmax.f32 v6, $0.0e+00;
	v6 =	vsub.f32 v18, v13;
	v13 =	vsub.f32 v25, v24  }
0x315: {  	v49 =	vld [tilespmem:s17+$0xF0];
	v26 =	vand.u32 $0x7FFFFFFF, v26;
	v25 =	vsub.f32 v25, v8;
	v24 =	vsub.f32 v58, v24  }
0x316: {  	v53 =	vld [tilespmem:s17+$0x100];
	v33 =	vand.u32 $0x7FFFFFFF, v56;
	v1 =	vadd.f32 v5, v1;
	v5 =	vsub.f32 v18, v52  }
0x317: {  	v56 =	vld [tilespmem:s22+$0xFFFFFF80];
	v61 =	vand.u32 $0x7FFFFFFF, v13;
	v13 =	vsub.f32 v29, v27;
	v29 =	vsub.f32 v29, v31  }
0x318: {  	v42 =	vand.u32 $0x7FFFFFFF, v28;
	v28 =	vld [tilespmem:s22+$0x80];
	v15 =	vsub.f32 v19, v15;
	v19 =	vsub.f32 v19, v22  }
0x319: {  	v18 =	vld [tilespmem:s17+$0xFFFFFFC0];
	v27 =	vand.u32 $0x7FFFFFFF, v59;
	v22 =	vsub.f32 v58, v22;
	v59 =	vsub.f32 v47, v30  }
0x31a: {  	v52 =	vld [tilespmem:s22+$0xFFFFFFF0];
	v26 =	vsub.f32 v27, v26;
	v13 =	vand.u32 $0x7FFFFFFF, v13;
	v27 =	vand.u32 $0x7FFFFFFF, v29  }
0x31b: {  	v43 =	vand.u32 $0x7FFFFFFF, v22;
	v44 =	vand.u32 $0x7FFFFFFF, v15;
	v15 =	vsub.f32 v60, v14  }
0x31c: {  	v22 =	vand.u32 $0x7FFFFFFF, v25;
	v25 =	vsub.f32 v49, v62;
	v60 =	vsub.f32 v60, v56  }
0x31d: {  	v29 =	vld [tilespmem:s17+$0xFFFFFF60];
	v27 =	vsub.f32 v13, v27;
	v22 =	vadd.f32 v22, v26  }
0x31e: {  	v34 =	vand.u32 $0x7FFFFFFF, v50;
	v31 =	vsub.f32 v18, v31;
	v18 =	vsub.f32 v18, v57  }
0x31f: {  	v24 =	vand.u32 $0x7FFFFFFF, v24;
	v57 =	vsub.f32 v53, v28;
	v62 =	vsub.f32 v45, v52  }
0x320: {  	v22 =	vsub.f32 v22, v61;
	v31 =	vand.u32 $0x7FFFFFFF, v31;
	v13 =	vand.u32 $0x7FFFFFFF, v18  }
0x321: {  	v32 =	vand.u32 $0x7FFFFFFF, v55;
	v55 =	vld [tilespmem:s17+$0x0];
	v24 =	vadd.f32 v24, v27;
	v31 =	vsub.f32 v31, v13  }
0x322: {  	v21 =	vand.u32 $0x7FFFFFFF, v21;
	v18 =	vld [tilespmem:s22+$0xFFFFFFE0];
	v7 =	vsub.f32 v29, v7;
	v29 =	vsub.f32 v29, v48  }
0x323: {  	v36 =	vld [tilespmem:s22+$0x10];
	v19 =	vand.u32 $0x7FFFFFFF, v19;
	v33 =	vadd.f32 v33, v22;
	v48 =	vsub.f32 v47, v28  }
0x324: {  	v25 =	vand.u32 $0x7FFFFFFF, v25;
	v13 =	vld [tilespmem:s22+$0xF0];
	v24 =	vsub.f32 v24, v43;
	v19 =	vadd.f32 v19, v31  }
0x325: {  	v38 =	vld [tilespmem:s17+$0x90];
	v22 =	vand.u32 $0x7FFFFFFF, v39;
	v21 =	vsub.f32 v33, v21;
	v33 =	vsub.f32 v17, v42  }
0x326: {  	v31 =	vld [tilespmem:s17+$0xFFFFFF70];
	v35 =	vand.u32 $0x7FFFFFFF, v29;
	v29 =	vsub.f32 v55, v56;
	v43 =	vadd.f32 v32, v24  }
0x327: {  	v40 =	vld [tilespmem:s17+$0x20];
	v32 =	vand.u32 $0x7FFFFFFF, v48;
	v42 =	vand.u32 $0x7FFFFFFF, v62;
	v20 =	vsub.f32 v20, v18  }
0x328: {  	v26 =	vsub.f32 v63, v18;
	v18 =	vand.u32 $0x7FFFFFFF, v7;
	v7 =	vld [tilespmem:s22+$0x100];
	v19 =	vsub.f32 v19, v44  }
0x329: {  	v50 =	vld [tilespmem:s17+$0xFFFFFFA0];
	v44 =	vand.u32 $0x7FFFFFFF, v57;
	v63 =	vsub.f32 v55, v30;
	v14 =	vsub.f32 v49, v13  }
0x32a: {  	v28 =	vld [tilespmem:s22+$0x90];
	v26 =	vand.u32 $0x7FFFFFFF, v26;
	v23 =	vand.u32 $0x7FFFFFFF, v20;
	v20 =	vsub.f32 v51, v52  }
0x32b: {  	v49 =	vld [tilespmem:s17+$0x110];
	v27 =	vand.u32 $0x7FFFFFFF, v14;
	v19 =	vadd.f32 v26, v19;
	v58 =	vsub.f32 v31, v10  }
0x32c: {  	v29 =	vand.u32 $0x7FFFFFFF, v29;
	v14 =	vld [tilespmem:s22+$0x110];
	v31 =	vsub.f32 v31, v46;
	v17 =	vadd.f32 v27, v21  }
0x32d: {  	v39 =	vld [tilespmem:s17+$0x10];
	v45 =	vand.u32 $0x7FFFFFFF, v63;
	v26 =	vsub.f32 v53, v7;
	v10 =	vsub.f32 v19, v34  }
0x32e: {  	v20 =	vand.u32 $0x7FFFFFFF, v20;
	v21 =	vand.u32 $0x7FFFFFFF, v54;
	v27 =	vld [tilespmem:s22+$0xFFFFFFA0];
	v25 =	vsub.f32 v17, v25  }
0x32f: {  	v19 =	vld [tilespmem:s22+$0xFFFFFF90];
	v17 =	vsub.f32 v50, v16;
	v26 =	vand.u32 $0x7FFFFFFF, v26;
	v61 =	vadd.f32 v20, v10  }
0x330: {  	v41 =	vld [tilespmem:s22+$0x20];
	v37 =	vand.u32 $0x7FFFFFFF, v31;
	v10 =	vsub.f32 v49, v28;
	v16 =	vadd.f32 v26, v25  }
0x331: {  	v30 =	vld [tilespmem:s17+$0xFFFFFF90];
	v20 =	vand.u32 $0x7FFFFFFF, v59;
	v49 =	vsub.f32 v49, v14;
	v25 =	vand.u32 $0x7FFFFFFF, v58  }
0x332: {  	s21 =	simm.s32 $0x10880;
	s7 =	simm.s32 $0xC6C0;
	v34 =	vld [tilespmem:s17+$0x120];
	v26 =	vand.u32 $0x7FFFFFFF, v60;
	v31 =	vand.u32 $0x7FFFFFFF, v10;
	v16 =	vsub.f32 v16, v44  }
0x333: {  	s28 =	simm.s32 $0x10880;
	s5 =	simm.s32 $0x1;
	s6 =	simm.s32 $0x46C0;
	v10 =	vld [tilespmem:s22+$0x120];
	v24 =	vsub.f32 v50, v27;
	v44 =	vsub.f32 v61, v21;
	v21 =	vand.u32 $0x7FFFFFFF, v49  }
.LBB2_14:
0x334: {  	v46 =	vld [tilespmem:s6+$0xFFFFFF50];
	s5 =	sadd.s32 $0x4, s5;
	v47 =	vsub.f32 v39, v19;
	v48 =	vadd.f32 v21, v16;
	s21 =	sadd.s32 $0x200, s21;
	v21 =	vmovc v4;
	v49 =	vmovc v12;
	v16 =	vmov v13  }
0x335: {  	v4 =	vadd.f32 v35, v33;
	v12 =	vsub.f32 v39, v36;
	v13 =	vld [tilespmem:s7+$0xFFFFFF50];
	p1 =	slt.u32 s5, $0x39  }
0x336: {  	v23 =	vsub.f32 v43, v23;
	v28 =	vsub.f32 v38, v28;
	v33 =	vld [tilespmem:s22+$0xA0]  }
0x337: {  	v35 =	vadd.f32 v45, v44;
	v4 =	vsub.f32 v4, v18;
	v12 =	vand.u32 $0x7FFFFFFF, v12;
	v39 =	vld [tilespmem:s17+$0xA0]  }
0x338: {  	v36 =	vsub.f32 v38, v36;
	v23 =	vadd.f32 v22, v23;
	v38 =	vld [tilespmem:s22+$0x130]  }
0x339: {  	v28 =	vand.u32 $0x7FFFFFFF, v28;
	v18 =	vsub.f32 v46, v8;
	v8 =	vadd.f32 v37, v4;
	v37 =	vld [tilespmem:s17+$0xB0]  }
0x33a: {  	v36 =	vand.u32 $0x7FFFFFFF, v36;
	v4 =	vsub.f32 v40, v41;
	v22 =	vsub.f32 v46, v13;
	v43 =	vld [tilespmem:s6+$0xFFFFFFB0]  }
0x33b: {  	v27 =	vsub.f32 v40, v27;
	v23 =	vsub.f32 v23, v42;
	v40 =	vld [tilespmem:s22+$0xB0];
	s22 =	smov.u32 s7  }
0x33c: {  	v29 =	vsub.f32 v35, v29;
	v35 =	vand.u32 $0x7FFFFFFF, v47;
	v41 =	vsub.f32 v39, v41;
	v42 =	vld [tilespmem:s17+$0x130];
	s17 =	smov.u32 s6  }
0x33d: {  	v31 =	vsub.f32 v48, v31;
	v45 =	vsub.f32 v30, v2;
	v2 =	vmovc v14;
	v46 =	vand.u32 $0x7FFFFFFF, v4;
	v44 =	vld [tilespmem:s7+$0x30]  }
0x33e: {  	v48 =	vsub.f32 v34, v10;
	v14 =	vand.u32 $0x7FFFFFFF, v5;
	v4 =	vsub.f32 v34, v33;
	v47 =	vld [tilespmem:s6+$0x30]  }
0x33f: {  	v50 =	vand.u32 $0x7FFFFFFF, v15;
	v12 =	vadd.f32 v12, v29;
	v34 =	vld [tilespmem:s7+$0xFFFFFFB0];
	v5 =	vsub.f32 v43, v38  }
0x340: {  	v27 =	vand.u32 $0x7FFFFFFF, v27;
	v23 =	vadd.f32 v32, v23;
	v29 =	vand.u32 $0x7FFFFFFF, v4;
	v15 =	vld [tilespmem:s6+$0x60]  }
0x341: {  	v12 =	vsub.f32 v12, v35;
	v35 =	vand.u32 $0x7FFFFFFF, v41;
	v41 =	vsub.f32 v37, v40;
	v32 =	vld [tilespmem:s7+$0x60]  }
0x342: {  	v19 =	vsub.f32 v30, v19;
	v8 =	vsub.f32 v8, v25;
	v25 =	vand.u32 $0x7FFFFFFF, v9;
	v4 =	vld [tilespmem:s7+$0xE0]  }
0x343: {  	v46 =	vadd.f32 v46, v12;
	v12 =	vand.u32 $0x7FFFFFFF, v48;
	v9 =	vsub.f32 v47, v44;
	v30 =	vld [tilespmem:s6+$0xE0]  }
0x344: {  	v51 =	vand.u32 $0x7FFFFFFF, v11;
	v26 =	vadd.f32 v26, v8;
	v43 =	vsub.f32 v43, v34;
	v48 =	vld [tilespmem:s7+$0xFFFFFFD0]  }
0x345: {  	v19 =	vand.u32 $0x7FFFFFFF, v19;
	v33 =	vsub.f32 v39, v33;
	v11 =	vsub.f32 v42, v38;
	v52 =	vld [tilespmem:s6+$0xFFFFFF40]  }
0x346: {  	v53 =	vand.u32 $0x7FFFFFFF, v6;
	v20 =	vsub.f32 v23, v20;
	v38 =	vld [tilespmem:s7+$0x50];
	v39 =	vsub.f32 v15, v32;
	v6 =	vmovc v43  }
0x347: {  	v23 =	vand.u32 $0x7FFFFFFF, v24;
	v24 =	vadd.f32 v12, v31;
	v31 =	vsub.f32 v42, v40;
	v8 =	vld [tilespmem:s7+$0xD0]  }
0x348: {  	v20 =	vadd.f32 v28, v20;
	v43 =	vand.u32 $0x7FFFFFFF, v45;
	v40 =	vld [tilespmem:s6+$0xD0];
	v42 =	vsub.f32 v30, v4  }
0x349: {  	v24 =	vsub.f32 v24, v29;
	v28 =	vsub.f32 v30, v32;
	v30 =	vand.u32 $0x7FFFFFFF, v41;
	v12 =	vld [tilespmem:s7+$0xC0]  }
0x34a: {  	v20 =	vsub.f32 v20, v36;
	v36 =	vand.u32 $0x7FFFFFFF, v11;
	v29 =	vsub.f32 v52, v49;
	v32 =	vld [tilespmem:s6+$0xC0]  }
0x34b: {  	v26 =	vsub.f32 v26, v50;
	v11 =	vsub.f32 v47, v34;
	v41 =	vand.u32 $0x7FFFFFFF, v17;
	v34 =	vld [tilespmem:s7+$0x40]  }
0x34c: {  	v24 =	vadd.f32 v36, v24;
	v17 =	vand.u32 $0x7FFFFFFF, v33;
	v33 =	vsub.f32 v37, v3;
	v3 =	vmovc v44;
	v45 =	vld [tilespmem:s6+$0x40]  }
0x34d: {  	v19 =	vadd.f32 v19, v26;
	v26 =	vand.u32 $0x7FFFFFFF, v31;
	v36 =	vld [tilespmem:s7+$0xFFFFFFC0];
	v37 =	vsub.f32 v40, v8  }
0x34e: {  	v24 =	vsub.f32 v24, v26;
	v33 =	vand.u32 $0x7FFFFFFF, v33;
	v40 =	vsub.f32 v40, v38;
	v31 =	vld [tilespmem:s6+$0xFFFFFFC0]  }
0x34f: {  	v20 =	vadd.f32 v17, v20;
	v29 =	vand.u32 $0x7FFFFFFF, v29;
	v26 =	vld [tilespmem:s7+$0xFFFFFF40];
	v44 =	vsub.f32 v32, v12  }
0x350: {  	v27 =	vsub.f32 v46, v27;
	v40 =	vand.u32 $0x7FFFFFFF, v40;
	v47 =	vld [tilespmem:s6+$0x50];
	v32 =	vsub.f32 v32, v34;
	[tilespmem:s28+$0x100] =	vst v24  }
0x351: {  	v19 =	vsub.f32 v19, v43;
	v24 =	vld [tilespmem:s6+$0xFFFFFFD0];
	v34 =	vsub.f32 v45, v34;
	v44 =	vand.u32 $0x7FFFFFFF, v44  }
0x352: {  	v25 =	vadd.f32 v25, v27;
	v17 =	vld [tilespmem:s6+$0xFFFFFF80];
	v43 =	vsub.f32 v45, v36;
	v32 =	vand.u32 $0x7FFFFFFF, v32  }
0x353: {  	v27 =	vsub.f32 v31, v36;
	v34 =	vand.u32 $0x7FFFFFFF, v34;
	v36 =	vld [tilespmem:s7+$0x70];
	v32 =	vsub.f32 v44, v32  }
0x354: {  	v20 =	vsub.f32 v20, v35;
	v31 =	vsub.f32 v31, v26;
	v44 =	vld [tilespmem:s6+$0xFFFFFFE0];
	v43 =	vand.u32 $0x7FFFFFFF, v43  }
0x355: {  	v19 =	vadd.f32 v23, v19;
	v35 =	vld [tilespmem:s7+$0xFFFFFF60];
	v27 =	vand.u32 $0x7FFFFFFF, v27;
	v34 =	vsub.f32 v34, v43  }
0x356: {  	v20 =	vadd.f32 v30, v20;
	v43 =	vld [tilespmem:s6+$0xFFFFFF60];
	v23 =	vand.u32 $0x7FFFFFFF, v31;
	v31 =	vsub.f32 v24, v13  }
0x357: {  	v19 =	vsub.f32 v19, v41;
	v30 =	vand.u32 $0x7FFFFFFF, v42;
	v23 =	vsub.f32 v27, v23;
	v27 =	vld [tilespmem:s7+$0xFFFFFFE0]  }
0x358: {  	v22 =	vand.u32 $0x7FFFFFFF, v22;
	v38 =	vsub.f32 v47, v38;
	v24 =	vsub.f32 v24, v48;
	v41 =	vld [tilespmem:s6+$0xF0]  }
0x359: {  	v42 =	vand.u32 $0x7FFFFFFF, v18;
	v19 =	vadd.f32 v53, v19;
	v18 =	vsub.f32 v47, v48;
	v13 =	vld [tilespmem:s7+$0xF0]  }
0x35a: {  	v26 =	vsub.f32 v52, v26;
	v24 =	vand.u32 $0x7FFFFFFF, v24;
	v45 =	vsub.f32 v44, v35;
	v46 =	vld [tilespmem:s7+$0x80]  }
0x35b: {  	v48 =	vand.u32 $0x7FFFFFFF, v18;
	v18 =	vsub.f32 v25, v51;
	v21 =	vsub.f32 v43, v21;
	v47 =	vld [tilespmem:s6+$0xFFFFFFF0]  }
0x35c: {  	v14 =	vsub.f32 v19, v14;
	v25 =	vand.u32 $0x7FFFFFFF, v31;
	v31 =	vsub.f32 v15, v27;
	v49 =	vld [tilespmem:s6+$0x70]  }
0x35d: {  	v28 =	vand.u32 $0x7FFFFFFF, v28;
	v24 =	vadd.f32 v24, v23;
	v19 =	vld [tilespmem:s7+$0xFFFFFF70];
	[tilespmem:s28+$0x0] =	vst v18;
	v18 =	vsub.f32 v20, v33  }
0x35e: {  	v50 =	vand.u32 $0x7FFFFFFF, v39;
	v15 =	vsub.f32 v17, v7;
	v20 =	vld [tilespmem:s6+$0xFFFFFF70];
	v33 =	vsub.f32 v41, v13;
	[tilespmem:s28+$0xFFFFFF80] =	vst v14  }
0x35f: {  	v23 =	vand.u32 $0x7FFFFFFF, v37;
	v14 =	vand.u32 $0x7FFFFFFF, v26;
	v26 =	vsub.f32 v41, v36;
	v7 =	vld [tilespmem:s7+$0x100];
	[tilespmem:s28+$0x80] =	vst v18;
	s28 =	smov.u32 s21  }
0x360: {  	v23 =	vadd.f32 v23, v32;
	v27 =	vsub.f32 v44, v27;
	v37 =	vand.u32 $0x7FFFFFFF, v45;
	v41 =	vld [tilespmem:s7+$0xFFFFFFF0]  }
0x361: {  	v14 =	vsub.f32 v14, v29;
	v18 =	vand.u32 $0x7FFFFFFF, v21;
	v21 =	vsub.f32 v49, v36;
	v29 =	vld [tilespmem:s6+$0x100]  }
0x362: {  	v39 =	vsub.f32 v23, v40;
	v27 =	vand.u32 $0x7FFFFFFF, v27;
	v32 =	vsub.f32 v47, v19;
	v36 =	vld [tilespmem:s6+$0x80]  }
0x363: {  	v23 =	vand.u32 $0x7FFFFFFF, v31;
	v40 =	vadd.f32 v22, v14;
	v44 =	vld [tilespmem:s7+$0x0];
	v22 =	vand.u32 $0x7FFFFFFF, v21  }
0x364: {  	v30 =	vadd.f32 v30, v39;
	v14 =	vand.u32 $0x7FFFFFFF, v38;
	v21 =	vsub.f32 v43, v35;
	v45 =	vld [tilespmem:s6+$0x0]  }
0x365: {  	v26 =	vand.u32 $0x7FFFFFFF, v26;
	v34 =	vadd.f32 v14, v34;
	v31 =	vsub.f32 v47, v41;
	v14 =	vld [tilespmem:s7+$0x110]  }
0x366: {  	v24 =	vsub.f32 v24, v25;
	v25 =	vand.u32 $0x7FFFFFFF, v33;
	v38 =	vld [tilespmem:s7+$0xFFFFFF80];
	v39 =	vsub.f32 v29, v46  }
0x367: {  	v30 =	vsub.f32 v30, v28;
	v31 =	vand.u32 $0x7FFFFFFF, v31;
	v46 =	vsub.f32 v36, v46;
	v43 =	vld [tilespmem:s6+$0x110]  }
0x368: {  	v24 =	vadd.f32 v27, v24;
	v47 =	vand.u32 $0x7FFFFFFF, v32;
	v27 =	vsub.f32 v29, v7;
	v28 =	vld [tilespmem:s7+$0x90]  }
0x369: {  	v33 =	vsub.f32 v40, v42;
	v35 =	vand.u32 $0x7FFFFFFF, v21;
	v21 =	vadd.f32 v25, v30  }
0x36a: {  	v24 =	vsub.f32 v24, v37;
	v16 =	vsub.f32 v20, v16;
	v25 =	vand.u32 $0x7FFFFFFF, v27;
	v42 =	vld [tilespmem:s6+$0xFFFFFFA0]  }
0x36b: {  	v30 =	vsub.f32 v36, v44;
	v27 =	vld [tilespmem:s7+$0xFFFFFFA0];
	v29 =	vsub.f32 v45, v38  }
0x36c: {  	v20 =	vsub.f32 v20, v19;
	v52 =	vand.u32 $0x7FFFFFFF, v39;
	v51 =	vsub.f32 v17, v38;
	v19 =	vld [tilespmem:s7+$0xFFFFFF90]  }
0x36d: {  	v24 =	vadd.f32 v31, v24;
	v29 =	vand.u32 $0x7FFFFFFF, v29;
	v39 =	vld [tilespmem:s6+$0x10];
	v31 =	vsub.f32 v43, v28  }
0x36e: {  	v32 =	vsub.f32 v34, v48;
	v21 =	vsub.f32 v21, v26;
	v36 =	vld [tilespmem:s7+$0x10]  }
0x36f: {  	v37 =	vand.u32 $0x7FFFFFFF, v20;
	v17 =	vsub.f32 v42, v10;
	v38 =	vld [tilespmem:s6+$0x90];
	v31 =	vand.u32 $0x7FFFFFFF, v31  }
.Ltmp6:
0x370: {  	v21 =	vadd.f32 v25, v21;
	v20 =	vand.u32 $0x7FFFFFFF, v30;
	v30 =	vsub.f32 v43, v14;
	v10 =	vld [tilespmem:s7+$0x120];
	(pc) =	sbr.rel @p1 .LBB2_14-.Ltmp6, $4  }
0x371: {  	v48 =	vsub.f32 v49, v41;
	v25 =	vand.u32 $0x7FFFFFFF, v16;
	v43 =	vadd.f32 v50, v32;
	v34 =	vld [tilespmem:s6+$0x120]  }
0x372: {  	v45 =	vsub.f32 v45, v44;
	v16 =	vsub.f32 v21, v52;
	v32 =	vand.u32 $0x7FFFFFFF, v46;
	v40 =	vld [tilespmem:s6+$0x20]  }
0x373: {  	v44 =	vsub.f32 v24, v47;
	v26 =	vand.u32 $0x7FFFFFFF, v51;
	v21 =	vand.u32 $0x7FFFFFFF, v30;
	v41 =	vld [tilespmem:s7+$0x20]  }
0x374: {  	v45 =	vand.u32 $0x7FFFFFFF, v45;
	v24 =	vsub.f32 v42, v27;
	v42 =	vand.u32 $0x7FFFFFFF, v48;
	s6 =	sadd.s32 $0x200, s6;
	s7 =	sadd.s32 $0x200, s7;
	v30 =	vld [tilespmem:s17+$0xFFFFFF90]  }
0x375: {  	v46 =	vsub.f32 v39, v19  }
0x376: {  	v16 =	vadd.f32 v21, v16;
	v55 =	vadd.f32 v35, v33  }
0x377: {  	v56 =	vsub.f32 v39, v36;
	v23 =	vsub.f32 v43, v23  }
0x378: {  	v28 =	vsub.f32 v38, v28;
	v58 =	vadd.f32 v45, v44  }
0x379: {  	v60 =	vsub.f32 v38, v36;
	v15 =	vand.u32 $0x7FFFFFFF, v15;
	v48 =	vsub.f32 v34, v10  }
0x37a: {  	v57 =	vld [tilespmem:s17+$0xA0];
	v9 =	vand.u32 $0x7FFFFFFF, v9;
	v18 =	vsub.f32 v55, v18;
	v22 =	vadd.f32 v22, v23  }
0x37b: {  	v59 =	vld [tilespmem:s22+$0xA0];
	v11 =	vand.u32 $0x7FFFFFFF, v11;
	v27 =	vsub.f32 v40, v27;
	v21 =	vsub.f32 v58, v29  }
0x37c: {  	v62 =	vld [tilespmem:s17+$0xB0];
	v17 =	vand.u32 $0x7FFFFFFF, v17;
	v16 =	vsub.f32 v16, v31;
	v61 =	vsub.f32 v40, v41  }
0x37d: {  	v44 =	vld [tilespmem:s22+$0xB0];
	v33 =	vand.u32 $0x7FFFFFFF, v56;
	v18 =	vadd.f32 v37, v18;
	v22 =	vsub.f32 v22, v42  }
0x37e: {  	v45 =	vand.u32 $0x7FFFFFFF, v46;
	v46 =	vsub.f32 v30, v2;
	v21 =	vadd.f32 v33, v21  }
0x37f: {  	v54 =	vand.u32 $0x7FFFFFFF, v48;
	v53 =	vsub.f32 v30, v19;
	v18 =	vsub.f32 v18, v25  }
0x380: {  	v6 =	vand.u32 $0x7FFFFFFF, v6;
	v16 =	vadd.f32 v54, v16;
	v63 =	vsub.f32 v57, v41  }
0x381: {  	v50 =	vld [tilespmem:s17+$0x130];
	v24 =	vand.u32 $0x7FFFFFFF, v24;
	v49 =	vsub.f32 v34, v59;
	v18 =	vadd.f32 v26, v18  }
0x382: {  	v28 =	vand.u32 $0x7FFFFFFF, v28;
	v52 =	vsub.f32 v62, v44;
	v22 =	vadd.f32 v32, v22  }
0x383: {  	v23 =	vand.u32 $0x7FFFFFFF, v60;
	v2 =	vld [tilespmem:s22+$0x130];
	v56 =	vsub.f32 v57, v59;
	v15 =	vsub.f32 v18, v15  }
0x384: {  	v3 =	vsub.f32 v62, v3;
	v55 =	vand.u32 $0x7FFFFFFF, v53;
	v20 =	vsub.f32 v22, v20  }
0x385: {  	v47 =	vand.u32 $0x7FFFFFFF, v61;
	v21 =	vsub.f32 v21, v45;
	v15 =	vadd.f32 v55, v15  }
0x386: {  	v58 =	vand.u32 $0x7FFFFFFF, v46;
	v25 =	vsub.f32 v50, v44;
	v20 =	vadd.f32 v28, v20  }
0x387: {  	v27 =	vand.u32 $0x7FFFFFFF, v27;
	v21 =	vadd.f32 v47, v21;
	v15 =	vsub.f32 v15, v58  }
0x388: {  	v51 =	vand.u32 $0x7FFFFFFF, v49;
	v57 =	vsub.f32 v50, v2;
	v59 =	vsub.f32 v20, v23  }
0x389: {  	v19 =	vand.u32 $0x7FFFFFFF, v56;
	v16 =	vsub.f32 v16, v51;
	v15 =	vadd.f32 v24, v15  }
0x38a: {  	v61 =	vsub.f32 v21, v27;
	v60 =	vand.u32 $0x7FFFFFFF, v57;
	v18 =	vadd.f32 v19, v59  }
0x38b: {  	v29 =	vand.u32 $0x7FFFFFFF, v63;
	v16 =	vadd.f32 v60, v16;
	v15 =	vsub.f32 v15, v17  }
0x38c: {  	v62 =	vand.u32 $0x7FFFFFFF, v25;
	v9 =	vadd.f32 v9, v61;
	v18 =	vsub.f32 v18, v29  }
0x38d: {  	v63 =	vand.u32 $0x7FFFFFFF, v52;
	v16 =	vsub.f32 v16, v62;
	v6 =	vadd.f32 v6, v15  }
0x38e: {  	v5 =	vand.u32 $0x7FFFFFFF, v5;
	v9 =	vsub.f32 v9, v11;
	v15 =	vadd.f32 v63, v18  }
0x38f: {  	v3 =	vand.u32 $0x7FFFFFFF, v3;
	[tilespmem:s28+$0x100] =	vst v16;
	v5 =	vsub.f32 v6, v5  }
0x390: {  	[tilespmem:s28+$0x0] =	vst v9;
	v3 =	vsub.f32 v15, v3  }
0x391: {  	[tilespmem:s28+$0xFFFFFF80] =	vst v5  }
0x392: {  	s5 =	simm.s32 $0x0;
	s6 =	simm.s32 $0x0;
	[tilespmem:s28+$0x80] =	vst v3  }
.LBB2_16:
0x393: {  	s7 =	sshra.s32 s6, $0x2  }
0x394: {  	v3 =	vld [tilespmem:s7+$0x6200]  }
0x395: {  	v5 =	vld [tilespmem:s7+$0xE200]  }
0x396: {  	v6 =	vld [tilespmem:s7+$0x6210]  }
0x397: {  	v9 =	vld [tilespmem:s7+$0xE210];
	_ =	sdelay $0x2  }
0x398: {  	v15 =	vld [tilespmem:s7+$0xE220];
	v11 =	vsub.f32 v3, v5;
	v3 =	vsub.f32 v3, v12  }
0x399: {  	v12 =	vld [tilespmem:s7+$0x6220]  }
0x39a: {  	v16 =	vsub.f32 v6, v9;
	v11 =	vand.u32 $0x7FFFFFFF, v11;
	v3 =	vand.u32 $0x7FFFFFFF, v3  }
0x39b: {  	v3 =	vsub.f32 v11, v3  }
0x39c: {  	v6 =	vsub.f32 v6, v8;
	v8 =	vld [tilespmem:s7+$0x6230];
	v11 =	vand.u32 $0x7FFFFFFF, v16  }
0x39d: {  	v3 =	vadd.f32 v11, v3;
	v11 =	vld [tilespmem:s7+$0xE230]  }
0x39e: {  	v6 =	vand.u32 $0x7FFFFFFF, v6;
	v59 =	vsub.f32 v12, v15  }
0x39f: {  	v3 =	vsub.f32 v3, v6  }
0x3a0: {  	v4 =	vsub.f32 v12, v4;
	v12 =	vld [tilespmem:s7+$0x6240];
	v6 =	vand.u32 $0x7FFFFFFF, v59  }
0x3a1: {  	v3 =	vadd.f32 v6, v3;
	v6 =	vld [tilespmem:s7+$0xE240]  }
0x3a2: {  	v4 =	vand.u32 $0x7FFFFFFF, v4;
	v60 =	vsub.f32 v8, v11  }
0x3a3: {  	v3 =	vsub.f32 v3, v4  }
0x3a4: {  	v8 =	vsub.f32 v8, v13;
	v13 =	vld [tilespmem:s7+$0x6250];
	v4 =	vand.u32 $0x7FFFFFFF, v60  }
0x3a5: {  	v3 =	vadd.f32 v4, v3;
	v4 =	vld [tilespmem:s7+$0xE250]  }
0x3a6: {  	v8 =	vand.u32 $0x7FFFFFFF, v8;
	v61 =	vsub.f32 v12, v6  }
0x3a7: {  	v3 =	vsub.f32 v3, v8  }
0x3a8: {  	v7 =	vsub.f32 v12, v7;
	v12 =	vld [tilespmem:s7+$0x6260];
	v8 =	vand.u32 $0x7FFFFFFF, v61  }
0x3a9: {  	v3 =	vadd.f32 v8, v3;
	v8 =	vld [tilespmem:s7+$0xE260]  }
0x3aa: {  	v7 =	vand.u32 $0x7FFFFFFF, v7;
	v62 =	vsub.f32 v13, v4  }
0x3ab: {  	v3 =	vsub.f32 v3, v7  }
0x3ac: {  	v13 =	vsub.f32 v13, v14;
	v14 =	vld [tilespmem:s7+$0x6270];
	v7 =	vand.u32 $0x7FFFFFFF, v62  }
0x3ad: {  	v3 =	vadd.f32 v7, v3;
	v7 =	vld [tilespmem:s7+$0xE270]  }
0x3ae: {  	v13 =	vand.u32 $0x7FFFFFFF, v13;
	v63 =	vsub.f32 v12, v8  }
0x3af: {  	v3 =	vsub.f32 v3, v13  }
0x3b0: {  	v10 =	vsub.f32 v12, v10;
	v12 =	vand.u32 $0x7FFFFFFF, v63  }
0x3b1: {  	v3 =	vadd.f32 v12, v3  }
0x3b2: {  	v10 =	vand.u32 $0x7FFFFFFF, v10;
	v12 =	vsub.f32 v14, v7  }
0x3b3: {  	v3 =	vsub.f32 v3, v10  }
0x3b4: {  	v2 =	vsub.f32 v14, v2;
	v10 =	vand.u32 $0x7FFFFFFF, v12  }
0x3b5: {  	v3 =	vadd.f32 v10, v3  }
0x3b6: {  	p1 =	sne.s32 s6, $0x400;
	v2 =	vand.u32 $0x7FFFFFFF, v2  }
.Ltmp7:
0x3b7: {  	v2 =	vsub.f32 v3, v2;
	(pc) =	sbr.rel @p1 .LBB2_16-.Ltmp7, $3  }
0x3b8: {  	_ =	sdelay $0x1  }
0x3b9: {  	v13 =	vmov v11;
	v14 =	vmov v4;
	v4 =	vmov v15  }
0x3ba: {  	s6 =	sadd.s32 $0x200, s6;
	v12 =	vmovc v5;
	v10 =	vmovc v8;
	v8 =	vmov v9;
	[tilespmem:s7+$0x12600] =	vst v2;
	v2 =	vmov v7;
	v7 =	vmov v6  }
0x3bb: {  	v2 =	vmov s5  }
0x3bc: {  	v2 =	vshll.u32 v2, $0x7  }
0x3bd: {  	v2 =	vor.u32 v0, v2;
	_ =	sdelay $0x1  }
0x3be: {  	v3 =	vor.u32 $0x1, v2;
	_ =	sdelay $0x1  }
0x3bf: {  	v4 =	vor.u32 $0x2, v2  }
0x3c0: {  	v5 =	vld.idx.msk [tilespmem:v2+s18+$0x0], $0xffff  }
0x3c1: {  	v6 =	vor.u32 $0x3, v2  }
0x3c2: {  	v3 =	vld.idx.msk [tilespmem:v3+s18+$0x0], $0xffff  }
0x3c3: {  	v7 =	vor.u32 $0x4, v2  }
0x3c4: {  	v4 =	vld.idx.msk [tilespmem:v4+s18+$0x0], $0xffff  }
0x3c5: {  	v8 =	vor.u32 $0x5, v2;
	v5 =	vadd.f32 $0.0e+00, v5  }
0x3c6: {  	v6 =	vld.idx.msk [tilespmem:v6+s18+$0x0], $0xffff  }
0x3c7: {  	v3 =	vadd.f32 v3, v5;
	v5 =	vor.u32 $0x6, v2  }
0x3c8: {  	v7 =	vld.idx.msk [tilespmem:v7+s18+$0x0], $0xffff  }
0x3c9: {  	v9 =	vor.u32 $0x7, v2;
	v3 =	vadd.f32 v4, v3  }
0x3ca: {  	v4 =	vld.idx.msk [tilespmem:v8+s18+$0x0], $0xffff  }
0x3cb: {  	v8 =	vor.u32 $0x8, v2;
	v3 =	vadd.f32 v6, v3  }
0x3cc: {  	v6 =	vor.u32 $0x9, v2;
	v5 =	vld.idx.msk [tilespmem:v5+s18+$0x0], $0xffff  }
0x3cd: {  	v10 =	vadd.f32 v7, v3  }
0x3ce: {  	s28 =	simm.s32 $0x10;
	v3 =	vld.idx.msk [tilespmem:v9+s18+$0x0], $0xffff;
	v7 =	vor.u32 $0xA, v2  }
0x3cf: {  	v11 =	vmov s28;
	v9 =	vadd.f32 v4, v10  }
0x3d0: {  	s5 =	simm.s32 $0x20;
	v4 =	vld.idx.msk [tilespmem:v8+s18+$0x0], $0xffff;
	v10 =	vshll.u32 v11, $0x7;
	v8 =	vor.u32 $0xB, v2  }
.LBB2_18:
0x3d1: {  	p1 =	sne.s32 s5, $0x30;
	v10 =	vor.u32 v0, v10;
	v5 =	vadd.f32 v5, v9;
	v6 =	vld.idx.msk [tilespmem:v6+s18+$0x0], $0xffff  }
0x3d2: {  	v9 =	vor.u32 $0xC, v2  }
0x3d3: {  	v3 =	vadd.f32 v3, v5;
	v5 =	vld.idx.msk [tilespmem:v7+s18+$0x0], $0xffff;
	v7 =	vor.u32 $0xD, v2  }
0x3d4: {  	v11 =	vor.u32 $0x1, v10  }
0x3d5: {  	v3 =	vadd.f32 v4, v3;
	v4 =	vld.idx.msk [tilespmem:v8+s18+$0x0], $0xffff;
	v8 =	vor.u32 $0xE, v2  }
0x3d6: {  	v13 =	vor.u32 $0x2, v10;
	v12 =	vld.idx.msk [tilespmem:v10+s18+$0x0], $0xffff  }
0x3d7: {  	v3 =	vadd.f32 v6, v3;
	v6 =	vld.idx.msk [tilespmem:v9+s18+$0x0], $0xffff;
	v9 =	vor.u32 $0xF, v2;
	v2 =	vmov v10  }
0x3d8: {  	v10 =	vor.u32 $0x3, v2;
	v7 =	vld.idx.msk [tilespmem:v7+s18+$0x0], $0xffff  }
0x3d9: {  	v11 =	vld.idx.msk [tilespmem:v11+s18+$0x0], $0xffff;
	v3 =	vadd.f32 v5, v3  }
0x3da: {  	v5 =	vor.u32 $0x4, v2;
	v8 =	vld.idx.msk [tilespmem:v8+s18+$0x0], $0xffff  }
0x3db: {  	v13 =	vld.idx.msk [tilespmem:v13+s18+$0x0], $0xffff;
	v3 =	vadd.f32 v4, v3  }
0x3dc: {  	v4 =	vor.u32 $0x5, v2;
	v9 =	vld.idx.msk [tilespmem:v9+s18+$0x0], $0xffff  }
0x3dd: {  	v12 =	vadd.f32 $0.0e+00, v12;
	v10 =	vld.idx.msk [tilespmem:v10+s18+$0x0], $0xffff;
	v3 =	vadd.f32 v6, v3  }
0x3de: {  	v6 =	vor.u32 $0x6, v2  }
0x3df: {  	v11 =	vadd.f32 v11, v12;
	v12 =	vld.idx.msk [tilespmem:v5+s18+$0x0], $0xffff;
	v3 =	vadd.f32 v7, v3  }
0x3e0: {  	v7 =	vor.u32 $0x7, v2  }
0x3e1: {  	v5 =	vadd.f32 v13, v11;
	v4 =	vld.idx.msk [tilespmem:v4+s18+$0x0], $0xffff;
	v3 =	vadd.f32 v8, v3  }
0x3e2: {  	v8 =	vor.u32 $0x8, v2  }
0x3e3: {  	v10 =	vadd.f32 v10, v5;
	v5 =	vld.idx.msk [tilespmem:v6+s18+$0x0], $0xffff;
	v9 =	vadd.f32 v9, v3  }
.Ltmp8:
0x3e4: {  	v6 =	vor.u32 $0x9, v2;
	(pc) =	sbr.rel @p1 .LBB2_18-.Ltmp8, $4  }
0x3e5: {  	v10 =	vadd.f32 v12, v10;
	v3 =	vld.idx.msk [tilespmem:v7+s18+$0x0], $0xffff;
	v11 =	vadd.f32 $1.000000000e+00, v9  }
0x3e6: {  	v7 =	vor.u32 $0xA, v2  }
0x3e7: {  	v12 =	vmov s5;
	v9 =	vadd.f32 v4, v10;
	v4 =	vld.idx.msk [tilespmem:v8+s18+$0x0], $0xffff;
	v11 =	vmax.f32 v11, $0.0e+00  }
0x3e8: {  	s5 =	sadd.s32 $0x10, s5;
	v10 =	vshll.u32 v12, $0x7;
	v8 =	vor.u32 $0xB, v2;
	v1 =	vadd.f32 v11, v1  }
0x3e9: {  	_ =	sdelay $0x1  }
0x3ea: {  	v10 =	vor.u32 v0, v10  }
0x3eb: {  	v11 =	vor.u32 $0xC, v2  }
0x3ec: {  	v18 =	vld.idx.msk [tilespmem:v6+s18+$0x0], $0xffff;
	v6 =	vor.u32 $0xD, v2  }
0x3ed: {  	v17 =	vld.idx.msk [tilespmem:v7+s18+$0x0], $0xffff;
	v7 =	vor.u32 $0x1, v10  }
0x3ee: {  	v12 =	vld.idx.msk [tilespmem:v8+s18+$0x0], $0xffff;
	v8 =	vor.u32 $0xE, v2  }
0x3ef: {  	v2 =	vor.u32 $0xF, v2;
	v16 =	vld.idx.msk [tilespmem:v10+s18+$0x0], $0xffff  }
0x3f0: {  	v13 =	vor.u32 $0x2, v10;
	v15 =	vld.idx.msk [tilespmem:v11+s18+$0x0], $0xffff  }
0x3f1: {  	v14 =	vor.u32 $0x3, v10;
	v11 =	vld.idx.msk [tilespmem:v6+s18+$0x0], $0xffff  }
0x3f2: {  	v19 =	vld.idx.msk [tilespmem:v7+s18+$0x0], $0xffff;
	v7 =	vor.u32 $0x4, v10  }
0x3f3: {  	v20 =	vor.u32 $0x5, v10;
	v6 =	vld.idx.msk [tilespmem:v8+s18+$0x0], $0xffff  }
0x3f4: {  	v8 =	vld.idx.msk [tilespmem:v2+s18+$0x0], $0xffff;
	v2 =	vor.u32 $0x7, v10  }
0x3f5: {  	v21 =	vld.idx.msk [tilespmem:v13+s18+$0x0], $0xffff;
	v13 =	vor.u32 $0x6, v10  }
0x3f6: {  	v22 =	vld.idx.msk [tilespmem:v14+s18+$0x0], $0xffff;
	v14 =	vor.u32 $0x8, v10  }
0x3f7: {  	v23 =	vld.idx.msk [tilespmem:v7+s18+$0x0], $0xffff;
	v7 =	vor.u32 $0x9, v10  }
0x3f8: {  	v24 =	vor.u32 $0xA, v10;
	v20 =	vld.idx.msk [tilespmem:v20+s18+$0x0], $0xffff  }
0x3f9: {  	v26 =	vld.idx.msk [tilespmem:v2+s18+$0x0], $0xffff;
	v2 =	vor.u32 $0xC, v10  }
0x3fa: {  	v25 =	vld.idx.msk [tilespmem:v13+s18+$0x0], $0xffff;
	v13 =	vor.u32 $0xB, v10  }
0x3fb: {  	v27 =	vld.idx.msk [tilespmem:v14+s18+$0x0], $0xffff;
	v14 =	vor.u32 $0xD, v10  }
0x3fc: {  	v28 =	vld.idx.msk [tilespmem:v7+s18+$0x0], $0xffff;
	v7 =	vor.u32 $0xE, v10  }
0x3fd: {  	v24 =	vld.idx.msk [tilespmem:v24+s18+$0x0], $0xffff;
	v10 =	vor.u32 $0xF, v10  }
0x3fe: {  	v30 =	vld.idx.msk [tilespmem:v2+s18+$0x0], $0xffff  }
0x3ff: {  	v29 =	vld.idx.msk [tilespmem:v13+s18+$0x0], $0xffff  }
0x400: {  	v31 =	vld.idx.msk [tilespmem:v14+s18+$0x0], $0xffff  }
0x401: {  	v32 =	vld.idx.msk [tilespmem:v7+s18+$0x0], $0xffff  }
0x402: {  	v33 =	vld.idx.msk [tilespmem:v10+s18+$0x0], $0xffff;
	_ =	swait.ge [sflag:s24], $0x2000  }
0x403: {  	[sflag:s24] =	ssyncset.done $0x0  }
0x404: {  	[sflag:s24] =	ssyncadd.s32 $0xFFFFE000  }
0x405: {  	_ =	swait.ge [sflag:s11], $0x2000  }
0x406: {  	[sflag:s11] =	ssyncset.done $0x0  }
0x407: {  	[sflag:s11] =	ssyncadd.s32 $0xFFFFE000  }
0x408: {  	v2 =	vld [tilespmem:$0x6380]  }
0x409: {  	v13 =	vld [tilespmem:$0xE380]  }
0x40a: {  	v7 =	vld [tilespmem:$0xE300]  }
0x40b: {  	v10 =	vld [tilespmem:$0x6390]  }
0x40c: {  	v34 =	vld [tilespmem:$0xE390];
	_ =	sdelay $0x1  }
0x40d: {  	v14 =	vld [tilespmem:$0xE310]  }
0x40e: {  	v36 =	vld [tilespmem:$0x63A0];
	v35 =	vsub.f32 v2, v13;
	v2 =	vsub.f32 v2, v7  }
0x40f: {  	v7 =	vld [tilespmem:$0xE3A0]  }
0x410: {  	v37 =	vsub.f32 v10, v34;
	v35 =	vand.u32 $0x7FFFFFFF, v35;
	v2 =	vand.u32 $0x7FFFFFFF, v2  }
0x411: {  	v49 =	vld [tilespmem:$0xE320];
	v2 =	vsub.f32 v35, v2  }
0x412: {  	v38 =	vld [tilespmem:$0x63B0];
	v14 =	vsub.f32 v10, v14;
	v37 =	vand.u32 $0x7FFFFFFF, v37  }
0x413: {  	v10 =	vld [tilespmem:$0xE3B0];
	v2 =	vadd.f32 v37, v2  }
0x414: {  	v14 =	vand.u32 $0x7FFFFFFF, v14;
	v50 =	vsub.f32 v36, v7  }
0x415: {  	v39 =	vld [tilespmem:$0xE330];
	v2 =	vsub.f32 v2, v14  }
0x416: {  	v51 =	vld [tilespmem:$0x63C0];
	v35 =	vsub.f32 v36, v49;
	v14 =	vand.u32 $0x7FFFFFFF, v50  }
0x417: {  	v2 =	vadd.f32 v14, v2;
	v14 =	vld [tilespmem:$0xE3C0]  }
0x418: {  	v35 =	vand.u32 $0x7FFFFFFF, v35;
	v52 =	vsub.f32 v38, v10  }
0x419: {  	v53 =	vld [tilespmem:$0xE340];
	v2 =	vsub.f32 v2, v35  }
0x41a: {  	v54 =	vld [tilespmem:$0x63D0];
	v38 =	vsub.f32 v38, v39;
	v37 =	vand.u32 $0x7FFFFFFF, v52  }
0x41b: {  	v37 =	vadd.f32 v37, v2;
	v2 =	vld [tilespmem:$0xE3D0]  }
0x41c: {  	v38 =	vand.u32 $0x7FFFFFFF, v38;
	v40 =	vsub.f32 v51, v14  }
0x41d: {  	v55 =	vld [tilespmem:$0xE350];
	v37 =	vsub.f32 v37, v38  }
0x41e: {  	v56 =	vld [tilespmem:$0x63E0];
	v35 =	vsub.f32 v51, v53;
	v40 =	vand.u32 $0x7FFFFFFF, v40  }
0x41f: {  	v41 =	vadd.f32 $0.0e+00, v16;
	v16 =	vld [tilespmem:$0xE3E0];
	v37 =	vadd.f32 v40, v37  }
0x420: {  	v35 =	vand.u32 $0x7FFFFFFF, v35;
	v57 =	vsub.f32 v54, v2  }
0x421: {  	v19 =	vadd.f32 v19, v41;
	v58 =	vld [tilespmem:$0xE360];
	v35 =	vsub.f32 v37, v35  }
0x422: {  	v59 =	vld [tilespmem:$0x63F0];
	v38 =	vsub.f32 v54, v55;
	v40 =	vand.u32 $0x7FFFFFFF, v57  }
0x423: {  	v19 =	vadd.f32 v21, v19;
	v60 =	vld [tilespmem:$0xE3F0];
	v21 =	vadd.f32 v40, v35  }
0x424: {  	v61 =	vsub.f32 v56, v16;
	v38 =	vand.u32 $0x7FFFFFFF, v38  }
0x425: {  	v19 =	vadd.f32 v22, v19;
	v22 =	vld [tilespmem:$0xE370];
	v21 =	vsub.f32 v21, v38  }
0x426: {  	v62 =	vand.u32 $0x7FFFFFFF, v61;
	v36 =	vsub.f32 v56, v58  }
0x427: {  	v5 =	vadd.f32 v5, v9;
	v21 =	vadd.f32 v62, v21  }
0x428: {  	v19 =	vadd.f32 v23, v19;
	v23 =	vsub.f32 v59, v60;
	v9 =	vand.u32 $0x7FFFFFFF, v36  }
0x429: {  	v3 =	vadd.f32 v3, v5;
	v9 =	vsub.f32 v21, v9  }
0x42a: {  	v19 =	vadd.f32 v20, v19;
	v20 =	vsub.f32 v59, v22;
	v5 =	vand.u32 $0x7FFFFFFF, v23  }
0x42b: {  	v5 =	vadd.f32 v5, v9  }
0x42c: {  	v3 =	vadd.f32 v4, v3;
	v19 =	vadd.f32 v25, v19;
	v4 =	vand.u32 $0x7FFFFFFF, v20  }
0x42d: {  	v4 =	vsub.f32 v5, v4  }
0x42e: {  	v9 =	vadd.f32 v26, v19  }
0x42f: {  	s17 =	simm.s32 $0x64C0;
	v3 =	vadd.f32 v18, v3;
	[tilespmem:$0x10780] =	vst v4  }
0x430: {  	s22 =	simm.s32 $0xE4C0;
	v5 =	vadd.f32 v27, v9;
	v9 =	vld [tilespmem:s17+$0xFFFFFF50]  }
0x431: {  	v3 =	vadd.f32 v17, v3;
	v17 =	vld [tilespmem:s22+$0xFFFFFF50]  }
0x432: {  	v18 =	vld [tilespmem:s17+$0xFFFFFFB0]  }
0x433: {  	v4 =	vadd.f32 v28, v5;
	v5 =	vadd.f32 v12, v3;
	v3 =	vld [tilespmem:s22+$0x30]  }
0x434: {  	v19 =	vld [tilespmem:s17+$0x30]  }
0x435: {  	v20 =	vld [tilespmem:s17+$0x60]  }
0x436: {  	v21 =	vld [tilespmem:s22+$0x60]  }
0x437: {  	v23 =	vld [tilespmem:s17+$0xFFFFFF40]  }
0x438: {  	v12 =	vld [tilespmem:s22+$0xC0]  }
0x439: {  	v26 =	vld [tilespmem:s17+$0xC0]  }
0x43a: {  	v49 =	vld [tilespmem:s22+$0xFFFFFF40];
	v4 =	vadd.f32 v24, v4;
	v5 =	vadd.f32 v15, v5  }
0x43b: {  	v53 =	vld [tilespmem:s22+$0x70]  }
0x43c: {  	v54 =	vld [tilespmem:s17+$0xFFFFFFE0];
	v4 =	vadd.f32 v29, v4;
	v5 =	vadd.f32 v11, v5  }
0x43d: {  	v55 =	vld [tilespmem:s22+$0xFFFFFF60]  }
0x43e: {  	v45 =	vld [tilespmem:s17+$0x70];
	v11 =	vadd.f32 v30, v4;
	v5 =	vadd.f32 v6, v5  }
0x43f: {  	v25 =	vld [tilespmem:s17+$0xD0];
	v28 =	vsub.f32 v9, v34;
	v30 =	vsub.f32 v9, v17  }
0x440: {  	v27 =	vld [tilespmem:s22+$0x40];
	v9 =	vsub.f32 v19, v3;
	v63 =	vsub.f32 v20, v21  }
0x441: {  	v50 =	vld [tilespmem:s17+$0x50];
	v13 =	vsub.f32 v23, v13;
	v51 =	vsub.f32 v26, v12  }
0x442: {  	v62 =	vld [tilespmem:s17+$0x80];
	v23 =	vsub.f32 v23, v49;
	v58 =	vsub.f32 v54, v55  }
0x443: {  	v4 =	vld [tilespmem:s22+$0xE0];
	v61 =	vsub.f32 v45, v53;
	v5 =	vadd.f32 v8, v5  }
0x444: {  	v6 =	vadd.f32 v31, v11;
	v11 =	vld [tilespmem:s17+$0xE0];
	v52 =	vand.u32 $0x7FFFFFFF, v13;
	v23 =	vand.u32 $0x7FFFFFFF, v23  }
0x445: {  	v15 =	vld [tilespmem:s22+$0xFFFFFFB0];
	v23 =	vsub.f32 v23, v52;
	v5 =	vadd.f32 $1.000000000e+00, v5  }
0x446: {  	v30 =	vand.u32 $0x7FFFFFFF, v30;
	v42 =	vand.u32 $0x7FFFFFFF, v28;
	v28 =	vld [tilespmem:s22+$0x80];
	v6 =	vadd.f32 v32, v6  }
0x447: {  	v24 =	vld [tilespmem:s22+$0x50];
	v13 =	vsub.f32 v26, v27;
	v30 =	vadd.f32 v30, v23;
	v5 =	vmax.f32 v5, $0.0e+00  }
0x448: {  	v29 =	vld [tilespmem:s17+$0x40];
	v6 =	vadd.f32 v33, v6;
	v1 =	vadd.f32 v5, v1  }
0x449: {  	v31 =	vld [tilespmem:s22+$0xFFFFFFC0];
	v48 =	vsub.f32 v11, v4;
	v21 =	vsub.f32 v11, v21  }
0x44a: {  	v8 =	vld [tilespmem:s22+$0xD0];
	v11 =	vsub.f32 v19, v15;
	v6 =	vadd.f32 $1.000000000e+00, v6  }
0x44b: {  	v34 =	vand.u32 $0x7FFFFFFF, v58;
	v58 =	vsub.f32 v62, v28;
	v33 =	vsub.f32 v30, v42  }
0x44c: {  	v19 =	vld [tilespmem:s17+$0xFFFFFFD0];
	v5 =	vmax.f32 v6, $0.0e+00;
	v6 =	vsub.f32 v18, v15;
	v15 =	vsub.f32 v25, v24  }
0x44d: {  	v22 =	vld [tilespmem:s22+$0xFFFFFFD0];
	v13 =	vand.u32 $0x7FFFFFFF, v13;
	v1 =	vadd.f32 v5, v1;
	v5 =	vsub.f32 v18, v60  }
0x44e: {  	v18 =	vld [tilespmem:s17+$0xFFFFFFC0];
	v26 =	vand.u32 $0x7FFFFFFF, v15;
	v15 =	vsub.f32 v29, v27;
	v29 =	vsub.f32 v29, v31  }
0x44f: {  	v37 =	vld [tilespmem:s17+$0xFFFFFF80];
	v25 =	vsub.f32 v25, v8;
	v24 =	vsub.f32 v50, v24;
	v27 =	vand.u32 $0x7FFFFFFF, v51  }
0x450: {  	v57 =	vld [tilespmem:s17+$0xF0];
	v27 =	vsub.f32 v27, v13;
	v15 =	vand.u32 $0x7FFFFFFF, v15;
	v13 =	vand.u32 $0x7FFFFFFF, v29  }
0x451: {  	v59 =	vld [tilespmem:s17+$0xFFFFFFF0];
	v56 =	vsub.f32 v15, v13;
	v15 =	vsub.f32 v19, v17  }
0x452: {  	v32 =	vand.u32 $0x7FFFFFFF, v63;
	v29 =	vld [tilespmem:s17+$0xFFFFFF60];
	v19 =	vsub.f32 v19, v22;
	v22 =	vsub.f32 v50, v22  }
0x453: {  	v46 =	vld [tilespmem:s22+$0xFFFFFF70];
	v24 =	vand.u32 $0x7FFFFFFF, v24;
	v31 =	vsub.f32 v18, v31;
	v18 =	vsub.f32 v18, v49  }
0x454: {  	v47 =	vld [tilespmem:s22+$0xFFFFFFF0];
	v43 =	vand.u32 $0x7FFFFFFF, v22;
	v44 =	vand.u32 $0x7FFFFFFF, v15;
	v15 =	vsub.f32 v37, v14  }
0x455: {  	v60 =	vld [tilespmem:s17+$0x100];
	v22 =	vand.u32 $0x7FFFFFFF, v25;
	v25 =	vsub.f32 v57, v53;
	v24 =	vadd.f32 v24, v56  }
0x456: {  	v31 =	vand.u32 $0x7FFFFFFF, v31;
	v13 =	vand.u32 $0x7FFFFFFF, v18;
	v18 =	vld [tilespmem:s22+$0xFFFFFFE0];
	v22 =	vadd.f32 v22, v27  }
0x457: {  	v19 =	vand.u32 $0x7FFFFFFF, v19;
	v17 =	vsub.f32 v31, v13;
	v13 =	vld [tilespmem:s22+$0xF0];
	v7 =	vsub.f32 v29, v7  }
0x458: {  	v56 =	vld [tilespmem:s22+$0xFFFFFF80];
	v31 =	vand.u32 $0x7FFFFFFF, v48;
	v24 =	vsub.f32 v24, v43;
	v22 =	vsub.f32 v22, v26  }
0x459: {  	v48 =	vld [tilespmem:s22+$0x0];
	v29 =	vsub.f32 v29, v55;
	v25 =	vand.u32 $0x7FFFFFFF, v25;
	v17 =	vadd.f32 v19, v17  }
0x45a: {  	v39 =	vld [tilespmem:s17+$0x10];
	v19 =	vand.u32 $0x7FFFFFFF, v21;
	v43 =	vadd.f32 v32, v24;
	v31 =	vadd.f32 v31, v22  }
0x45b: {  	v36 =	vld [tilespmem:s22+$0x10];
	v35 =	vand.u32 $0x7FFFFFFF, v29;
	v20 =	vsub.f32 v20, v18;
	v27 =	vsub.f32 v54, v18  }
0x45c: {  	v21 =	vld [tilespmem:s17+$0xFFFFFF70];
	v22 =	vand.u32 $0x7FFFFFFF, v61;
	v17 =	vsub.f32 v17, v44;
	v14 =	vsub.f32 v57, v13  }
0x45d: {  	v38 =	vld [tilespmem:s17+$0x90];
	v18 =	vand.u32 $0x7FFFFFFF, v7;
	v57 =	vsub.f32 v60, v28;
	v19 =	vsub.f32 v31, v19  }
0x45e: {  	v7 =	vld [tilespmem:s22+$0x100];
	v61 =	vsub.f32 v62, v48;
	v62 =	vsub.f32 v37, v56;
	v26 =	vand.u32 $0x7FFFFFFF, v27  }
0x45f: {  	v63 =	vld [tilespmem:s17+$0x0];
	v27 =	vsub.f32 v59, v46;
	v23 =	vand.u32 $0x7FFFFFFF, v20;
	v20 =	vsub.f32 v59, v47  }
0x460: {  	v32 =	vand.u32 $0x7FFFFFFF, v58;
	v28 =	vld [tilespmem:s22+$0x90];
	v47 =	vsub.f32 v45, v47;
	v17 =	vadd.f32 v26, v17  }
0x461: {  	v59 =	vld [tilespmem:s17+$0x110];
	v31 =	vand.u32 $0x7FFFFFFF, v14;
	v49 =	vsub.f32 v21, v10;
	v21 =	vsub.f32 v21, v46  }
0x462: {  	v50 =	vld [tilespmem:s17+$0xFFFFFFA0];
	v51 =	vand.u32 $0x7FFFFFFF, v57;
	v20 =	vand.u32 $0x7FFFFFFF, v20;
	v30 =	vadd.f32 v31, v19  }
0x463: {  	v14 =	vld [tilespmem:s22+$0x110];
	v42 =	vand.u32 $0x7FFFFFFF, v47;
	v26 =	vsub.f32 v60, v7;
	v60 =	vand.u32 $0x7FFFFFFF, v27  }
0x464: {  	v40 =	vld [tilespmem:s17+$0x20];
	v10 =	vsub.f32 v17, v34;
	v17 =	vsub.f32 v63, v56;
	v37 =	vand.u32 $0x7FFFFFFF, v21  }
0x465: {  	v27 =	vld [tilespmem:s22+$0xFFFFFFA0];
	v63 =	vsub.f32 v63, v48;
	v25 =	vsub.f32 v30, v25;
	v26 =	vand.u32 $0x7FFFFFFF, v26  }
0x466: {  	v19 =	vld [tilespmem:s22+$0xFFFFFF90];
	v52 =	vadd.f32 v20, v10;
	v10 =	vsub.f32 v59, v28;
	v29 =	vand.u32 $0x7FFFFFFF, v17  }
0x467: {  	v41 =	vld [tilespmem:s22+$0x20];
	v17 =	vsub.f32 v50, v16;
	v20 =	vand.u32 $0x7FFFFFFF, v61;
	v16 =	vadd.f32 v26, v25  }
0x468: {  	v34 =	vld [tilespmem:s17+$0x120];
	v45 =	vand.u32 $0x7FFFFFFF, v63;
	v21 =	vsub.f32 v59, v14;
	v25 =	vand.u32 $0x7FFFFFFF, v49  }
0x469: {  	s21 =	simm.s32 $0x10880;
	s5 =	simm.s32 $0x1;
	v30 =	vld [tilespmem:s17+$0xFFFFFF90];
	v26 =	vand.u32 $0x7FFFFFFF, v62;
	v31 =	vand.u32 $0x7FFFFFFF, v10;
	v16 =	vsub.f32 v16, v51  }
0x46a: {  	s6 =	simm.s32 $0x66C0;
	s7 =	simm.s32 $0xE6C0;
	s28 =	simm.s32 $0x10880;
	v10 =	vld [tilespmem:s22+$0x120];
	v44 =	vsub.f32 v52, v60;
	v21 =	vand.u32 $0x7FFFFFFF, v21;
	v24 =	vsub.f32 v50, v27  }
.LBB2_20:
0x46b: {  	v46 =	vld [tilespmem:s6+$0xFFFFFF50];
	s5 =	sadd.s32 $0x4, s5;
	v47 =	vsub.f32 v39, v19;
	v48 =	vadd.f32 v21, v16;
	s21 =	sadd.s32 $0x200, s21;
	v21 =	vmovc v4;
	v49 =	vmovc v12;
	v16 =	vmov v13  }
0x46c: {  	v4 =	vadd.f32 v35, v33;
	v12 =	vsub.f32 v39, v36;
	v13 =	vld [tilespmem:s7+$0xFFFFFF50];
	p1 =	slt.u32 s5, $0x39  }
0x46d: {  	v23 =	vsub.f32 v43, v23;
	v28 =	vsub.f32 v38, v28;
	v33 =	vld [tilespmem:s22+$0xA0]  }
0x46e: {  	v35 =	vadd.f32 v45, v44;
	v4 =	vsub.f32 v4, v18;
	v12 =	vand.u32 $0x7FFFFFFF, v12;
	v39 =	vld [tilespmem:s17+$0xA0]  }
0x46f: {  	v36 =	vsub.f32 v38, v36;
	v23 =	vadd.f32 v22, v23;
	v38 =	vld [tilespmem:s22+$0x130]  }
0x470: {  	v28 =	vand.u32 $0x7FFFFFFF, v28;
	v18 =	vsub.f32 v46, v8;
	v8 =	vadd.f32 v37, v4;
	v37 =	vld [tilespmem:s17+$0xB0]  }
0x471: {  	v36 =	vand.u32 $0x7FFFFFFF, v36;
	v4 =	vsub.f32 v40, v41;
	v22 =	vsub.f32 v46, v13;
	v43 =	vld [tilespmem:s6+$0xFFFFFFB0]  }
0x472: {  	v27 =	vsub.f32 v40, v27;
	v23 =	vsub.f32 v23, v42;
	v40 =	vld [tilespmem:s22+$0xB0];
	s22 =	smov.u32 s7  }
0x473: {  	v29 =	vsub.f32 v35, v29;
	v35 =	vand.u32 $0x7FFFFFFF, v47;
	v41 =	vsub.f32 v39, v41;
	v42 =	vld [tilespmem:s17+$0x130];
	s17 =	smov.u32 s6  }
0x474: {  	v31 =	vsub.f32 v48, v31;
	v45 =	vsub.f32 v30, v2;
	v2 =	vmovc v14;
	v46 =	vand.u32 $0x7FFFFFFF, v4;
	v44 =	vld [tilespmem:s7+$0x30]  }
0x475: {  	v48 =	vsub.f32 v34, v10;
	v14 =	vand.u32 $0x7FFFFFFF, v5;
	v4 =	vsub.f32 v34, v33;
	v47 =	vld [tilespmem:s6+$0x30]  }
0x476: {  	v50 =	vand.u32 $0x7FFFFFFF, v15;
	v12 =	vadd.f32 v12, v29;
	v34 =	vld [tilespmem:s7+$0xFFFFFFB0];
	v5 =	vsub.f32 v43, v38  }
0x477: {  	v27 =	vand.u32 $0x7FFFFFFF, v27;
	v23 =	vadd.f32 v32, v23;
	v29 =	vand.u32 $0x7FFFFFFF, v4;
	v15 =	vld [tilespmem:s6+$0x60]  }
0x478: {  	v12 =	vsub.f32 v12, v35;
	v35 =	vand.u32 $0x7FFFFFFF, v41;
	v41 =	vsub.f32 v37, v40;
	v32 =	vld [tilespmem:s7+$0x60]  }
0x479: {  	v19 =	vsub.f32 v30, v19;
	v8 =	vsub.f32 v8, v25;
	v25 =	vand.u32 $0x7FFFFFFF, v9;
	v4 =	vld [tilespmem:s7+$0xE0]  }
0x47a: {  	v46 =	vadd.f32 v46, v12;
	v12 =	vand.u32 $0x7FFFFFFF, v48;
	v9 =	vsub.f32 v47, v44;
	v30 =	vld [tilespmem:s6+$0xE0]  }
0x47b: {  	v51 =	vand.u32 $0x7FFFFFFF, v11;
	v26 =	vadd.f32 v26, v8;
	v43 =	vsub.f32 v43, v34;
	v48 =	vld [tilespmem:s7+$0xFFFFFFD0]  }
0x47c: {  	v19 =	vand.u32 $0x7FFFFFFF, v19;
	v33 =	vsub.f32 v39, v33;
	v11 =	vsub.f32 v42, v38;
	v52 =	vld [tilespmem:s6+$0xFFFFFF40]  }
0x47d: {  	v53 =	vand.u32 $0x7FFFFFFF, v6;
	v20 =	vsub.f32 v23, v20;
	v38 =	vld [tilespmem:s7+$0x50];
	v39 =	vsub.f32 v15, v32;
	v6 =	vmovc v43  }
0x47e: {  	v23 =	vand.u32 $0x7FFFFFFF, v24;
	v24 =	vadd.f32 v12, v31;
	v31 =	vsub.f32 v42, v40;
	v8 =	vld [tilespmem:s7+$0xD0]  }
0x47f: {  	v20 =	vadd.f32 v28, v20;
	v43 =	vand.u32 $0x7FFFFFFF, v45;
	v40 =	vld [tilespmem:s6+$0xD0];
	v42 =	vsub.f32 v30, v4  }
0x480: {  	v24 =	vsub.f32 v24, v29;
	v28 =	vsub.f32 v30, v32;
	v30 =	vand.u32 $0x7FFFFFFF, v41;
	v12 =	vld [tilespmem:s7+$0xC0]  }
0x481: {  	v20 =	vsub.f32 v20, v36;
	v36 =	vand.u32 $0x7FFFFFFF, v11;
	v29 =	vsub.f32 v52, v49;
	v32 =	vld [tilespmem:s6+$0xC0]  }
0x482: {  	v26 =	vsub.f32 v26, v50;
	v11 =	vsub.f32 v47, v34;
	v41 =	vand.u32 $0x7FFFFFFF, v17;
	v34 =	vld [tilespmem:s7+$0x40]  }
0x483: {  	v24 =	vadd.f32 v36, v24;
	v17 =	vand.u32 $0x7FFFFFFF, v33;
	v33 =	vsub.f32 v37, v3;
	v3 =	vmovc v44;
	v45 =	vld [tilespmem:s6+$0x40]  }
0x484: {  	v19 =	vadd.f32 v19, v26;
	v26 =	vand.u32 $0x7FFFFFFF, v31;
	v36 =	vld [tilespmem:s7+$0xFFFFFFC0];
	v37 =	vsub.f32 v40, v8  }
0x485: {  	v24 =	vsub.f32 v24, v26;
	v33 =	vand.u32 $0x7FFFFFFF, v33;
	v40 =	vsub.f32 v40, v38;
	v31 =	vld [tilespmem:s6+$0xFFFFFFC0]  }
0x486: {  	v20 =	vadd.f32 v17, v20;
	v29 =	vand.u32 $0x7FFFFFFF, v29;
	v26 =	vld [tilespmem:s7+$0xFFFFFF40];
	v44 =	vsub.f32 v32, v12  }
0x487: {  	v27 =	vsub.f32 v46, v27;
	v40 =	vand.u32 $0x7FFFFFFF, v40;
	v47 =	vld [tilespmem:s6+$0x50];
	v32 =	vsub.f32 v32, v34;
	[tilespmem:s28+$0x100] =	vst v24  }
0x488: {  	v19 =	vsub.f32 v19, v43;
	v24 =	vld [tilespmem:s6+$0xFFFFFFD0];
	v34 =	vsub.f32 v45, v34;
	v44 =	vand.u32 $0x7FFFFFFF, v44  }
0x489: {  	v25 =	vadd.f32 v25, v27;
	v17 =	vld [tilespmem:s6+$0xFFFFFF80];
	v43 =	vsub.f32 v45, v36;
	v32 =	vand.u32 $0x7FFFFFFF, v32  }
0x48a: {  	v27 =	vsub.f32 v31, v36;
	v34 =	vand.u32 $0x7FFFFFFF, v34;
	v36 =	vld [tilespmem:s7+$0x70];
	v32 =	vsub.f32 v44, v32  }
0x48b: {  	v20 =	vsub.f32 v20, v35;
	v31 =	vsub.f32 v31, v26;
	v44 =	vld [tilespmem:s6+$0xFFFFFFE0];
	v43 =	vand.u32 $0x7FFFFFFF, v43  }
0x48c: {  	v19 =	vadd.f32 v23, v19;
	v35 =	vld [tilespmem:s7+$0xFFFFFF60];
	v27 =	vand.u32 $0x7FFFFFFF, v27;
	v34 =	vsub.f32 v34, v43  }
0x48d: {  	v20 =	vadd.f32 v30, v20;
	v43 =	vld [tilespmem:s6+$0xFFFFFF60];
	v23 =	vand.u32 $0x7FFFFFFF, v31;
	v31 =	vsub.f32 v24, v13  }
0x48e: {  	v19 =	vsub.f32 v19, v41;
	v30 =	vand.u32 $0x7FFFFFFF, v42;
	v23 =	vsub.f32 v27, v23;
	v27 =	vld [tilespmem:s7+$0xFFFFFFE0]  }
0x48f: {  	v22 =	vand.u32 $0x7FFFFFFF, v22;
	v38 =	vsub.f32 v47, v38;
	v24 =	vsub.f32 v24, v48;
	v41 =	vld [tilespmem:s6+$0xF0]  }
0x490: {  	v42 =	vand.u32 $0x7FFFFFFF, v18;
	v19 =	vadd.f32 v53, v19;
	v18 =	vsub.f32 v47, v48;
	v13 =	vld [tilespmem:s7+$0xF0]  }
0x491: {  	v26 =	vsub.f32 v52, v26;
	v24 =	vand.u32 $0x7FFFFFFF, v24;
	v45 =	vsub.f32 v44, v35;
	v46 =	vld [tilespmem:s7+$0x80]  }
0x492: {  	v48 =	vand.u32 $0x7FFFFFFF, v18;
	v18 =	vsub.f32 v25, v51;
	v21 =	vsub.f32 v43, v21;
	v47 =	vld [tilespmem:s6+$0xFFFFFFF0]  }
0x493: {  	v14 =	vsub.f32 v19, v14;
	v25 =	vand.u32 $0x7FFFFFFF, v31;
	v31 =	vsub.f32 v15, v27;
	v49 =	vld [tilespmem:s6+$0x70]  }
0x494: {  	v28 =	vand.u32 $0x7FFFFFFF, v28;
	v24 =	vadd.f32 v24, v23;
	v19 =	vld [tilespmem:s7+$0xFFFFFF70];
	[tilespmem:s28+$0x0] =	vst v18;
	v18 =	vsub.f32 v20, v33  }
0x495: {  	v50 =	vand.u32 $0x7FFFFFFF, v39;
	v15 =	vsub.f32 v17, v7;
	v20 =	vld [tilespmem:s6+$0xFFFFFF70];
	v33 =	vsub.f32 v41, v13;
	[tilespmem:s28+$0xFFFFFF80] =	vst v14  }
0x496: {  	v23 =	vand.u32 $0x7FFFFFFF, v37;
	v14 =	vand.u32 $0x7FFFFFFF, v26;
	v26 =	vsub.f32 v41, v36;
	v7 =	vld [tilespmem:s7+$0x100];
	[tilespmem:s28+$0x80] =	vst v18;
	s28 =	smov.u32 s21  }
0x497: {  	v23 =	vadd.f32 v23, v32;
	v27 =	vsub.f32 v44, v27;
	v37 =	vand.u32 $0x7FFFFFFF, v45;
	v41 =	vld [tilespmem:s7+$0xFFFFFFF0]  }
0x498: {  	v14 =	vsub.f32 v14, v29;
	v18 =	vand.u32 $0x7FFFFFFF, v21;
	v21 =	vsub.f32 v49, v36;
	v29 =	vld [tilespmem:s6+$0x100]  }
0x499: {  	v39 =	vsub.f32 v23, v40;
	v27 =	vand.u32 $0x7FFFFFFF, v27;
	v32 =	vsub.f32 v47, v19;
	v36 =	vld [tilespmem:s6+$0x80]  }
0x49a: {  	v23 =	vand.u32 $0x7FFFFFFF, v31;
	v40 =	vadd.f32 v22, v14;
	v44 =	vld [tilespmem:s7+$0x0];
	v22 =	vand.u32 $0x7FFFFFFF, v21  }
0x49b: {  	v30 =	vadd.f32 v30, v39;
	v14 =	vand.u32 $0x7FFFFFFF, v38;
	v21 =	vsub.f32 v43, v35;
	v45 =	vld [tilespmem:s6+$0x0]  }
0x49c: {  	v26 =	vand.u32 $0x7FFFFFFF, v26;
	v34 =	vadd.f32 v14, v34;
	v31 =	vsub.f32 v47, v41;
	v14 =	vld [tilespmem:s7+$0x110]  }
0x49d: {  	v24 =	vsub.f32 v24, v25;
	v25 =	vand.u32 $0x7FFFFFFF, v33;
	v38 =	vld [tilespmem:s7+$0xFFFFFF80];
	v39 =	vsub.f32 v29, v46  }
0x49e: {  	v30 =	vsub.f32 v30, v28;
	v31 =	vand.u32 $0x7FFFFFFF, v31;
	v46 =	vsub.f32 v36, v46;
	v43 =	vld [tilespmem:s6+$0x110]  }
0x49f: {  	v24 =	vadd.f32 v27, v24;
	v47 =	vand.u32 $0x7FFFFFFF, v32;
	v27 =	vsub.f32 v29, v7;
	v28 =	vld [tilespmem:s7+$0x90]  }
0x4a0: {  	v33 =	vsub.f32 v40, v42;
	v35 =	vand.u32 $0x7FFFFFFF, v21;
	v21 =	vadd.f32 v25, v30  }
0x4a1: {  	v24 =	vsub.f32 v24, v37;
	v16 =	vsub.f32 v20, v16;
	v25 =	vand.u32 $0x7FFFFFFF, v27;
	v42 =	vld [tilespmem:s6+$0xFFFFFFA0]  }
0x4a2: {  	v30 =	vsub.f32 v36, v44;
	v27 =	vld [tilespmem:s7+$0xFFFFFFA0];
	v29 =	vsub.f32 v45, v38  }
0x4a3: {  	v20 =	vsub.f32 v20, v19;
	v52 =	vand.u32 $0x7FFFFFFF, v39;
	v51 =	vsub.f32 v17, v38;
	v19 =	vld [tilespmem:s7+$0xFFFFFF90]  }
0x4a4: {  	v24 =	vadd.f32 v31, v24;
	v29 =	vand.u32 $0x7FFFFFFF, v29;
	v39 =	vld [tilespmem:s6+$0x10];
	v31 =	vsub.f32 v43, v28  }
0x4a5: {  	v32 =	vsub.f32 v34, v48;
	v21 =	vsub.f32 v21, v26;
	v36 =	vld [tilespmem:s7+$0x10]  }
0x4a6: {  	v37 =	vand.u32 $0x7FFFFFFF, v20;
	v17 =	vsub.f32 v42, v10;
	v38 =	vld [tilespmem:s6+$0x90];
	v31 =	vand.u32 $0x7FFFFFFF, v31  }
.Ltmp9:
0x4a7: {  	v21 =	vadd.f32 v25, v21;
	v20 =	vand.u32 $0x7FFFFFFF, v30;
	v30 =	vsub.f32 v43, v14;
	v10 =	vld [tilespmem:s7+$0x120];
	(pc) =	sbr.rel @p1 .LBB2_20-.Ltmp9, $4  }
0x4a8: {  	v48 =	vsub.f32 v49, v41;
	v25 =	vand.u32 $0x7FFFFFFF, v16;
	v43 =	vadd.f32 v50, v32;
	v34 =	vld [tilespmem:s6+$0x120]  }
0x4a9: {  	v45 =	vsub.f32 v45, v44;
	v16 =	vsub.f32 v21, v52;
	v32 =	vand.u32 $0x7FFFFFFF, v46;
	v40 =	vld [tilespmem:s6+$0x20]  }
0x4aa: {  	v44 =	vsub.f32 v24, v47;
	v26 =	vand.u32 $0x7FFFFFFF, v51;
	v21 =	vand.u32 $0x7FFFFFFF, v30;
	v41 =	vld [tilespmem:s7+$0x20]  }
0x4ab: {  	v45 =	vand.u32 $0x7FFFFFFF, v45;
	v24 =	vsub.f32 v42, v27;
	v42 =	vand.u32 $0x7FFFFFFF, v48;
	s6 =	sadd.s32 $0x200, s6;
	s7 =	sadd.s32 $0x200, s7;
	v30 =	vld [tilespmem:s17+$0xFFFFFF90]  }
0x4ac: {  	v46 =	vsub.f32 v39, v19  }
0x4ad: {  	v16 =	vadd.f32 v21, v16;
	v55 =	vadd.f32 v35, v33  }
0x4ae: {  	v56 =	vsub.f32 v39, v36;
	v23 =	vsub.f32 v43, v23  }
0x4af: {  	v28 =	vsub.f32 v38, v28;
	v58 =	vadd.f32 v45, v44  }
0x4b0: {  	v60 =	vsub.f32 v38, v36;
	v15 =	vand.u32 $0x7FFFFFFF, v15;
	v48 =	vsub.f32 v34, v10  }
0x4b1: {  	v57 =	vld [tilespmem:s17+$0xA0];
	v9 =	vand.u32 $0x7FFFFFFF, v9;
	v18 =	vsub.f32 v55, v18;
	v22 =	vadd.f32 v22, v23  }
0x4b2: {  	v59 =	vld [tilespmem:s22+$0xA0];
	v11 =	vand.u32 $0x7FFFFFFF, v11;
	v27 =	vsub.f32 v40, v27;
	v21 =	vsub.f32 v58, v29  }
0x4b3: {  	v62 =	vld [tilespmem:s17+$0xB0];
	v17 =	vand.u32 $0x7FFFFFFF, v17;
	v16 =	vsub.f32 v16, v31;
	v61 =	vsub.f32 v40, v41  }
0x4b4: {  	v44 =	vld [tilespmem:s22+$0xB0];
	v33 =	vand.u32 $0x7FFFFFFF, v56;
	v18 =	vadd.f32 v37, v18;
	v22 =	vsub.f32 v22, v42  }
0x4b5: {  	v45 =	vand.u32 $0x7FFFFFFF, v46;
	v46 =	vsub.f32 v30, v2;
	v21 =	vadd.f32 v33, v21  }
0x4b6: {  	v54 =	vand.u32 $0x7FFFFFFF, v48;
	v53 =	vsub.f32 v30, v19;
	v18 =	vsub.f32 v18, v25  }
0x4b7: {  	v6 =	vand.u32 $0x7FFFFFFF, v6;
	v16 =	vadd.f32 v54, v16;
	v63 =	vsub.f32 v57, v41  }
0x4b8: {  	v50 =	vld [tilespmem:s17+$0x130];
	v24 =	vand.u32 $0x7FFFFFFF, v24;
	v49 =	vsub.f32 v34, v59;
	v18 =	vadd.f32 v26, v18  }
0x4b9: {  	v28 =	vand.u32 $0x7FFFFFFF, v28;
	v52 =	vsub.f32 v62, v44;
	v22 =	vadd.f32 v32, v22  }
0x4ba: {  	v23 =	vand.u32 $0x7FFFFFFF, v60;
	v2 =	vld [tilespmem:s22+$0x130];
	v56 =	vsub.f32 v57, v59;
	v15 =	vsub.f32 v18, v15  }
0x4bb: {  	v3 =	vsub.f32 v62, v3;
	v55 =	vand.u32 $0x7FFFFFFF, v53;
	v20 =	vsub.f32 v22, v20  }
0x4bc: {  	v47 =	vand.u32 $0x7FFFFFFF, v61;
	v21 =	vsub.f32 v21, v45;
	v15 =	vadd.f32 v55, v15  }
0x4bd: {  	v58 =	vand.u32 $0x7FFFFFFF, v46;
	v25 =	vsub.f32 v50, v44;
	v20 =	vadd.f32 v28, v20  }
0x4be: {  	v27 =	vand.u32 $0x7FFFFFFF, v27;
	v21 =	vadd.f32 v47, v21;
	v15 =	vsub.f32 v15, v58  }
0x4bf: {  	v51 =	vand.u32 $0x7FFFFFFF, v49;
	v57 =	vsub.f32 v50, v2;
	v59 =	vsub.f32 v20, v23  }
0x4c0: {  	v19 =	vand.u32 $0x7FFFFFFF, v56;
	v16 =	vsub.f32 v16, v51;
	v15 =	vadd.f32 v24, v15  }
0x4c1: {  	v61 =	vsub.f32 v21, v27;
	v60 =	vand.u32 $0x7FFFFFFF, v57;
	v18 =	vadd.f32 v19, v59  }
0x4c2: {  	v29 =	vand.u32 $0x7FFFFFFF, v63;
	v16 =	vadd.f32 v60, v16;
	v15 =	vsub.f32 v15, v17  }
0x4c3: {  	v62 =	vand.u32 $0x7FFFFFFF, v25;
	v9 =	vadd.f32 v9, v61;
	v18 =	vsub.f32 v18, v29  }
0x4c4: {  	v63 =	vand.u32 $0x7FFFFFFF, v52;
	v16 =	vsub.f32 v16, v62;
	v6 =	vadd.f32 v6, v15  }
0x4c5: {  	v5 =	vand.u32 $0x7FFFFFFF, v5;
	v9 =	vsub.f32 v9, v11;
	v15 =	vadd.f32 v63, v18  }
0x4c6: {  	v3 =	vand.u32 $0x7FFFFFFF, v3;
	[tilespmem:s28+$0x100] =	vst v16;
	v5 =	vsub.f32 v6, v5  }
0x4c7: {  	[tilespmem:s28+$0x0] =	vst v9;
	v3 =	vsub.f32 v15, v3  }
0x4c8: {  	[tilespmem:s28+$0xFFFFFF80] =	vst v5  }
0x4c9: {  	s5 =	simm.s32 $0x0;
	s6 =	simm.s32 $0x0;
	[tilespmem:s28+$0x80] =	vst v3  }
.LBB2_22:
0x4ca: {  	s7 =	sshra.s32 s6, $0x2  }
0x4cb: {  	v3 =	vld [tilespmem:s7+$0x8200]  }
0x4cc: {  	v5 =	vld [tilespmem:s7+$0x10200]  }
0x4cd: {  	v6 =	vld [tilespmem:s7+$0x8210]  }
0x4ce: {  	v9 =	vld [tilespmem:s7+$0x10210];
	_ =	sdelay $0x2  }
0x4cf: {  	v15 =	vld [tilespmem:s7+$0x10220];
	v11 =	vsub.f32 v3, v5;
	v3 =	vsub.f32 v3, v12  }
0x4d0: {  	v12 =	vld [tilespmem:s7+$0x8220]  }
0x4d1: {  	v16 =	vsub.f32 v6, v9;
	v11 =	vand.u32 $0x7FFFFFFF, v11;
	v3 =	vand.u32 $0x7FFFFFFF, v3  }
0x4d2: {  	v3 =	vsub.f32 v11, v3  }
0x4d3: {  	v6 =	vsub.f32 v6, v8;
	v8 =	vld [tilespmem:s7+$0x8230];
	v11 =	vand.u32 $0x7FFFFFFF, v16  }
0x4d4: {  	v3 =	vadd.f32 v11, v3;
	v11 =	vld [tilespmem:s7+$0x10230]  }
0x4d5: {  	v6 =	vand.u32 $0x7FFFFFFF, v6;
	v59 =	vsub.f32 v12, v15  }
0x4d6: {  	v3 =	vsub.f32 v3, v6  }
0x4d7: {  	v4 =	vsub.f32 v12, v4;
	v12 =	vld [tilespmem:s7+$0x8240];
	v6 =	vand.u32 $0x7FFFFFFF, v59  }
0x4d8: {  	v3 =	vadd.f32 v6, v3;
	v6 =	vld [tilespmem:s7+$0x10240]  }
0x4d9: {  	v4 =	vand.u32 $0x7FFFFFFF, v4;
	v60 =	vsub.f32 v8, v11  }
0x4da: {  	v3 =	vsub.f32 v3, v4  }
0x4db: {  	v8 =	vsub.f32 v8, v13;
	v13 =	vld [tilespmem:s7+$0x8250];
	v4 =	vand.u32 $0x7FFFFFFF, v60  }
0x4dc: {  	v3 =	vadd.f32 v4, v3;
	v4 =	vld [tilespmem:s7+$0x10250]  }
0x4dd: {  	v8 =	vand.u32 $0x7FFFFFFF, v8;
	v61 =	vsub.f32 v12, v6  }
0x4de: {  	v3 =	vsub.f32 v3, v8  }
0x4df: {  	v7 =	vsub.f32 v12, v7;
	v12 =	vld [tilespmem:s7+$0x8260];
	v8 =	vand.u32 $0x7FFFFFFF, v61  }
0x4e0: {  	v3 =	vadd.f32 v8, v3;
	v8 =	vld [tilespmem:s7+$0x10260]  }
0x4e1: {  	v7 =	vand.u32 $0x7FFFFFFF, v7;
	v62 =	vsub.f32 v13, v4  }
0x4e2: {  	v3 =	vsub.f32 v3, v7  }
0x4e3: {  	v13 =	vsub.f32 v13, v14;
	v14 =	vld [tilespmem:s7+$0x8270];
	v7 =	vand.u32 $0x7FFFFFFF, v62  }
0x4e4: {  	v3 =	vadd.f32 v7, v3;
	v7 =	vld [tilespmem:s7+$0x10270]  }
0x4e5: {  	v13 =	vand.u32 $0x7FFFFFFF, v13;
	v63 =	vsub.f32 v12, v8  }
0x4e6: {  	v3 =	vsub.f32 v3, v13  }
0x4e7: {  	v10 =	vsub.f32 v12, v10;
	v12 =	vand.u32 $0x7FFFFFFF, v63  }
0x4e8: {  	v3 =	vadd.f32 v12, v3  }
0x4e9: {  	v10 =	vand.u32 $0x7FFFFFFF, v10;
	v12 =	vsub.f32 v14, v7  }
0x4ea: {  	v3 =	vsub.f32 v3, v10  }
0x4eb: {  	v2 =	vsub.f32 v14, v2;
	v10 =	vand.u32 $0x7FFFFFFF, v12  }
0x4ec: {  	v3 =	vadd.f32 v10, v3  }
0x4ed: {  	p1 =	sne.s32 s6, $0x400;
	v2 =	vand.u32 $0x7FFFFFFF, v2  }
.Ltmp10:
0x4ee: {  	v2 =	vsub.f32 v3, v2;
	(pc) =	sbr.rel @p1 .LBB2_22-.Ltmp10, $3  }
0x4ef: {  	_ =	sdelay $0x1  }
0x4f0: {  	v13 =	vmov v11;
	v14 =	vmov v4;
	v4 =	vmov v15  }
0x4f1: {  	s6 =	sadd.s32 $0x200, s6;
	v12 =	vmovc v5;
	v10 =	vmovc v8;
	v8 =	vmov v9;
	[tilespmem:s7+$0x12600] =	vst v2;
	v2 =	vmov v7;
	v7 =	vmov v6  }
0x4f2: {  	v2 =	vmov s5  }
0x4f3: {  	v2 =	vshll.u32 v2, $0x7  }
0x4f4: {  	v2 =	vor.u32 v0, v2;
	_ =	sdelay $0x1  }
0x4f5: {  	v3 =	vor.u32 $0x1, v2;
	_ =	sdelay $0x1  }
0x4f6: {  	v4 =	vor.u32 $0x2, v2  }
0x4f7: {  	v5 =	vld.idx.msk [tilespmem:v2+s18+$0x0], $0xffff  }
0x4f8: {  	v6 =	vor.u32 $0x3, v2  }
0x4f9: {  	v3 =	vld.idx.msk [tilespmem:v3+s18+$0x0], $0xffff  }
0x4fa: {  	v7 =	vor.u32 $0x4, v2  }
0x4fb: {  	v4 =	vld.idx.msk [tilespmem:v4+s18+$0x0], $0xffff  }
0x4fc: {  	v5 =	vadd.f32 $0.0e+00, v5  }
0x4fd: {  	v8 =	vor.u32 $0x5, v2;
	v6 =	vld.idx.msk [tilespmem:v6+s18+$0x0], $0xffff  }
0x4fe: {  	v3 =	vadd.f32 v3, v5  }
0x4ff: {  	v7 =	vld.idx.msk [tilespmem:v7+s18+$0x0], $0xffff;
	v5 =	vor.u32 $0x6, v2  }
0x500: {  	v3 =	vadd.f32 v4, v3  }
0x501: {  	v9 =	vor.u32 $0x7, v2  }
0x502: {  	v8 =	vld.idx.msk [tilespmem:v8+s18+$0x0], $0xffff;
	v3 =	vadd.f32 v6, v3  }
0x503: {  	v10 =	vor.u32 $0x8, v2  }
0x504: {  	v5 =	vld.idx.msk [tilespmem:v5+s18+$0x0], $0xffff;
	v3 =	vadd.f32 v7, v3;
	v7 =	vor.u32 $0x9, v2;
	_ =	sdelay $0x1  }
0x505: {  	s28 =	simm.s32 $0x10;
	v4 =	vld.idx.msk [tilespmem:v9+s18+$0x0], $0xffff;
	v6 =	vor.u32 $0xA, v2  }
0x506: {  	v11 =	vmov s28;
	v9 =	vadd.f32 v8, v3  }
0x507: {  	s5 =	simm.s32 $0x20;
	v3 =	vld.idx.msk [tilespmem:v10+s18+$0x0], $0xffff;
	v10 =	vshll.u32 v11, $0x7;
	v8 =	vor.u32 $0xB, v2  }
.LBB2_24:
0x508: {  	p1 =	sne.s32 s5, $0x30;
	v10 =	vor.u32 v0, v10;
	v5 =	vadd.f32 v5, v9;
	v7 =	vld.idx.msk [tilespmem:v7+s18+$0x0], $0xffff  }
0x509: {  	v9 =	vor.u32 $0xC, v2  }
0x50a: {  	v4 =	vadd.f32 v4, v5;
	v5 =	vld.idx.msk [tilespmem:v6+s18+$0x0], $0xffff;
	v6 =	vor.u32 $0xD, v2  }
0x50b: {  	v11 =	vor.u32 $0x1, v10  }
0x50c: {  	v3 =	vadd.f32 v3, v4;
	v4 =	vld.idx.msk [tilespmem:v8+s18+$0x0], $0xffff;
	v8 =	vor.u32 $0xE, v2  }
0x50d: {  	v13 =	vor.u32 $0x2, v10;
	v12 =	vld.idx.msk [tilespmem:v10+s18+$0x0], $0xffff  }
0x50e: {  	v3 =	vadd.f32 v7, v3;
	v7 =	vld.idx.msk [tilespmem:v9+s18+$0x0], $0xffff;
	v9 =	vor.u32 $0xF, v2;
	v2 =	vmov v10  }
0x50f: {  	v10 =	vor.u32 $0x3, v2;
	v6 =	vld.idx.msk [tilespmem:v6+s18+$0x0], $0xffff  }
0x510: {  	v11 =	vld.idx.msk [tilespmem:v11+s18+$0x0], $0xffff;
	v3 =	vadd.f32 v5, v3  }
0x511: {  	v5 =	vor.u32 $0x4, v2;
	v8 =	vld.idx.msk [tilespmem:v8+s18+$0x0], $0xffff  }
0x512: {  	v13 =	vld.idx.msk [tilespmem:v13+s18+$0x0], $0xffff;
	v3 =	vadd.f32 v4, v3  }
0x513: {  	v4 =	vor.u32 $0x5, v2;
	v9 =	vld.idx.msk [tilespmem:v9+s18+$0x0], $0xffff  }
0x514: {  	v12 =	vadd.f32 $0.0e+00, v12;
	v10 =	vld.idx.msk [tilespmem:v10+s18+$0x0], $0xffff;
	v3 =	vadd.f32 v7, v3  }
0x515: {  	v7 =	vor.u32 $0x6, v2  }
0x516: {  	v11 =	vadd.f32 v11, v12;
	v12 =	vld.idx.msk [tilespmem:v5+s18+$0x0], $0xffff;
	v3 =	vadd.f32 v6, v3  }
0x517: {  	v6 =	vor.u32 $0x7, v2  }
0x518: {  	v5 =	vadd.f32 v13, v11;
	v11 =	vld.idx.msk [tilespmem:v4+s18+$0x0], $0xffff;
	v3 =	vadd.f32 v8, v3  }
0x519: {  	v8 =	vor.u32 $0x8, v2  }
0x51a: {  	v4 =	vadd.f32 v10, v5;
	v5 =	vld.idx.msk [tilespmem:v7+s18+$0x0], $0xffff;
	v3 =	vadd.f32 v9, v3  }
.Ltmp11:
0x51b: {  	v7 =	vor.u32 $0x9, v2;
	(pc) =	sbr.rel @p1 .LBB2_24-.Ltmp11, $4  }
0x51c: {  	v9 =	vadd.f32 v12, v4;
	v4 =	vld.idx.msk [tilespmem:v6+s18+$0x0], $0xffff;
	v10 =	vadd.f32 $1.000000000e+00, v3  }
0x51d: {  	v6 =	vor.u32 $0xA, v2  }
0x51e: {  	v12 =	vmov s5;
	v9 =	vadd.f32 v11, v9;
	v3 =	vld.idx.msk [tilespmem:v8+s18+$0x0], $0xffff;
	v11 =	vmax.f32 v10, $0.0e+00  }
0x51f: {  	s5 =	sadd.s32 $0x10, s5;
	v10 =	vshll.u32 v12, $0x7;
	v8 =	vor.u32 $0xB, v2;
	v1 =	vadd.f32 v11, v1  }
0x520: {  	v10 =	vor.u32 v0, v10;
	_ =	sdelay $0x1  }
0x521: {  	v11 =	vor.u32 $0x1, v10;
	_ =	sdelay $0x1  }
0x522: {  	v12 =	vor.u32 $0x2, v10  }
0x523: {  	v13 =	vld.idx.msk [tilespmem:v10+s18+$0x0], $0xffff  }
0x524: {  	v14 =	vor.u32 $0x3, v10  }
0x525: {  	v11 =	vld.idx.msk [tilespmem:v11+s18+$0x0], $0xffff  }
0x526: {  	v15 =	vor.u32 $0x4, v10  }
0x527: {  	v12 =	vld.idx.msk [tilespmem:v12+s18+$0x0], $0xffff  }
0x528: {  	v16 =	vor.u32 $0x5, v10;
	v13 =	vadd.f32 $0.0e+00, v13  }
0x529: {  	v14 =	vld.idx.msk [tilespmem:v14+s18+$0x0], $0xffff  }
0x52a: {  	v42 =	vor.u32 $0x6, v10;
	v11 =	vadd.f32 v11, v13  }
0x52b: {  	v15 =	vld.idx.msk [tilespmem:v15+s18+$0x0], $0xffff  }
0x52c: {  	v43 =	vor.u32 $0x7, v10;
	v11 =	vadd.f32 v12, v11  }
0x52d: {  	v16 =	vld.idx.msk [tilespmem:v16+s18+$0x0], $0xffff  }
0x52e: {  	v44 =	vor.u32 $0x8, v10;
	v11 =	vadd.f32 v14, v11  }
0x52f: {  	v13 =	vld.idx.msk [tilespmem:v42+s18+$0x0], $0xffff  }
0x530: {  	v45 =	vor.u32 $0x9, v10;
	v11 =	vadd.f32 v15, v11  }
0x531: {  	v12 =	vld.idx.msk [tilespmem:v43+s18+$0x0], $0xffff  }
0x532: {  	v5 =	vadd.f32 v5, v9;
	v7 =	vld.idx.msk [tilespmem:v7+s18+$0x0], $0xffff;
	v46 =	vor.u32 $0xA, v10;
	v11 =	vadd.f32 v16, v11  }
0x533: {  	v47 =	vor.u32 $0xC, v2;
	v14 =	vld.idx.msk [tilespmem:v44+s18+$0x0], $0xffff  }
0x534: {  	v48 =	vld.idx.msk [tilespmem:v6+s18+$0x0], $0xffff;
	v49 =	vor.u32 $0xB, v10;
	v4 =	vadd.f32 v4, v5;
	v11 =	vadd.f32 v13, v11  }
0x535: {  	v50 =	vor.u32 $0xD, v2;
	v15 =	vld.idx.msk [tilespmem:v45+s18+$0x0], $0xffff  }
0x536: {  	v51 =	vld.idx.msk [tilespmem:v8+s18+$0x0], $0xffff;
	v52 =	vor.u32 $0xC, v10;
	v3 =	vadd.f32 v3, v4;
	v11 =	vadd.f32 v12, v11  }
0x537: {  	v53 =	vor.u32 $0xE, v2;
	v9 =	vld.idx.msk [tilespmem:v46+s18+$0x0], $0xffff  }
0x538: {  	v55 =	vor.u32 $0xD, v10;
	v54 =	vld.idx.msk [tilespmem:v47+s18+$0x0], $0xffff;
	v3 =	vadd.f32 v7, v3;
	v11 =	vadd.f32 v14, v11  }
0x539: {  	v2 =	vor.u32 $0xF, v2;
	v6 =	vld.idx.msk [tilespmem:v49+s18+$0x0], $0xffff  }
0x53a: {  	v57 =	vor.u32 $0xE, v10;
	v56 =	vld.idx.msk [tilespmem:v50+s18+$0x0], $0xffff;
	v3 =	vadd.f32 v48, v3;
	v11 =	vadd.f32 v15, v11  }
0x53b: {  	v8 =	vld.idx.msk [tilespmem:v52+s18+$0x0], $0xffff  }
0x53c: {  	v58 =	vld.idx.msk [tilespmem:v53+s18+$0x0], $0xffff;
	v10 =	vor.u32 $0xF, v10;
	v3 =	vadd.f32 v51, v3;
	v9 =	vadd.f32 v9, v11  }
0x53d: {  	v59 =	vld.idx.msk [tilespmem:v55+s18+$0x0], $0xffff  }
0x53e: {  	v2 =	vld.idx.msk [tilespmem:v2+s18+$0x0], $0xffff;
	v3 =	vadd.f32 v54, v3;
	v6 =	vadd.f32 v6, v9  }
0x53f: {  	v60 =	vld.idx.msk [tilespmem:v57+s18+$0x0], $0xffff  }
0x540: {  	v3 =	vadd.f32 v56, v3;
	v61 =	vadd.f32 v8, v6  }
0x541: {  	v62 =	vld.idx.msk [tilespmem:v10+s18+$0x0], $0xffff  }
0x542: {  	v3 =	vadd.f32 v58, v3;
	v63 =	vadd.f32 v59, v61;
	_ =	sdelay $0x1  }
0x543: {  	v2 =	vadd.f32 v2, v3;
	v3 =	vadd.f32 v60, v63;
	_ =	sdelay $0x1  }
0x544: {  	v2 =	vadd.f32 $1.000000000e+00, v2;
	v3 =	vadd.f32 v62, v3;
	_ =	sdelay $0x1  }
0x545: {  	v2 =	vmax.f32 v2, $0.0e+00;
	v3 =	vadd.f32 $1.000000000e+00, v3  }
0x546: {  	v1 =	vadd.f32 v2, v1  }
0x547: {  	v2 =	vmax.f32 v3, $0.0e+00  }
0x548: {  	s13 =	sadd.s32 $0x1, s13;
	v1 =	vadd.f32 v2, v1  }
0x549: {  	p1 =	sne.s32 s13, s10  }
.Ltmp12:
0x54a: {  	s5 =	simm.s32 $0x12780;
	[tilespmem:$0x12780] =	vst v1;
	(pc) =	sbr.rel @p1 .LBB2_1-.Ltmp12, $4  }
0x54b: {  	[hbm4b:s9+s4] =	stream.linear.scatter [tilespmem:s5], [sflag:$0xE], $0x80, $0x38;
	[tilespmem:$0x13800] =	vst v63  }
0x54c: {  	_ =	swait.ge [sflag:s12], $0x80  }
0x54d: {  	[sflag:s12] =	ssyncset.done $0x0  }
0x54e: {  	[sflag:s12] =	ssyncadd.s32 $0xFFFFFF80  }
0x54f: {  	_ =	sfence.sel $0x180000  }
0x550: {  	[bflag:$0x0] =	sbarrier.arrive $0xFFFF  }
0x551: {  	_ =	strace $0x90000047  }
0x552: {  	[bflag:$0x2] =	sbarrier.arrive $0xFFFF  }
0x553: {  	s0 =	rddreg [dreg:$0x7]  }
0x554: {  	s0 =	sadd.s32 @!p0 $0x100000, s0  }
0x555: {  	[sflag:s0] =	ssyncadd.tile.s32 @!p0 $0x1;
	_ =	shalt  }
.Lfunc_end2:
_tile_overlayer_lowered:
.L_overlay_start_2:
0x556: {  	(tag) =	ssettag $0x2  }
0x557: {  	s0 =	rddreg [dreg:$0x0];
	s2 =	stileid.u32  }
0x558: {  	s1 =	rddreg [dreg:$0x1];
	p0 =	sne.s32 s2, $0x0  }
0x559: {  	s3 =	rddreg [dreg:$0x2];
	[bflag:$0x3] =	sbarrier.arrive $0xFFFF;
	s2 =	simm.s32 @!p0 $0x1C0E  }
0x55a: {  	[timem:s3], [sflag:s2] =	dma.local @!p0 [hbm:s0], s1  }
0x55b: {  	s0 =	simm.s32 @!p0 $0xE  }
0x55c: {  	_ =	swait.ge @!p0 [sflag:s0], s1  }
0x55d: {  	s1 =	ssub.s32 @!p0 $0x0, s1;
	[sflag:s0] =	ssyncset.done @!p0 $0x0  }
0x55e: {  	[sflag:s0] =	ssyncadd.s32 @!p0 s1  }
0x55f: {  	[bflag:$0x3] =	sbarrier.arrive $0xFFFF  }
0x560: {  	_ =	shalt  }

</sc_bundles>
